<compile_context>
chip_gen: v7x
topology: tpu7x:2x2x1
jax: 0.10.2.dev20260603
libtpu: 0.0.44.dev20260713+nightly
codegen_flags: <defaults>
</compile_context>

<pallas_src>
import functools

import jax
import jax.numpy as jnp
from jax import lax
from jax.experimental import pallas as pl
from jax.experimental.pallas import tpu as pltpu
from jax.experimental.pallas import tpu_sc as plsc

N = 100000
C = 64
C2 = 2 * C
K = 27
EPK = 50000
E = K * EPK
EPS = 1e-5

TILES = 16
SUB = 128
E_SC = 1351680
GW = 128

CHUNK = 25088
PCHUNK = CHUNK // 2
DUMP_BASE = PCHUNK
ACC_ROWS = 12800
ZPT = ACC_ROWS // TILES
N2P = 4 * PCHUNK


def _sc_gather(table, idx2d):
    mesh = plsc.VectorSubcoreMesh(core_axis_name="c", subcore_axis_name="s")
    nblk = E_SC // GW
    tot = nblk // (2 * TILES)

    @functools.partial(
        pl.kernel,
        out_type=jax.ShapeDtypeStruct((E_SC, C2), table.dtype),
        mesh=mesh,
        scratch_types=[pltpu.SemaphoreType.DMA for _ in range(6)],
    )
    def k(x_hbm, i_hbm, o_hbm, *sems):
        isem = sems[0:2]
        gsem = sems[2:4]
        osem = sems[4:6]
        wid = lax.axis_index("s") * 2 + lax.axis_index("c")

        def scoped(g0, g1, i0, i1):
            gbuf = (g0, g1)
            ibuf = (i0, i1)

            def start_idx(u, st):
                blk = st * 2 * TILES + wid
                off = pl.multiple_of(blk * GW, 8)
                pltpu.make_async_copy(
                    i_hbm.at[pl.ds(0, 1), pl.ds(off, GW)], ibuf[u],
                    isem[u]).start()

            def start_out(u, st):
                blk = st * 2 * TILES + wid
                off = pl.multiple_of(blk * GW, 8)
                pltpu.make_async_copy(
                    gbuf[u], o_hbm.at[pl.ds(off, GW)], osem[u]).start()

            def step(st, u):
                o = 1 - u
                pltpu.make_async_copy(
                    i_hbm.at[pl.ds(0, 1), pl.ds(0, GW)], ibuf[u],
                    isem[u]).wait()

                @pl.when(st >= 2)
                def _wo():
                    pltpu.make_async_copy(
                        gbuf[u], o_hbm.at[pl.ds(0, GW)], osem[u]).wait()

                pltpu.make_async_copy(
                    x_hbm.at[ibuf[u].at[0]], gbuf[u], gsem[u]).start()

                @pl.when(st >= 1)
                def _go():
                    pltpu.make_async_copy(
                        x_hbm.at[ibuf[o].at[0]], gbuf[o], gsem[o]).wait()
                    start_out(o, st - 1)

                @pl.when(st + 1 < tot)
                def _ni():
                    start_idx(o, st + 1)

            start_idx(0, 0)

            @pl.loop(0, tot // 2)
            def _grp(g):
                for u in range(2):
                    step(g * 2 + u, u)

            ul = (tot - 1) % 2
            pltpu.make_async_copy(
                x_hbm.at[ibuf[ul].at[0]], gbuf[ul], gsem[ul]).wait()
            start_out(ul, tot - 1)
            pltpu.make_async_copy(
                gbuf[1 - ul], o_hbm.at[pl.ds(0, GW)], osem[1 - ul]).wait()
            pltpu.make_async_copy(
                gbuf[ul], o_hbm.at[pl.ds(0, GW)], osem[ul]).wait()

        pl.run_scoped(
            scoped,
            pltpu.VMEM((GW, C2), table.dtype),
            pltpu.VMEM((GW, C2), table.dtype),
            pltpu.VMEM((1, GW), jnp.int32),
            pltpu.VMEM((1, GW), jnp.int32),
        )

    return k(table, idx2d)


def _sc_scatter_add(msgs, lidx):
    mesh = plsc.VectorSubcoreMesh(core_axis_name="c", subcore_axis_name="s")
    SSUB = 128
    nsb = E_SC // SSUB
    spt = nsb // TILES
    RING = 2

    @functools.partial(
        pl.kernel,
        out_type=jax.ShapeDtypeStruct((N2P, C2), jnp.float32),
        mesh=mesh,
        scratch_types=(
            [pltpu.SemaphoreType.DMA for _ in range(2 * RING)]
            + [pltpu.VMEM_SHARED((ACC_ROWS, C2), jnp.float32)]
        ),
    )
    def k(m_hbm, i_hbm, o_hbm, *refs):
        lsem = refs[:RING]
        ssem = refs[RING:2 * RING]
        acc = refs[2 * RING]
        cid = lax.axis_index("c")
        sid = lax.axis_index("s")

        def run(z_v, msg_v, idx_v):
            @pl.loop(0, 32)
            def _zrow(r):
                @pl.loop(0, C2 // 16)
                def _zcol(cc):
                    z_v[r, pl.ds(cc * 16, 16)] = jnp.zeros(
                        (16,), jnp.float32)

            def start_idx(u, st, chunk):
                blk = st * TILES + sid
                ioff = pl.multiple_of(chunk * E_SC + blk * SSUB, 8)
                pltpu.make_async_copy(
                    i_hbm.at[pl.ds(0, 1), pl.ds(ioff, SSUB)], idx_v[u],
                    lsem[u]).start()

            def wait_idx(u):
                pltpu.make_async_copy(
                    i_hbm.at[pl.ds(0, 1), pl.ds(0, SSUB)], idx_v[u],
                    lsem[u]).wait()

            def chunk_pass(chunk):
                zoff = pl.multiple_of(sid * ZPT, 8)
                for t in range(ZPT // 32):
                    pltpu.sync_copy(z_v, acc.at[pl.ds(zoff + t * 32, 32)])

                plsc.subcore_barrier()

                start_idx(0, 0, chunk)

                @pl.loop(0, spt // 2)
                def _grp(g):
                    for u in range(2):
                        st = g * 2 + u
                        wait_idx(u)

                        @pl.when(st + 1 < spt)
                        def _ni():
                            start_idx(1 - u, st + 1, chunk)

                        @pl.when(st >= 1)
                        def _ws():
                            pltpu.make_async_copy(
                                msg_v[0], acc.at[idx_v[u].at[0]],
                                ssem[0]).wait()

                        blk = st * TILES + sid
                        erow = pl.multiple_of(blk * SSUB, 8)
                        pltpu.sync_copy(
                            m_hbm.at[pl.ds(erow, SSUB)], msg_v[0])
                        pltpu.make_async_copy(
                            msg_v[0], acc.at[idx_v[u].at[0]], ssem[0],
                        ).start(add=True)

                pltpu.make_async_copy(
                    msg_v[0], acc.at[idx_v[(spt - 1) % 2].at[0]],
                    ssem[0]).wait()

                plsc.subcore_barrier()

                per_tile = PCHUNK // TILES
                for piece in range(per_tile // 112):
                    src_off = pl.multiple_of(
                        sid * per_tile + piece * 112, 8)
                    dst_off = pl.multiple_of(
                        chunk * PCHUNK + sid * per_tile + piece * 112, 8)
                    pltpu.sync_copy(
                        acc.at[pl.ds(src_off, 112)],
                        o_hbm.at[pl.ds(dst_off, 112)],
                    )

                plsc.subcore_barrier()

            @pl.loop(0, 2)
            def _run(ci):
                chunk_pass(cid * 2 + ci)

        def _scoped(z_v, *bufs):
            run(z_v, list(bufs[:1]), list(bufs[1:]))

        pl.run_scoped(
            _scoped,
            pltpu.VMEM((32, C2), jnp.float32),
            pltpu.VMEM((SSUB, C2), jnp.float32),
            *[pltpu.VMEM((1, SSUB), jnp.int32) for _ in range(2)],
        )

    return k(msgs, lidx)


LX_BM = 8192


def _tc_local_idx(dst_row):
    nb = E_SC // LX_BM

    def body(d_ref, o_ref):
        c = pl.program_id(0)
        d = d_ref[...]
        base = c * CHUNK
        lo = lax.shift_right_logical(d - base, 1)
        oob = (d < base) | (d >= base + CHUNK)
        spread = lax.broadcasted_iota(jnp.int32, (1, LX_BM), 1) & 255
        o_ref[...] = jnp.where(oob, DUMP_BASE + spread, lo)

    return pl.pallas_call(
        body,
        grid=(4, nb),
        in_specs=[pl.BlockSpec((1, LX_BM), lambda c, i: (0, i))],
        out_specs=pl.BlockSpec((1, LX_BM), lambda c, i: (0, c * nb + i)),
        out_shape=jax.ShapeDtypeStruct((1, 4 * E_SC), jnp.int32),
    )(dst_row)


MM_BM = 2000


def _tc_matmul_mask(g, wdup, p):
    nb = EPK // MM_BM

    def body(g_ref, w_ref, p_ref, o_ref):
        msg2 = jnp.dot(g_ref[...].astype(jnp.bfloat16),
                       w_ref[0].astype(jnp.bfloat16),
                       preferred_element_type=jnp.float32)
        col = lax.broadcasted_iota(jnp.int32, (MM_BM, C2), 1)
        pm = p_ref[...]
        mask = jnp.where(col < C, 1.0 - pm, pm)
        o_ref[...] = msg2 * mask

    return pl.pallas_call(
        body,
        grid=(K, nb),
        in_specs=[
            pl.BlockSpec((MM_BM, C2), lambda k, i: (k * nb + i, 0)),
            pl.BlockSpec((1, C2, C2), lambda k, i: (k, 0, 0)),
            pl.BlockSpec((MM_BM, 1), lambda k, i: (k * nb + i, 0)),
        ],
        out_specs=pl.BlockSpec((MM_BM, C2), lambda k, i: (k * nb + i, 0)),
        out_shape=jax.ShapeDtypeStruct((E_SC, C2), jnp.float32),
    )(g, wdup, p)


ST_BM = 1000


def _tc_stats(hp):
    ST_BM_S = 784
    nb = N2P // ST_BM_S

    def body(h_ref, o_ref):
        i = pl.program_id(0)

        @pl.when(i == 0)
        def _init():
            o_ref[...] = jnp.zeros_like(o_ref)

        blk = h_ref[...]
        o_ref[0:1, :] += jnp.sum(blk, axis=0, keepdims=True)
        o_ref[1:2, :] += jnp.sum(blk * blk, axis=0, keepdims=True)

        @pl.when(i == nb - 1)
        def _fin():
            s = o_ref[0:1, :C] + o_ref[0:1, C:]
            sq = o_ref[1:2, :C] + o_ref[1:2, C:]
            mean = s / N
            var = sq / N - mean * mean
            inv = lax.rsqrt(var + EPS)
            o_ref[0:1, :] = jnp.concatenate([mean, mean], axis=1)
            o_ref[1:2, :] = jnp.concatenate([inv, inv], axis=1)

    return pl.pallas_call(
        body,
        grid=(nb,),
        in_specs=[pl.BlockSpec((ST_BM_S, C2), lambda i: (i, 0))],
        out_specs=pl.BlockSpec((8, C2), lambda i: (0, 0)),
        out_shape=jax.ShapeDtypeStruct((8, C2), jnp.float32),
    )(hp)


def _tc_pad128(x64):
    nb = N // MM_BM

    def body(x_ref, o_ref):
        o_ref[...] = jnp.concatenate(
            [x_ref[...], jnp.zeros((MM_BM, C), jnp.float32)], axis=1
        )

    return pl.pallas_call(
        body,
        grid=(nb,),
        in_specs=[pl.BlockSpec((MM_BM, C), lambda i: (i, 0))],
        out_specs=pl.BlockSpec((MM_BM, C2), lambda i: (i, 0)),
        out_shape=jax.ShapeDtypeStruct((N, C2), jnp.float32),
    )(x64)


def _tc_bn_packed(rawp, stats, g128, b128):
    PB = 784
    nb = N2P // PB

    def body(h_ref, s_ref, gm_ref, bt_ref, o_ref):
        mean = s_ref[0:1, :]
        inv = s_ref[1:2, :]
        h = (h_ref[...] - mean) * inv * gm_ref[...] + bt_ref[...]
        o_ref[...] = jnp.maximum(h, 0.0)

    return pl.pallas_call(
        body,
        grid=(nb,),
        in_specs=[
            pl.BlockSpec((PB, C2), lambda i: (i, 0)),
            pl.BlockSpec((8, C2), lambda i: (0, 0)),
            pl.BlockSpec((1, C2), lambda i: (0, 0)),
            pl.BlockSpec((1, C2), lambda i: (0, 0)),
        ],
        out_specs=pl.BlockSpec((PB, C2), lambda i: (i, 0)),
        out_shape=jax.ShapeDtypeStruct((N2P, C2), jnp.float32),
    )(rawp, stats, g128, b128)


def _tc_matmul_sel(g, w, q, p):
    nb = EPK // MM_BM

    def body(g_ref, w_ref, q_ref, p_ref, o_ref):
        gb = g_ref[...]
        qm = q_ref[...]
        h = gb[:, :C] * (1.0 - qm) + gb[:, C:] * qm
        msg = jnp.dot(h.astype(jnp.bfloat16),
                      w_ref[0].astype(jnp.bfloat16),
                      preferred_element_type=jnp.float32)
        pm = p_ref[...]
        o_ref[...] = jnp.concatenate([msg * (1.0 - pm), msg * pm], axis=1)

    return pl.pallas_call(
        body,
        grid=(K, nb),
        in_specs=[
            pl.BlockSpec((MM_BM, C2), lambda k, i: (k * nb + i, 0)),
            pl.BlockSpec((1, C, C), lambda k, i: (k, 0, 0)),
            pl.BlockSpec((MM_BM, 1), lambda k, i: (k * nb + i, 0)),
            pl.BlockSpec((MM_BM, 1), lambda k, i: (k * nb + i, 0)),
        ],
        out_specs=pl.BlockSpec((MM_BM, C2), lambda k, i: (k * nb + i, 0)),
        out_shape=jax.ShapeDtypeStruct((E_SC, C2), jnp.float32),
    )(g, w, q, p)


def _tc_final(raw2p, xp, stats, g128, b128):
    nb = (N // 2) // ST_BM

    def body(r_ref, x_ref, s_ref, gm_ref, bt_ref, o_ref):
        mean = s_ref[0:1, :]
        inv = s_ref[1:2, :]
        h = (r_ref[...] - mean) * inv * gm_ref[...] + bt_ref[...]
        o_ref[...] = jnp.maximum(h + x_ref[...], 0.0)

    return pl.pallas_call(
        body,
        grid=(nb,),
        in_specs=[
            pl.BlockSpec((ST_BM, C2), lambda i: (i, 0)),
            pl.BlockSpec((ST_BM, C2), lambda i: (i, 0)),
            pl.BlockSpec((8, C2), lambda i: (0, 0)),
            pl.BlockSpec((1, C2), lambda i: (0, 0)),
            pl.BlockSpec((1, C2), lambda i: (0, 0)),
        ],
        out_specs=pl.BlockSpec((ST_BM, C2), lambda i: (i, 0)),
        out_shape=jax.ShapeDtypeStruct((N // 2, C2), jnp.float32),
    )(raw2p, xp, stats, g128, b128)


def kernel(x, edge_index, W1, bn1_gamma, bn1_beta, W2, bn2_gamma, bn2_beta):
    src = edge_index[0]
    dst = edge_index[1]
    pad = E_SC - E
    src_pad = jnp.concatenate(
        [src, jnp.zeros((pad,), jnp.int32)]
    ).reshape(1, E_SC)
    src2_pad = lax.shift_right_logical(src_pad, 1)
    srcq = (src_pad[0] & 1).astype(jnp.float32).reshape(E_SC, 1)
    dst_full = jnp.concatenate([dst, jnp.full((pad,), N, jnp.int32)])
    lidx = _tc_local_idx(dst_full.reshape(1, E_SC))
    parity = (dst_full & 1).astype(jnp.float32).reshape(E_SC, 1)

    def _wdup(w):
        wp = jnp.concatenate([w, jnp.zeros((K, C, C), w.dtype)], axis=1)
        return jnp.concatenate([wp, wp], axis=2)

    W1d = _wdup(W1)

    g1_128 = jnp.concatenate([bn1_gamma, bn1_gamma]).reshape(1, C2)
    b1_128 = jnp.concatenate([bn1_beta, bn1_beta]).reshape(1, C2)
    g2_128 = jnp.concatenate([bn2_gamma, bn2_gamma]).reshape(1, C2)
    b2_128 = jnp.concatenate([bn2_beta, bn2_beta]).reshape(1, C2)

    t1 = _tc_pad128(x)
    G1 = _sc_gather(t1, src_pad)
    M1 = _tc_matmul_mask(G1, W1d, parity)
    raw1p = _sc_scatter_add(M1, lidx)
    stats1 = _tc_stats(raw1p)

    t2p = _tc_bn_packed(raw1p, stats1, g1_128, b1_128)
    G2 = _sc_gather(t2p, src2_pad)
    M2 = _tc_matmul_sel(G2, W2, srcq, parity)
    raw2p = _sc_scatter_add(M2, lidx)
    stats2 = _tc_stats(raw2p)
    xp = x.reshape(N // 2, C2)
    outp = _tc_final(raw2p, xp, stats2, g2_128, b2_128)
    return outp.reshape(N, C)

# --- scband reference (transcript-rebuilt; emitter-appended) ---
"""Pipeline reference for scband-voxel-res-block-49478023250388 (READ-ONLY COPY).

The authoritative reference and input builder live on the scoring server;
editing this copy changes nothing except your own understanding.
"""

import jax, jax.numpy as jnp
import numpy as np

N = 100000
C = 64
K = 27
EPK = 50000
EPS = 1e-5


def setup_inputs(seed: int = 0) -> dict:
    key = jax.random.key(seed)
    k1, k2, k3, k4 = jax.random.split(key, 4)
    x = jax.random.normal(k1, (N, C), dtype=jnp.float32)
    edge_index = jax.random.randint(k2, (2, K * EPK), 0, N, dtype=jnp.int32)
    W1 = jax.random.normal(k3, (K, C, C), dtype=jnp.float32) * 0.05
    W2 = jax.random.normal(k4, (K, C, C), dtype=jnp.float32) * 0.05
    bn1_gamma = jnp.ones((C,), dtype=jnp.float32)
    bn1_beta = jnp.zeros((C,), dtype=jnp.float32)
    bn2_gamma = jnp.ones((C,), dtype=jnp.float32)
    bn2_beta = jnp.zeros((C,), dtype=jnp.float32)
    return {
        "x": x,
        "edge_index": edge_index,
        "W1": W1,
        "bn1_gamma": bn1_gamma,
        "bn1_beta": bn1_beta,
        "W2": W2,
        "bn2_gamma": bn2_gamma,
        "bn2_beta": bn2_beta,
    }


def _sparse_conv(feats, W, ei):
    # ei: [2, K, EPK] kernel maps; out[dst] += feats[src] @ W[k]
    out = jnp.zeros((feats.shape[0], W.shape[2]), dtype=feats.dtype)
    for k in range(K):
        src = ei[0, k]
        dst = ei[1, k]
        msg = jnp.take(feats, src, axis=0) @ W[k]
        out = out.at[dst].add(msg)
    return out


def _bn(h, gamma, beta):
    # training-mode batch norm over the voxel (batch) dimension
    mean = jnp.mean(h, axis=0)
    var = jnp.var(h, axis=0)
    return (h - mean) / jnp.sqrt(var + EPS) * gamma + beta


def reference(x, edge_index, W1, bn1_gamma, bn1_beta, W2, bn2_gamma, bn2_beta):
    epk = edge_index.shape[1] // K
    ei = edge_index.reshape(2, K, epk)
    # conv1 -> BN -> ReLU
    h = _sparse_conv(x, W1, ei)
    h = jax.nn.relu(_bn(h, bn1_gamma, bn1_beta))
    # conv2 -> BN
    h = _sparse_conv(h, W2, ei)
    h = _bn(h, bn2_gamma, bn2_beta)
    # identity path is noop since in_channels == out_channels
    return jax.nn.relu(h + x)

if __name__ == "__main__":
    import jax
    _d = setup_inputs()
    print(jax.jit(kernel)(*tuple(_d.values())))

</pallas_src>

<mosaic_0001>
#map = affine_map<(d0, d1) -> (0, 0)>
module attributes {stable_mosaic.version = 14 : i64} {
  func.func @k(%arg0: i32, %arg1: i32, %arg2: memref<50176x128xf32, #tpu.memory_space<hbm>>, %arg3: memref<1x1351680xi32, #tpu.memory_space<hbm>>, %arg4: memref<1351680x128xf32, #tpu.memory_space<hbm>>, %arg5: memref<!tpu.dma_semaphore, #tpu.memory_space<semaphore_mem>>, %arg6: memref<!tpu.dma_semaphore, #tpu.memory_space<semaphore_mem>>, %arg7: memref<!tpu.dma_semaphore, #tpu.memory_space<semaphore_mem>>, %arg8: memref<!tpu.dma_semaphore, #tpu.memory_space<semaphore_mem>>, %arg9: memref<!tpu.dma_semaphore, #tpu.memory_space<semaphore_mem>>, %arg10: memref<!tpu.dma_semaphore, #tpu.memory_space<semaphore_mem>>) attributes {dimension_semantics = [#tpu.dimension_semantics<core_parallel>, #tpu.dimension_semantics<subcore_parallel>], iteration_bounds = array<i64: 2, 16>, scalar_prefetch = 0 : i64, scratch_operands = 6 : i64, tpu.core_type = #tpu.core_type<sc_vector_subcore>, window_params = [{transform_indices = #map}, {transform_indices = #map}, {transform_indices = #map}]} {
    %mul3A = arith.constant 2 : i32
    %mul3A_0 = arith.muli %arg1, %mul3A : i32
    %add3A = arith.addi %mul3A_0, %arg0 : i32
    "tpu.region"() ({
      %run_scoped3A = memref.alloca() : memref<128x128xf32, #tpu.memory_space<vmem>>
      %run_scoped3A_1 = memref.alloca() : memref<128x128xf32, #tpu.memory_space<vmem>>
      %run_scoped3A_2 = memref.alloca() : memref<1x128xi32, #tpu.memory_space<vmem>>
      %run_scoped3A_3 = memref.alloca() : memref<1x128xi32, #tpu.memory_space<vmem>>
      %add3A_4 = arith.constant 0 : i32
      %add3A_5 = arith.addi %add3A_4, %add3A : i32
      %mul3A_6 = arith.constant 128 : i32
      %mul3A_7 = arith.muli %add3A_5, %mul3A_6 : i32
      %multiple_of3A = tpu.assume_multiple %mul3A_7, 8 : i32
      %dma_start3A = arith.constant 0 : i32
      %dma_start3A_8 = tpu.memref_slice %arg3[%dma_start3A, %multiple_of3A] : memref<1x1351680xi32, #tpu.memory_space<hbm>> -> memref<1x128xi32, #tpu.memory_space<hbm>>
      %dma_start3A_9 = arith.constant 0 : i32
      %dma_start3A_10 = tpu.memref_slice %arg3[%dma_start3A_9, %multiple_of3A] : memref<1x1351680xi32, #tpu.memory_space<hbm>> -> memref<1x128xi32, #tpu.memory_space<hbm>>
      tpu.enqueue_dma source(%dma_start3A_10 : memref<1x128xi32, #tpu.memory_space<hbm>>) target(%run_scoped3A_2 : memref<1x128xi32, #tpu.memory_space<vmem>>) target_semaphore(%arg5 : memref<!tpu.dma_semaphore, #tpu.memory_space<semaphore_mem>>)
      %scan3A = arith.constant 0 : i32
      %scan3A_11 = arith.constant 165 : i32
      %scan3A_12 = arith.addi %scan3A, %scan3A_11 : i32
      %scan3A_13 = arith.constant 1 : i32
      scf.for %scan3A_42 = %scan3A to %scan3A_12 step %scan3A_13  : i32 {
        %mul3A_43 = arith.constant 1 : i32
        %mul3A_44 = arith.muli %scan3A_42, %mul3A_43 : i32
        %add3A_45 = arith.constant 0 : i32
        %add3A_46 = arith.addi %add3A_45, %mul3A_44 : i32
        %mul3A_47 = arith.constant 2 : i32
        %mul3A_48 = arith.muli %add3A_46, %mul3A_47 : i32
        %add3A_49 = arith.constant 0 : i32
        %add3A_50 = arith.addi %mul3A_48, %add3A_49 : i32
        %dma_wait3A_51 = arith.constant 0 : i32
        %dma_wait3A_52 = arith.constant 0 : i32
        %dma_wait3A_53 = tpu.memref_slice %arg3[%dma_wait3A_51, %dma_wait3A_52] : memref<1x1351680xi32, #tpu.memory_space<hbm>> -> memref<1x128xi32, #tpu.memory_space<hbm>>
        %dma_wait3A_54 = arith.constant 0 : i32
        %dma_wait3A_55 = arith.constant 0 : i32
        %dma_wait3A_56 = tpu.memref_slice %arg3[%dma_wait3A_54, %dma_wait3A_55] : memref<1x1351680xi32, #tpu.memory_space<hbm>> -> memref<1x128xi32, #tpu.memory_space<hbm>>
        tpu.wait_dma2 semaphore(%arg5 : memref<!tpu.dma_semaphore, #tpu.memory_space<semaphore_mem>>) src(%dma_wait3A_56 : memref<1x128xi32, #tpu.memory_space<hbm>>) dst(%run_scoped3A_2 : memref<1x128xi32, #tpu.memory_space<vmem>>)
        %ge3A = arith.constant 2 : i32
        %ge3A_57 = arith.cmpi sge, %add3A_50, %ge3A : i32
        %convert_element_type3A = arith.extui %ge3A_57 : i1 to i32
        %cond3A = arith.constant 0 : i32
        %cond3A_58 = arith.cmpi ne, %convert_element_type3A, %cond3A : i32
        scf.if %cond3A_58 {
          %dma_wait3A_111 = arith.constant 0 : i32
          %dma_wait3A_112 = arith.constant 0 : i32
          %dma_wait3A_113 = tpu.memref_slice %arg4[%dma_wait3A_111, %dma_wait3A_112] : memref<1351680x128xf32, #tpu.memory_space<hbm>> -> memref<128x128xf32, #tpu.memory_space<hbm>>
          %dma_wait3A_114 = arith.constant 0 : i32
          %dma_wait3A_115 = arith.constant 0 : i32
          %dma_wait3A_116 = tpu.memref_slice %arg4[%dma_wait3A_114, %dma_wait3A_115] : memref<1351680x128xf32, #tpu.memory_space<hbm>> -> memref<128x128xf32, #tpu.memory_space<hbm>>
          tpu.wait_dma2 semaphore(%arg9 : memref<!tpu.dma_semaphore, #tpu.memory_space<semaphore_mem>>) src(%run_scoped3A : memref<128x128xf32, #tpu.memory_space<vmem>>) dst(%dma_wait3A_116 : memref<128x128xf32, #tpu.memory_space<hbm>>)
        } else {
        }
        %dma_start3A_59 = arith.constant 0 : i32
        %dma_start3A_60 = arith.constant 0 : i32
        %dma_start3A_61 = tpu.memref_slice %run_scoped3A_2[%dma_start3A_59, %dma_start3A_60] : memref<1x128xi32, #tpu.memory_space<vmem>> -> memref<1x128xi32, #tpu.memory_space<vmem>>
        %dma_start3A_62 = tpu.memref_squeeze %dma_start3A_61 : memref<1x128xi32, #tpu.memory_space<vmem>> -> memref<128xi32, #tpu.memory_space<vmem>>
        %dma_start3A_63 = arith.constant 0 : i32
        %dma_start3A_64 = arith.constant 0 : i32
        %dma_start3A_65 = tpu.memref_slice %arg2[%dma_start3A_63, %dma_start3A_64] : memref<50176x128xf32, #tpu.memory_space<hbm>> -> memref<50176x128xf32, #tpu.memory_space<hbm>>
        tpu.enqueue_indirect_dma source(%dma_start3A_65 : memref<50176x128xf32, #tpu.memory_space<hbm>>) target(%run_scoped3A : memref<128x128xf32, #tpu.memory_space<vmem>>) offsets(%dma_start3A_62 : memref<128xi32, #tpu.memory_space<vmem>>) semaphore(%arg7 : memref<!tpu.dma_semaphore, #tpu.memory_space<semaphore_mem>>)
        %ge3A_66 = arith.constant 1 : i32
        %ge3A_67 = arith.cmpi sge, %add3A_50, %ge3A_66 : i32
        %convert_element_type3A_68 = arith.extui %ge3A_67 : i1 to i32
        %cond3A_69 = arith.constant 0 : i32
        %cond3A_70 = arith.cmpi ne, %convert_element_type3A_68, %cond3A_69 : i32
        scf.if %cond3A_70 {
          %dma_wait3A_111 = arith.constant 0 : i32
          %dma_wait3A_112 = arith.constant 0 : i32
          %dma_wait3A_113 = tpu.memref_slice %run_scoped3A_3[%dma_wait3A_111, %dma_wait3A_112] : memref<1x128xi32, #tpu.memory_space<vmem>> -> memref<1x128xi32, #tpu.memory_space<vmem>>
          %dma_wait3A_114 = tpu.memref_squeeze %dma_wait3A_113 : memref<1x128xi32, #tpu.memory_space<vmem>> -> memref<128xi32, #tpu.memory_space<vmem>>
          %dma_wait3A_115 = arith.constant 0 : i32
          %dma_wait3A_116 = arith.constant 0 : i32
          %dma_wait3A_117 = tpu.memref_slice %arg2[%dma_wait3A_115, %dma_wait3A_116] : memref<50176x128xf32, #tpu.memory_space<hbm>> -> memref<50176x128xf32, #tpu.memory_space<hbm>>
          tpu.wait_indirect_dma semaphore(%arg8 : memref<!tpu.dma_semaphore, #tpu.memory_space<semaphore_mem>>) src(%dma_wait3A_117 : memref<50176x128xf32, #tpu.memory_space<hbm>>) dst(%run_scoped3A_1 : memref<128x128xf32, #tpu.memory_space<vmem>>)
          %sub3A = arith.constant 1 : i32
          %sub3A_118 = arith.subi %add3A_50, %sub3A : i32
          %mul3A_119 = arith.constant 2 : i32
          %mul3A_120 = arith.muli %sub3A_118, %mul3A_119 : i32
          %mul3A_121 = arith.constant 16 : i32
          %mul3A_122 = arith.muli %mul3A_120, %mul3A_121 : i32
          %add3A_123 = arith.addi %mul3A_122, %add3A : i32
          %mul3A_124 = arith.constant 128 : i32
          %mul3A_125 = arith.muli %add3A_123, %mul3A_124 : i32
          %multiple_of3A_126 = tpu.assume_multiple %mul3A_125, 8 : i32
          %dma_start3A_127 = arith.constant 0 : i32
          %dma_start3A_128 = tpu.memref_slice %arg4[%multiple_of3A_126, %dma_start3A_127] : memref<1351680x128xf32, #tpu.memory_space<hbm>> -> memref<128x128xf32, #tpu.memory_space<hbm>>
          %dma_start3A_129 = arith.constant 0 : i32
          %dma_start3A_130 = tpu.memref_slice %arg4[%multiple_of3A_126, %dma_start3A_129] : memref<1351680x128xf32, #tpu.memory_space<hbm>> -> memref<128x128xf32, #tpu.memory_space<hbm>>
          tpu.enqueue_dma source(%run_scoped3A_1 : memref<128x128xf32, #tpu.memory_space<vmem>>) target(%dma_start3A_130 : memref<128x128xf32, #tpu.memory_space<hbm>>) target_semaphore(%arg10 : memref<!tpu.dma_semaphore, #tpu.memory_space<semaphore_mem>>)
        } else {
        }
        %add3A_71 = arith.constant 1 : i32
        %add3A_72 = arith.addi %add3A_50, %add3A_71 : i32
        %lt3A = arith.constant 330 : i32
        %lt3A_73 = arith.cmpi slt, %add3A_72, %lt3A : i32
        %convert_element_type3A_74 = arith.extui %lt3A_73 : i1 to i32
        %cond3A_75 = arith.constant 0 : i32
        %cond3A_76 = arith.cmpi ne, %convert_element_type3A_74, %cond3A_75 : i32
        scf.if %cond3A_76 {
          %add3A_111 = arith.constant 1 : i32
          %add3A_112 = arith.addi %add3A_50, %add3A_111 : i32
          %mul3A_113 = arith.constant 2 : i32
          %mul3A_114 = arith.muli %add3A_112, %mul3A_113 : i32
          %mul3A_115 = arith.constant 16 : i32
          %mul3A_116 = arith.muli %mul3A_114, %mul3A_115 : i32
          %add3A_117 = arith.addi %mul3A_116, %add3A : i32
          %mul3A_118 = arith.constant 128 : i32
          %mul3A_119 = arith.muli %add3A_117, %mul3A_118 : i32
          %multiple_of3A_120 = tpu.assume_multiple %mul3A_119, 8 : i32
          %dma_start3A_121 = arith.constant 0 : i32
          %dma_start3A_122 = tpu.memref_slice %arg3[%dma_start3A_121, %multiple_of3A_120] : memref<1x1351680xi32, #tpu.memory_space<hbm>> -> memref<1x128xi32, #tpu.memory_space<hbm>>
          %dma_start3A_123 = arith.constant 0 : i32
          %dma_start3A_124 = tpu.memref_slice %arg3[%dma_start3A_123, %multiple_of3A_120] : memref<1x1351680xi32, #tpu.memory_space<hbm>> -> memref<1x128xi32, #tpu.memory_space<hbm>>
          tpu.enqueue_dma source(%dma_start3A_124 : memref<1x128xi32, #tpu.memory_space<hbm>>) target(%run_scoped3A_3 : memref<1x128xi32, #tpu.memory_space<vmem>>) target_semaphore(%arg6 : memref<!tpu.dma_semaphore, #tpu.memory_space<semaphore_mem>>)
        } else {
        }
        %mul3A_77 = arith.constant 2 : i32
        %mul3A_78 = arith.muli %add3A_46, %mul3A_77 : i32
        %add3A_79 = arith.constant 1 : i32
        %add3A_80 = arith.addi %mul3A_78, %add3A_79 : i32
        %dma_wait3A_81 = arith.constant 0 : i32
        %dma_wait3A_82 = arith.constant 0 : i32
        %dma_wait3A_83 = tpu.memref_slice %arg3[%dma_wait3A_81, %dma_wait3A_82] : memref<1x1351680xi32, #tpu.memory_space<hbm>> -> memref<1x128xi32, #tpu.memory_space<hbm>>
        %dma_wait3A_84 = arith.constant 0 : i32
        %dma_wait3A_85 = arith.constant 0 : i32
        %dma_wait3A_86 = tpu.memref_slice %arg3[%dma_wait3A_84, %dma_wait3A_85] : memref<1x1351680xi32, #tpu.memory_space<hbm>> -> memref<1x128xi32, #tpu.memory_space<hbm>>
        tpu.wait_dma2 semaphore(%arg6 : memref<!tpu.dma_semaphore, #tpu.memory_space<semaphore_mem>>) src(%dma_wait3A_86 : memref<1x128xi32, #tpu.memory_space<hbm>>) dst(%run_scoped3A_3 : memref<1x128xi32, #tpu.memory_space<vmem>>)
        %ge3A_87 = arith.constant 2 : i32
        %ge3A_88 = arith.cmpi sge, %add3A_80, %ge3A_87 : i32
        %convert_element_type3A_89 = arith.extui %ge3A_88 : i1 to i32
        %cond3A_90 = arith.constant 0 : i32
        %cond3A_91 = arith.cmpi ne, %convert_element_type3A_89, %cond3A_90 : i32
        scf.if %cond3A_91 {
          %dma_wait3A_111 = arith.constant 0 : i32
          %dma_wait3A_112 = arith.constant 0 : i32
          %dma_wait3A_113 = tpu.memref_slice %arg4[%dma_wait3A_111, %dma_wait3A_112] : memref<1351680x128xf32, #tpu.memory_space<hbm>> -> memref<128x128xf32, #tpu.memory_space<hbm>>
          %dma_wait3A_114 = arith.constant 0 : i32
          %dma_wait3A_115 = arith.constant 0 : i32
          %dma_wait3A_116 = tpu.memref_slice %arg4[%dma_wait3A_114, %dma_wait3A_115] : memref<1351680x128xf32, #tpu.memory_space<hbm>> -> memref<128x128xf32, #tpu.memory_space<hbm>>
          tpu.wait_dma2 semaphore(%arg10 : memref<!tpu.dma_semaphore, #tpu.memory_space<semaphore_mem>>) src(%run_scoped3A_1 : memref<128x128xf32, #tpu.memory_space<vmem>>) dst(%dma_wait3A_116 : memref<128x128xf32, #tpu.memory_space<hbm>>)
        } else {
        }
        %dma_start3A_92 = arith.constant 0 : i32
        %dma_start3A_93 = arith.constant 0 : i32
        %dma_start3A_94 = tpu.memref_slice %run_scoped3A_3[%dma_start3A_92, %dma_start3A_93] : memref<1x128xi32, #tpu.memory_space<vmem>> -> memref<1x128xi32, #tpu.memory_space<vmem>>
        %dma_start3A_95 = tpu.memref_squeeze %dma_start3A_94 : memref<1x128xi32, #tpu.memory_space<vmem>> -> memref<128xi32, #tpu.memory_space<vmem>>
        %dma_start3A_96 = arith.constant 0 : i32
        %dma_start3A_97 = arith.constant 0 : i32
        %dma_start3A_98 = tpu.memref_slice %arg2[%dma_start3A_96, %dma_start3A_97] : memref<50176x128xf32, #tpu.memory_space<hbm>> -> memref<50176x128xf32, #tpu.memory_space<hbm>>
        tpu.enqueue_indirect_dma source(%dma_start3A_98 : memref<50176x128xf32, #tpu.memory_space<hbm>>) target(%run_scoped3A_1 : memref<128x128xf32, #tpu.memory_space<vmem>>) offsets(%dma_start3A_95 : memref<128xi32, #tpu.memory_space<vmem>>) semaphore(%arg8 : memref<!tpu.dma_semaphore, #tpu.memory_space<semaphore_mem>>)
        %ge3A_99 = arith.constant 1 : i32
        %ge3A_100 = arith.cmpi sge, %add3A_80, %ge3A_99 : i32
        %convert_element_type3A_101 = arith.extui %ge3A_100 : i1 to i32
        %cond3A_102 = arith.constant 0 : i32
        %cond3A_103 = arith.cmpi ne, %convert_element_type3A_101, %cond3A_102 : i32
        scf.if %cond3A_103 {
          %dma_wait3A_111 = arith.constant 0 : i32
          %dma_wait3A_112 = arith.constant 0 : i32
          %dma_wait3A_113 = tpu.memref_slice %run_scoped3A_2[%dma_wait3A_111, %dma_wait3A_112] : memref<1x128xi32, #tpu.memory_space<vmem>> -> memref<1x128xi32, #tpu.memory_space<vmem>>
          %dma_wait3A_114 = tpu.memref_squeeze %dma_wait3A_113 : memref<1x128xi32, #tpu.memory_space<vmem>> -> memref<128xi32, #tpu.memory_space<vmem>>
          %dma_wait3A_115 = arith.constant 0 : i32
          %dma_wait3A_116 = arith.constant 0 : i32
          %dma_wait3A_117 = tpu.memref_slice %arg2[%dma_wait3A_115, %dma_wait3A_116] : memref<50176x128xf32, #tpu.memory_space<hbm>> -> memref<50176x128xf32, #tpu.memory_space<hbm>>
          tpu.wait_indirect_dma semaphore(%arg7 : memref<!tpu.dma_semaphore, #tpu.memory_space<semaphore_mem>>) src(%dma_wait3A_117 : memref<50176x128xf32, #tpu.memory_space<hbm>>) dst(%run_scoped3A : memref<128x128xf32, #tpu.memory_space<vmem>>)
          %sub3A = arith.constant 1 : i32
          %sub3A_118 = arith.subi %add3A_80, %sub3A : i32
          %mul3A_119 = arith.constant 2 : i32
          %mul3A_120 = arith.muli %sub3A_118, %mul3A_119 : i32
          %mul3A_121 = arith.constant 16 : i32
          %mul3A_122 = arith.muli %mul3A_120, %mul3A_121 : i32
          %add3A_123 = arith.addi %mul3A_122, %add3A : i32
          %mul3A_124 = arith.constant 128 : i32
          %mul3A_125 = arith.muli %add3A_123, %mul3A_124 : i32
          %multiple_of3A_126 = tpu.assume_multiple %mul3A_125, 8 : i32
          %dma_start3A_127 = arith.constant 0 : i32
          %dma_start3A_128 = tpu.memref_slice %arg4[%multiple_of3A_126, %dma_start3A_127] : memref<1351680x128xf32, #tpu.memory_space<hbm>> -> memref<128x128xf32, #tpu.memory_space<hbm>>
          %dma_start3A_129 = arith.constant 0 : i32
          %dma_start3A_130 = tpu.memref_slice %arg4[%multiple_of3A_126, %dma_start3A_129] : memref<1351680x128xf32, #tpu.memory_space<hbm>> -> memref<128x128xf32, #tpu.memory_space<hbm>>
          tpu.enqueue_dma source(%run_scoped3A : memref<128x128xf32, #tpu.memory_space<vmem>>) target(%dma_start3A_130 : memref<128x128xf32, #tpu.memory_space<hbm>>) target_semaphore(%arg9 : memref<!tpu.dma_semaphore, #tpu.memory_space<semaphore_mem>>)
        } else {
        }
        %add3A_104 = arith.constant 1 : i32
        %add3A_105 = arith.addi %add3A_80, %add3A_104 : i32
        %lt3A_106 = arith.constant 330 : i32
        %lt3A_107 = arith.cmpi slt, %add3A_105, %lt3A_106 : i32
        %convert_element_type3A_108 = arith.extui %lt3A_107 : i1 to i32
        %cond3A_109 = arith.constant 0 : i32
        %cond3A_110 = arith.cmpi ne, %convert_element_type3A_108, %cond3A_109 : i32
        scf.if %cond3A_110 {
          %add3A_111 = arith.constant 1 : i32
          %add3A_112 = arith.addi %add3A_80, %add3A_111 : i32
          %mul3A_113 = arith.constant 2 : i32
          %mul3A_114 = arith.muli %add3A_112, %mul3A_113 : i32
          %mul3A_115 = arith.constant 16 : i32
          %mul3A_116 = arith.muli %mul3A_114, %mul3A_115 : i32
          %add3A_117 = arith.addi %mul3A_116, %add3A : i32
          %mul3A_118 = arith.constant 128 : i32
          %mul3A_119 = arith.muli %add3A_117, %mul3A_118 : i32
          %multiple_of3A_120 = tpu.assume_multiple %mul3A_119, 8 : i32
          %dma_start3A_121 = arith.constant 0 : i32
          %dma_start3A_122 = tpu.memref_slice %arg3[%dma_start3A_121, %multiple_of3A_120] : memref<1x1351680xi32, #tpu.memory_space<hbm>> -> memref<1x128xi32, #tpu.memory_space<hbm>>
          %dma_start3A_123 = arith.constant 0 : i32
          %dma_start3A_124 = tpu.memref_slice %arg3[%dma_start3A_123, %multiple_of3A_120] : memref<1x1351680xi32, #tpu.memory_space<hbm>> -> memref<1x128xi32, #tpu.memory_space<hbm>>
          tpu.enqueue_dma source(%dma_start3A_124 : memref<1x128xi32, #tpu.memory_space<hbm>>) target(%run_scoped3A_2 : memref<1x128xi32, #tpu.memory_space<vmem>>) target_semaphore(%arg5 : memref<!tpu.dma_semaphore, #tpu.memory_space<semaphore_mem>>)
        } else {
        }
      }
      %scan3A_14 = arith.constant 165 : i32
      %dma_wait3A = arith.constant 0 : i32
      %dma_wait3A_15 = arith.constant 0 : i32
      %dma_wait3A_16 = tpu.memref_slice %run_scoped3A_3[%dma_wait3A, %dma_wait3A_15] : memref<1x128xi32, #tpu.memory_space<vmem>> -> memref<1x128xi32, #tpu.memory_space<vmem>>
      %dma_wait3A_17 = tpu.memref_squeeze %dma_wait3A_16 : memref<1x128xi32, #tpu.memory_space<vmem>> -> memref<128xi32, #tpu.memory_space<vmem>>
      %dma_wait3A_18 = arith.constant 0 : i32
      %dma_wait3A_19 = arith.constant 0 : i32
      %dma_wait3A_20 = tpu.memref_slice %arg2[%dma_wait3A_18, %dma_wait3A_19] : memref<50176x128xf32, #tpu.memory_space<hbm>> -> memref<50176x128xf32, #tpu.memory_space<hbm>>
      tpu.wait_indirect_dma semaphore(%arg8 : memref<!tpu.dma_semaphore, #tpu.memory_space<semaphore_mem>>) src(%dma_wait3A_20 : memref<50176x128xf32, #tpu.memory_space<hbm>>) dst(%run_scoped3A_1 : memref<128x128xf32, #tpu.memory_space<vmem>>)
      %add3A_21 = arith.constant 10528 : i32
      %add3A_22 = arith.addi %add3A_21, %add3A : i32
      %mul3A_23 = arith.constant 128 : i32
      %mul3A_24 = arith.muli %add3A_22, %mul3A_23 : i32
      %multiple_of3A_25 = tpu.assume_multiple %mul3A_24, 8 : i32
      %dma_start3A_26 = arith.constant 0 : i32
      %dma_start3A_27 = tpu.memref_slice %arg4[%multiple_of3A_25, %dma_start3A_26] : memref<1351680x128xf32, #tpu.memory_space<hbm>> -> memref<128x128xf32, #tpu.memory_space<hbm>>
      %dma_start3A_28 = arith.constant 0 : i32
      %dma_start3A_29 = tpu.memref_slice %arg4[%multiple_of3A_25, %dma_start3A_28] : memref<1351680x128xf32, #tpu.memory_space<hbm>> -> memref<128x128xf32, #tpu.memory_space<hbm>>
      tpu.enqueue_dma source(%run_scoped3A_1 : memref<128x128xf32, #tpu.memory_space<vmem>>) target(%dma_start3A_29 : memref<128x128xf32, #tpu.memory_space<hbm>>) target_semaphore(%arg10 : memref<!tpu.dma_semaphore, #tpu.memory_space<semaphore_mem>>)
      %dma_wait3A_30 = arith.constant 0 : i32
      %dma_wait3A_31 = arith.constant 0 : i32
      %dma_wait3A_32 = tpu.memref_slice %arg4[%dma_wait3A_30, %dma_wait3A_31] : memref<1351680x128xf32, #tpu.memory_space<hbm>> -> memref<128x128xf32, #tpu.memory_space<hbm>>
      %dma_wait3A_33 = arith.constant 0 : i32
      %dma_wait3A_34 = arith.constant 0 : i32
      %dma_wait3A_35 = tpu.memref_slice %arg4[%dma_wait3A_33, %dma_wait3A_34] : memref<1351680x128xf32, #tpu.memory_space<hbm>> -> memref<128x128xf32, #tpu.memory_space<hbm>>
      tpu.wait_dma2 semaphore(%arg9 : memref<!tpu.dma_semaphore, #tpu.memory_space<semaphore_mem>>) src(%run_scoped3A : memref<128x128xf32, #tpu.memory_space<vmem>>) dst(%dma_wait3A_35 : memref<128x128xf32, #tpu.memory_space<hbm>>)
      %dma_wait3A_36 = arith.constant 0 : i32
      %dma_wait3A_37 = arith.constant 0 : i32
      %dma_wait3A_38 = tpu.memref_slice %arg4[%dma_wait3A_36, %dma_wait3A_37] : memref<1351680x128xf32, #tpu.memory_space<hbm>> -> memref<128x128xf32, #tpu.memory_space<hbm>>
      %dma_wait3A_39 = arith.constant 0 : i32
      %dma_wait3A_40 = arith.constant 0 : i32
      %dma_wait3A_41 = tpu.memref_slice %arg4[%dma_wait3A_39, %dma_wait3A_40] : memref<1351680x128xf32, #tpu.memory_space<hbm>> -> memref<128x128xf32, #tpu.memory_space<hbm>>
      tpu.wait_dma2 semaphore(%arg10 : memref<!tpu.dma_semaphore, #tpu.memory_space<semaphore_mem>>) src(%run_scoped3A_1 : memref<128x128xf32, #tpu.memory_space<vmem>>) dst(%dma_wait3A_41 : memref<128x128xf32, #tpu.memory_space<hbm>>)
      tpu.yield
    }) : () -> ()
    return
  }
}

#map = affine_map<(d0, d1) -> (0, 0)>
module attributes {stable_mosaic.version = 14 : i64} {
  func.func @k(%arg0: i32, %arg1: i32, %arg2: memref<100000x128xf32, #tpu.memory_space<hbm>>, %arg3: memref<1x1351680xi32, #tpu.memory_space<hbm>>, %arg4: memref<1351680x128xf32, #tpu.memory_space<hbm>>, %arg5: memref<!tpu.dma_semaphore, #tpu.memory_space<semaphore_mem>>, %arg6: memref<!tpu.dma_semaphore, #tpu.memory_space<semaphore_mem>>, %arg7: memref<!tpu.dma_semaphore, #tpu.memory_space<semaphore_mem>>, %arg8: memref<!tpu.dma_semaphore, #tpu.memory_space<semaphore_mem>>, %arg9: memref<!tpu.dma_semaphore, #tpu.memory_space<semaphore_mem>>, %arg10: memref<!tpu.dma_semaphore, #tpu.memory_space<semaphore_mem>>) attributes {dimension_semantics = [#tpu.dimension_semantics<core_parallel>, #tpu.dimension_semantics<subcore_parallel>], iteration_bounds = array<i64: 2, 16>, scalar_prefetch = 0 : i64, scratch_operands = 6 : i64, tpu.core_type = #tpu.core_type<sc_vector_subcore>, window_params = [{transform_indices = #map}, {transform_indices = #map}, {transform_indices = #map}]} {
    %mul3A = arith.constant 2 : i32
    %mul3A_0 = arith.muli %arg1, %mul3A : i32
    %add3A = arith.addi %mul3A_0, %arg0 : i32
    "tpu.region"() ({
      %run_scoped3A = memref.alloca() : memref<128x128xf32, #tpu.memory_space<vmem>>
      %run_scoped3A_1 = memref.alloca() : memref<128x128xf32, #tpu.memory_space<vmem>>
      %run_scoped3A_2 = memref.alloca() : memref<1x128xi32, #tpu.memory_space<vmem>>
      %run_scoped3A_3 = memref.alloca() : memref<1x128xi32, #tpu.memory_space<vmem>>
      %add3A_4 = arith.constant 0 : i32
      %add3A_5 = arith.addi %add3A_4, %add3A : i32
      %mul3A_6 = arith.constant 128 : i32
      %mul3A_7 = arith.muli %add3A_5, %mul3A_6 : i32
      %multiple_of3A = tpu.assume_multiple %mul3A_7, 8 : i32
      %dma_start3A = arith.constant 0 : i32
      %dma_start3A_8 = tpu.memref_slice %arg3[%dma_start3A, %multiple_of3A] : memref<1x1351680xi32, #tpu.memory_space<hbm>> -> memref<1x128xi32, #tpu.memory_space<hbm>>
      %dma_start3A_9 = arith.constant 0 : i32
      %dma_start3A_10 = tpu.memref_slice %arg3[%dma_start3A_9, %multiple_of3A] : memref<1x1351680xi32, #tpu.memory_space<hbm>> -> memref<1x128xi32, #tpu.memory_space<hbm>>
      tpu.enqueue_dma source(%dma_start3A_10 : memref<1x128xi32, #tpu.memory_space<hbm>>) target(%run_scoped3A_2 : memref<1x128xi32, #tpu.memory_space<vmem>>) target_semaphore(%arg5 : memref<!tpu.dma_semaphore, #tpu.memory_space<semaphore_mem>>)
      %scan3A = arith.constant 0 : i32
      %scan3A_11 = arith.constant 165 : i32
      %scan3A_12 = arith.addi %scan3A, %scan3A_11 : i32
      %scan3A_13 = arith.constant 1 : i32
      scf.for %scan3A_42 = %scan3A to %scan3A_12 step %scan3A_13  : i32 {
        %mul3A_43 = arith.constant 1 : i32
        %mul3A_44 = arith.muli %scan3A_42, %mul3A_43 : i32
        %add3A_45 = arith.constant 0 : i32
        %add3A_46 = arith.addi %add3A_45, %mul3A_44 : i32
        %mul3A_47 = arith.constant 2 : i32
        %mul3A_48 = arith.muli %add3A_46, %mul3A_47 : i32
        %add3A_49 = arith.constant 0 : i32
        %add3A_50 = arith.addi %mul3A_48, %add3A_49 : i32
        %dma_wait3A_51 = arith.constant 0 : i32
        %dma_wait3A_52 = arith.constant 0 : i32
        %dma_wait3A_53 = tpu.memref_slice %arg3[%dma_wait3A_51, %dma_wait3A_52] : memref<1x1351680xi32, #tpu.memory_space<hbm>> -> memref<1x128xi32, #tpu.memory_space<hbm>>
        %dma_wait3A_54 = arith.constant 0 : i32
        %dma_wait3A_55 = arith.constant 0 : i32
        %dma_wait3A_56 = tpu.memref_slice %arg3[%dma_wait3A_54, %dma_wait3A_55] : memref<1x1351680xi32, #tpu.memory_space<hbm>> -> memref<1x128xi32, #tpu.memory_space<hbm>>
        tpu.wait_dma2 semaphore(%arg5 : memref<!tpu.dma_semaphore, #tpu.memory_space<semaphore_mem>>) src(%dma_wait3A_56 : memref<1x128xi32, #tpu.memory_space<hbm>>) dst(%run_scoped3A_2 : memref<1x128xi32, #tpu.memory_space<vmem>>)
        %ge3A = arith.constant 2 : i32
        %ge3A_57 = arith.cmpi sge, %add3A_50, %ge3A : i32
        %convert_element_type3A = arith.extui %ge3A_57 : i1 to i32
        %cond3A = arith.constant 0 : i32
        %cond3A_58 = arith.cmpi ne, %convert_element_type3A, %cond3A : i32
        scf.if %cond3A_58 {
          %dma_wait3A_111 = arith.constant 0 : i32
          %dma_wait3A_112 = arith.constant 0 : i32
          %dma_wait3A_113 = tpu.memref_slice %arg4[%dma_wait3A_111, %dma_wait3A_112] : memref<1351680x128xf32, #tpu.memory_space<hbm>> -> memref<128x128xf32, #tpu.memory_space<hbm>>
          %dma_wait3A_114 = arith.constant 0 : i32
          %dma_wait3A_115 = arith.constant 0 : i32
          %dma_wait3A_116 = tpu.memref_slice %arg4[%dma_wait3A_114, %dma_wait3A_115] : memref<1351680x128xf32, #tpu.memory_space<hbm>> -> memref<128x128xf32, #tpu.memory_space<hbm>>
          tpu.wait_dma2 semaphore(%arg9 : memref<!tpu.dma_semaphore, #tpu.memory_space<semaphore_mem>>) src(%run_scoped3A : memref<128x128xf32, #tpu.memory_space<vmem>>) dst(%dma_wait3A_116 : memref<128x128xf32, #tpu.memory_space<hbm>>)
        } else {
        }
        %dma_start3A_59 = arith.constant 0 : i32
        %dma_start3A_60 = arith.constant 0 : i32
        %dma_start3A_61 = tpu.memref_slice %run_scoped3A_2[%dma_start3A_59, %dma_start3A_60] : memref<1x128xi32, #tpu.memory_space<vmem>> -> memref<1x128xi32, #tpu.memory_space<vmem>>
        %dma_start3A_62 = tpu.memref_squeeze %dma_start3A_61 : memref<1x128xi32, #tpu.memory_space<vmem>> -> memref<128xi32, #tpu.memory_space<vmem>>
        %dma_start3A_63 = arith.constant 0 : i32
        %dma_start3A_64 = arith.constant 0 : i32
        %dma_start3A_65 = tpu.memref_slice %arg2[%dma_start3A_63, %dma_start3A_64] : memref<100000x128xf32, #tpu.memory_space<hbm>> -> memref<100000x128xf32, #tpu.memory_space<hbm>>
        tpu.enqueue_indirect_dma source(%dma_start3A_65 : memref<100000x128xf32, #tpu.memory_space<hbm>>) target(%run_scoped3A : memref<128x128xf32, #tpu.memory_space<vmem>>) offsets(%dma_start3A_62 : memref<128xi32, #tpu.memory_space<vmem>>) semaphore(%arg7 : memref<!tpu.dma_semaphore, #tpu.memory_space<semaphore_mem>>)
        %ge3A_66 = arith.constant 1 : i32
        %ge3A_67 = arith.cmpi sge, %add3A_50, %ge3A_66 : i32
        %convert_element_type3A_68 = arith.extui %ge3A_67 : i1 to i32
        %cond3A_69 = arith.constant 0 : i32
        %cond3A_70 = arith.cmpi ne, %convert_element_type3A_68, %cond3A_69 : i32
        scf.if %cond3A_70 {
          %dma_wait3A_111 = arith.constant 0 : i32
          %dma_wait3A_112 = arith.constant 0 : i32
          %dma_wait3A_113 = tpu.memref_slice %run_scoped3A_3[%dma_wait3A_111, %dma_wait3A_112] : memref<1x128xi32, #tpu.memory_space<vmem>> -> memref<1x128xi32, #tpu.memory_space<vmem>>
          %dma_wait3A_114 = tpu.memref_squeeze %dma_wait3A_113 : memref<1x128xi32, #tpu.memory_space<vmem>> -> memref<128xi32, #tpu.memory_space<vmem>>
          %dma_wait3A_115 = arith.constant 0 : i32
          %dma_wait3A_116 = arith.constant 0 : i32
          %dma_wait3A_117 = tpu.memref_slice %arg2[%dma_wait3A_115, %dma_wait3A_116] : memref<100000x128xf32, #tpu.memory_space<hbm>> -> memref<100000x128xf32, #tpu.memory_space<hbm>>
          tpu.wait_indirect_dma semaphore(%arg8 : memref<!tpu.dma_semaphore, #tpu.memory_space<semaphore_mem>>) src(%dma_wait3A_117 : memref<100000x128xf32, #tpu.memory_space<hbm>>) dst(%run_scoped3A_1 : memref<128x128xf32, #tpu.memory_space<vmem>>)
          %sub3A = arith.constant 1 : i32
          %sub3A_118 = arith.subi %add3A_50, %sub3A : i32
          %mul3A_119 = arith.constant 2 : i32
          %mul3A_120 = arith.muli %sub3A_118, %mul3A_119 : i32
          %mul3A_121 = arith.constant 16 : i32
          %mul3A_122 = arith.muli %mul3A_120, %mul3A_121 : i32
          %add3A_123 = arith.addi %mul3A_122, %add3A : i32
          %mul3A_124 = arith.constant 128 : i32
          %mul3A_125 = arith.muli %add3A_123, %mul3A_124 : i32
          %multiple_of3A_126 = tpu.assume_multiple %mul3A_125, 8 : i32
          %dma_start3A_127 = arith.constant 0 : i32
          %dma_start3A_128 = tpu.memref_slice %arg4[%multiple_of3A_126, %dma_start3A_127] : memref<1351680x128xf32, #tpu.memory_space<hbm>> -> memref<128x128xf32, #tpu.memory_space<hbm>>
          %dma_start3A_129 = arith.constant 0 : i32
          %dma_start3A_130 = tpu.memref_slice %arg4[%multiple_of3A_126, %dma_start3A_129] : memref<1351680x128xf32, #tpu.memory_space<hbm>> -> memref<128x128xf32, #tpu.memory_space<hbm>>
          tpu.enqueue_dma source(%run_scoped3A_1 : memref<128x128xf32, #tpu.memory_space<vmem>>) target(%dma_start3A_130 : memref<128x128xf32, #tpu.memory_space<hbm>>) target_semaphore(%arg10 : memref<!tpu.dma_semaphore, #tpu.memory_space<semaphore_mem>>)
        } else {
        }
        %add3A_71 = arith.constant 1 : i32
        %add3A_72 = arith.addi %add3A_50, %add3A_71 : i32
        %lt3A = arith.constant 330 : i32
        %lt3A_73 = arith.cmpi slt, %add3A_72, %lt3A : i32
        %convert_element_type3A_74 = arith.extui %lt3A_73 : i1 to i32
        %cond3A_75 = arith.constant 0 : i32
        %cond3A_76 = arith.cmpi ne, %convert_element_type3A_74, %cond3A_75 : i32
        scf.if %cond3A_76 {
          %add3A_111 = arith.constant 1 : i32
          %add3A_112 = arith.addi %add3A_50, %add3A_111 : i32
          %mul3A_113 = arith.constant 2 : i32
          %mul3A_114 = arith.muli %add3A_112, %mul3A_113 : i32
          %mul3A_115 = arith.constant 16 : i32
          %mul3A_116 = arith.muli %mul3A_114, %mul3A_115 : i32
          %add3A_117 = arith.addi %mul3A_116, %add3A : i32
          %mul3A_118 = arith.constant 128 : i32
          %mul3A_119 = arith.muli %add3A_117, %mul3A_118 : i32
          %multiple_of3A_120 = tpu.assume_multiple %mul3A_119, 8 : i32
          %dma_start3A_121 = arith.constant 0 : i32
          %dma_start3A_122 = tpu.memref_slice %arg3[%dma_start3A_121, %multiple_of3A_120] : memref<1x1351680xi32, #tpu.memory_space<hbm>> -> memref<1x128xi32, #tpu.memory_space<hbm>>
          %dma_start3A_123 = arith.constant 0 : i32
          %dma_start3A_124 = tpu.memref_slice %arg3[%dma_start3A_123, %multiple_of3A_120] : memref<1x1351680xi32, #tpu.memory_space<hbm>> -> memref<1x128xi32, #tpu.memory_space<hbm>>
          tpu.enqueue_dma source(%dma_start3A_124 : memref<1x128xi32, #tpu.memory_space<hbm>>) target(%run_scoped3A_3 : memref<1x128xi32, #tpu.memory_space<vmem>>) target_semaphore(%arg6 : memref<!tpu.dma_semaphore, #tpu.memory_space<semaphore_mem>>)
        } else {
        }
        %mul3A_77 = arith.constant 2 : i32
        %mul3A_78 = arith.muli %add3A_46, %mul3A_77 : i32
        %add3A_79 = arith.constant 1 : i32
        %add3A_80 = arith.addi %mul3A_78, %add3A_79 : i32
        %dma_wait3A_81 = arith.constant 0 : i32
        %dma_wait3A_82 = arith.constant 0 : i32
        %dma_wait3A_83 = tpu.memref_slice %arg3[%dma_wait3A_81, %dma_wait3A_82] : memref<1x1351680xi32, #tpu.memory_space<hbm>> -> memref<1x128xi32, #tpu.memory_space<hbm>>
        %dma_wait3A_84 = arith.constant 0 : i32
        %dma_wait3A_85 = arith.constant 0 : i32
        %dma_wait3A_86 = tpu.memref_slice %arg3[%dma_wait3A_84, %dma_wait3A_85] : memref<1x1351680xi32, #tpu.memory_space<hbm>> -> memref<1x128xi32, #tpu.memory_space<hbm>>
        tpu.wait_dma2 semaphore(%arg6 : memref<!tpu.dma_semaphore, #tpu.memory_space<semaphore_mem>>) src(%dma_wait3A_86 : memref<1x128xi32, #tpu.memory_space<hbm>>) dst(%run_scoped3A_3 : memref<1x128xi32, #tpu.memory_space<vmem>>)
        %ge3A_87 = arith.constant 2 : i32
        %ge3A_88 = arith.cmpi sge, %add3A_80, %ge3A_87 : i32
        %convert_element_type3A_89 = arith.extui %ge3A_88 : i1 to i32
        %cond3A_90 = arith.constant 0 : i32
        %cond3A_91 = arith.cmpi ne, %convert_element_type3A_89, %cond3A_90 : i32
        scf.if %cond3A_91 {
          %dma_wait3A_111 = arith.constant 0 : i32
          %dma_wait3A_112 = arith.constant 0 : i32
          %dma_wait3A_113 = tpu.memref_slice %arg4[%dma_wait3A_111, %dma_wait3A_112] : memref<1351680x128xf32, #tpu.memory_space<hbm>> -> memref<128x128xf32, #tpu.memory_space<hbm>>
          %dma_wait3A_114 = arith.constant 0 : i32
          %dma_wait3A_115 = arith.constant 0 : i32
          %dma_wait3A_116 = tpu.memref_slice %arg4[%dma_wait3A_114, %dma_wait3A_115] : memref<1351680x128xf32, #tpu.memory_space<hbm>> -> memref<128x128xf32, #tpu.memory_space<hbm>>
          tpu.wait_dma2 semaphore(%arg10 : memref<!tpu.dma_semaphore, #tpu.memory_space<semaphore_mem>>) src(%run_scoped3A_1 : memref<128x128xf32, #tpu.memory_space<vmem>>) dst(%dma_wait3A_116 : memref<128x128xf32, #tpu.memory_space<hbm>>)
        } else {
        }
        %dma_start3A_92 = arith.constant 0 : i32
        %dma_start3A_93 = arith.constant 0 : i32
        %dma_start3A_94 = tpu.memref_slice %run_scoped3A_3[%dma_start3A_92, %dma_start3A_93] : memref<1x128xi32, #tpu.memory_space<vmem>> -> memref<1x128xi32, #tpu.memory_space<vmem>>
        %dma_start3A_95 = tpu.memref_squeeze %dma_start3A_94 : memref<1x128xi32, #tpu.memory_space<vmem>> -> memref<128xi32, #tpu.memory_space<vmem>>
        %dma_start3A_96 = arith.constant 0 : i32
        %dma_start3A_97 = arith.constant 0 : i32
        %dma_start3A_98 = tpu.memref_slice %arg2[%dma_start3A_96, %dma_start3A_97] : memref<100000x128xf32, #tpu.memory_space<hbm>> -> memref<100000x128xf32, #tpu.memory_space<hbm>>
        tpu.enqueue_indirect_dma source(%dma_start3A_98 : memref<100000x128xf32, #tpu.memory_space<hbm>>) target(%run_scoped3A_1 : memref<128x128xf32, #tpu.memory_space<vmem>>) offsets(%dma_start3A_95 : memref<128xi32, #tpu.memory_space<vmem>>) semaphore(%arg8 : memref<!tpu.dma_semaphore, #tpu.memory_space<semaphore_mem>>)
        %ge3A_99 = arith.constant 1 : i32
        %ge3A_100 = arith.cmpi sge, %add3A_80, %ge3A_99 : i32
        %convert_element_type3A_101 = arith.extui %ge3A_100 : i1 to i32
        %cond3A_102 = arith.constant 0 : i32
        %cond3A_103 = arith.cmpi ne, %convert_element_type3A_101, %cond3A_102 : i32
        scf.if %cond3A_103 {
          %dma_wait3A_111 = arith.constant 0 : i32
          %dma_wait3A_112 = arith.constant 0 : i32
          %dma_wait3A_113 = tpu.memref_slice %run_scoped3A_2[%dma_wait3A_111, %dma_wait3A_112] : memref<1x128xi32, #tpu.memory_space<vmem>> -> memref<1x128xi32, #tpu.memory_space<vmem>>
          %dma_wait3A_114 = tpu.memref_squeeze %dma_wait3A_113 : memref<1x128xi32, #tpu.memory_space<vmem>> -> memref<128xi32, #tpu.memory_space<vmem>>
          %dma_wait3A_115 = arith.constant 0 : i32
          %dma_wait3A_116 = arith.constant 0 : i32
          %dma_wait3A_117 = tpu.memref_slice %arg2[%dma_wait3A_115, %dma_wait3A_116] : memref<100000x128xf32, #tpu.memory_space<hbm>> -> memref<100000x128xf32, #tpu.memory_space<hbm>>
          tpu.wait_indirect_dma semaphore(%arg7 : memref<!tpu.dma_semaphore, #tpu.memory_space<semaphore_mem>>) src(%dma_wait3A_117 : memref<100000x128xf32, #tpu.memory_space<hbm>>) dst(%run_scoped3A : memref<128x128xf32, #tpu.memory_space<vmem>>)
          %sub3A = arith.constant 1 : i32
          %sub3A_118 = arith.subi %add3A_80, %sub3A : i32
          %mul3A_119 = arith.constant 2 : i32
          %mul3A_120 = arith.muli %sub3A_118, %mul3A_119 : i32
          %mul3A_121 = arith.constant 16 : i32
          %mul3A_122 = arith.muli %mul3A_120, %mul3A_121 : i32
          %add3A_123 = arith.addi %mul3A_122, %add3A : i32
          %mul3A_124 = arith.constant 128 : i32
          %mul3A_125 = arith.muli %add3A_123, %mul3A_124 : i32
          %multiple_of3A_126 = tpu.assume_multiple %mul3A_125, 8 : i32
          %dma_start3A_127 = arith.constant 0 : i32
          %dma_start3A_128 = tpu.memref_slice %arg4[%multiple_of3A_126, %dma_start3A_127] : memref<1351680x128xf32, #tpu.memory_space<hbm>> -> memref<128x128xf32, #tpu.memory_space<hbm>>
          %dma_start3A_129 = arith.constant 0 : i32
          %dma_start3A_130 = tpu.memref_slice %arg4[%multiple_of3A_126, %dma_start3A_129] : memref<1351680x128xf32, #tpu.memory_space<hbm>> -> memref<128x128xf32, #tpu.memory_space<hbm>>
          tpu.enqueue_dma source(%run_scoped3A : memref<128x128xf32, #tpu.memory_space<vmem>>) target(%dma_start3A_130 : memref<128x128xf32, #tpu.memory_space<hbm>>) target_semaphore(%arg9 : memref<!tpu.dma_semaphore, #tpu.memory_space<semaphore_mem>>)
        } else {
        }
        %add3A_104 = arith.constant 1 : i32
        %add3A_105 = arith.addi %add3A_80, %add3A_104 : i32
        %lt3A_106 = arith.constant 330 : i32
        %lt3A_107 = arith.cmpi slt, %add3A_105, %lt3A_106 : i32
        %convert_element_type3A_108 = arith.extui %lt3A_107 : i1 to i32
        %cond3A_109 = arith.constant 0 : i32
        %cond3A_110 = arith.cmpi ne, %convert_element_type3A_108, %cond3A_109 : i32
        scf.if %cond3A_110 {
          %add3A_111 = arith.constant 1 : i32
          %add3A_112 = arith.addi %add3A_80, %add3A_111 : i32
          %mul3A_113 = arith.constant 2 : i32
          %mul3A_114 = arith.muli %add3A_112, %mul3A_113 : i32
          %mul3A_115 = arith.constant 16 : i32
          %mul3A_116 = arith.muli %mul3A_114, %mul3A_115 : i32
          %add3A_117 = arith.addi %mul3A_116, %add3A : i32
          %mul3A_118 = arith.constant 128 : i32
          %mul3A_119 = arith.muli %add3A_117, %mul3A_118 : i32
          %multiple_of3A_120 = tpu.assume_multiple %mul3A_119, 8 : i32
          %dma_start3A_121 = arith.constant 0 : i32
          %dma_start3A_122 = tpu.memref_slice %arg3[%dma_start3A_121, %multiple_of3A_120] : memref<1x1351680xi32, #tpu.memory_space<hbm>> -> memref<1x128xi32, #tpu.memory_space<hbm>>
          %dma_start3A_123 = arith.constant 0 : i32
          %dma_start3A_124 = tpu.memref_slice %arg3[%dma_start3A_123, %multiple_of3A_120] : memref<1x1351680xi32, #tpu.memory_space<hbm>> -> memref<1x128xi32, #tpu.memory_space<hbm>>
          tpu.enqueue_dma source(%dma_start3A_124 : memref<1x128xi32, #tpu.memory_space<hbm>>) target(%run_scoped3A_2 : memref<1x128xi32, #tpu.memory_space<vmem>>) target_semaphore(%arg5 : memref<!tpu.dma_semaphore, #tpu.memory_space<semaphore_mem>>)
        } else {
        }
      }
      %scan3A_14 = arith.constant 165 : i32
      %dma_wait3A = arith.constant 0 : i32
      %dma_wait3A_15 = arith.constant 0 : i32
      %dma_wait3A_16 = tpu.memref_slice %run_scoped3A_3[%dma_wait3A, %dma_wait3A_15] : memref<1x128xi32, #tpu.memory_space<vmem>> -> memref<1x128xi32, #tpu.memory_space<vmem>>
      %dma_wait3A_17 = tpu.memref_squeeze %dma_wait3A_16 : memref<1x128xi32, #tpu.memory_space<vmem>> -> memref<128xi32, #tpu.memory_space<vmem>>
      %dma_wait3A_18 = arith.constant 0 : i32
      %dma_wait3A_19 = arith.constant 0 : i32
      %dma_wait3A_20 = tpu.memref_slice %arg2[%dma_wait3A_18, %dma_wait3A_19] : memref<100000x128xf32, #tpu.memory_space<hbm>> -> memref<100000x128xf32, #tpu.memory_space<hbm>>
      tpu.wait_indirect_dma semaphore(%arg8 : memref<!tpu.dma_semaphore, #tpu.memory_space<semaphore_mem>>) src(%dma_wait3A_20 : memref<100000x128xf32, #tpu.memory_space<hbm>>) dst(%run_scoped3A_1 : memref<128x128xf32, #tpu.memory_space<vmem>>)
      %add3A_21 = arith.constant 10528 : i32
      %add3A_22 = arith.addi %add3A_21, %add3A : i32
      %mul3A_23 = arith.constant 128 : i32
      %mul3A_24 = arith.muli %add3A_22, %mul3A_23 : i32
      %multiple_of3A_25 = tpu.assume_multiple %mul3A_24, 8 : i32
      %dma_start3A_26 = arith.constant 0 : i32
      %dma_start3A_27 = tpu.memref_slice %arg4[%multiple_of3A_25, %dma_start3A_26] : memref<1351680x128xf32, #tpu.memory_space<hbm>> -> memref<128x128xf32, #tpu.memory_space<hbm>>
      %dma_start3A_28 = arith.constant 0 : i32
      %dma_start3A_29 = tpu.memref_slice %arg4[%multiple_of3A_25, %dma_start3A_28] : memref<1351680x128xf32, #tpu.memory_space<hbm>> -> memref<128x128xf32, #tpu.memory_space<hbm>>
      tpu.enqueue_dma source(%run_scoped3A_1 : memref<128x128xf32, #tpu.memory_space<vmem>>) target(%dma_start3A_29 : memref<128x128xf32, #tpu.memory_space<hbm>>) target_semaphore(%arg10 : memref<!tpu.dma_semaphore, #tpu.memory_space<semaphore_mem>>)
      %dma_wait3A_30 = arith.constant 0 : i32
      %dma_wait3A_31 = arith.constant 0 : i32
      %dma_wait3A_32 = tpu.memref_slice %arg4[%dma_wait3A_30, %dma_wait3A_31] : memref<1351680x128xf32, #tpu.memory_space<hbm>> -> memref<128x128xf32, #tpu.memory_space<hbm>>
      %dma_wait3A_33 = arith.constant 0 : i32
      %dma_wait3A_34 = arith.constant 0 : i32
      %dma_wait3A_35 = tpu.memref_slice %arg4[%dma_wait3A_33, %dma_wait3A_34] : memref<1351680x128xf32, #tpu.memory_space<hbm>> -> memref<128x128xf32, #tpu.memory_space<hbm>>
      tpu.wait_dma2 semaphore(%arg9 : memref<!tpu.dma_semaphore, #tpu.memory_space<semaphore_mem>>) src(%run_scoped3A : memref<128x128xf32, #tpu.memory_space<vmem>>) dst(%dma_wait3A_35 : memref<128x128xf32, #tpu.memory_space<hbm>>)
      %dma_wait3A_36 = arith.constant 0 : i32
      %dma_wait3A_37 = arith.constant 0 : i32
      %dma_wait3A_38 = tpu.memref_slice %arg4[%dma_wait3A_36, %dma_wait3A_37] : memref<1351680x128xf32, #tpu.memory_space<hbm>> -> memref<128x128xf32, #tpu.memory_space<hbm>>
      %dma_wait3A_39 = arith.constant 0 : i32
      %dma_wait3A_40 = arith.constant 0 : i32
      %dma_wait3A_41 = tpu.memref_slice %arg4[%dma_wait3A_39, %dma_wait3A_40] : memref<1351680x128xf32, #tpu.memory_space<hbm>> -> memref<128x128xf32, #tpu.memory_space<hbm>>
      tpu.wait_dma2 semaphore(%arg10 : memref<!tpu.dma_semaphore, #tpu.memory_space<semaphore_mem>>) src(%run_scoped3A_1 : memref<128x128xf32, #tpu.memory_space<vmem>>) dst(%dma_wait3A_41 : memref<128x128xf32, #tpu.memory_space<hbm>>)
      tpu.yield
    }) : () -> ()
    return
  }
}

#map = affine_map<(d0, d1) -> (0, 0)>
module attributes {stable_mosaic.version = 14 : i64} {
  func.func @k(%arg0: i32, %arg1: i32, %arg2: memref<1351680x128xf32, #tpu.memory_space<hbm>>, %arg3: memref<1x5406720xi32, #tpu.memory_space<hbm>>, %arg4: memref<50176x128xf32, #tpu.memory_space<hbm>>, %arg5: memref<!tpu.dma_semaphore, #tpu.memory_space<semaphore_mem>>, %arg6: memref<!tpu.dma_semaphore, #tpu.memory_space<semaphore_mem>>, %arg7: memref<!tpu.dma_semaphore, #tpu.memory_space<semaphore_mem>>, %arg8: memref<!tpu.dma_semaphore, #tpu.memory_space<semaphore_mem>>, %arg9: memref<12800x128xf32, #tpu.memory_space<vmem_shared>>) attributes {dimension_semantics = [#tpu.dimension_semantics<core_parallel>, #tpu.dimension_semantics<subcore_parallel>], iteration_bounds = array<i64: 2, 16>, scalar_prefetch = 0 : i64, scratch_operands = 5 : i64, tpu.core_type = #tpu.core_type<sc_vector_subcore>, window_params = [{transform_indices = #map}, {transform_indices = #map}, {transform_indices = #map}]} {
    "tpu.region"() ({
      %run_scoped3A = memref.alloca() : memref<32x128xf32, #tpu.memory_space<vmem>>
      %run_scoped3A_0 = memref.alloca() : memref<128x128xf32, #tpu.memory_space<vmem>>
      %run_scoped3A_1 = memref.alloca() : memref<1x128xi32, #tpu.memory_space<vmem>>
      %run_scoped3A_2 = memref.alloca() : memref<1x128xi32, #tpu.memory_space<vmem>>
      %scan3A = arith.constant 0 : i32
      %scan3A_3 = arith.constant 32 : i32
      %scan3A_4 = arith.addi %scan3A, %scan3A_3 : i32
      %scan3A_5 = arith.constant 1 : i32
      scf.for %scan3A_12 = %scan3A to %scan3A_4 step %scan3A_5  : i32 {
        %mul3A = arith.constant 1 : i32
        %mul3A_13 = arith.muli %scan3A_12, %mul3A : i32
        %add3A = arith.constant 0 : i32
        %add3A_14 = arith.addi %add3A, %mul3A_13 : i32
        %scan3A_15 = arith.constant 0 : i32
        %scan3A_16 = arith.constant 8 : i32
        %scan3A_17 = arith.addi %scan3A_15, %scan3A_16 : i32
        %scan3A_18 = arith.constant 1 : i32
        scf.for %scan3A_20 = %scan3A_15 to %scan3A_17 step %scan3A_18  : i32 {
          %mul3A_21 = arith.constant 1 : i32
          %mul3A_22 = arith.muli %scan3A_20, %mul3A_21 : i32
          %add3A_23 = arith.constant 0 : i32
          %add3A_24 = arith.addi %add3A_23, %mul3A_22 : i32
          %broadcast_in_dim3A = arith.constant 0.000000e+00 : f32
          %broadcast_in_dim3A_25 = vector.broadcast %broadcast_in_dim3A : f32 to vector<16xf32>
          %mul3A_26 = arith.constant 16 : i32
          %mul3A_27 = arith.muli %add3A_24, %mul3A_26 : i32
          %swap3A = arith.index_cast %add3A_14 : i32 to index
          %swap3A_28 = arith.index_cast %mul3A_27 : i32 to index
          %swap3A_29 = tpu.vector_load %run_scoped3A[%swap3A, %swap3A_28] {strides = array<i32>} : memref<32x128xf32, #tpu.memory_space<vmem>>, vector<1x16xf32>,
          %swap3A_30 = vector.shape_cast %swap3A_29 : vector<1x16xf32> to vector<16xf32>
          %swap3A_31 = vector.shape_cast %broadcast_in_dim3A_25 : vector<16xf32> to vector<1x16xf32>
          tpu.vector_store %run_scoped3A[%swap3A, %swap3A_28], %swap3A_31 {strides = array<i32>} : memref<32x128xf32, #tpu.memory_space<vmem>>, vector<1x16xf32>,
        }
        %scan3A_19 = arith.constant 8 : i32
      }
      %scan3A_6 = arith.constant 32 : i32
      %scan3A_7 = arith.constant 0 : i32
      %scan3A_8 = arith.constant 2 : i32
      %scan3A_9 = arith.addi %scan3A_7, %scan3A_8 : i32
      %scan3A_10 = arith.constant 1 : i32
      scf.for %scan3A_12 = %scan3A_7 to %scan3A_9 step %scan3A_10  : i32 {
        %mul3A = arith.constant 1 : i32
        %mul3A_13 = arith.muli %scan3A_12, %mul3A : i32
        %add3A = arith.constant 0 : i32
        %add3A_14 = arith.addi %add3A, %mul3A_13 : i32
        %mul3A_15 = arith.constant 2 : i32
        %mul3A_16 = arith.muli %arg0, %mul3A_15 : i32
        %add3A_17 = arith.addi %mul3A_16, %add3A_14 : i32
        %mul3A_18 = arith.constant 800 : i32
        %mul3A_19 = arith.muli %arg1, %mul3A_18 : i32
        %multiple_of3A = tpu.assume_multiple %mul3A_19, 8 : i32
        %add3A_20 = arith.constant 0 : i32
        %add3A_21 = arith.addi %multiple_of3A, %add3A_20 : i32
        "tpu.region"() ({
          %run_scoped3A_185 = tpu.sem_alloc : memref<!tpu.dma_semaphore, #tpu.memory_space<semaphore_mem>>
          %dma_start3A_186 = arith.constant 0 : i32
          %dma_start3A_187 = tpu.memref_slice %arg9[%add3A_21, %dma_start3A_186] : memref<12800x128xf32, #tpu.memory_space<vmem_shared>> -> memref<32x128xf32, #tpu.memory_space<vmem_shared>>
          %dma_start3A_188 = arith.constant 0 : i32
          %dma_start3A_189 = tpu.memref_slice %arg9[%add3A_21, %dma_start3A_188] : memref<12800x128xf32, #tpu.memory_space<vmem_shared>> -> memref<32x128xf32, #tpu.memory_space<vmem_shared>>
          tpu.enqueue_dma source(%run_scoped3A : memref<32x128xf32, #tpu.memory_space<vmem>>) target(%dma_start3A_189 : memref<32x128xf32, #tpu.memory_space<vmem_shared>>) target_semaphore(%run_scoped3A_185 : memref<!tpu.dma_semaphore, #tpu.memory_space<semaphore_mem>>)
          %dma_wait3A_190 = arith.constant 0 : i32
          %dma_wait3A_191 = tpu.memref_slice %arg9[%add3A_21, %dma_wait3A_190] : memref<12800x128xf32, #tpu.memory_space<vmem_shared>> -> memref<32x128xf32, #tpu.memory_space<vmem_shared>>
          %dma_wait3A_192 = arith.constant 0 : i32
          %dma_wait3A_193 = tpu.memref_slice %arg9[%add3A_21, %dma_wait3A_192] : memref<12800x128xf32, #tpu.memory_space<vmem_shared>> -> memref<32x128xf32, #tpu.memory_space<vmem_shared>>
          tpu.wait_dma2 semaphore(%run_scoped3A_185 : memref<!tpu.dma_semaphore, #tpu.memory_space<semaphore_mem>>) src(%run_scoped3A : memref<32x128xf32, #tpu.memory_space<vmem>>) dst(%dma_wait3A_193 : memref<32x128xf32, #tpu.memory_space<vmem_shared>>)
          tpu.yield
        }) : () -> ()
        %add3A_22 = arith.constant 32 : i32
        %add3A_23 = arith.addi %multiple_of3A, %add3A_22 : i32
        "tpu.region"() ({
          %run_scoped3A_185 = tpu.sem_alloc : memref<!tpu.dma_semaphore, #tpu.memory_space<semaphore_mem>>
          %dma_start3A_186 = arith.constant 0 : i32
          %dma_start3A_187 = tpu.memref_slice %arg9[%add3A_23, %dma_start3A_186] : memref<12800x128xf32, #tpu.memory_space<vmem_shared>> -> memref<32x128xf32, #tpu.memory_space<vmem_shared>>
          %dma_start3A_188 = arith.constant 0 : i32
          %dma_start3A_189 = tpu.memref_slice %arg9[%add3A_23, %dma_start3A_188] : memref<12800x128xf32, #tpu.memory_space<vmem_shared>> -> memref<32x128xf32, #tpu.memory_space<vmem_shared>>
          tpu.enqueue_dma source(%run_scoped3A : memref<32x128xf32, #tpu.memory_space<vmem>>) target(%dma_start3A_189 : memref<32x128xf32, #tpu.memory_space<vmem_shared>>) target_semaphore(%run_scoped3A_185 : memref<!tpu.dma_semaphore, #tpu.memory_space<semaphore_mem>>)
          %dma_wait3A_190 = arith.constant 0 : i32
          %dma_wait3A_191 = tpu.memref_slice %arg9[%add3A_23, %dma_wait3A_190] : memref<12800x128xf32, #tpu.memory_space<vmem_shared>> -> memref<32x128xf32, #tpu.memory_space<vmem_shared>>
          %dma_wait3A_192 = arith.constant 0 : i32
          %dma_wait3A_193 = tpu.memref_slice %arg9[%add3A_23, %dma_wait3A_192] : memref<12800x128xf32, #tpu.memory_space<vmem_shared>> -> memref<32x128xf32, #tpu.memory_space<vmem_shared>>
          tpu.wait_dma2 semaphore(%run_scoped3A_185 : memref<!tpu.dma_semaphore, #tpu.memory_space<semaphore_mem>>) src(%run_scoped3A : memref<32x128xf32, #tpu.memory_space<vmem>>) dst(%dma_wait3A_193 : memref<32x128xf32, #tpu.memory_space<vmem_shared>>)
          tpu.yield
        }) : () -> ()
        %add3A_24 = arith.constant 64 : i32
        %add3A_25 = arith.addi %multiple_of3A, %add3A_24 : i32
        "tpu.region"() ({
          %run_scoped3A_185 = tpu.sem_alloc : memref<!tpu.dma_semaphore, #tpu.memory_space<semaphore_mem>>
          %dma_start3A_186 = arith.constant 0 : i32
          %dma_start3A_187 = tpu.memref_slice %arg9[%add3A_25, %dma_start3A_186] : memref<12800x128xf32, #tpu.memory_space<vmem_shared>> -> memref<32x128xf32, #tpu.memory_space<vmem_shared>>
          %dma_start3A_188 = arith.constant 0 : i32
          %dma_start3A_189 = tpu.memref_slice %arg9[%add3A_25, %dma_start3A_188] : memref<12800x128xf32, #tpu.memory_space<vmem_shared>> -> memref<32x128xf32, #tpu.memory_space<vmem_shared>>
          tpu.enqueue_dma source(%run_scoped3A : memref<32x128xf32, #tpu.memory_space<vmem>>) target(%dma_start3A_189 : memref<32x128xf32, #tpu.memory_space<vmem_shared>>) target_semaphore(%run_scoped3A_185 : memref<!tpu.dma_semaphore, #tpu.memory_space<semaphore_mem>>)
          %dma_wait3A_190 = arith.constant 0 : i32
          %dma_wait3A_191 = tpu.memref_slice %arg9[%add3A_25, %dma_wait3A_190] : memref<12800x128xf32, #tpu.memory_space<vmem_shared>> -> memref<32x128xf32, #tpu.memory_space<vmem_shared>>
          %dma_wait3A_192 = arith.constant 0 : i32
          %dma_wait3A_193 = tpu.memref_slice %arg9[%add3A_25, %dma_wait3A_192] : memref<12800x128xf32, #tpu.memory_space<vmem_shared>> -> memref<32x128xf32, #tpu.memory_space<vmem_shared>>
          tpu.wait_dma2 semaphore(%run_scoped3A_185 : memref<!tpu.dma_semaphore, #tpu.memory_space<semaphore_mem>>) src(%run_scoped3A : memref<32x128xf32, #tpu.memory_space<vmem>>) dst(%dma_wait3A_193 : memref<32x128xf32, #tpu.memory_space<vmem_shared>>)
          tpu.yield
        }) : () -> ()
        %add3A_26 = arith.constant 96 : i32
        %add3A_27 = arith.addi %multiple_of3A, %add3A_26 : i32
        "tpu.region"() ({
          %run_scoped3A_185 = tpu.sem_alloc : memref<!tpu.dma_semaphore, #tpu.memory_space<semaphore_mem>>
          %dma_start3A_186 = arith.constant 0 : i32
          %dma_start3A_187 = tpu.memref_slice %arg9[%add3A_27, %dma_start3A_186] : memref<12800x128xf32, #tpu.memory_space<vmem_shared>> -> memref<32x128xf32, #tpu.memory_space<vmem_shared>>
          %dma_start3A_188 = arith.constant 0 : i32
          %dma_start3A_189 = tpu.memref_slice %arg9[%add3A_27, %dma_start3A_188] : memref<12800x128xf32, #tpu.memory_space<vmem_shared>> -> memref<32x128xf32, #tpu.memory_space<vmem_shared>>
          tpu.enqueue_dma source(%run_scoped3A : memref<32x128xf32, #tpu.memory_space<vmem>>) target(%dma_start3A_189 : memref<32x128xf32, #tpu.memory_space<vmem_shared>>) target_semaphore(%run_scoped3A_185 : memref<!tpu.dma_semaphore, #tpu.memory_space<semaphore_mem>>)
          %dma_wait3A_190 = arith.constant 0 : i32
          %dma_wait3A_191 = tpu.memref_slice %arg9[%add3A_27, %dma_wait3A_190] : memref<12800x128xf32, #tpu.memory_space<vmem_shared>> -> memref<32x128xf32, #tpu.memory_space<vmem_shared>>
          %dma_wait3A_192 = arith.constant 0 : i32
          %dma_wait3A_193 = tpu.memref_slice %arg9[%add3A_27, %dma_wait3A_192] : memref<12800x128xf32, #tpu.memory_space<vmem_shared>> -> memref<32x128xf32, #tpu.memory_space<vmem_shared>>
          tpu.wait_dma2 semaphore(%run_scoped3A_185 : memref<!tpu.dma_semaphore, #tpu.memory_space<semaphore_mem>>) src(%run_scoped3A : memref<32x128xf32, #tpu.memory_space<vmem>>) dst(%dma_wait3A_193 : memref<32x128xf32, #tpu.memory_space<vmem_shared>>)
          tpu.yield
        }) : () -> ()
        %add3A_28 = arith.constant 128 : i32
        %add3A_29 = arith.addi %multiple_of3A, %add3A_28 : i32
        "tpu.region"() ({
          %run_scoped3A_185 = tpu.sem_alloc : memref<!tpu.dma_semaphore, #tpu.memory_space<semaphore_mem>>
          %dma_start3A_186 = arith.constant 0 : i32
          %dma_start3A_187 = tpu.memref_slice %arg9[%add3A_29, %dma_start3A_186] : memref<12800x128xf32, #tpu.memory_space<vmem_shared>> -> memref<32x128xf32, #tpu.memory_space<vmem_shared>>
          %dma_start3A_188 = arith.constant 0 : i32
          %dma_start3A_189 = tpu.memref_slice %arg9[%add3A_29, %dma_start3A_188] : memref<12800x128xf32, #tpu.memory_space<vmem_shared>> -> memref<32x128xf32, #tpu.memory_space<vmem_shared>>
          tpu.enqueue_dma source(%run_scoped3A : memref<32x128xf32, #tpu.memory_space<vmem>>) target(%dma_start3A_189 : memref<32x128xf32, #tpu.memory_space<vmem_shared>>) target_semaphore(%run_scoped3A_185 : memref<!tpu.dma_semaphore, #tpu.memory_space<semaphore_mem>>)
          %dma_wait3A_190 = arith.constant 0 : i32
          %dma_wait3A_191 = tpu.memref_slice %arg9[%add3A_29, %dma_wait3A_190] : memref<12800x128xf32, #tpu.memory_space<vmem_shared>> -> memref<32x128xf32, #tpu.memory_space<vmem_shared>>
          %dma_wait3A_192 = arith.constant 0 : i32
          %dma_wait3A_193 = tpu.memref_slice %arg9[%add3A_29, %dma_wait3A_192] : memref<12800x128xf32, #tpu.memory_space<vmem_shared>> -> memref<32x128xf32, #tpu.memory_space<vmem_shared>>
          tpu.wait_dma2 semaphore(%run_scoped3A_185 : memref<!tpu.dma_semaphore, #tpu.memory_space<semaphore_mem>>) src(%run_scoped3A : memref<32x128xf32, #tpu.memory_space<vmem>>) dst(%dma_wait3A_193 : memref<32x128xf32, #tpu.memory_space<vmem_shared>>)
          tpu.yield
        }) : () -> ()
        %add3A_30 = arith.constant 160 : i32
        %add3A_31 = arith.addi %multiple_of3A, %add3A_30 : i32
        "tpu.region"() ({
          %run_scoped3A_185 = tpu.sem_alloc : memref<!tpu.dma_semaphore, #tpu.memory_space<semaphore_mem>>
          %dma_start3A_186 = arith.constant 0 : i32
          %dma_start3A_187 = tpu.memref_slice %arg9[%add3A_31, %dma_start3A_186] : memref<12800x128xf32, #tpu.memory_space<vmem_shared>> -> memref<32x128xf32, #tpu.memory_space<vmem_shared>>
          %dma_start3A_188 = arith.constant 0 : i32
          %dma_start3A_189 = tpu.memref_slice %arg9[%add3A_31, %dma_start3A_188] : memref<12800x128xf32, #tpu.memory_space<vmem_shared>> -> memref<32x128xf32, #tpu.memory_space<vmem_shared>>
          tpu.enqueue_dma source(%run_scoped3A : memref<32x128xf32, #tpu.memory_space<vmem>>) target(%dma_start3A_189 : memref<32x128xf32, #tpu.memory_space<vmem_shared>>) target_semaphore(%run_scoped3A_185 : memref<!tpu.dma_semaphore, #tpu.memory_space<semaphore_mem>>)
          %dma_wait3A_190 = arith.constant 0 : i32
          %dma_wait3A_191 = tpu.memref_slice %arg9[%add3A_31, %dma_wait3A_190] : memref<12800x128xf32, #tpu.memory_space<vmem_shared>> -> memref<32x128xf32, #tpu.memory_space<vmem_shared>>
          %dma_wait3A_192 = arith.constant 0 : i32
          %dma_wait3A_193 = tpu.memref_slice %arg9[%add3A_31, %dma_wait3A_192] : memref<12800x128xf32, #tpu.memory_space<vmem_shared>> -> memref<32x128xf32, #tpu.memory_space<vmem_shared>>
          tpu.wait_dma2 semaphore(%run_scoped3A_185 : memref<!tpu.dma_semaphore, #tpu.memory_space<semaphore_mem>>) src(%run_scoped3A : memref<32x128xf32, #tpu.memory_space<vmem>>) dst(%dma_wait3A_193 : memref<32x128xf32, #tpu.memory_space<vmem_shared>>)
          tpu.yield
        }) : () -> ()
        %add3A_32 = arith.constant 192 : i32
        %add3A_33 = arith.addi %multiple_of3A, %add3A_32 : i32
        "tpu.region"() ({
          %run_scoped3A_185 = tpu.sem_alloc : memref<!tpu.dma_semaphore, #tpu.memory_space<semaphore_mem>>
          %dma_start3A_186 = arith.constant 0 : i32
          %dma_start3A_187 = tpu.memref_slice %arg9[%add3A_33, %dma_start3A_186] : memref<12800x128xf32, #tpu.memory_space<vmem_shared>> -> memref<32x128xf32, #tpu.memory_space<vmem_shared>>
          %dma_start3A_188 = arith.constant 0 : i32
          %dma_start3A_189 = tpu.memref_slice %arg9[%add3A_33, %dma_start3A_188] : memref<12800x128xf32, #tpu.memory_space<vmem_shared>> -> memref<32x128xf32, #tpu.memory_space<vmem_shared>>
          tpu.enqueue_dma source(%run_scoped3A : memref<32x128xf32, #tpu.memory_space<vmem>>) target(%dma_start3A_189 : memref<32x128xf32, #tpu.memory_space<vmem_shared>>) target_semaphore(%run_scoped3A_185 : memref<!tpu.dma_semaphore, #tpu.memory_space<semaphore_mem>>)
          %dma_wait3A_190 = arith.constant 0 : i32
          %dma_wait3A_191 = tpu.memref_slice %arg9[%add3A_33, %dma_wait3A_190] : memref<12800x128xf32, #tpu.memory_space<vmem_shared>> -> memref<32x128xf32, #tpu.memory_space<vmem_shared>>
          %dma_wait3A_192 = arith.constant 0 : i32
          %dma_wait3A_193 = tpu.memref_slice %arg9[%add3A_33, %dma_wait3A_192] : memref<12800x128xf32, #tpu.memory_space<vmem_shared>> -> memref<32x128xf32, #tpu.memory_space<vmem_shared>>
          tpu.wait_dma2 semaphore(%run_scoped3A_185 : memref<!tpu.dma_semaphore, #tpu.memory_space<semaphore_mem>>) src(%run_scoped3A : memref<32x128xf32, #tpu.memory_space<vmem>>) dst(%dma_wait3A_193 : memref<32x128xf32, #tpu.memory_space<vmem_shared>>)
          tpu.yield
        }) : () -> ()
        %add3A_34 = arith.constant 224 : i32
        %add3A_35 = arith.addi %multiple_of3A, %add3A_34 : i32
        "tpu.region"() ({
          %run_scoped3A_185 = tpu.sem_alloc : memref<!tpu.dma_semaphore, #tpu.memory_space<semaphore_mem>>
          %dma_start3A_186 = arith.constant 0 : i32
          %dma_start3A_187 = tpu.memref_slice %arg9[%add3A_35, %dma_start3A_186] : memref<12800x128xf32, #tpu.memory_space<vmem_shared>> -> memref<32x128xf32, #tpu.memory_space<vmem_shared>>
          %dma_start3A_188 = arith.constant 0 : i32
          %dma_start3A_189 = tpu.memref_slice %arg9[%add3A_35, %dma_start3A_188] : memref<12800x128xf32, #tpu.memory_space<vmem_shared>> -> memref<32x128xf32, #tpu.memory_space<vmem_shared>>
          tpu.enqueue_dma source(%run_scoped3A : memref<32x128xf32, #tpu.memory_space<vmem>>) target(%dma_start3A_189 : memref<32x128xf32, #tpu.memory_space<vmem_shared>>) target_semaphore(%run_scoped3A_185 : memref<!tpu.dma_semaphore, #tpu.memory_space<semaphore_mem>>)
          %dma_wait3A_190 = arith.constant 0 : i32
          %dma_wait3A_191 = tpu.memref_slice %arg9[%add3A_35, %dma_wait3A_190] : memref<12800x128xf32, #tpu.memory_space<vmem_shared>> -> memref<32x128xf32, #tpu.memory_space<vmem_shared>>
          %dma_wait3A_192 = arith.constant 0 : i32
          %dma_wait3A_193 = tpu.memref_slice %arg9[%add3A_35, %dma_wait3A_192] : memref<12800x128xf32, #tpu.memory_space<vmem_shared>> -> memref<32x128xf32, #tpu.memory_space<vmem_shared>>
          tpu.wait_dma2 semaphore(%run_scoped3A_185 : memref<!tpu.dma_semaphore, #tpu.memory_space<semaphore_mem>>) src(%run_scoped3A : memref<32x128xf32, #tpu.memory_space<vmem>>) dst(%dma_wait3A_193 : memref<32x128xf32, #tpu.memory_space<vmem_shared>>)
          tpu.yield
        }) : () -> ()
        %add3A_36 = arith.constant 256 : i32
        %add3A_37 = arith.addi %multiple_of3A, %add3A_36 : i32
        "tpu.region"() ({
          %run_scoped3A_185 = tpu.sem_alloc : memref<!tpu.dma_semaphore, #tpu.memory_space<semaphore_mem>>
          %dma_start3A_186 = arith.constant 0 : i32
          %dma_start3A_187 = tpu.memref_slice %arg9[%add3A_37, %dma_start3A_186] : memref<12800x128xf32, #tpu.memory_space<vmem_shared>> -> memref<32x128xf32, #tpu.memory_space<vmem_shared>>
          %dma_start3A_188 = arith.constant 0 : i32
          %dma_start3A_189 = tpu.memref_slice %arg9[%add3A_37, %dma_start3A_188] : memref<12800x128xf32, #tpu.memory_space<vmem_shared>> -> memref<32x128xf32, #tpu.memory_space<vmem_shared>>
          tpu.enqueue_dma source(%run_scoped3A : memref<32x128xf32, #tpu.memory_space<vmem>>) target(%dma_start3A_189 : memref<32x128xf32, #tpu.memory_space<vmem_shared>>) target_semaphore(%run_scoped3A_185 : memref<!tpu.dma_semaphore, #tpu.memory_space<semaphore_mem>>)
          %dma_wait3A_190 = arith.constant 0 : i32
          %dma_wait3A_191 = tpu.memref_slice %arg9[%add3A_37, %dma_wait3A_190] : memref<12800x128xf32, #tpu.memory_space<vmem_shared>> -> memref<32x128xf32, #tpu.memory_space<vmem_shared>>
          %dma_wait3A_192 = arith.constant 0 : i32
          %dma_wait3A_193 = tpu.memref_slice %arg9[%add3A_37, %dma_wait3A_192] : memref<12800x128xf32, #tpu.memory_space<vmem_shared>> -> memref<32x128xf32, #tpu.memory_space<vmem_shared>>
          tpu.wait_dma2 semaphore(%run_scoped3A_185 : memref<!tpu.dma_semaphore, #tpu.memory_space<semaphore_mem>>) src(%run_scoped3A : memref<32x128xf32, #tpu.memory_space<vmem>>) dst(%dma_wait3A_193 : memref<32x128xf32, #tpu.memory_space<vmem_shared>>)
          tpu.yield
        }) : () -> ()
        %add3A_38 = arith.constant 288 : i32
        %add3A_39 = arith.addi %multiple_of3A, %add3A_38 : i32
        "tpu.region"() ({
          %run_scoped3A_185 = tpu.sem_alloc : memref<!tpu.dma_semaphore, #tpu.memory_space<semaphore_mem>>
          %dma_start3A_186 = arith.constant 0 : i32
          %dma_start3A_187 = tpu.memref_slice %arg9[%add3A_39, %dma_start3A_186] : memref<12800x128xf32, #tpu.memory_space<vmem_shared>> -> memref<32x128xf32, #tpu.memory_space<vmem_shared>>
          %dma_start3A_188 = arith.constant 0 : i32
          %dma_start3A_189 = tpu.memref_slice %arg9[%add3A_39, %dma_start3A_188] : memref<12800x128xf32, #tpu.memory_space<vmem_shared>> -> memref<32x128xf32, #tpu.memory_space<vmem_shared>>
          tpu.enqueue_dma source(%run_scoped3A : memref<32x128xf32, #tpu.memory_space<vmem>>) target(%dma_start3A_189 : memref<32x128xf32, #tpu.memory_space<vmem_shared>>) target_semaphore(%run_scoped3A_185 : memref<!tpu.dma_semaphore, #tpu.memory_space<semaphore_mem>>)
          %dma_wait3A_190 = arith.constant 0 : i32
          %dma_wait3A_191 = tpu.memref_slice %arg9[%add3A_39, %dma_wait3A_190] : memref<12800x128xf32, #tpu.memory_space<vmem_shared>> -> memref<32x128xf32, #tpu.memory_space<vmem_shared>>
          %dma_wait3A_192 = arith.constant 0 : i32
          %dma_wait3A_193 = tpu.memref_slice %arg9[%add3A_39, %dma_wait3A_192] : memref<12800x128xf32, #tpu.memory_space<vmem_shared>> -> memref<32x128xf32, #tpu.memory_space<vmem_shared>>
          tpu.wait_dma2 semaphore(%run_scoped3A_185 : memref<!tpu.dma_semaphore, #tpu.memory_space<semaphore_mem>>) src(%run_scoped3A : memref<32x128xf32, #tpu.memory_space<vmem>>) dst(%dma_wait3A_193 : memref<32x128xf32, #tpu.memory_space<vmem_shared>>)
          tpu.yield
        }) : () -> ()
        %add3A_40 = arith.constant 320 : i32
        %add3A_41 = arith.addi %multiple_of3A, %add3A_40 : i32
        "tpu.region"() ({
          %run_scoped3A_185 = tpu.sem_alloc : memref<!tpu.dma_semaphore, #tpu.memory_space<semaphore_mem>>
          %dma_start3A_186 = arith.constant 0 : i32
          %dma_start3A_187 = tpu.memref_slice %arg9[%add3A_41, %dma_start3A_186] : memref<12800x128xf32, #tpu.memory_space<vmem_shared>> -> memref<32x128xf32, #tpu.memory_space<vmem_shared>>
          %dma_start3A_188 = arith.constant 0 : i32
          %dma_start3A_189 = tpu.memref_slice %arg9[%add3A_41, %dma_start3A_188] : memref<12800x128xf32, #tpu.memory_space<vmem_shared>> -> memref<32x128xf32, #tpu.memory_space<vmem_shared>>
          tpu.enqueue_dma source(%run_scoped3A : memref<32x128xf32, #tpu.memory_space<vmem>>) target(%dma_start3A_189 : memref<32x128xf32, #tpu.memory_space<vmem_shared>>) target_semaphore(%run_scoped3A_185 : memref<!tpu.dma_semaphore, #tpu.memory_space<semaphore_mem>>)
          %dma_wait3A_190 = arith.constant 0 : i32
          %dma_wait3A_191 = tpu.memref_slice %arg9[%add3A_41, %dma_wait3A_190] : memref<12800x128xf32, #tpu.memory_space<vmem_shared>> -> memref<32x128xf32, #tpu.memory_space<vmem_shared>>
          %dma_wait3A_192 = arith.constant 0 : i32
          %dma_wait3A_193 = tpu.memref_slice %arg9[%add3A_41, %dma_wait3A_192] : memref<12800x128xf32, #tpu.memory_space<vmem_shared>> -> memref<32x128xf32, #tpu.memory_space<vmem_shared>>
          tpu.wait_dma2 semaphore(%run_scoped3A_185 : memref<!tpu.dma_semaphore, #tpu.memory_space<semaphore_mem>>) src(%run_scoped3A : memref<32x128xf32, #tpu.memory_space<vmem>>) dst(%dma_wait3A_193 : memref<32x128xf32, #tpu.memory_space<vmem_shared>>)
          tpu.yield
        }) : () -> ()
        %add3A_42 = arith.constant 352 : i32
        %add3A_43 = arith.addi %multiple_of3A, %add3A_42 : i32
        "tpu.region"() ({
          %run_scoped3A_185 = tpu.sem_alloc : memref<!tpu.dma_semaphore, #tpu.memory_space<semaphore_mem>>
          %dma_start3A_186 = arith.constant 0 : i32
          %dma_start3A_187 = tpu.memref_slice %arg9[%add3A_43, %dma_start3A_186] : memref<12800x128xf32, #tpu.memory_space<vmem_shared>> -> memref<32x128xf32, #tpu.memory_space<vmem_shared>>
          %dma_start3A_188 = arith.constant 0 : i32
          %dma_start3A_189 = tpu.memref_slice %arg9[%add3A_43, %dma_start3A_188] : memref<12800x128xf32, #tpu.memory_space<vmem_shared>> -> memref<32x128xf32, #tpu.memory_space<vmem_shared>>
          tpu.enqueue_dma source(%run_scoped3A : memref<32x128xf32, #tpu.memory_space<vmem>>) target(%dma_start3A_189 : memref<32x128xf32, #tpu.memory_space<vmem_shared>>) target_semaphore(%run_scoped3A_185 : memref<!tpu.dma_semaphore, #tpu.memory_space<semaphore_mem>>)
          %dma_wait3A_190 = arith.constant 0 : i32
          %dma_wait3A_191 = tpu.memref_slice %arg9[%add3A_43, %dma_wait3A_190] : memref<12800x128xf32, #tpu.memory_space<vmem_shared>> -> memref<32x128xf32, #tpu.memory_space<vmem_shared>>
          %dma_wait3A_192 = arith.constant 0 : i32
          %dma_wait3A_193 = tpu.memref_slice %arg9[%add3A_43, %dma_wait3A_192] : memref<12800x128xf32, #tpu.memory_space<vmem_shared>> -> memref<32x128xf32, #tpu.memory_space<vmem_shared>>
          tpu.wait_dma2 semaphore(%run_scoped3A_185 : memref<!tpu.dma_semaphore, #tpu.memory_space<semaphore_mem>>) src(%run_scoped3A : memref<32x128xf32, #tpu.memory_space<vmem>>) dst(%dma_wait3A_193 : memref<32x128xf32, #tpu.memory_space<vmem_shared>>)
          tpu.yield
        }) : () -> ()
        %add3A_44 = arith.constant 384 : i32
        %add3A_45 = arith.addi %multiple_of3A, %add3A_44 : i32
        "tpu.region"() ({
          %run_scoped3A_185 = tpu.sem_alloc : memref<!tpu.dma_semaphore, #tpu.memory_space<semaphore_mem>>
          %dma_start3A_186 = arith.constant 0 : i32
          %dma_start3A_187 = tpu.memref_slice %arg9[%add3A_45, %dma_start3A_186] : memref<12800x128xf32, #tpu.memory_space<vmem_shared>> -> memref<32x128xf32, #tpu.memory_space<vmem_shared>>
          %dma_start3A_188 = arith.constant 0 : i32
          %dma_start3A_189 = tpu.memref_slice %arg9[%add3A_45, %dma_start3A_188] : memref<12800x128xf32, #tpu.memory_space<vmem_shared>> -> memref<32x128xf32, #tpu.memory_space<vmem_shared>>
          tpu.enqueue_dma source(%run_scoped3A : memref<32x128xf32, #tpu.memory_space<vmem>>) target(%dma_start3A_189 : memref<32x128xf32, #tpu.memory_space<vmem_shared>>) target_semaphore(%run_scoped3A_185 : memref<!tpu.dma_semaphore, #tpu.memory_space<semaphore_mem>>)
          %dma_wait3A_190 = arith.constant 0 : i32
          %dma_wait3A_191 = tpu.memref_slice %arg9[%add3A_45, %dma_wait3A_190] : memref<12800x128xf32, #tpu.memory_space<vmem_shared>> -> memref<32x128xf32, #tpu.memory_space<vmem_shared>>
          %dma_wait3A_192 = arith.constant 0 : i32
          %dma_wait3A_193 = tpu.memref_slice %arg9[%add3A_45, %dma_wait3A_192] : memref<12800x128xf32, #tpu.memory_space<vmem_shared>> -> memref<32x128xf32, #tpu.memory_space<vmem_shared>>
          tpu.wait_dma2 semaphore(%run_scoped3A_185 : memref<!tpu.dma_semaphore, #tpu.memory_space<semaphore_mem>>) src(%run_scoped3A : memref<32x128xf32, #tpu.memory_space<vmem>>) dst(%dma_wait3A_193 : memref<32x128xf32, #tpu.memory_space<vmem_shared>>)
          tpu.yield
        }) : () -> ()
        %add3A_46 = arith.constant 416 : i32
        %add3A_47 = arith.addi %multiple_of3A, %add3A_46 : i32
        "tpu.region"() ({
          %run_scoped3A_185 = tpu.sem_alloc : memref<!tpu.dma_semaphore, #tpu.memory_space<semaphore_mem>>
          %dma_start3A_186 = arith.constant 0 : i32
          %dma_start3A_187 = tpu.memref_slice %arg9[%add3A_47, %dma_start3A_186] : memref<12800x128xf32, #tpu.memory_space<vmem_shared>> -> memref<32x128xf32, #tpu.memory_space<vmem_shared>>
          %dma_start3A_188 = arith.constant 0 : i32
          %dma_start3A_189 = tpu.memref_slice %arg9[%add3A_47, %dma_start3A_188] : memref<12800x128xf32, #tpu.memory_space<vmem_shared>> -> memref<32x128xf32, #tpu.memory_space<vmem_shared>>
          tpu.enqueue_dma source(%run_scoped3A : memref<32x128xf32, #tpu.memory_space<vmem>>) target(%dma_start3A_189 : memref<32x128xf32, #tpu.memory_space<vmem_shared>>) target_semaphore(%run_scoped3A_185 : memref<!tpu.dma_semaphore, #tpu.memory_space<semaphore_mem>>)
          %dma_wait3A_190 = arith.constant 0 : i32
          %dma_wait3A_191 = tpu.memref_slice %arg9[%add3A_47, %dma_wait3A_190] : memref<12800x128xf32, #tpu.memory_space<vmem_shared>> -> memref<32x128xf32, #tpu.memory_space<vmem_shared>>
          %dma_wait3A_192 = arith.constant 0 : i32
          %dma_wait3A_193 = tpu.memref_slice %arg9[%add3A_47, %dma_wait3A_192] : memref<12800x128xf32, #tpu.memory_space<vmem_shared>> -> memref<32x128xf32, #tpu.memory_space<vmem_shared>>
          tpu.wait_dma2 semaphore(%run_scoped3A_185 : memref<!tpu.dma_semaphore, #tpu.memory_space<semaphore_mem>>) src(%run_scoped3A : memref<32x128xf32, #tpu.memory_space<vmem>>) dst(%dma_wait3A_193 : memref<32x128xf32, #tpu.memory_space<vmem_shared>>)
          tpu.yield
        }) : () -> ()
        %add3A_48 = arith.constant 448 : i32
        %add3A_49 = arith.addi %multiple_of3A, %add3A_48 : i32
        "tpu.region"() ({
          %run_scoped3A_185 = tpu.sem_alloc : memref<!tpu.dma_semaphore, #tpu.memory_space<semaphore_mem>>
          %dma_start3A_186 = arith.constant 0 : i32
          %dma_start3A_187 = tpu.memref_slice %arg9[%add3A_49, %dma_start3A_186] : memref<12800x128xf32, #tpu.memory_space<vmem_shared>> -> memref<32x128xf32, #tpu.memory_space<vmem_shared>>
          %dma_start3A_188 = arith.constant 0 : i32
          %dma_start3A_189 = tpu.memref_slice %arg9[%add3A_49, %dma_start3A_188] : memref<12800x128xf32, #tpu.memory_space<vmem_shared>> -> memref<32x128xf32, #tpu.memory_space<vmem_shared>>
          tpu.enqueue_dma source(%run_scoped3A : memref<32x128xf32, #tpu.memory_space<vmem>>) target(%dma_start3A_189 : memref<32x128xf32, #tpu.memory_space<vmem_shared>>) target_semaphore(%run_scoped3A_185 : memref<!tpu.dma_semaphore, #tpu.memory_space<semaphore_mem>>)
          %dma_wait3A_190 = arith.constant 0 : i32
          %dma_wait3A_191 = tpu.memref_slice %arg9[%add3A_49, %dma_wait3A_190] : memref<12800x128xf32, #tpu.memory_space<vmem_shared>> -> memref<32x128xf32, #tpu.memory_space<vmem_shared>>
          %dma_wait3A_192 = arith.constant 0 : i32
          %dma_wait3A_193 = tpu.memref_slice %arg9[%add3A_49, %dma_wait3A_192] : memref<12800x128xf32, #tpu.memory_space<vmem_shared>> -> memref<32x128xf32, #tpu.memory_space<vmem_shared>>
          tpu.wait_dma2 semaphore(%run_scoped3A_185 : memref<!tpu.dma_semaphore, #tpu.memory_space<semaphore_mem>>) src(%run_scoped3A : memref<32x128xf32, #tpu.memory_space<vmem>>) dst(%dma_wait3A_193 : memref<32x128xf32, #tpu.memory_space<vmem_shared>>)
          tpu.yield
        }) : () -> ()
        %add3A_50 = arith.constant 480 : i32
        %add3A_51 = arith.addi %multiple_of3A, %add3A_50 : i32
        "tpu.region"() ({
          %run_scoped3A_185 = tpu.sem_alloc : memref<!tpu.dma_semaphore, #tpu.memory_space<semaphore_mem>>
          %dma_start3A_186 = arith.constant 0 : i32
          %dma_start3A_187 = tpu.memref_slice %arg9[%add3A_51, %dma_start3A_186] : memref<12800x128xf32, #tpu.memory_space<vmem_shared>> -> memref<32x128xf32, #tpu.memory_space<vmem_shared>>
          %dma_start3A_188 = arith.constant 0 : i32
          %dma_start3A_189 = tpu.memref_slice %arg9[%add3A_51, %dma_start3A_188] : memref<12800x128xf32, #tpu.memory_space<vmem_shared>> -> memref<32x128xf32, #tpu.memory_space<vmem_shared>>
          tpu.enqueue_dma source(%run_scoped3A : memref<32x128xf32, #tpu.memory_space<vmem>>) target(%dma_start3A_189 : memref<32x128xf32, #tpu.memory_space<vmem_shared>>) target_semaphore(%run_scoped3A_185 : memref<!tpu.dma_semaphore, #tpu.memory_space<semaphore_mem>>)
          %dma_wait3A_190 = arith.constant 0 : i32
          %dma_wait3A_191 = tpu.memref_slice %arg9[%add3A_51, %dma_wait3A_190] : memref<12800x128xf32, #tpu.memory_space<vmem_shared>> -> memref<32x128xf32, #tpu.memory_space<vmem_shared>>
          %dma_wait3A_192 = arith.constant 0 : i32
          %dma_wait3A_193 = tpu.memref_slice %arg9[%add3A_51, %dma_wait3A_192] : memref<12800x128xf32, #tpu.memory_space<vmem_shared>> -> memref<32x128xf32, #tpu.memory_space<vmem_shared>>
          tpu.wait_dma2 semaphore(%run_scoped3A_185 : memref<!tpu.dma_semaphore, #tpu.memory_space<semaphore_mem>>) src(%run_scoped3A : memref<32x128xf32, #tpu.memory_space<vmem>>) dst(%dma_wait3A_193 : memref<32x128xf32, #tpu.memory_space<vmem_shared>>)
          tpu.yield
        }) : () -> ()
        %add3A_52 = arith.constant 512 : i32
        %add3A_53 = arith.addi %multiple_of3A, %add3A_52 : i32
        "tpu.region"() ({
          %run_scoped3A_185 = tpu.sem_alloc : memref<!tpu.dma_semaphore, #tpu.memory_space<semaphore_mem>>
          %dma_start3A_186 = arith.constant 0 : i32
          %dma_start3A_187 = tpu.memref_slice %arg9[%add3A_53, %dma_start3A_186] : memref<12800x128xf32, #tpu.memory_space<vmem_shared>> -> memref<32x128xf32, #tpu.memory_space<vmem_shared>>
          %dma_start3A_188 = arith.constant 0 : i32
          %dma_start3A_189 = tpu.memref_slice %arg9[%add3A_53, %dma_start3A_188] : memref<12800x128xf32, #tpu.memory_space<vmem_shared>> -> memref<32x128xf32, #tpu.memory_space<vmem_shared>>
          tpu.enqueue_dma source(%run_scoped3A : memref<32x128xf32, #tpu.memory_space<vmem>>) target(%dma_start3A_189 : memref<32x128xf32, #tpu.memory_space<vmem_shared>>) target_semaphore(%run_scoped3A_185 : memref<!tpu.dma_semaphore, #tpu.memory_space<semaphore_mem>>)
          %dma_wait3A_190 = arith.constant 0 : i32
          %dma_wait3A_191 = tpu.memref_slice %arg9[%add3A_53, %dma_wait3A_190] : memref<12800x128xf32, #tpu.memory_space<vmem_shared>> -> memref<32x128xf32, #tpu.memory_space<vmem_shared>>
          %dma_wait3A_192 = arith.constant 0 : i32
          %dma_wait3A_193 = tpu.memref_slice %arg9[%add3A_53, %dma_wait3A_192] : memref<12800x128xf32, #tpu.memory_space<vmem_shared>> -> memref<32x128xf32, #tpu.memory_space<vmem_shared>>
          tpu.wait_dma2 semaphore(%run_scoped3A_185 : memref<!tpu.dma_semaphore, #tpu.memory_space<semaphore_mem>>) src(%run_scoped3A : memref<32x128xf32, #tpu.memory_space<vmem>>) dst(%dma_wait3A_193 : memref<32x128xf32, #tpu.memory_space<vmem_shared>>)
          tpu.yield
        }) : () -> ()
        %add3A_54 = arith.constant 544 : i32
        %add3A_55 = arith.addi %multiple_of3A, %add3A_54 : i32
        "tpu.region"() ({
          %run_scoped3A_185 = tpu.sem_alloc : memref<!tpu.dma_semaphore, #tpu.memory_space<semaphore_mem>>
          %dma_start3A_186 = arith.constant 0 : i32
          %dma_start3A_187 = tpu.memref_slice %arg9[%add3A_55, %dma_start3A_186] : memref<12800x128xf32, #tpu.memory_space<vmem_shared>> -> memref<32x128xf32, #tpu.memory_space<vmem_shared>>
          %dma_start3A_188 = arith.constant 0 : i32
          %dma_start3A_189 = tpu.memref_slice %arg9[%add3A_55, %dma_start3A_188] : memref<12800x128xf32, #tpu.memory_space<vmem_shared>> -> memref<32x128xf32, #tpu.memory_space<vmem_shared>>
          tpu.enqueue_dma source(%run_scoped3A : memref<32x128xf32, #tpu.memory_space<vmem>>) target(%dma_start3A_189 : memref<32x128xf32, #tpu.memory_space<vmem_shared>>) target_semaphore(%run_scoped3A_185 : memref<!tpu.dma_semaphore, #tpu.memory_space<semaphore_mem>>)
          %dma_wait3A_190 = arith.constant 0 : i32
          %dma_wait3A_191 = tpu.memref_slice %arg9[%add3A_55, %dma_wait3A_190] : memref<12800x128xf32, #tpu.memory_space<vmem_shared>> -> memref<32x128xf32, #tpu.memory_space<vmem_shared>>
          %dma_wait3A_192 = arith.constant 0 : i32
          %dma_wait3A_193 = tpu.memref_slice %arg9[%add3A_55, %dma_wait3A_192] : memref<12800x128xf32, #tpu.memory_space<vmem_shared>> -> memref<32x128xf32, #tpu.memory_space<vmem_shared>>
          tpu.wait_dma2 semaphore(%run_scoped3A_185 : memref<!tpu.dma_semaphore, #tpu.memory_space<semaphore_mem>>) src(%run_scoped3A : memref<32x128xf32, #tpu.memory_space<vmem>>) dst(%dma_wait3A_193 : memref<32x128xf32, #tpu.memory_space<vmem_shared>>)
          tpu.yield
        }) : () -> ()
        %add3A_56 = arith.constant 576 : i32
        %add3A_57 = arith.addi %multiple_of3A, %add3A_56 : i32
        "tpu.region"() ({
          %run_scoped3A_185 = tpu.sem_alloc : memref<!tpu.dma_semaphore, #tpu.memory_space<semaphore_mem>>
          %dma_start3A_186 = arith.constant 0 : i32
          %dma_start3A_187 = tpu.memref_slice %arg9[%add3A_57, %dma_start3A_186] : memref<12800x128xf32, #tpu.memory_space<vmem_shared>> -> memref<32x128xf32, #tpu.memory_space<vmem_shared>>
          %dma_start3A_188 = arith.constant 0 : i32
          %dma_start3A_189 = tpu.memref_slice %arg9[%add3A_57, %dma_start3A_188] : memref<12800x128xf32, #tpu.memory_space<vmem_shared>> -> memref<32x128xf32, #tpu.memory_space<vmem_shared>>
          tpu.enqueue_dma source(%run_scoped3A : memref<32x128xf32, #tpu.memory_space<vmem>>) target(%dma_start3A_189 : memref<32x128xf32, #tpu.memory_space<vmem_shared>>) target_semaphore(%run_scoped3A_185 : memref<!tpu.dma_semaphore, #tpu.memory_space<semaphore_mem>>)
          %dma_wait3A_190 = arith.constant 0 : i32
          %dma_wait3A_191 = tpu.memref_slice %arg9[%add3A_57, %dma_wait3A_190] : memref<12800x128xf32, #tpu.memory_space<vmem_shared>> -> memref<32x128xf32, #tpu.memory_space<vmem_shared>>
          %dma_wait3A_192 = arith.constant 0 : i32
          %dma_wait3A_193 = tpu.memref_slice %arg9[%add3A_57, %dma_wait3A_192] : memref<12800x128xf32, #tpu.memory_space<vmem_shared>> -> memref<32x128xf32, #tpu.memory_space<vmem_shared>>
          tpu.wait_dma2 semaphore(%run_scoped3A_185 : memref<!tpu.dma_semaphore, #tpu.memory_space<semaphore_mem>>) src(%run_scoped3A : memref<32x128xf32, #tpu.memory_space<vmem>>) dst(%dma_wait3A_193 : memref<32x128xf32, #tpu.memory_space<vmem_shared>>)
          tpu.yield
        }) : () -> ()
        %add3A_58 = arith.constant 608 : i32
        %add3A_59 = arith.addi %multiple_of3A, %add3A_58 : i32
        "tpu.region"() ({
          %run_scoped3A_185 = tpu.sem_alloc : memref<!tpu.dma_semaphore, #tpu.memory_space<semaphore_mem>>
          %dma_start3A_186 = arith.constant 0 : i32
          %dma_start3A_187 = tpu.memref_slice %arg9[%add3A_59, %dma_start3A_186] : memref<12800x128xf32, #tpu.memory_space<vmem_shared>> -> memref<32x128xf32, #tpu.memory_space<vmem_shared>>
          %dma_start3A_188 = arith.constant 0 : i32
          %dma_start3A_189 = tpu.memref_slice %arg9[%add3A_59, %dma_start3A_188] : memref<12800x128xf32, #tpu.memory_space<vmem_shared>> -> memref<32x128xf32, #tpu.memory_space<vmem_shared>>
          tpu.enqueue_dma source(%run_scoped3A : memref<32x128xf32, #tpu.memory_space<vmem>>) target(%dma_start3A_189 : memref<32x128xf32, #tpu.memory_space<vmem_shared>>) target_semaphore(%run_scoped3A_185 : memref<!tpu.dma_semaphore, #tpu.memory_space<semaphore_mem>>)
          %dma_wait3A_190 = arith.constant 0 : i32
          %dma_wait3A_191 = tpu.memref_slice %arg9[%add3A_59, %dma_wait3A_190] : memref<12800x128xf32, #tpu.memory_space<vmem_shared>> -> memref<32x128xf32, #tpu.memory_space<vmem_shared>>
          %dma_wait3A_192 = arith.constant 0 : i32
          %dma_wait3A_193 = tpu.memref_slice %arg9[%add3A_59, %dma_wait3A_192] : memref<12800x128xf32, #tpu.memory_space<vmem_shared>> -> memref<32x128xf32, #tpu.memory_space<vmem_shared>>
          tpu.wait_dma2 semaphore(%run_scoped3A_185 : memref<!tpu.dma_semaphore, #tpu.memory_space<semaphore_mem>>) src(%run_scoped3A : memref<32x128xf32, #tpu.memory_space<vmem>>) dst(%dma_wait3A_193 : memref<32x128xf32, #tpu.memory_space<vmem_shared>>)
          tpu.yield
        }) : () -> ()
        %add3A_60 = arith.constant 640 : i32
        %add3A_61 = arith.addi %multiple_of3A, %add3A_60 : i32
        "tpu.region"() ({
          %run_scoped3A_185 = tpu.sem_alloc : memref<!tpu.dma_semaphore, #tpu.memory_space<semaphore_mem>>
          %dma_start3A_186 = arith.constant 0 : i32
          %dma_start3A_187 = tpu.memref_slice %arg9[%add3A_61, %dma_start3A_186] : memref<12800x128xf32, #tpu.memory_space<vmem_shared>> -> memref<32x128xf32, #tpu.memory_space<vmem_shared>>
          %dma_start3A_188 = arith.constant 0 : i32
          %dma_start3A_189 = tpu.memref_slice %arg9[%add3A_61, %dma_start3A_188] : memref<12800x128xf32, #tpu.memory_space<vmem_shared>> -> memref<32x128xf32, #tpu.memory_space<vmem_shared>>
          tpu.enqueue_dma source(%run_scoped3A : memref<32x128xf32, #tpu.memory_space<vmem>>) target(%dma_start3A_189 : memref<32x128xf32, #tpu.memory_space<vmem_shared>>) target_semaphore(%run_scoped3A_185 : memref<!tpu.dma_semaphore, #tpu.memory_space<semaphore_mem>>)
          %dma_wait3A_190 = arith.constant 0 : i32
          %dma_wait3A_191 = tpu.memref_slice %arg9[%add3A_61, %dma_wait3A_190] : memref<12800x128xf32, #tpu.memory_space<vmem_shared>> -> memref<32x128xf32, #tpu.memory_space<vmem_shared>>
          %dma_wait3A_192 = arith.constant 0 : i32
          %dma_wait3A_193 = tpu.memref_slice %arg9[%add3A_61, %dma_wait3A_192] : memref<12800x128xf32, #tpu.memory_space<vmem_shared>> -> memref<32x128xf32, #tpu.memory_space<vmem_shared>>
          tpu.wait_dma2 semaphore(%run_scoped3A_185 : memref<!tpu.dma_semaphore, #tpu.memory_space<semaphore_mem>>) src(%run_scoped3A : memref<32x128xf32, #tpu.memory_space<vmem>>) dst(%dma_wait3A_193 : memref<32x128xf32, #tpu.memory_space<vmem_shared>>)
          tpu.yield
        }) : () -> ()
        %add3A_62 = arith.constant 672 : i32
        %add3A_63 = arith.addi %multiple_of3A, %add3A_62 : i32
        "tpu.region"() ({
          %run_scoped3A_185 = tpu.sem_alloc : memref<!tpu.dma_semaphore, #tpu.memory_space<semaphore_mem>>
          %dma_start3A_186 = arith.constant 0 : i32
          %dma_start3A_187 = tpu.memref_slice %arg9[%add3A_63, %dma_start3A_186] : memref<12800x128xf32, #tpu.memory_space<vmem_shared>> -> memref<32x128xf32, #tpu.memory_space<vmem_shared>>
          %dma_start3A_188 = arith.constant 0 : i32
          %dma_start3A_189 = tpu.memref_slice %arg9[%add3A_63, %dma_start3A_188] : memref<12800x128xf32, #tpu.memory_space<vmem_shared>> -> memref<32x128xf32, #tpu.memory_space<vmem_shared>>
          tpu.enqueue_dma source(%run_scoped3A : memref<32x128xf32, #tpu.memory_space<vmem>>) target(%dma_start3A_189 : memref<32x128xf32, #tpu.memory_space<vmem_shared>>) target_semaphore(%run_scoped3A_185 : memref<!tpu.dma_semaphore, #tpu.memory_space<semaphore_mem>>)
          %dma_wait3A_190 = arith.constant 0 : i32
          %dma_wait3A_191 = tpu.memref_slice %arg9[%add3A_63, %dma_wait3A_190] : memref<12800x128xf32, #tpu.memory_space<vmem_shared>> -> memref<32x128xf32, #tpu.memory_space<vmem_shared>>
          %dma_wait3A_192 = arith.constant 0 : i32
          %dma_wait3A_193 = tpu.memref_slice %arg9[%add3A_63, %dma_wait3A_192] : memref<12800x128xf32, #tpu.memory_space<vmem_shared>> -> memref<32x128xf32, #tpu.memory_space<vmem_shared>>
          tpu.wait_dma2 semaphore(%run_scoped3A_185 : memref<!tpu.dma_semaphore, #tpu.memory_space<semaphore_mem>>) src(%run_scoped3A : memref<32x128xf32, #tpu.memory_space<vmem>>) dst(%dma_wait3A_193 : memref<32x128xf32, #tpu.memory_space<vmem_shared>>)
          tpu.yield
        }) : () -> ()
        %add3A_64 = arith.constant 704 : i32
        %add3A_65 = arith.addi %multiple_of3A, %add3A_64 : i32
        "tpu.region"() ({
          %run_scoped3A_185 = tpu.sem_alloc : memref<!tpu.dma_semaphore, #tpu.memory_space<semaphore_mem>>
          %dma_start3A_186 = arith.constant 0 : i32
          %dma_start3A_187 = tpu.memref_slice %arg9[%add3A_65, %dma_start3A_186] : memref<12800x128xf32, #tpu.memory_space<vmem_shared>> -> memref<32x128xf32, #tpu.memory_space<vmem_shared>>
          %dma_start3A_188 = arith.constant 0 : i32
          %dma_start3A_189 = tpu.memref_slice %arg9[%add3A_65, %dma_start3A_188] : memref<12800x128xf32, #tpu.memory_space<vmem_shared>> -> memref<32x128xf32, #tpu.memory_space<vmem_shared>>
          tpu.enqueue_dma source(%run_scoped3A : memref<32x128xf32, #tpu.memory_space<vmem>>) target(%dma_start3A_189 : memref<32x128xf32, #tpu.memory_space<vmem_shared>>) target_semaphore(%run_scoped3A_185 : memref<!tpu.dma_semaphore, #tpu.memory_space<semaphore_mem>>)
          %dma_wait3A_190 = arith.constant 0 : i32
          %dma_wait3A_191 = tpu.memref_slice %arg9[%add3A_65, %dma_wait3A_190] : memref<12800x128xf32, #tpu.memory_space<vmem_shared>> -> memref<32x128xf32, #tpu.memory_space<vmem_shared>>
          %dma_wait3A_192 = arith.constant 0 : i32
          %dma_wait3A_193 = tpu.memref_slice %arg9[%add3A_65, %dma_wait3A_192] : memref<12800x128xf32, #tpu.memory_space<vmem_shared>> -> memref<32x128xf32, #tpu.memory_space<vmem_shared>>
          tpu.wait_dma2 semaphore(%run_scoped3A_185 : memref<!tpu.dma_semaphore, #tpu.memory_space<semaphore_mem>>) src(%run_scoped3A : memref<32x128xf32, #tpu.memory_space<vmem>>) dst(%dma_wait3A_193 : memref<32x128xf32, #tpu.memory_space<vmem_shared>>)
          tpu.yield
        }) : () -> ()
        %add3A_66 = arith.constant 736 : i32
        %add3A_67 = arith.addi %multiple_of3A, %add3A_66 : i32
        "tpu.region"() ({
          %run_scoped3A_185 = tpu.sem_alloc : memref<!tpu.dma_semaphore, #tpu.memory_space<semaphore_mem>>
          %dma_start3A_186 = arith.constant 0 : i32
          %dma_start3A_187 = tpu.memref_slice %arg9[%add3A_67, %dma_start3A_186] : memref<12800x128xf32, #tpu.memory_space<vmem_shared>> -> memref<32x128xf32, #tpu.memory_space<vmem_shared>>
          %dma_start3A_188 = arith.constant 0 : i32
          %dma_start3A_189 = tpu.memref_slice %arg9[%add3A_67, %dma_start3A_188] : memref<12800x128xf32, #tpu.memory_space<vmem_shared>> -> memref<32x128xf32, #tpu.memory_space<vmem_shared>>
          tpu.enqueue_dma source(%run_scoped3A : memref<32x128xf32, #tpu.memory_space<vmem>>) target(%dma_start3A_189 : memref<32x128xf32, #tpu.memory_space<vmem_shared>>) target_semaphore(%run_scoped3A_185 : memref<!tpu.dma_semaphore, #tpu.memory_space<semaphore_mem>>)
          %dma_wait3A_190 = arith.constant 0 : i32
          %dma_wait3A_191 = tpu.memref_slice %arg9[%add3A_67, %dma_wait3A_190] : memref<12800x128xf32, #tpu.memory_space<vmem_shared>> -> memref<32x128xf32, #tpu.memory_space<vmem_shared>>
          %dma_wait3A_192 = arith.constant 0 : i32
          %dma_wait3A_193 = tpu.memref_slice %arg9[%add3A_67, %dma_wait3A_192] : memref<12800x128xf32, #tpu.memory_space<vmem_shared>> -> memref<32x128xf32, #tpu.memory_space<vmem_shared>>
          tpu.wait_dma2 semaphore(%run_scoped3A_185 : memref<!tpu.dma_semaphore, #tpu.memory_space<semaphore_mem>>) src(%run_scoped3A : memref<32x128xf32, #tpu.memory_space<vmem>>) dst(%dma_wait3A_193 : memref<32x128xf32, #tpu.memory_space<vmem_shared>>)
          tpu.yield
        }) : () -> ()
        %add3A_68 = arith.constant 768 : i32
        %add3A_69 = arith.addi %multiple_of3A, %add3A_68 : i32
        "tpu.region"() ({
          %run_scoped3A_185 = tpu.sem_alloc : memref<!tpu.dma_semaphore, #tpu.memory_space<semaphore_mem>>
          %dma_start3A_186 = arith.constant 0 : i32
          %dma_start3A_187 = tpu.memref_slice %arg9[%add3A_69, %dma_start3A_186] : memref<12800x128xf32, #tpu.memory_space<vmem_shared>> -> memref<32x128xf32, #tpu.memory_space<vmem_shared>>
          %dma_start3A_188 = arith.constant 0 : i32
          %dma_start3A_189 = tpu.memref_slice %arg9[%add3A_69, %dma_start3A_188] : memref<12800x128xf32, #tpu.memory_space<vmem_shared>> -> memref<32x128xf32, #tpu.memory_space<vmem_shared>>
          tpu.enqueue_dma source(%run_scoped3A : memref<32x128xf32, #tpu.memory_space<vmem>>) target(%dma_start3A_189 : memref<32x128xf32, #tpu.memory_space<vmem_shared>>) target_semaphore(%run_scoped3A_185 : memref<!tpu.dma_semaphore, #tpu.memory_space<semaphore_mem>>)
          %dma_wait3A_190 = arith.constant 0 : i32
          %dma_wait3A_191 = tpu.memref_slice %arg9[%add3A_69, %dma_wait3A_190] : memref<12800x128xf32, #tpu.memory_space<vmem_shared>> -> memref<32x128xf32, #tpu.memory_space<vmem_shared>>
          %dma_wait3A_192 = arith.constant 0 : i32
          %dma_wait3A_193 = tpu.memref_slice %arg9[%add3A_69, %dma_wait3A_192] : memref<12800x128xf32, #tpu.memory_space<vmem_shared>> -> memref<32x128xf32, #tpu.memory_space<vmem_shared>>
          tpu.wait_dma2 semaphore(%run_scoped3A_185 : memref<!tpu.dma_semaphore, #tpu.memory_space<semaphore_mem>>) src(%run_scoped3A : memref<32x128xf32, #tpu.memory_space<vmem>>) dst(%dma_wait3A_193 : memref<32x128xf32, #tpu.memory_space<vmem_shared>>)
          tpu.yield
        }) : () -> ()
        %barrier3A = arith.constant 0 : index
        tpu.barrier barrier_id(%barrier3A)
        %add3A_70 = arith.constant 0 : i32
        %add3A_71 = arith.addi %add3A_70, %arg1 : i32
        %mul3A_72 = arith.constant 1351680 : i32
        %mul3A_73 = arith.muli %add3A_17, %mul3A_72 : i32
        %mul3A_74 = arith.constant 128 : i32
        %mul3A_75 = arith.muli %add3A_71, %mul3A_74 : i32
        %add3A_76 = arith.addi %mul3A_73, %mul3A_75 : i32
        %multiple_of3A_77 = tpu.assume_multiple %add3A_76, 8 : i32
        %dma_start3A = arith.constant 0 : i32
        %dma_start3A_78 = tpu.memref_slice %arg3[%dma_start3A, %multiple_of3A_77] : memref<1x5406720xi32, #tpu.memory_space<hbm>> -> memref<1x128xi32, #tpu.memory_space<hbm>>
        %dma_start3A_79 = arith.constant 0 : i32
        %dma_start3A_80 = tpu.memref_slice %arg3[%dma_start3A_79, %multiple_of3A_77] : memref<1x5406720xi32, #tpu.memory_space<hbm>> -> memref<1x128xi32, #tpu.memory_space<hbm>>
        tpu.enqueue_dma source(%dma_start3A_80 : memref<1x128xi32, #tpu.memory_space<hbm>>) target(%run_scoped3A_1 : memref<1x128xi32, #tpu.memory_space<vmem>>) target_semaphore(%arg5 : memref<!tpu.dma_semaphore, #tpu.memory_space<semaphore_mem>>)
        %scan3A_81 = arith.constant 0 : i32
        %scan3A_82 = arith.constant 330 : i32
        %scan3A_83 = arith.addi %scan3A_81, %scan3A_82 : i32
        %scan3A_84 = arith.constant 1 : i32
        scf.for %scan3A_185 = %scan3A_81 to %scan3A_83 step %scan3A_84  : i32 {
          %mul3A_186 = arith.constant 1 : i32
          %mul3A_187 = arith.muli %scan3A_185, %mul3A_186 : i32
          %add3A_188 = arith.constant 0 : i32
          %add3A_189 = arith.addi %add3A_188, %mul3A_187 : i32
          %mul3A_190 = arith.constant 2 : i32
          %mul3A_191 = arith.muli %add3A_189, %mul3A_190 : i32
          %add3A_192 = arith.constant 0 : i32
          %add3A_193 = arith.addi %mul3A_191, %add3A_192 : i32
          %dma_wait3A_194 = arith.constant 0 : i32
          %dma_wait3A_195 = arith.constant 0 : i32
          %dma_wait3A_196 = tpu.memref_slice %arg3[%dma_wait3A_194, %dma_wait3A_195] : memref<1x5406720xi32, #tpu.memory_space<hbm>> -> memref<1x128xi32, #tpu.memory_space<hbm>>
          %dma_wait3A_197 = arith.constant 0 : i32
          %dma_wait3A_198 = arith.constant 0 : i32
          %dma_wait3A_199 = tpu.memref_slice %arg3[%dma_wait3A_197, %dma_wait3A_198] : memref<1x5406720xi32, #tpu.memory_space<hbm>> -> memref<1x128xi32, #tpu.memory_space<hbm>>
          tpu.wait_dma2 semaphore(%arg5 : memref<!tpu.dma_semaphore, #tpu.memory_space<semaphore_mem>>) src(%dma_wait3A_199 : memref<1x128xi32, #tpu.memory_space<hbm>>) dst(%run_scoped3A_1 : memref<1x128xi32, #tpu.memory_space<vmem>>)
          %add3A_200 = arith.constant 1 : i32
          %add3A_201 = arith.addi %add3A_193, %add3A_200 : i32
          %lt3A = arith.constant 660 : i32
          %lt3A_202 = arith.cmpi slt, %add3A_201, %lt3A : i32
          %convert_element_type3A = arith.extui %lt3A_202 : i1 to i32
          %cond3A = arith.constant 0 : i32
          %cond3A_203 = arith.cmpi ne, %convert_element_type3A, %cond3A : i32
          scf.if %cond3A_203 {
            %add3A_256 = arith.constant 1 : i32
            %add3A_257 = arith.addi %add3A_193, %add3A_256 : i32
            %mul3A_258 = arith.constant 16 : i32
            %mul3A_259 = arith.muli %add3A_257, %mul3A_258 : i32
            %add3A_260 = arith.addi %mul3A_259, %arg1 : i32
            %mul3A_261 = arith.constant 1351680 : i32
            %mul3A_262 = arith.muli %add3A_17, %mul3A_261 : i32
            %mul3A_263 = arith.constant 128 : i32
            %mul3A_264 = arith.muli %add3A_260, %mul3A_263 : i32
            %add3A_265 = arith.addi %mul3A_262, %mul3A_264 : i32
            %multiple_of3A_266 = tpu.assume_multiple %add3A_265, 8 : i32
            %dma_start3A_267 = arith.constant 0 : i32
            %dma_start3A_268 = tpu.memref_slice %arg3[%dma_start3A_267, %multiple_of3A_266] : memref<1x5406720xi32, #tpu.memory_space<hbm>> -> memref<1x128xi32, #tpu.memory_space<hbm>>
            %dma_start3A_269 = arith.constant 0 : i32
            %dma_start3A_270 = tpu.memref_slice %arg3[%dma_start3A_269, %multiple_of3A_266] : memref<1x5406720xi32, #tpu.memory_space<hbm>> -> memref<1x128xi32, #tpu.memory_space<hbm>>
            tpu.enqueue_dma source(%dma_start3A_270 : memref<1x128xi32, #tpu.memory_space<hbm>>) target(%run_scoped3A_2 : memref<1x128xi32, #tpu.memory_space<vmem>>) target_semaphore(%arg6 : memref<!tpu.dma_semaphore, #tpu.memory_space<semaphore_mem>>)
          } else {
          }
          %ge3A = arith.constant 1 : i32
          %ge3A_204 = arith.cmpi sge, %add3A_193, %ge3A : i32
          %convert_element_type3A_205 = arith.extui %ge3A_204 : i1 to i32
          %cond3A_206 = arith.constant 0 : i32
          %cond3A_207 = arith.cmpi ne, %convert_element_type3A_205, %cond3A_206 : i32
          scf.if %cond3A_207 {
            %dma_wait3A_256 = arith.constant 0 : i32
            %dma_wait3A_257 = arith.constant 0 : i32
            %dma_wait3A_258 = tpu.memref_slice %run_scoped3A_1[%dma_wait3A_256, %dma_wait3A_257] : memref<1x128xi32, #tpu.memory_space<vmem>> -> memref<1x128xi32, #tpu.memory_space<vmem>>
            %dma_wait3A_259 = tpu.memref_squeeze %dma_wait3A_258 : memref<1x128xi32, #tpu.memory_space<vmem>> -> memref<128xi32, #tpu.memory_space<vmem>>
            %dma_wait3A_260 = arith.constant 0 : i32
            %dma_wait3A_261 = arith.constant 0 : i32
            %dma_wait3A_262 = tpu.memref_slice %arg9[%dma_wait3A_260, %dma_wait3A_261] : memref<12800x128xf32, #tpu.memory_space<vmem_shared>> -> memref<12800x128xf32, #tpu.memory_space<vmem_shared>>
            tpu.wait_indirect_dma semaphore(%arg7 : memref<!tpu.dma_semaphore, #tpu.memory_space<semaphore_mem>>) src(%run_scoped3A_0 : memref<128x128xf32, #tpu.memory_space<vmem>>) dst(%dma_wait3A_262 : memref<12800x128xf32, #tpu.memory_space<vmem_shared>>)
          } else {
          }
          %mul3A_208 = arith.constant 16 : i32
          %mul3A_209 = arith.muli %add3A_193, %mul3A_208 : i32
          %add3A_210 = arith.addi %mul3A_209, %arg1 : i32
          %mul3A_211 = arith.constant 128 : i32
          %mul3A_212 = arith.muli %add3A_210, %mul3A_211 : i32
          %multiple_of3A_213 = tpu.assume_multiple %mul3A_212, 8 : i32
          "tpu.region"() ({
            %run_scoped3A_256 = tpu.sem_alloc : memref<!tpu.dma_semaphore, #tpu.memory_space<semaphore_mem>>
            %dma_start3A_257 = arith.constant 0 : i32
            %dma_start3A_258 = tpu.memref_slice %arg2[%multiple_of3A_213, %dma_start3A_257] : memref<1351680x128xf32, #tpu.memory_space<hbm>> -> memref<128x128xf32, #tpu.memory_space<hbm>>
            %dma_start3A_259 = arith.constant 0 : i32
            %dma_start3A_260 = tpu.memref_slice %arg2[%multiple_of3A_213, %dma_start3A_259] : memref<1351680x128xf32, #tpu.memory_space<hbm>> -> memref<128x128xf32, #tpu.memory_space<hbm>>
            tpu.enqueue_dma source(%dma_start3A_260 : memref<128x128xf32, #tpu.memory_space<hbm>>) target(%run_scoped3A_0 : memref<128x128xf32, #tpu.memory_space<vmem>>) target_semaphore(%run_scoped3A_256 : memref<!tpu.dma_semaphore, #tpu.memory_space<semaphore_mem>>)
            %dma_wait3A_261 = arith.constant 0 : i32
            %dma_wait3A_262 = tpu.memref_slice %arg2[%multiple_of3A_213, %dma_wait3A_261] : memref<1351680x128xf32, #tpu.memory_space<hbm>> -> memref<128x128xf32, #tpu.memory_space<hbm>>
            %dma_wait3A_263 = arith.constant 0 : i32
            %dma_wait3A_264 = tpu.memref_slice %arg2[%multiple_of3A_213, %dma_wait3A_263] : memref<1351680x128xf32, #tpu.memory_space<hbm>> -> memref<128x128xf32, #tpu.memory_space<hbm>>
            tpu.wait_dma2 semaphore(%run_scoped3A_256 : memref<!tpu.dma_semaphore, #tpu.memory_space<semaphore_mem>>) src(%dma_wait3A_264 : memref<128x128xf32, #tpu.memory_space<hbm>>) dst(%run_scoped3A_0 : memref<128x128xf32, #tpu.memory_space<vmem>>)
            tpu.yield
          }) : () -> ()
          %dma_start3A_214 = arith.constant 0 : i32
          %dma_start3A_215 = arith.constant 0 : i32
          %dma_start3A_216 = tpu.memref_slice %run_scoped3A_1[%dma_start3A_214, %dma_start3A_215] : memref<1x128xi32, #tpu.memory_space<vmem>> -> memref<1x128xi32, #tpu.memory_space<vmem>>
          %dma_start3A_217 = tpu.memref_squeeze %dma_start3A_216 : memref<1x128xi32, #tpu.memory_space<vmem>> -> memref<128xi32, #tpu.memory_space<vmem>>
          %dma_start3A_218 = arith.constant 0 : i32
          %dma_start3A_219 = arith.constant 0 : i32
          %dma_start3A_220 = tpu.memref_slice %arg9[%dma_start3A_218, %dma_start3A_219] : memref<12800x128xf32, #tpu.memory_space<vmem_shared>> -> memref<12800x128xf32, #tpu.memory_space<vmem_shared>>
          tpu.enqueue_indirect_dma source(%run_scoped3A_0 : memref<128x128xf32, #tpu.memory_space<vmem>>) target(%dma_start3A_220 : memref<12800x128xf32, #tpu.memory_space<vmem_shared>>) offsets(%dma_start3A_217 : memref<128xi32, #tpu.memory_space<vmem>>) semaphore(%arg7 : memref<!tpu.dma_semaphore, #tpu.memory_space<semaphore_mem>>) {add = true}
          %mul3A_221 = arith.constant 2 : i32
          %mul3A_222 = arith.muli %add3A_189, %mul3A_221 : i32
          %add3A_223 = arith.constant 1 : i32
          %add3A_224 = arith.addi %mul3A_222, %add3A_223 : i32
          %dma_wait3A_225 = arith.constant 0 : i32
          %dma_wait3A_226 = arith.constant 0 : i32
          %dma_wait3A_227 = tpu.memref_slice %arg3[%dma_wait3A_225, %dma_wait3A_226] : memref<1x5406720xi32, #tpu.memory_space<hbm>> -> memref<1x128xi32, #tpu.memory_space<hbm>>
          %dma_wait3A_228 = arith.constant 0 : i32
          %dma_wait3A_229 = arith.constant 0 : i32
          %dma_wait3A_230 = tpu.memref_slice %arg3[%dma_wait3A_228, %dma_wait3A_229] : memref<1x5406720xi32, #tpu.memory_space<hbm>> -> memref<1x128xi32, #tpu.memory_space<hbm>>
          tpu.wait_dma2 semaphore(%arg6 : memref<!tpu.dma_semaphore, #tpu.memory_space<semaphore_mem>>) src(%dma_wait3A_230 : memref<1x128xi32, #tpu.memory_space<hbm>>) dst(%run_scoped3A_2 : memref<1x128xi32, #tpu.memory_space<vmem>>)
          %add3A_231 = arith.constant 1 : i32
          %add3A_232 = arith.addi %add3A_224, %add3A_231 : i32
          %lt3A_233 = arith.constant 660 : i32
          %lt3A_234 = arith.cmpi slt, %add3A_232, %lt3A_233 : i32
          %convert_element_type3A_235 = arith.extui %lt3A_234 : i1 to i32
          %cond3A_236 = arith.constant 0 : i32
          %cond3A_237 = arith.cmpi ne, %convert_element_type3A_235, %cond3A_236 : i32
          scf.if %cond3A_237 {
            %add3A_256 = arith.constant 1 : i32
            %add3A_257 = arith.addi %add3A_224, %add3A_256 : i32
            %mul3A_258 = arith.constant 16 : i32
            %mul3A_259 = arith.muli %add3A_257, %mul3A_258 : i32
            %add3A_260 = arith.addi %mul3A_259, %arg1 : i32
            %mul3A_261 = arith.constant 1351680 : i32
            %mul3A_262 = arith.muli %add3A_17, %mul3A_261 : i32
            %mul3A_263 = arith.constant 128 : i32
            %mul3A_264 = arith.muli %add3A_260, %mul3A_263 : i32
            %add3A_265 = arith.addi %mul3A_262, %mul3A_264 : i32
            %multiple_of3A_266 = tpu.assume_multiple %add3A_265, 8 : i32
            %dma_start3A_267 = arith.constant 0 : i32
            %dma_start3A_268 = tpu.memref_slice %arg3[%dma_start3A_267, %multiple_of3A_266] : memref<1x5406720xi32, #tpu.memory_space<hbm>> -> memref<1x128xi32, #tpu.memory_space<hbm>>
            %dma_start3A_269 = arith.constant 0 : i32
            %dma_start3A_270 = tpu.memref_slice %arg3[%dma_start3A_269, %multiple_of3A_266] : memref<1x5406720xi32, #tpu.memory_space<hbm>> -> memref<1x128xi32, #tpu.memory_space<hbm>>
            tpu.enqueue_dma source(%dma_start3A_270 : memref<1x128xi32, #tpu.memory_space<hbm>>) target(%run_scoped3A_1 : memref<1x128xi32, #tpu.memory_space<vmem>>) target_semaphore(%arg5 : memref<!tpu.dma_semaphore, #tpu.memory_space<semaphore_mem>>)
          } else {
          }
          %ge3A_238 = arith.constant 1 : i32
          %ge3A_239 = arith.cmpi sge, %add3A_224, %ge3A_238 : i32
          %convert_element_type3A_240 = arith.extui %ge3A_239 : i1 to i32
          %cond3A_241 = arith.constant 0 : i32
          %cond3A_242 = arith.cmpi ne, %convert_element_type3A_240, %cond3A_241 : i32
          scf.if %cond3A_242 {
            %dma_wait3A_256 = arith.constant 0 : i32
            %dma_wait3A_257 = arith.constant 0 : i32
            %dma_wait3A_258 = tpu.memref_slice %run_scoped3A_2[%dma_wait3A_256, %dma_wait3A_257] : memref<1x128xi32, #tpu.memory_space<vmem>> -> memref<1x128xi32, #tpu.memory_space<vmem>>
            %dma_wait3A_259 = tpu.memref_squeeze %dma_wait3A_258 : memref<1x128xi32, #tpu.memory_space<vmem>> -> memref<128xi32, #tpu.memory_space<vmem>>
            %dma_wait3A_260 = arith.constant 0 : i32
            %dma_wait3A_261 = arith.constant 0 : i32
            %dma_wait3A_262 = tpu.memref_slice %arg9[%dma_wait3A_260, %dma_wait3A_261] : memref<12800x128xf32, #tpu.memory_space<vmem_shared>> -> memref<12800x128xf32, #tpu.memory_space<vmem_shared>>
            tpu.wait_indirect_dma semaphore(%arg7 : memref<!tpu.dma_semaphore, #tpu.memory_space<semaphore_mem>>) src(%run_scoped3A_0 : memref<128x128xf32, #tpu.memory_space<vmem>>) dst(%dma_wait3A_262 : memref<12800x128xf32, #tpu.memory_space<vmem_shared>>)
          } else {
          }
          %mul3A_243 = arith.constant 16 : i32
          %mul3A_244 = arith.muli %add3A_224, %mul3A_243 : i32
          %add3A_245 = arith.addi %mul3A_244, %arg1 : i32
          %mul3A_246 = arith.constant 128 : i32
          %mul3A_247 = arith.muli %add3A_245, %mul3A_246 : i32
          %multiple_of3A_248 = tpu.assume_multiple %mul3A_247, 8 : i32
          "tpu.region"() ({
            %run_scoped3A_256 = tpu.sem_alloc : memref<!tpu.dma_semaphore, #tpu.memory_space<semaphore_mem>>
            %dma_start3A_257 = arith.constant 0 : i32
            %dma_start3A_258 = tpu.memref_slice %arg2[%multiple_of3A_248, %dma_start3A_257] : memref<1351680x128xf32, #tpu.memory_space<hbm>> -> memref<128x128xf32, #tpu.memory_space<hbm>>
            %dma_start3A_259 = arith.constant 0 : i32
            %dma_start3A_260 = tpu.memref_slice %arg2[%multiple_of3A_248, %dma_start3A_259] : memref<1351680x128xf32, #tpu.memory_space<hbm>> -> memref<128x128xf32, #tpu.memory_space<hbm>>
            tpu.enqueue_dma source(%dma_start3A_260 : memref<128x128xf32, #tpu.memory_space<hbm>>) target(%run_scoped3A_0 : memref<128x128xf32, #tpu.memory_space<vmem>>) target_semaphore(%run_scoped3A_256 : memref<!tpu.dma_semaphore, #tpu.memory_space<semaphore_mem>>)
            %dma_wait3A_261 = arith.constant 0 : i32
            %dma_wait3A_262 = tpu.memref_slice %arg2[%multiple_of3A_248, %dma_wait3A_261] : memref<1351680x128xf32, #tpu.memory_space<hbm>> -> memref<128x128xf32, #tpu.memory_space<hbm>>
            %dma_wait3A_263 = arith.constant 0 : i32
            %dma_wait3A_264 = tpu.memref_slice %arg2[%multiple_of3A_248, %dma_wait3A_263] : memref<1351680x128xf32, #tpu.memory_space<hbm>> -> memref<128x128xf32, #tpu.memory_space<hbm>>
            tpu.wait_dma2 semaphore(%run_scoped3A_256 : memref<!tpu.dma_semaphore, #tpu.memory_space<semaphore_mem>>) src(%dma_wait3A_264 : memref<128x128xf32, #tpu.memory_space<hbm>>) dst(%run_scoped3A_0 : memref<128x128xf32, #tpu.memory_space<vmem>>)
            tpu.yield
          }) : () -> ()
          %dma_start3A_249 = arith.constant 0 : i32
          %dma_start3A_250 = arith.constant 0 : i32
          %dma_start3A_251 = tpu.memref_slice %run_scoped3A_2[%dma_start3A_249, %dma_start3A_250] : memref<1x128xi32, #tpu.memory_space<vmem>> -> memref<1x128xi32, #tpu.memory_space<vmem>>
          %dma_start3A_252 = tpu.memref_squeeze %dma_start3A_251 : memref<1x128xi32, #tpu.memory_space<vmem>> -> memref<128xi32, #tpu.memory_space<vmem>>
          %dma_start3A_253 = arith.constant 0 : i32
          %dma_start3A_254 = arith.constant 0 : i32
          %dma_start3A_255 = tpu.memref_slice %arg9[%dma_start3A_253, %dma_start3A_254] : memref<12800x128xf32, #tpu.memory_space<vmem_shared>> -> memref<12800x128xf32, #tpu.memory_space<vmem_shared>>
          tpu.enqueue_indirect_dma source(%run_scoped3A_0 : memref<128x128xf32, #tpu.memory_space<vmem>>) target(%dma_start3A_255 : memref<12800x128xf32, #tpu.memory_space<vmem_shared>>) offsets(%dma_start3A_252 : memref<128xi32, #tpu.memory_space<vmem>>) semaphore(%arg7 : memref<!tpu.dma_semaphore, #tpu.memory_space<semaphore_mem>>) {add = true}
        }
        %scan3A_85 = arith.constant 330 : i32
        %dma_wait3A = arith.constant 0 : i32
        %dma_wait3A_86 = arith.constant 0 : i32
        %dma_wait3A_87 = tpu.memref_slice %run_scoped3A_2[%dma_wait3A, %dma_wait3A_86] : memref<1x128xi32, #tpu.memory_space<vmem>> -> memref<1x128xi32, #tpu.memory_space<vmem>>
        %dma_wait3A_88 = tpu.memref_squeeze %dma_wait3A_87 : memref<1x128xi32, #tpu.memory_space<vmem>> -> memref<128xi32, #tpu.memory_space<vmem>>
        %dma_wait3A_89 = arith.constant 0 : i32
        %dma_wait3A_90 = arith.constant 0 : i32
        %dma_wait3A_91 = tpu.memref_slice %arg9[%dma_wait3A_89, %dma_wait3A_90] : memref<12800x128xf32, #tpu.memory_space<vmem_shared>> -> memref<12800x128xf32, #tpu.memory_space<vmem_shared>>
        tpu.wait_indirect_dma semaphore(%arg7 : memref<!tpu.dma_semaphore, #tpu.memory_space<semaphore_mem>>) src(%run_scoped3A_0 : memref<128x128xf32, #tpu.memory_space<vmem>>) dst(%dma_wait3A_91 : memref<12800x128xf32, #tpu.memory_space<vmem_shared>>)
        %barrier3A_92 = arith.constant 0 : index
        tpu.barrier barrier_id(%barrier3A_92)
        %mul3A_93 = arith.constant 784 : i32
        %mul3A_94 = arith.muli %arg1, %mul3A_93 : i32
        %add3A_95 = arith.constant 0 : i32
        %add3A_96 = arith.addi %mul3A_94, %add3A_95 : i32
        %multiple_of3A_97 = tpu.assume_multiple %add3A_96, 8 : i32
        %mul3A_98 = arith.constant 12544 : i32
        %mul3A_99 = arith.muli %add3A_17, %mul3A_98 : i32
        %mul3A_100 = arith.constant 784 : i32
        %mul3A_101 = arith.muli %arg1, %mul3A_100 : i32
        %add3A_102 = arith.addi %mul3A_99, %mul3A_101 : i32
        %add3A_103 = arith.constant 0 : i32
        %add3A_104 = arith.addi %add3A_102, %add3A_103 : i32
        %multiple_of3A_105 = tpu.assume_multiple %add3A_104, 8 : i32
        "tpu.region"() ({
          %run_scoped3A_185 = tpu.sem_alloc : memref<!tpu.dma_semaphore, #tpu.memory_space<semaphore_mem>>
          %dma_start3A_186 = arith.constant 0 : i32
          %dma_start3A_187 = tpu.memref_slice %arg4[%multiple_of3A_105, %dma_start3A_186] : memref<50176x128xf32, #tpu.memory_space<hbm>> -> memref<112x128xf32, #tpu.memory_space<hbm>>
          %dma_start3A_188 = arith.constant 0 : i32
          %dma_start3A_189 = tpu.memref_slice %arg9[%multiple_of3A_97, %dma_start3A_188] : memref<12800x128xf32, #tpu.memory_space<vmem_shared>> -> memref<112x128xf32, #tpu.memory_space<vmem_shared>>
          tpu.enqueue_dma source(%dma_start3A_189 : memref<112x128xf32, #tpu.memory_space<vmem_shared>>) target(%dma_start3A_187 : memref<112x128xf32, #tpu.memory_space<hbm>>) target_semaphore(%run_scoped3A_185 : memref<!tpu.dma_semaphore, #tpu.memory_space<semaphore_mem>>)
          %dma_wait3A_190 = arith.constant 0 : i32
          %dma_wait3A_191 = tpu.memref_slice %arg4[%multiple_of3A_105, %dma_wait3A_190] : memref<50176x128xf32, #tpu.memory_space<hbm>> -> memref<112x128xf32, #tpu.memory_space<hbm>>
          %dma_wait3A_192 = arith.constant 0 : i32
          %dma_wait3A_193 = tpu.memref_slice %arg9[%multiple_of3A_97, %dma_wait3A_192] : memref<12800x128xf32, #tpu.memory_space<vmem_shared>> -> memref<112x128xf32, #tpu.memory_space<vmem_shared>>
          tpu.wait_dma2 semaphore(%run_scoped3A_185 : memref<!tpu.dma_semaphore, #tpu.memory_space<semaphore_mem>>) src(%dma_wait3A_193 : memref<112x128xf32, #tpu.memory_space<vmem_shared>>) dst(%dma_wait3A_191 : memref<112x128xf32, #tpu.memory_space<hbm>>)
          tpu.yield
        }) : () -> ()
        %mul3A_106 = arith.constant 784 : i32
        %mul3A_107 = arith.muli %arg1, %mul3A_106 : i32
        %add3A_108 = arith.constant 112 : i32
        %add3A_109 = arith.addi %mul3A_107, %add3A_108 : i32
        %multiple_of3A_110 = tpu.assume_multiple %add3A_109, 8 : i32
        %mul3A_111 = arith.constant 12544 : i32
        %mul3A_112 = arith.muli %add3A_17, %mul3A_111 : i32
        %mul3A_113 = arith.constant 784 : i32
        %mul3A_114 = arith.muli %arg1, %mul3A_113 : i32
        %add3A_115 = arith.addi %mul3A_112, %mul3A_114 : i32
        %add3A_116 = arith.constant 112 : i32
        %add3A_117 = arith.addi %add3A_115, %add3A_116 : i32
        %multiple_of3A_118 = tpu.assume_multiple %add3A_117, 8 : i32
        "tpu.region"() ({
          %run_scoped3A_185 = tpu.sem_alloc : memref<!tpu.dma_semaphore, #tpu.memory_space<semaphore_mem>>
          %dma_start3A_186 = arith.constant 0 : i32
          %dma_start3A_187 = tpu.memref_slice %arg4[%multiple_of3A_118, %dma_start3A_186] : memref<50176x128xf32, #tpu.memory_space<hbm>> -> memref<112x128xf32, #tpu.memory_space<hbm>>
          %dma_start3A_188 = arith.constant 0 : i32
          %dma_start3A_189 = tpu.memref_slice %arg9[%multiple_of3A_110, %dma_start3A_188] : memref<12800x128xf32, #tpu.memory_space<vmem_shared>> -> memref<112x128xf32, #tpu.memory_space<vmem_shared>>
          tpu.enqueue_dma source(%dma_start3A_189 : memref<112x128xf32, #tpu.memory_space<vmem_shared>>) target(%dma_start3A_187 : memref<112x128xf32, #tpu.memory_space<hbm>>) target_semaphore(%run_scoped3A_185 : memref<!tpu.dma_semaphore, #tpu.memory_space<semaphore_mem>>)
          %dma_wait3A_190 = arith.constant 0 : i32
          %dma_wait3A_191 = tpu.memref_slice %arg4[%multiple_of3A_118, %dma_wait3A_190] : memref<50176x128xf32, #tpu.memory_space<hbm>> -> memref<112x128xf32, #tpu.memory_space<hbm>>
          %dma_wait3A_192 = arith.constant 0 : i32
          %dma_wait3A_193 = tpu.memref_slice %arg9[%multiple_of3A_110, %dma_wait3A_192] : memref<12800x128xf32, #tpu.memory_space<vmem_shared>> -> memref<112x128xf32, #tpu.memory_space<vmem_shared>>
          tpu.wait_dma2 semaphore(%run_scoped3A_185 : memref<!tpu.dma_semaphore, #tpu.memory_space<semaphore_mem>>) src(%dma_wait3A_193 : memref<112x128xf32, #tpu.memory_space<vmem_shared>>) dst(%dma_wait3A_191 : memref<112x128xf32, #tpu.memory_space<hbm>>)
          tpu.yield
        }) : () -> ()
        %mul3A_119 = arith.constant 784 : i32
        %mul3A_120 = arith.muli %arg1, %mul3A_119 : i32
        %add3A_121 = arith.constant 224 : i32
        %add3A_122 = arith.addi %mul3A_120, %add3A_121 : i32
        %multiple_of3A_123 = tpu.assume_multiple %add3A_122, 8 : i32
        %mul3A_124 = arith.constant 12544 : i32
        %mul3A_125 = arith.muli %add3A_17, %mul3A_124 : i32
        %mul3A_126 = arith.constant 784 : i32
        %mul3A_127 = arith.muli %arg1, %mul3A_126 : i32
        %add3A_128 = arith.addi %mul3A_125, %mul3A_127 : i32
        %add3A_129 = arith.constant 224 : i32
        %add3A_130 = arith.addi %add3A_128, %add3A_129 : i32
        %multiple_of3A_131 = tpu.assume_multiple %add3A_130, 8 : i32
        "tpu.region"() ({
          %run_scoped3A_185 = tpu.sem_alloc : memref<!tpu.dma_semaphore, #tpu.memory_space<semaphore_mem>>
          %dma_start3A_186 = arith.constant 0 : i32
          %dma_start3A_187 = tpu.memref_slice %arg4[%multiple_of3A_131, %dma_start3A_186] : memref<50176x128xf32, #tpu.memory_space<hbm>> -> memref<112x128xf32, #tpu.memory_space<hbm>>
          %dma_start3A_188 = arith.constant 0 : i32
          %dma_start3A_189 = tpu.memref_slice %arg9[%multiple_of3A_123, %dma_start3A_188] : memref<12800x128xf32, #tpu.memory_space<vmem_shared>> -> memref<112x128xf32, #tpu.memory_space<vmem_shared>>
          tpu.enqueue_dma source(%dma_start3A_189 : memref<112x128xf32, #tpu.memory_space<vmem_shared>>) target(%dma_start3A_187 : memref<112x128xf32, #tpu.memory_space<hbm>>) target_semaphore(%run_scoped3A_185 : memref<!tpu.dma_semaphore, #tpu.memory_space<semaphore_mem>>)
          %dma_wait3A_190 = arith.constant 0 : i32
          %dma_wait3A_191 = tpu.memref_slice %arg4[%multiple_of3A_131, %dma_wait3A_190] : memref<50176x128xf32, #tpu.memory_space<hbm>> -> memref<112x128xf32, #tpu.memory_space<hbm>>
          %dma_wait3A_192 = arith.constant 0 : i32
          %dma_wait3A_193 = tpu.memref_slice %arg9[%multiple_of3A_123, %dma_wait3A_192] : memref<12800x128xf32, #tpu.memory_space<vmem_shared>> -> memref<112x128xf32, #tpu.memory_space<vmem_shared>>
          tpu.wait_dma2 semaphore(%run_scoped3A_185 : memref<!tpu.dma_semaphore, #tpu.memory_space<semaphore_mem>>) src(%dma_wait3A_193 : memref<112x128xf32, #tpu.memory_space<vmem_shared>>) dst(%dma_wait3A_191 : memref<112x128xf32, #tpu.memory_space<hbm>>)
          tpu.yield
        }) : () -> ()
        %mul3A_132 = arith.constant 784 : i32
        %mul3A_133 = arith.muli %arg1, %mul3A_132 : i32
        %add3A_134 = arith.constant 336 : i32
        %add3A_135 = arith.addi %mul3A_133, %add3A_134 : i32
        %multiple_of3A_136 = tpu.assume_multiple %add3A_135, 8 : i32
        %mul3A_137 = arith.constant 12544 : i32
        %mul3A_138 = arith.muli %add3A_17, %mul3A_137 : i32
        %mul3A_139 = arith.constant 784 : i32
        %mul3A_140 = arith.muli %arg1, %mul3A_139 : i32
        %add3A_141 = arith.addi %mul3A_138, %mul3A_140 : i32
        %add3A_142 = arith.constant 336 : i32
        %add3A_143 = arith.addi %add3A_141, %add3A_142 : i32
        %multiple_of3A_144 = tpu.assume_multiple %add3A_143, 8 : i32
        "tpu.region"() ({
          %run_scoped3A_185 = tpu.sem_alloc : memref<!tpu.dma_semaphore, #tpu.memory_space<semaphore_mem>>
          %dma_start3A_186 = arith.constant 0 : i32
          %dma_start3A_187 = tpu.memref_slice %arg4[%multiple_of3A_144, %dma_start3A_186] : memref<50176x128xf32, #tpu.memory_space<hbm>> -> memref<112x128xf32, #tpu.memory_space<hbm>>
          %dma_start3A_188 = arith.constant 0 : i32
          %dma_start3A_189 = tpu.memref_slice %arg9[%multiple_of3A_136, %dma_start3A_188] : memref<12800x128xf32, #tpu.memory_space<vmem_shared>> -> memref<112x128xf32, #tpu.memory_space<vmem_shared>>
          tpu.enqueue_dma source(%dma_start3A_189 : memref<112x128xf32, #tpu.memory_space<vmem_shared>>) target(%dma_start3A_187 : memref<112x128xf32, #tpu.memory_space<hbm>>) target_semaphore(%run_scoped3A_185 : memref<!tpu.dma_semaphore, #tpu.memory_space<semaphore_mem>>)
          %dma_wait3A_190 = arith.constant 0 : i32
          %dma_wait3A_191 = tpu.memref_slice %arg4[%multiple_of3A_144, %dma_wait3A_190] : memref<50176x128xf32, #tpu.memory_space<hbm>> -> memref<112x128xf32, #tpu.memory_space<hbm>>
          %dma_wait3A_192 = arith.constant 0 : i32
          %dma_wait3A_193 = tpu.memref_slice %arg9[%multiple_of3A_136, %dma_wait3A_192] : memref<12800x128xf32, #tpu.memory_space<vmem_shared>> -> memref<112x128xf32, #tpu.memory_space<vmem_shared>>
          tpu.wait_dma2 semaphore(%run_scoped3A_185 : memref<!tpu.dma_semaphore, #tpu.memory_space<semaphore_mem>>) src(%dma_wait3A_193 : memref<112x128xf32, #tpu.memory_space<vmem_shared>>) dst(%dma_wait3A_191 : memref<112x128xf32, #tpu.memory_space<hbm>>)
          tpu.yield
        }) : () -> ()
        %mul3A_145 = arith.constant 784 : i32
        %mul3A_146 = arith.muli %arg1, %mul3A_145 : i32
        %add3A_147 = arith.constant 448 : i32
        %add3A_148 = arith.addi %mul3A_146, %add3A_147 : i32
        %multiple_of3A_149 = tpu.assume_multiple %add3A_148, 8 : i32
        %mul3A_150 = arith.constant 12544 : i32
        %mul3A_151 = arith.muli %add3A_17, %mul3A_150 : i32
        %mul3A_152 = arith.constant 784 : i32
        %mul3A_153 = arith.muli %arg1, %mul3A_152 : i32
        %add3A_154 = arith.addi %mul3A_151, %mul3A_153 : i32
        %add3A_155 = arith.constant 448 : i32
        %add3A_156 = arith.addi %add3A_154, %add3A_155 : i32
        %multiple_of3A_157 = tpu.assume_multiple %add3A_156, 8 : i32
        "tpu.region"() ({
          %run_scoped3A_185 = tpu.sem_alloc : memref<!tpu.dma_semaphore, #tpu.memory_space<semaphore_mem>>
          %dma_start3A_186 = arith.constant 0 : i32
          %dma_start3A_187 = tpu.memref_slice %arg4[%multiple_of3A_157, %dma_start3A_186] : memref<50176x128xf32, #tpu.memory_space<hbm>> -> memref<112x128xf32, #tpu.memory_space<hbm>>
          %dma_start3A_188 = arith.constant 0 : i32
          %dma_start3A_189 = tpu.memref_slice %arg9[%multiple_of3A_149, %dma_start3A_188] : memref<12800x128xf32, #tpu.memory_space<vmem_shared>> -> memref<112x128xf32, #tpu.memory_space<vmem_shared>>
          tpu.enqueue_dma source(%dma_start3A_189 : memref<112x128xf32, #tpu.memory_space<vmem_shared>>) target(%dma_start3A_187 : memref<112x128xf32, #tpu.memory_space<hbm>>) target_semaphore(%run_scoped3A_185 : memref<!tpu.dma_semaphore, #tpu.memory_space<semaphore_mem>>)
          %dma_wait3A_190 = arith.constant 0 : i32
          %dma_wait3A_191 = tpu.memref_slice %arg4[%multiple_of3A_157, %dma_wait3A_190] : memref<50176x128xf32, #tpu.memory_space<hbm>> -> memref<112x128xf32, #tpu.memory_space<hbm>>
          %dma_wait3A_192 = arith.constant 0 : i32
          %dma_wait3A_193 = tpu.memref_slice %arg9[%multiple_of3A_149, %dma_wait3A_192] : memref<12800x128xf32, #tpu.memory_space<vmem_shared>> -> memref<112x128xf32, #tpu.memory_space<vmem_shared>>
          tpu.wait_dma2 semaphore(%run_scoped3A_185 : memref<!tpu.dma_semaphore, #tpu.memory_space<semaphore_mem>>) src(%dma_wait3A_193 : memref<112x128xf32, #tpu.memory_space<vmem_shared>>) dst(%dma_wait3A_191 : memref<112x128xf32, #tpu.memory_space<hbm>>)
          tpu.yield
        }) : () -> ()
        %mul3A_158 = arith.constant 784 : i32
        %mul3A_159 = arith.muli %arg1, %mul3A_158 : i32
        %add3A_160 = arith.constant 560 : i32
        %add3A_161 = arith.addi %mul3A_159, %add3A_160 : i32
        %multiple_of3A_162 = tpu.assume_multiple %add3A_161, 8 : i32
        %mul3A_163 = arith.constant 12544 : i32
        %mul3A_164 = arith.muli %add3A_17, %mul3A_163 : i32
        %mul3A_165 = arith.constant 784 : i32
        %mul3A_166 = arith.muli %arg1, %mul3A_165 : i32
        %add3A_167 = arith.addi %mul3A_164, %mul3A_166 : i32
        %add3A_168 = arith.constant 560 : i32
        %add3A_169 = arith.addi %add3A_167, %add3A_168 : i32
        %multiple_of3A_170 = tpu.assume_multiple %add3A_169, 8 : i32
        "tpu.region"() ({
          %run_scoped3A_185 = tpu.sem_alloc : memref<!tpu.dma_semaphore, #tpu.memory_space<semaphore_mem>>
          %dma_start3A_186 = arith.constant 0 : i32
          %dma_start3A_187 = tpu.memref_slice %arg4[%multiple_of3A_170, %dma_start3A_186] : memref<50176x128xf32, #tpu.memory_space<hbm>> -> memref<112x128xf32, #tpu.memory_space<hbm>>
          %dma_start3A_188 = arith.constant 0 : i32
          %dma_start3A_189 = tpu.memref_slice %arg9[%multiple_of3A_162, %dma_start3A_188] : memref<12800x128xf32, #tpu.memory_space<vmem_shared>> -> memref<112x128xf32, #tpu.memory_space<vmem_shared>>
          tpu.enqueue_dma source(%dma_start3A_189 : memref<112x128xf32, #tpu.memory_space<vmem_shared>>) target(%dma_start3A_187 : memref<112x128xf32, #tpu.memory_space<hbm>>) target_semaphore(%run_scoped3A_185 : memref<!tpu.dma_semaphore, #tpu.memory_space<semaphore_mem>>)
          %dma_wait3A_190 = arith.constant 0 : i32
          %dma_wait3A_191 = tpu.memref_slice %arg4[%multiple_of3A_170, %dma_wait3A_190] : memref<50176x128xf32, #tpu.memory_space<hbm>> -> memref<112x128xf32, #tpu.memory_space<hbm>>
          %dma_wait3A_192 = arith.constant 0 : i32
          %dma_wait3A_193 = tpu.memref_slice %arg9[%multiple_of3A_162, %dma_wait3A_192] : memref<12800x128xf32, #tpu.memory_space<vmem_shared>> -> memref<112x128xf32, #tpu.memory_space<vmem_shared>>
          tpu.wait_dma2 semaphore(%run_scoped3A_185 : memref<!tpu.dma_semaphore, #tpu.memory_space<semaphore_mem>>) src(%dma_wait3A_193 : memref<112x128xf32, #tpu.memory_space<vmem_shared>>) dst(%dma_wait3A_191 : memref<112x128xf32, #tpu.memory_space<hbm>>)
          tpu.yield
        }) : () -> ()
        %mul3A_171 = arith.constant 784 : i32
        %mul3A_172 = arith.muli %arg1, %mul3A_171 : i32
        %add3A_173 = arith.constant 672 : i32
        %add3A_174 = arith.addi %mul3A_172, %add3A_173 : i32
        %multiple_of3A_175 = tpu.assume_multiple %add3A_174, 8 : i32
        %mul3A_176 = arith.constant 12544 : i32
        %mul3A_177 = arith.muli %add3A_17, %mul3A_176 : i32
        %mul3A_178 = arith.constant 784 : i32
        %mul3A_179 = arith.muli %arg1, %mul3A_178 : i32
        %add3A_180 = arith.addi %mul3A_177, %mul3A_179 : i32
        %add3A_181 = arith.constant 672 : i32
        %add3A_182 = arith.addi %add3A_180, %add3A_181 : i32
        %multiple_of3A_183 = tpu.assume_multiple %add3A_182, 8 : i32
        "tpu.region"() ({
          %run_scoped3A_185 = tpu.sem_alloc : memref<!tpu.dma_semaphore, #tpu.memory_space<semaphore_mem>>
          %dma_start3A_186 = arith.constant 0 : i32
          %dma_start3A_187 = tpu.memref_slice %arg4[%multiple_of3A_183, %dma_start3A_186] : memref<50176x128xf32, #tpu.memory_space<hbm>> -> memref<112x128xf32, #tpu.memory_space<hbm>>
          %dma_start3A_188 = arith.constant 0 : i32
          %dma_start3A_189 = tpu.memref_slice %arg9[%multiple_of3A_175, %dma_start3A_188] : memref<12800x128xf32, #tpu.memory_space<vmem_shared>> -> memref<112x128xf32, #tpu.memory_space<vmem_shared>>
          tpu.enqueue_dma source(%dma_start3A_189 : memref<112x128xf32, #tpu.memory_space<vmem_shared>>) target(%dma_start3A_187 : memref<112x128xf32, #tpu.memory_space<hbm>>) target_semaphore(%run_scoped3A_185 : memref<!tpu.dma_semaphore, #tpu.memory_space<semaphore_mem>>)
          %dma_wait3A_190 = arith.constant 0 : i32
          %dma_wait3A_191 = tpu.memref_slice %arg4[%multiple_of3A_183, %dma_wait3A_190] : memref<50176x128xf32, #tpu.memory_space<hbm>> -> memref<112x128xf32, #tpu.memory_space<hbm>>
          %dma_wait3A_192 = arith.constant 0 : i32
          %dma_wait3A_193 = tpu.memref_slice %arg9[%multiple_of3A_175, %dma_wait3A_192] : memref<12800x128xf32, #tpu.memory_space<vmem_shared>> -> memref<112x128xf32, #tpu.memory_space<vmem_shared>>
          tpu.wait_dma2 semaphore(%run_scoped3A_185 : memref<!tpu.dma_semaphore, #tpu.memory_space<semaphore_mem>>) src(%dma_wait3A_193 : memref<112x128xf32, #tpu.memory_space<vmem_shared>>) dst(%dma_wait3A_191 : memref<112x128xf32, #tpu.memory_space<hbm>>)
          tpu.yield
        }) : () -> ()
        %barrier3A_184 = arith.constant 0 : index
        tpu.barrier barrier_id(%barrier3A_184)
      }
      %scan3A_11 = arith.constant 2 : i32
      tpu.yield
    }) : () -> ()
    return
  }
}

#map = affine_map<(d0, d1) -> (0, 0)>
module attributes {stable_mosaic.version = 14 : i64} {
  func.func @k(%arg0: i32, %arg1: i32, %arg2: memref<1351680x128xf32, #tpu.memory_space<hbm>>, %arg3: memref<1x5406720xi32, #tpu.memory_space<hbm>>, %arg4: memref<50176x128xf32, #tpu.memory_space<hbm>>, %arg5: memref<!tpu.dma_semaphore, #tpu.memory_space<semaphore_mem>>, %arg6: memref<!tpu.dma_semaphore, #tpu.memory_space<semaphore_mem>>, %arg7: memref<!tpu.dma_semaphore, #tpu.memory_space<semaphore_mem>>, %arg8: memref<!tpu.dma_semaphore, #tpu.memory_space<semaphore_mem>>, %arg9: memref<12800x128xf32, #tpu.memory_space<vmem_shared>>) attributes {dimension_semantics = [#tpu.dimension_semantics<core_parallel>, #tpu.dimension_semantics<subcore_parallel>], iteration_bounds = array<i64: 2, 16>, scalar_prefetch = 0 : i64, scratch_operands = 5 : i64, tpu.core_type = #tpu.core_type<sc_vector_subcore>, window_params = [{transform_indices = #map}, {transform_indices = #map}, {transform_indices = #map}]} {
    "tpu.region"() ({
      %run_scoped3A = memref.alloca() : memref<32x128xf32, #tpu.memory_space<vmem>>
      %run_scoped3A_0 = memref.alloca() : memref<128x128xf32, #tpu.memory_space<vmem>>
      %run_scoped3A_1 = memref.alloca() : memref<1x128xi32, #tpu.memory_space<vmem>>
      %run_scoped3A_2 = memref.alloca() : memref<1x128xi32, #tpu.memory_space<vmem>>
      %scan3A = arith.constant 0 : i32
      %scan3A_3 = arith.constant 32 : i32
      %scan3A_4 = arith.addi %scan3A, %scan3A_3 : i32
      %scan3A_5 = arith.constant 1 : i32
      scf.for %scan3A_12 = %scan3A to %scan3A_4 step %scan3A_5  : i32 {
        %mul3A = arith.constant 1 : i32
        %mul3A_13 = arith.muli %scan3A_12, %mul3A : i32
        %add3A = arith.constant 0 : i32
        %add3A_14 = arith.addi %add3A, %mul3A_13 : i32
        %scan3A_15 = arith.constant 0 : i32
        %scan3A_16 = arith.constant 8 : i32
        %scan3A_17 = arith.addi %scan3A_15, %scan3A_16 : i32
        %scan3A_18 = arith.constant 1 : i32
        scf.for %scan3A_20 = %scan3A_15 to %scan3A_17 step %scan3A_18  : i32 {
          %mul3A_21 = arith.constant 1 : i32
          %mul3A_22 = arith.muli %scan3A_20, %mul3A_21 : i32
          %add3A_23 = arith.constant 0 : i32
          %add3A_24 = arith.addi %add3A_23, %mul3A_22 : i32
          %broadcast_in_dim3A = arith.constant 0.000000e+00 : f32
          %broadcast_in_dim3A_25 = vector.broadcast %broadcast_in_dim3A : f32 to vector<16xf32>
          %mul3A_26 = arith.constant 16 : i32
          %mul3A_27 = arith.muli %add3A_24, %mul3A_26 : i32
          %swap3A = arith.index_cast %add3A_14 : i32 to index
          %swap3A_28 = arith.index_cast %mul3A_27 : i32 to index
          %swap3A_29 = tpu.vector_load %run_scoped3A[%swap3A, %swap3A_28] {strides = array<i32>} : memref<32x128xf32, #tpu.memory_space<vmem>>, vector<1x16xf32>,
          %swap3A_30 = vector.shape_cast %swap3A_29 : vector<1x16xf32> to vector<16xf32>
          %swap3A_31 = vector.shape_cast %broadcast_in_dim3A_25 : vector<16xf32> to vector<1x16xf32>
          tpu.vector_store %run_scoped3A[%swap3A, %swap3A_28], %swap3A_31 {strides = array<i32>} : memref<32x128xf32, #tpu.memory_space<vmem>>, vector<1x16xf32>,
        }
        %scan3A_19 = arith.constant 8 : i32
      }
      %scan3A_6 = arith.constant 32 : i32
      %scan3A_7 = arith.constant 0 : i32
      %scan3A_8 = arith.constant 2 : i32
      %scan3A_9 = arith.addi %scan3A_7, %scan3A_8 : i32
      %scan3A_10 = arith.constant 1 : i32
      scf.for %scan3A_12 = %scan3A_7 to %scan3A_9 step %scan3A_10  : i32 {
        %mul3A = arith.constant 1 : i32
        %mul3A_13 = arith.muli %scan3A_12, %mul3A : i32
        %add3A = arith.constant 0 : i32
        %add3A_14 = arith.addi %add3A, %mul3A_13 : i32
        %mul3A_15 = arith.constant 2 : i32
        %mul3A_16 = arith.muli %arg0, %mul3A_15 : i32
        %add3A_17 = arith.addi %mul3A_16, %add3A_14 : i32
        %mul3A_18 = arith.constant 800 : i32
        %mul3A_19 = arith.muli %arg1, %mul3A_18 : i32
        %multiple_of3A = tpu.assume_multiple %mul3A_19, 8 : i32
        %add3A_20 = arith.constant 0 : i32
        %add3A_21 = arith.addi %multiple_of3A, %add3A_20 : i32
        "tpu.region"() ({
          %run_scoped3A_185 = tpu.sem_alloc : memref<!tpu.dma_semaphore, #tpu.memory_space<semaphore_mem>>
          %dma_start3A_186 = arith.constant 0 : i32
          %dma_start3A_187 = tpu.memref_slice %arg9[%add3A_21, %dma_start3A_186] : memref<12800x128xf32, #tpu.memory_space<vmem_shared>> -> memref<32x128xf32, #tpu.memory_space<vmem_shared>>
          %dma_start3A_188 = arith.constant 0 : i32
          %dma_start3A_189 = tpu.memref_slice %arg9[%add3A_21, %dma_start3A_188] : memref<12800x128xf32, #tpu.memory_space<vmem_shared>> -> memref<32x128xf32, #tpu.memory_space<vmem_shared>>
          tpu.enqueue_dma source(%run_scoped3A : memref<32x128xf32, #tpu.memory_space<vmem>>) target(%dma_start3A_189 : memref<32x128xf32, #tpu.memory_space<vmem_shared>>) target_semaphore(%run_scoped3A_185 : memref<!tpu.dma_semaphore, #tpu.memory_space<semaphore_mem>>)
          %dma_wait3A_190 = arith.constant 0 : i32
          %dma_wait3A_191 = tpu.memref_slice %arg9[%add3A_21, %dma_wait3A_190] : memref<12800x128xf32, #tpu.memory_space<vmem_shared>> -> memref<32x128xf32, #tpu.memory_space<vmem_shared>>
          %dma_wait3A_192 = arith.constant 0 : i32
          %dma_wait3A_193 = tpu.memref_slice %arg9[%add3A_21, %dma_wait3A_192] : memref<12800x128xf32, #tpu.memory_space<vmem_shared>> -> memref<32x128xf32, #tpu.memory_space<vmem_shared>>
          tpu.wait_dma2 semaphore(%run_scoped3A_185 : memref<!tpu.dma_semaphore, #tpu.memory_space<semaphore_mem>>) src(%run_scoped3A : memref<32x128xf32, #tpu.memory_space<vmem>>) dst(%dma_wait3A_193 : memref<32x128xf32, #tpu.memory_space<vmem_shared>>)
          tpu.yield
        }) : () -> ()
        %add3A_22 = arith.constant 32 : i32
        %add3A_23 = arith.addi %multiple_of3A, %add3A_22 : i32
        "tpu.region"() ({
          %run_scoped3A_185 = tpu.sem_alloc : memref<!tpu.dma_semaphore, #tpu.memory_space<semaphore_mem>>
          %dma_start3A_186 = arith.constant 0 : i32
          %dma_start3A_187 = tpu.memref_slice %arg9[%add3A_23, %dma_start3A_186] : memref<12800x128xf32, #tpu.memory_space<vmem_shared>> -> memref<32x128xf32, #tpu.memory_space<vmem_shared>>
          %dma_start3A_188 = arith.constant 0 : i32
          %dma_start3A_189 = tpu.memref_slice %arg9[%add3A_23, %dma_start3A_188] : memref<12800x128xf32, #tpu.memory_space<vmem_shared>> -> memref<32x128xf32, #tpu.memory_space<vmem_shared>>
          tpu.enqueue_dma source(%run_scoped3A : memref<32x128xf32, #tpu.memory_space<vmem>>) target(%dma_start3A_189 : memref<32x128xf32, #tpu.memory_space<vmem_shared>>) target_semaphore(%run_scoped3A_185 : memref<!tpu.dma_semaphore, #tpu.memory_space<semaphore_mem>>)
          %dma_wait3A_190 = arith.constant 0 : i32
          %dma_wait3A_191 = tpu.memref_slice %arg9[%add3A_23, %dma_wait3A_190] : memref<12800x128xf32, #tpu.memory_space<vmem_shared>> -> memref<32x128xf32, #tpu.memory_space<vmem_shared>>
          %dma_wait3A_192 = arith.constant 0 : i32
          %dma_wait3A_193 = tpu.memref_slice %arg9[%add3A_23, %dma_wait3A_192] : memref<12800x128xf32, #tpu.memory_space<vmem_shared>> -> memref<32x128xf32, #tpu.memory_space<vmem_shared>>
          tpu.wait_dma2 semaphore(%run_scoped3A_185 : memref<!tpu.dma_semaphore, #tpu.memory_space<semaphore_mem>>) src(%run_scoped3A : memref<32x128xf32, #tpu.memory_space<vmem>>) dst(%dma_wait3A_193 : memref<32x128xf32, #tpu.memory_space<vmem_shared>>)
          tpu.yield
        }) : () -> ()
        %add3A_24 = arith.constant 64 : i32
        %add3A_25 = arith.addi %multiple_of3A, %add3A_24 : i32
        "tpu.region"() ({
          %run_scoped3A_185 = tpu.sem_alloc : memref<!tpu.dma_semaphore, #tpu.memory_space<semaphore_mem>>
          %dma_start3A_186 = arith.constant 0 : i32
          %dma_start3A_187 = tpu.memref_slice %arg9[%add3A_25, %dma_start3A_186] : memref<12800x128xf32, #tpu.memory_space<vmem_shared>> -> memref<32x128xf32, #tpu.memory_space<vmem_shared>>
          %dma_start3A_188 = arith.constant 0 : i32
          %dma_start3A_189 = tpu.memref_slice %arg9[%add3A_25, %dma_start3A_188] : memref<12800x128xf32, #tpu.memory_space<vmem_shared>> -> memref<32x128xf32, #tpu.memory_space<vmem_shared>>
          tpu.enqueue_dma source(%run_scoped3A : memref<32x128xf32, #tpu.memory_space<vmem>>) target(%dma_start3A_189 : memref<32x128xf32, #tpu.memory_space<vmem_shared>>) target_semaphore(%run_scoped3A_185 : memref<!tpu.dma_semaphore, #tpu.memory_space<semaphore_mem>>)
          %dma_wait3A_190 = arith.constant 0 : i32
          %dma_wait3A_191 = tpu.memref_slice %arg9[%add3A_25, %dma_wait3A_190] : memref<12800x128xf32, #tpu.memory_space<vmem_shared>> -> memref<32x128xf32, #tpu.memory_space<vmem_shared>>
          %dma_wait3A_192 = arith.constant 0 : i32
          %dma_wait3A_193 = tpu.memref_slice %arg9[%add3A_25, %dma_wait3A_192] : memref<12800x128xf32, #tpu.memory_space<vmem_shared>> -> memref<32x128xf32, #tpu.memory_space<vmem_shared>>
          tpu.wait_dma2 semaphore(%run_scoped3A_185 : memref<!tpu.dma_semaphore, #tpu.memory_space<semaphore_mem>>) src(%run_scoped3A : memref<32x128xf32, #tpu.memory_space<vmem>>) dst(%dma_wait3A_193 : memref<32x128xf32, #tpu.memory_space<vmem_shared>>)
          tpu.yield
        }) : () -> ()
        %add3A_26 = arith.constant 96 : i32
        %add3A_27 = arith.addi %multiple_of3A, %add3A_26 : i32
        "tpu.region"() ({
          %run_scoped3A_185 = tpu.sem_alloc : memref<!tpu.dma_semaphore, #tpu.memory_space<semaphore_mem>>
          %dma_start3A_186 = arith.constant 0 : i32
          %dma_start3A_187 = tpu.memref_slice %arg9[%add3A_27, %dma_start3A_186] : memref<12800x128xf32, #tpu.memory_space<vmem_shared>> -> memref<32x128xf32, #tpu.memory_space<vmem_shared>>
          %dma_start3A_188 = arith.constant 0 : i32
          %dma_start3A_189 = tpu.memref_slice %arg9[%add3A_27, %dma_start3A_188] : memref<12800x128xf32, #tpu.memory_space<vmem_shared>> -> memref<32x128xf32, #tpu.memory_space<vmem_shared>>
          tpu.enqueue_dma source(%run_scoped3A : memref<32x128xf32, #tpu.memory_space<vmem>>) target(%dma_start3A_189 : memref<32x128xf32, #tpu.memory_space<vmem_shared>>) target_semaphore(%run_scoped3A_185 : memref<!tpu.dma_semaphore, #tpu.memory_space<semaphore_mem>>)
          %dma_wait3A_190 = arith.constant 0 : i32
          %dma_wait3A_191 = tpu.memref_slice %arg9[%add3A_27, %dma_wait3A_190] : memref<12800x128xf32, #tpu.memory_space<vmem_shared>> -> memref<32x128xf32, #tpu.memory_space<vmem_shared>>
          %dma_wait3A_192 = arith.constant 0 : i32
          %dma_wait3A_193 = tpu.memref_slice %arg9[%add3A_27, %dma_wait3A_192] : memref<12800x128xf32, #tpu.memory_space<vmem_shared>> -> memref<32x128xf32, #tpu.memory_space<vmem_shared>>
          tpu.wait_dma2 semaphore(%run_scoped3A_185 : memref<!tpu.dma_semaphore, #tpu.memory_space<semaphore_mem>>) src(%run_scoped3A : memref<32x128xf32, #tpu.memory_space<vmem>>) dst(%dma_wait3A_193 : memref<32x128xf32, #tpu.memory_space<vmem_shared>>)
          tpu.yield
        }) : () -> ()
        %add3A_28 = arith.constant 128 : i32
        %add3A_29 = arith.addi %multiple_of3A, %add3A_28 : i32
        "tpu.region"() ({
          %run_scoped3A_185 = tpu.sem_alloc : memref<!tpu.dma_semaphore, #tpu.memory_space<semaphore_mem>>
          %dma_start3A_186 = arith.constant 0 : i32
          %dma_start3A_187 = tpu.memref_slice %arg9[%add3A_29, %dma_start3A_186] : memref<12800x128xf32, #tpu.memory_space<vmem_shared>> -> memref<32x128xf32, #tpu.memory_space<vmem_shared>>
          %dma_start3A_188 = arith.constant 0 : i32
          %dma_start3A_189 = tpu.memref_slice %arg9[%add3A_29, %dma_start3A_188] : memref<12800x128xf32, #tpu.memory_space<vmem_shared>> -> memref<32x128xf32, #tpu.memory_space<vmem_shared>>
          tpu.enqueue_dma source(%run_scoped3A : memref<32x128xf32, #tpu.memory_space<vmem>>) target(%dma_start3A_189 : memref<32x128xf32, #tpu.memory_space<vmem_shared>>) target_semaphore(%run_scoped3A_185 : memref<!tpu.dma_semaphore, #tpu.memory_space<semaphore_mem>>)
          %dma_wait3A_190 = arith.constant 0 : i32
          %dma_wait3A_191 = tpu.memref_slice %arg9[%add3A_29, %dma_wait3A_190] : memref<12800x128xf32, #tpu.memory_space<vmem_shared>> -> memref<32x128xf32, #tpu.memory_space<vmem_shared>>
          %dma_wait3A_192 = arith.constant 0 : i32
          %dma_wait3A_193 = tpu.memref_slice %arg9[%add3A_29, %dma_wait3A_192] : memref<12800x128xf32, #tpu.memory_space<vmem_shared>> -> memref<32x128xf32, #tpu.memory_space<vmem_shared>>
          tpu.wait_dma2 semaphore(%run_scoped3A_185 : memref<!tpu.dma_semaphore, #tpu.memory_space<semaphore_mem>>) src(%run_scoped3A : memref<32x128xf32, #tpu.memory_space<vmem>>) dst(%dma_wait3A_193 : memref<32x128xf32, #tpu.memory_space<vmem_shared>>)
          tpu.yield
        }) : () -> ()
        %add3A_30 = arith.constant 160 : i32
        %add3A_31 = arith.addi %multiple_of3A, %add3A_30 : i32
        "tpu.region"() ({
          %run_scoped3A_185 = tpu.sem_alloc : memref<!tpu.dma_semaphore, #tpu.memory_space<semaphore_mem>>
          %dma_start3A_186 = arith.constant 0 : i32
          %dma_start3A_187 = tpu.memref_slice %arg9[%add3A_31, %dma_start3A_186] : memref<12800x128xf32, #tpu.memory_space<vmem_shared>> -> memref<32x128xf32, #tpu.memory_space<vmem_shared>>
          %dma_start3A_188 = arith.constant 0 : i32
          %dma_start3A_189 = tpu.memref_slice %arg9[%add3A_31, %dma_start3A_188] : memref<12800x128xf32, #tpu.memory_space<vmem_shared>> -> memref<32x128xf32, #tpu.memory_space<vmem_shared>>
          tpu.enqueue_dma source(%run_scoped3A : memref<32x128xf32, #tpu.memory_space<vmem>>) target(%dma_start3A_189 : memref<32x128xf32, #tpu.memory_space<vmem_shared>>) target_semaphore(%run_scoped3A_185 : memref<!tpu.dma_semaphore, #tpu.memory_space<semaphore_mem>>)
          %dma_wait3A_190 = arith.constant 0 : i32
          %dma_wait3A_191 = tpu.memref_slice %arg9[%add3A_31, %dma_wait3A_190] : memref<12800x128xf32, #tpu.memory_space<vmem_shared>> -> memref<32x128xf32, #tpu.memory_space<vmem_shared>>
          %dma_wait3A_192 = arith.constant 0 : i32
          %dma_wait3A_193 = tpu.memref_slice %arg9[%add3A_31, %dma_wait3A_192] : memref<12800x128xf32, #tpu.memory_space<vmem_shared>> -> memref<32x128xf32, #tpu.memory_space<vmem_shared>>
          tpu.wait_dma2 semaphore(%run_scoped3A_185 : memref<!tpu.dma_semaphore, #tpu.memory_space<semaphore_mem>>) src(%run_scoped3A : memref<32x128xf32, #tpu.memory_space<vmem>>) dst(%dma_wait3A_193 : memref<32x128xf32, #tpu.memory_space<vmem_shared>>)
          tpu.yield
        }) : () -> ()
        %add3A_32 = arith.constant 192 : i32
        %add3A_33 = arith.addi %multiple_of3A, %add3A_32 : i32
        "tpu.region"() ({
          %run_scoped3A_185 = tpu.sem_alloc : memref<!tpu.dma_semaphore, #tpu.memory_space<semaphore_mem>>
          %dma_start3A_186 = arith.constant 0 : i32
          %dma_start3A_187 = tpu.memref_slice %arg9[%add3A_33, %dma_start3A_186] : memref<12800x128xf32, #tpu.memory_space<vmem_shared>> -> memref<32x128xf32, #tpu.memory_space<vmem_shared>>
          %dma_start3A_188 = arith.constant 0 : i32
          %dma_start3A_189 = tpu.memref_slice %arg9[%add3A_33, %dma_start3A_188] : memref<12800x128xf32, #tpu.memory_space<vmem_shared>> -> memref<32x128xf32, #tpu.memory_space<vmem_shared>>
          tpu.enqueue_dma source(%run_scoped3A : memref<32x128xf32, #tpu.memory_space<vmem>>) target(%dma_start3A_189 : memref<32x128xf32, #tpu.memory_space<vmem_shared>>) target_semaphore(%run_scoped3A_185 : memref<!tpu.dma_semaphore, #tpu.memory_space<semaphore_mem>>)
          %dma_wait3A_190 = arith.constant 0 : i32
          %dma_wait3A_191 = tpu.memref_slice %arg9[%add3A_33, %dma_wait3A_190] : memref<12800x128xf32, #tpu.memory_space<vmem_shared>> -> memref<32x128xf32, #tpu.memory_space<vmem_shared>>
          %dma_wait3A_192 = arith.constant 0 : i32
          %dma_wait3A_193 = tpu.memref_slice %arg9[%add3A_33, %dma_wait3A_192] : memref<12800x128xf32, #tpu.memory_space<vmem_shared>> -> memref<32x128xf32, #tpu.memory_space<vmem_shared>>
          tpu.wait_dma2 semaphore(%run_scoped3A_185 : memref<!tpu.dma_semaphore, #tpu.memory_space<semaphore_mem>>) src(%run_scoped3A : memref<32x128xf32, #tpu.memory_space<vmem>>) dst(%dma_wait3A_193 : memref<32x128xf32, #tpu.memory_space<vmem_shared>>)
          tpu.yield
        }) : () -> ()
        %add3A_34 = arith.constant 224 : i32
        %add3A_35 = arith.addi %multiple_of3A, %add3A_34 : i32
        "tpu.region"() ({
          %run_scoped3A_185 = tpu.sem_alloc : memref<!tpu.dma_semaphore, #tpu.memory_space<semaphore_mem>>
          %dma_start3A_186 = arith.constant 0 : i32
          %dma_start3A_187 = tpu.memref_slice %arg9[%add3A_35, %dma_start3A_186] : memref<12800x128xf32, #tpu.memory_space<vmem_shared>> -> memref<32x128xf32, #tpu.memory_space<vmem_shared>>
          %dma_start3A_188 = arith.constant 0 : i32
          %dma_start3A_189 = tpu.memref_slice %arg9[%add3A_35, %dma_start3A_188] : memref<12800x128xf32, #tpu.memory_space<vmem_shared>> -> memref<32x128xf32, #tpu.memory_space<vmem_shared>>
          tpu.enqueue_dma source(%run_scoped3A : memref<32x128xf32, #tpu.memory_space<vmem>>) target(%dma_start3A_189 : memref<32x128xf32, #tpu.memory_space<vmem_shared>>) target_semaphore(%run_scoped3A_185 : memref<!tpu.dma_semaphore, #tpu.memory_space<semaphore_mem>>)
          %dma_wait3A_190 = arith.constant 0 : i32
          %dma_wait3A_191 = tpu.memref_slice %arg9[%add3A_35, %dma_wait3A_190] : memref<12800x128xf32, #tpu.memory_space<vmem_shared>> -> memref<32x128xf32, #tpu.memory_space<vmem_shared>>
          %dma_wait3A_192 = arith.constant 0 : i32
          %dma_wait3A_193 = tpu.memref_slice %arg9[%add3A_35, %dma_wait3A_192] : memref<12800x128xf32, #tpu.memory_space<vmem_shared>> -> memref<32x128xf32, #tpu.memory_space<vmem_shared>>
          tpu.wait_dma2 semaphore(%run_scoped3A_185 : memref<!tpu.dma_semaphore, #tpu.memory_space<semaphore_mem>>) src(%run_scoped3A : memref<32x128xf32, #tpu.memory_space<vmem>>) dst(%dma_wait3A_193 : memref<32x128xf32, #tpu.memory_space<vmem_shared>>)
          tpu.yield
        }) : () -> ()
        %add3A_36 = arith.constant 256 : i32
        %add3A_37 = arith.addi %multiple_of3A, %add3A_36 : i32
        "tpu.region"() ({
          %run_scoped3A_185 = tpu.sem_alloc : memref<!tpu.dma_semaphore, #tpu.memory_space<semaphore_mem>>
          %dma_start3A_186 = arith.constant 0 : i32
          %dma_start3A_187 = tpu.memref_slice %arg9[%add3A_37, %dma_start3A_186] : memref<12800x128xf32, #tpu.memory_space<vmem_shared>> -> memref<32x128xf32, #tpu.memory_space<vmem_shared>>
          %dma_start3A_188 = arith.constant 0 : i32
          %dma_start3A_189 = tpu.memref_slice %arg9[%add3A_37, %dma_start3A_188] : memref<12800x128xf32, #tpu.memory_space<vmem_shared>> -> memref<32x128xf32, #tpu.memory_space<vmem_shared>>
          tpu.enqueue_dma source(%run_scoped3A : memref<32x128xf32, #tpu.memory_space<vmem>>) target(%dma_start3A_189 : memref<32x128xf32, #tpu.memory_space<vmem_shared>>) target_semaphore(%run_scoped3A_185 : memref<!tpu.dma_semaphore, #tpu.memory_space<semaphore_mem>>)
          %dma_wait3A_190 = arith.constant 0 : i32
          %dma_wait3A_191 = tpu.memref_slice %arg9[%add3A_37, %dma_wait3A_190] : memref<12800x128xf32, #tpu.memory_space<vmem_shared>> -> memref<32x128xf32, #tpu.memory_space<vmem_shared>>
          %dma_wait3A_192 = arith.constant 0 : i32
          %dma_wait3A_193 = tpu.memref_slice %arg9[%add3A_37, %dma_wait3A_192] : memref<12800x128xf32, #tpu.memory_space<vmem_shared>> -> memref<32x128xf32, #tpu.memory_space<vmem_shared>>
          tpu.wait_dma2 semaphore(%run_scoped3A_185 : memref<!tpu.dma_semaphore, #tpu.memory_space<semaphore_mem>>) src(%run_scoped3A : memref<32x128xf32, #tpu.memory_space<vmem>>) dst(%dma_wait3A_193 : memref<32x128xf32, #tpu.memory_space<vmem_shared>>)
          tpu.yield
        }) : () -> ()
        %add3A_38 = arith.constant 288 : i32
        %add3A_39 = arith.addi %multiple_of3A, %add3A_38 : i32
        "tpu.region"() ({
          %run_scoped3A_185 = tpu.sem_alloc : memref<!tpu.dma_semaphore, #tpu.memory_space<semaphore_mem>>
          %dma_start3A_186 = arith.constant 0 : i32
          %dma_start3A_187 = tpu.memref_slice %arg9[%add3A_39, %dma_start3A_186] : memref<12800x128xf32, #tpu.memory_space<vmem_shared>> -> memref<32x128xf32, #tpu.memory_space<vmem_shared>>
          %dma_start3A_188 = arith.constant 0 : i32
          %dma_start3A_189 = tpu.memref_slice %arg9[%add3A_39, %dma_start3A_188] : memref<12800x128xf32, #tpu.memory_space<vmem_shared>> -> memref<32x128xf32, #tpu.memory_space<vmem_shared>>
          tpu.enqueue_dma source(%run_scoped3A : memref<32x128xf32, #tpu.memory_space<vmem>>) target(%dma_start3A_189 : memref<32x128xf32, #tpu.memory_space<vmem_shared>>) target_semaphore(%run_scoped3A_185 : memref<!tpu.dma_semaphore, #tpu.memory_space<semaphore_mem>>)
          %dma_wait3A_190 = arith.constant 0 : i32
          %dma_wait3A_191 = tpu.memref_slice %arg9[%add3A_39, %dma_wait3A_190] : memref<12800x128xf32, #tpu.memory_space<vmem_shared>> -> memref<32x128xf32, #tpu.memory_space<vmem_shared>>
          %dma_wait3A_192 = arith.constant 0 : i32
          %dma_wait3A_193 = tpu.memref_slice %arg9[%add3A_39, %dma_wait3A_192] : memref<12800x128xf32, #tpu.memory_space<vmem_shared>> -> memref<32x128xf32, #tpu.memory_space<vmem_shared>>
          tpu.wait_dma2 semaphore(%run_scoped3A_185 : memref<!tpu.dma_semaphore, #tpu.memory_space<semaphore_mem>>) src(%run_scoped3A : memref<32x128xf32, #tpu.memory_space<vmem>>) dst(%dma_wait3A_193 : memref<32x128xf32, #tpu.memory_space<vmem_shared>>)
          tpu.yield
        }) : () -> ()
        %add3A_40 = arith.constant 320 : i32
        %add3A_41 = arith.addi %multiple_of3A, %add3A_40 : i32
        "tpu.region"() ({
          %run_scoped3A_185 = tpu.sem_alloc : memref<!tpu.dma_semaphore, #tpu.memory_space<semaphore_mem>>
          %dma_start3A_186 = arith.constant 0 : i32
          %dma_start3A_187 = tpu.memref_slice %arg9[%add3A_41, %dma_start3A_186] : memref<12800x128xf32, #tpu.memory_space<vmem_shared>> -> memref<32x128xf32, #tpu.memory_space<vmem_shared>>
          %dma_start3A_188 = arith.constant 0 : i32
          %dma_start3A_189 = tpu.memref_slice %arg9[%add3A_41, %dma_start3A_188] : memref<12800x128xf32, #tpu.memory_space<vmem_shared>> -> memref<32x128xf32, #tpu.memory_space<vmem_shared>>
          tpu.enqueue_dma source(%run_scoped3A : memref<32x128xf32, #tpu.memory_space<vmem>>) target(%dma_start3A_189 : memref<32x128xf32, #tpu.memory_space<vmem_shared>>) target_semaphore(%run_scoped3A_185 : memref<!tpu.dma_semaphore, #tpu.memory_space<semaphore_mem>>)
          %dma_wait3A_190 = arith.constant 0 : i32
          %dma_wait3A_191 = tpu.memref_slice %arg9[%add3A_41, %dma_wait3A_190] : memref<12800x128xf32, #tpu.memory_space<vmem_shared>> -> memref<32x128xf32, #tpu.memory_space<vmem_shared>>
          %dma_wait3A_192 = arith.constant 0 : i32
          %dma_wait3A_193 = tpu.memref_slice %arg9[%add3A_41, %dma_wait3A_192] : memref<12800x128xf32, #tpu.memory_space<vmem_shared>> -> memref<32x128xf32, #tpu.memory_space<vmem_shared>>
          tpu.wait_dma2 semaphore(%run_scoped3A_185 : memref<!tpu.dma_semaphore, #tpu.memory_space<semaphore_mem>>) src(%run_scoped3A : memref<32x128xf32, #tpu.memory_space<vmem>>) dst(%dma_wait3A_193 : memref<32x128xf32, #tpu.memory_space<vmem_shared>>)
          tpu.yield
        }) : () -> ()
        %add3A_42 = arith.constant 352 : i32
        %add3A_43 = arith.addi %multiple_of3A, %add3A_42 : i32
        "tpu.region"() ({
          %run_scoped3A_185 = tpu.sem_alloc : memref<!tpu.dma_semaphore, #tpu.memory_space<semaphore_mem>>
          %dma_start3A_186 = arith.constant 0 : i32
          %dma_start3A_187 = tpu.memref_slice %arg9[%add3A_43, %dma_start3A_186] : memref<12800x128xf32, #tpu.memory_space<vmem_shared>> -> memref<32x128xf32, #tpu.memory_space<vmem_shared>>
          %dma_start3A_188 = arith.constant 0 : i32
          %dma_start3A_189 = tpu.memref_slice %arg9[%add3A_43, %dma_start3A_188] : memref<12800x128xf32, #tpu.memory_space<vmem_shared>> -> memref<32x128xf32, #tpu.memory_space<vmem_shared>>
          tpu.enqueue_dma source(%run_scoped3A : memref<32x128xf32, #tpu.memory_space<vmem>>) target(%dma_start3A_189 : memref<32x128xf32, #tpu.memory_space<vmem_shared>>) target_semaphore(%run_scoped3A_185 : memref<!tpu.dma_semaphore, #tpu.memory_space<semaphore_mem>>)
          %dma_wait3A_190 = arith.constant 0 : i32
          %dma_wait3A_191 = tpu.memref_slice %arg9[%add3A_43, %dma_wait3A_190] : memref<12800x128xf32, #tpu.memory_space<vmem_shared>> -> memref<32x128xf32, #tpu.memory_space<vmem_shared>>
          %dma_wait3A_192 = arith.constant 0 : i32
          %dma_wait3A_193 = tpu.memref_slice %arg9[%add3A_43, %dma_wait3A_192] : memref<12800x128xf32, #tpu.memory_space<vmem_shared>> -> memref<32x128xf32, #tpu.memory_space<vmem_shared>>
          tpu.wait_dma2 semaphore(%run_scoped3A_185 : memref<!tpu.dma_semaphore, #tpu.memory_space<semaphore_mem>>) src(%run_scoped3A : memref<32x128xf32, #tpu.memory_space<vmem>>) dst(%dma_wait3A_193 : memref<32x128xf32, #tpu.memory_space<vmem_shared>>)
          tpu.yield
        }) : () -> ()
        %add3A_44 = arith.constant 384 : i32
        %add3A_45 = arith.addi %multiple_of3A, %add3A_44 : i32
        "tpu.region"() ({
          %run_scoped3A_185 = tpu.sem_alloc : memref<!tpu.dma_semaphore, #tpu.memory_space<semaphore_mem>>
          %dma_start3A_186 = arith.constant 0 : i32
          %dma_start3A_187 = tpu.memref_slice %arg9[%add3A_45, %dma_start3A_186] : memref<12800x128xf32, #tpu.memory_space<vmem_shared>> -> memref<32x128xf32, #tpu.memory_space<vmem_shared>>
          %dma_start3A_188 = arith.constant 0 : i32
          %dma_start3A_189 = tpu.memref_slice %arg9[%add3A_45, %dma_start3A_188] : memref<12800x128xf32, #tpu.memory_space<vmem_shared>> -> memref<32x128xf32, #tpu.memory_space<vmem_shared>>
          tpu.enqueue_dma source(%run_scoped3A : memref<32x128xf32, #tpu.memory_space<vmem>>) target(%dma_start3A_189 : memref<32x128xf32, #tpu.memory_space<vmem_shared>>) target_semaphore(%run_scoped3A_185 : memref<!tpu.dma_semaphore, #tpu.memory_space<semaphore_mem>>)
          %dma_wait3A_190 = arith.constant 0 : i32
          %dma_wait3A_191 = tpu.memref_slice %arg9[%add3A_45, %dma_wait3A_190] : memref<12800x128xf32, #tpu.memory_space<vmem_shared>> -> memref<32x128xf32, #tpu.memory_space<vmem_shared>>
          %dma_wait3A_192 = arith.constant 0 : i32
          %dma_wait3A_193 = tpu.memref_slice %arg9[%add3A_45, %dma_wait3A_192] : memref<12800x128xf32, #tpu.memory_space<vmem_shared>> -> memref<32x128xf32, #tpu.memory_space<vmem_shared>>
          tpu.wait_dma2 semaphore(%run_scoped3A_185 : memref<!tpu.dma_semaphore, #tpu.memory_space<semaphore_mem>>) src(%run_scoped3A : memref<32x128xf32, #tpu.memory_space<vmem>>) dst(%dma_wait3A_193 : memref<32x128xf32, #tpu.memory_space<vmem_shared>>)
          tpu.yield
        }) : () -> ()
        %add3A_46 = arith.constant 416 : i32
        %add3A_47 = arith.addi %multiple_of3A, %add3A_46 : i32
        "tpu.region"() ({
          %run_scoped3A_185 = tpu.sem_alloc : memref<!tpu.dma_semaphore, #tpu.memory_space<semaphore_mem>>
          %dma_start3A_186 = arith.constant 0 : i32
          %dma_start3A_187 = tpu.memref_slice %arg9[%add3A_47, %dma_start3A_186] : memref<12800x128xf32, #tpu.memory_space<vmem_shared>> -> memref<32x128xf32, #tpu.memory_space<vmem_shared>>
          %dma_start3A_188 = arith.constant 0 : i32
          %dma_start3A_189 = tpu.memref_slice %arg9[%add3A_47, %dma_start3A_188] : memref<12800x128xf32, #tpu.memory_space<vmem_shared>> -> memref<32x128xf32, #tpu.memory_space<vmem_shared>>
          tpu.enqueue_dma source(%run_scoped3A : memref<32x128xf32, #tpu.memory_space<vmem>>) target(%dma_start3A_189 : memref<32x128xf32, #tpu.memory_space<vmem_shared>>) target_semaphore(%run_scoped3A_185 : memref<!tpu.dma_semaphore, #tpu.memory_space<semaphore_mem>>)
          %dma_wait3A_190 = arith.constant 0 : i32
          %dma_wait3A_191 = tpu.memref_slice %arg9[%add3A_47, %dma_wait3A_190] : memref<12800x128xf32, #tpu.memory_space<vmem_shared>> -> memref<32x128xf32, #tpu.memory_space<vmem_shared>>
          %dma_wait3A_192 = arith.constant 0 : i32
          %dma_wait3A_193 = tpu.memref_slice %arg9[%add3A_47, %dma_wait3A_192] : memref<12800x128xf32, #tpu.memory_space<vmem_shared>> -> memref<32x128xf32, #tpu.memory_space<vmem_shared>>
          tpu.wait_dma2 semaphore(%run_scoped3A_185 : memref<!tpu.dma_semaphore, #tpu.memory_space<semaphore_mem>>) src(%run_scoped3A : memref<32x128xf32, #tpu.memory_space<vmem>>) dst(%dma_wait3A_193 : memref<32x128xf32, #tpu.memory_space<vmem_shared>>)
          tpu.yield
        }) : () -> ()
        %add3A_48 = arith.constant 448 : i32
        %add3A_49 = arith.addi %multiple_of3A, %add3A_48 : i32
        "tpu.region"() ({
          %run_scoped3A_185 = tpu.sem_alloc : memref<!tpu.dma_semaphore, #tpu.memory_space<semaphore_mem>>
          %dma_start3A_186 = arith.constant 0 : i32
          %dma_start3A_187 = tpu.memref_slice %arg9[%add3A_49, %dma_start3A_186] : memref<12800x128xf32, #tpu.memory_space<vmem_shared>> -> memref<32x128xf32, #tpu.memory_space<vmem_shared>>
          %dma_start3A_188 = arith.constant 0 : i32
          %dma_start3A_189 = tpu.memref_slice %arg9[%add3A_49, %dma_start3A_188] : memref<12800x128xf32, #tpu.memory_space<vmem_shared>> -> memref<32x128xf32, #tpu.memory_space<vmem_shared>>
          tpu.enqueue_dma source(%run_scoped3A : memref<32x128xf32, #tpu.memory_space<vmem>>) target(%dma_start3A_189 : memref<32x128xf32, #tpu.memory_space<vmem_shared>>) target_semaphore(%run_scoped3A_185 : memref<!tpu.dma_semaphore, #tpu.memory_space<semaphore_mem>>)
          %dma_wait3A_190 = arith.constant 0 : i32
          %dma_wait3A_191 = tpu.memref_slice %arg9[%add3A_49, %dma_wait3A_190] : memref<12800x128xf32, #tpu.memory_space<vmem_shared>> -> memref<32x128xf32, #tpu.memory_space<vmem_shared>>
          %dma_wait3A_192 = arith.constant 0 : i32
          %dma_wait3A_193 = tpu.memref_slice %arg9[%add3A_49, %dma_wait3A_192] : memref<12800x128xf32, #tpu.memory_space<vmem_shared>> -> memref<32x128xf32, #tpu.memory_space<vmem_shared>>
          tpu.wait_dma2 semaphore(%run_scoped3A_185 : memref<!tpu.dma_semaphore, #tpu.memory_space<semaphore_mem>>) src(%run_scoped3A : memref<32x128xf32, #tpu.memory_space<vmem>>) dst(%dma_wait3A_193 : memref<32x128xf32, #tpu.memory_space<vmem_shared>>)
          tpu.yield
        }) : () -> ()
        %add3A_50 = arith.constant 480 : i32
        %add3A_51 = arith.addi %multiple_of3A, %add3A_50 : i32
        "tpu.region"() ({
          %run_scoped3A_185 = tpu.sem_alloc : memref<!tpu.dma_semaphore, #tpu.memory_space<semaphore_mem>>
          %dma_start3A_186 = arith.constant 0 : i32
          %dma_start3A_187 = tpu.memref_slice %arg9[%add3A_51, %dma_start3A_186] : memref<12800x128xf32, #tpu.memory_space<vmem_shared>> -> memref<32x128xf32, #tpu.memory_space<vmem_shared>>
          %dma_start3A_188 = arith.constant 0 : i32
          %dma_start3A_189 = tpu.memref_slice %arg9[%add3A_51, %dma_start3A_188] : memref<12800x128xf32, #tpu.memory_space<vmem_shared>> -> memref<32x128xf32, #tpu.memory_space<vmem_shared>>
          tpu.enqueue_dma source(%run_scoped3A : memref<32x128xf32, #tpu.memory_space<vmem>>) target(%dma_start3A_189 : memref<32x128xf32, #tpu.memory_space<vmem_shared>>) target_semaphore(%run_scoped3A_185 : memref<!tpu.dma_semaphore, #tpu.memory_space<semaphore_mem>>)
          %dma_wait3A_190 = arith.constant 0 : i32
          %dma_wait3A_191 = tpu.memref_slice %arg9[%add3A_51, %dma_wait3A_190] : memref<12800x128xf32, #tpu.memory_space<vmem_shared>> -> memref<32x128xf32, #tpu.memory_space<vmem_shared>>
          %dma_wait3A_192 = arith.constant 0 : i32
          %dma_wait3A_193 = tpu.memref_slice %arg9[%add3A_51, %dma_wait3A_192] : memref<12800x128xf32, #tpu.memory_space<vmem_shared>> -> memref<32x128xf32, #tpu.memory_space<vmem_shared>>
          tpu.wait_dma2 semaphore(%run_scoped3A_185 : memref<!tpu.dma_semaphore, #tpu.memory_space<semaphore_mem>>) src(%run_scoped3A : memref<32x128xf32, #tpu.memory_space<vmem>>) dst(%dma_wait3A_193 : memref<32x128xf32, #tpu.memory_space<vmem_shared>>)
          tpu.yield
        }) : () -> ()
        %add3A_52 = arith.constant 512 : i32
        %add3A_53 = arith.addi %multiple_of3A, %add3A_52 : i32
        "tpu.region"() ({
          %run_scoped3A_185 = tpu.sem_alloc : memref<!tpu.dma_semaphore, #tpu.memory_space<semaphore_mem>>
          %dma_start3A_186 = arith.constant 0 : i32
          %dma_start3A_187 = tpu.memref_slice %arg9[%add3A_53, %dma_start3A_186] : memref<12800x128xf32, #tpu.memory_space<vmem_shared>> -> memref<32x128xf32, #tpu.memory_space<vmem_shared>>
          %dma_start3A_188 = arith.constant 0 : i32
          %dma_start3A_189 = tpu.memref_slice %arg9[%add3A_53, %dma_start3A_188] : memref<12800x128xf32, #tpu.memory_space<vmem_shared>> -> memref<32x128xf32, #tpu.memory_space<vmem_shared>>
          tpu.enqueue_dma source(%run_scoped3A : memref<32x128xf32, #tpu.memory_space<vmem>>) target(%dma_start3A_189 : memref<32x128xf32, #tpu.memory_space<vmem_shared>>) target_semaphore(%run_scoped3A_185 : memref<!tpu.dma_semaphore, #tpu.memory_space<semaphore_mem>>)
          %dma_wait3A_190 = arith.constant 0 : i32
          %dma_wait3A_191 = tpu.memref_slice %arg9[%add3A_53, %dma_wait3A_190] : memref<12800x128xf32, #tpu.memory_space<vmem_shared>> -> memref<32x128xf32, #tpu.memory_space<vmem_shared>>
          %dma_wait3A_192 = arith.constant 0 : i32
          %dma_wait3A_193 = tpu.memref_slice %arg9[%add3A_53, %dma_wait3A_192] : memref<12800x128xf32, #tpu.memory_space<vmem_shared>> -> memref<32x128xf32, #tpu.memory_space<vmem_shared>>
          tpu.wait_dma2 semaphore(%run_scoped3A_185 : memref<!tpu.dma_semaphore, #tpu.memory_space<semaphore_mem>>) src(%run_scoped3A : memref<32x128xf32, #tpu.memory_space<vmem>>) dst(%dma_wait3A_193 : memref<32x128xf32, #tpu.memory_space<vmem_shared>>)
          tpu.yield
        }) : () -> ()
        %add3A_54 = arith.constant 544 : i32
        %add3A_55 = arith.addi %multiple_of3A, %add3A_54 : i32
        "tpu.region"() ({
          %run_scoped3A_185 = tpu.sem_alloc : memref<!tpu.dma_semaphore, #tpu.memory_space<semaphore_mem>>
          %dma_start3A_186 = arith.constant 0 : i32
          %dma_start3A_187 = tpu.memref_slice %arg9[%add3A_55, %dma_start3A_186] : memref<12800x128xf32, #tpu.memory_space<vmem_shared>> -> memref<32x128xf32, #tpu.memory_space<vmem_shared>>
          %dma_start3A_188 = arith.constant 0 : i32
          %dma_start3A_189 = tpu.memref_slice %arg9[%add3A_55, %dma_start3A_188] : memref<12800x128xf32, #tpu.memory_space<vmem_shared>> -> memref<32x128xf32, #tpu.memory_space<vmem_shared>>
          tpu.enqueue_dma source(%run_scoped3A : memref<32x128xf32, #tpu.memory_space<vmem>>) target(%dma_start3A_189 : memref<32x128xf32, #tpu.memory_space<vmem_shared>>) target_semaphore(%run_scoped3A_185 : memref<!tpu.dma_semaphore, #tpu.memory_space<semaphore_mem>>)
          %dma_wait3A_190 = arith.constant 0 : i32
          %dma_wait3A_191 = tpu.memref_slice %arg9[%add3A_55, %dma_wait3A_190] : memref<12800x128xf32, #tpu.memory_space<vmem_shared>> -> memref<32x128xf32, #tpu.memory_space<vmem_shared>>
          %dma_wait3A_192 = arith.constant 0 : i32
          %dma_wait3A_193 = tpu.memref_slice %arg9[%add3A_55, %dma_wait3A_192] : memref<12800x128xf32, #tpu.memory_space<vmem_shared>> -> memref<32x128xf32, #tpu.memory_space<vmem_shared>>
          tpu.wait_dma2 semaphore(%run_scoped3A_185 : memref<!tpu.dma_semaphore, #tpu.memory_space<semaphore_mem>>) src(%run_scoped3A : memref<32x128xf32, #tpu.memory_space<vmem>>) dst(%dma_wait3A_193 : memref<32x128xf32, #tpu.memory_space<vmem_shared>>)
          tpu.yield
        }) : () -> ()
        %add3A_56 = arith.constant 576 : i32
        %add3A_57 = arith.addi %multiple_of3A, %add3A_56 : i32
        "tpu.region"() ({
          %run_scoped3A_185 = tpu.sem_alloc : memref<!tpu.dma_semaphore, #tpu.memory_space<semaphore_mem>>
          %dma_start3A_186 = arith.constant 0 : i32
          %dma_start3A_187 = tpu.memref_slice %arg9[%add3A_57, %dma_start3A_186] : memref<12800x128xf32, #tpu.memory_space<vmem_shared>> -> memref<32x128xf32, #tpu.memory_space<vmem_shared>>
          %dma_start3A_188 = arith.constant 0 : i32
          %dma_start3A_189 = tpu.memref_slice %arg9[%add3A_57, %dma_start3A_188] : memref<12800x128xf32, #tpu.memory_space<vmem_shared>> -> memref<32x128xf32, #tpu.memory_space<vmem_shared>>
          tpu.enqueue_dma source(%run_scoped3A : memref<32x128xf32, #tpu.memory_space<vmem>>) target(%dma_start3A_189 : memref<32x128xf32, #tpu.memory_space<vmem_shared>>) target_semaphore(%run_scoped3A_185 : memref<!tpu.dma_semaphore, #tpu.memory_space<semaphore_mem>>)
          %dma_wait3A_190 = arith.constant 0 : i32
          %dma_wait3A_191 = tpu.memref_slice %arg9[%add3A_57, %dma_wait3A_190] : memref<12800x128xf32, #tpu.memory_space<vmem_shared>> -> memref<32x128xf32, #tpu.memory_space<vmem_shared>>
          %dma_wait3A_192 = arith.constant 0 : i32
          %dma_wait3A_193 = tpu.memref_slice %arg9[%add3A_57, %dma_wait3A_192] : memref<12800x128xf32, #tpu.memory_space<vmem_shared>> -> memref<32x128xf32, #tpu.memory_space<vmem_shared>>
          tpu.wait_dma2 semaphore(%run_scoped3A_185 : memref<!tpu.dma_semaphore, #tpu.memory_space<semaphore_mem>>) src(%run_scoped3A : memref<32x128xf32, #tpu.memory_space<vmem>>) dst(%dma_wait3A_193 : memref<32x128xf32, #tpu.memory_space<vmem_shared>>)
          tpu.yield
        }) : () -> ()
        %add3A_58 = arith.constant 608 : i32
        %add3A_59 = arith.addi %multiple_of3A, %add3A_58 : i32
        "tpu.region"() ({
          %run_scoped3A_185 = tpu.sem_alloc : memref<!tpu.dma_semaphore, #tpu.memory_space<semaphore_mem>>
          %dma_start3A_186 = arith.constant 0 : i32
          %dma_start3A_187 = tpu.memref_slice %arg9[%add3A_59, %dma_start3A_186] : memref<12800x128xf32, #tpu.memory_space<vmem_shared>> -> memref<32x128xf32, #tpu.memory_space<vmem_shared>>
          %dma_start3A_188 = arith.constant 0 : i32
          %dma_start3A_189 = tpu.memref_slice %arg9[%add3A_59, %dma_start3A_188] : memref<12800x128xf32, #tpu.memory_space<vmem_shared>> -> memref<32x128xf32, #tpu.memory_space<vmem_shared>>
          tpu.enqueue_dma source(%run_scoped3A : memref<32x128xf32, #tpu.memory_space<vmem>>) target(%dma_start3A_189 : memref<32x128xf32, #tpu.memory_space<vmem_shared>>) target_semaphore(%run_scoped3A_185 : memref<!tpu.dma_semaphore, #tpu.memory_space<semaphore_mem>>)
          %dma_wait3A_190 = arith.constant 0 : i32
          %dma_wait3A_191 = tpu.memref_slice %arg9[%add3A_59, %dma_wait3A_190] : memref<12800x128xf32, #tpu.memory_space<vmem_shared>> -> memref<32x128xf32, #tpu.memory_space<vmem_shared>>
          %dma_wait3A_192 = arith.constant 0 : i32
          %dma_wait3A_193 = tpu.memref_slice %arg9[%add3A_59, %dma_wait3A_192] : memref<12800x128xf32, #tpu.memory_space<vmem_shared>> -> memref<32x128xf32, #tpu.memory_space<vmem_shared>>
          tpu.wait_dma2 semaphore(%run_scoped3A_185 : memref<!tpu.dma_semaphore, #tpu.memory_space<semaphore_mem>>) src(%run_scoped3A : memref<32x128xf32, #tpu.memory_space<vmem>>) dst(%dma_wait3A_193 : memref<32x128xf32, #tpu.memory_space<vmem_shared>>)
          tpu.yield
        }) : () -> ()
        %add3A_60 = arith.constant 640 : i32
        %add3A_61 = arith.addi %multiple_of3A, %add3A_60 : i32
        "tpu.region"() ({
          %run_scoped3A_185 = tpu.sem_alloc : memref<!tpu.dma_semaphore, #tpu.memory_space<semaphore_mem>>
          %dma_start3A_186 = arith.constant 0 : i32
          %dma_start3A_187 = tpu.memref_slice %arg9[%add3A_61, %dma_start3A_186] : memref<12800x128xf32, #tpu.memory_space<vmem_shared>> -> memref<32x128xf32, #tpu.memory_space<vmem_shared>>
          %dma_start3A_188 = arith.constant 0 : i32
          %dma_start3A_189 = tpu.memref_slice %arg9[%add3A_61, %dma_start3A_188] : memref<12800x128xf32, #tpu.memory_space<vmem_shared>> -> memref<32x128xf32, #tpu.memory_space<vmem_shared>>
          tpu.enqueue_dma source(%run_scoped3A : memref<32x128xf32, #tpu.memory_space<vmem>>) target(%dma_start3A_189 : memref<32x128xf32, #tpu.memory_space<vmem_shared>>) target_semaphore(%run_scoped3A_185 : memref<!tpu.dma_semaphore, #tpu.memory_space<semaphore_mem>>)
          %dma_wait3A_190 = arith.constant 0 : i32
          %dma_wait3A_191 = tpu.memref_slice %arg9[%add3A_61, %dma_wait3A_190] : memref<12800x128xf32, #tpu.memory_space<vmem_shared>> -> memref<32x128xf32, #tpu.memory_space<vmem_shared>>
          %dma_wait3A_192 = arith.constant 0 : i32
          %dma_wait3A_193 = tpu.memref_slice %arg9[%add3A_61, %dma_wait3A_192] : memref<12800x128xf32, #tpu.memory_space<vmem_shared>> -> memref<32x128xf32, #tpu.memory_space<vmem_shared>>
          tpu.wait_dma2 semaphore(%run_scoped3A_185 : memref<!tpu.dma_semaphore, #tpu.memory_space<semaphore_mem>>) src(%run_scoped3A : memref<32x128xf32, #tpu.memory_space<vmem>>) dst(%dma_wait3A_193 : memref<32x128xf32, #tpu.memory_space<vmem_shared>>)
          tpu.yield
        }) : () -> ()
        %add3A_62 = arith.constant 672 : i32
        %add3A_63 = arith.addi %multiple_of3A, %add3A_62 : i32
        "tpu.region"() ({
          %run_scoped3A_185 = tpu.sem_alloc : memref<!tpu.dma_semaphore, #tpu.memory_space<semaphore_mem>>
          %dma_start3A_186 = arith.constant 0 : i32
          %dma_start3A_187 = tpu.memref_slice %arg9[%add3A_63, %dma_start3A_186] : memref<12800x128xf32, #tpu.memory_space<vmem_shared>> -> memref<32x128xf32, #tpu.memory_space<vmem_shared>>
          %dma_start3A_188 = arith.constant 0 : i32
          %dma_start3A_189 = tpu.memref_slice %arg9[%add3A_63, %dma_start3A_188] : memref<12800x128xf32, #tpu.memory_space<vmem_shared>> -> memref<32x128xf32, #tpu.memory_space<vmem_shared>>
          tpu.enqueue_dma source(%run_scoped3A : memref<32x128xf32, #tpu.memory_space<vmem>>) target(%dma_start3A_189 : memref<32x128xf32, #tpu.memory_space<vmem_shared>>) target_semaphore(%run_scoped3A_185 : memref<!tpu.dma_semaphore, #tpu.memory_space<semaphore_mem>>)
          %dma_wait3A_190 = arith.constant 0 : i32
          %dma_wait3A_191 = tpu.memref_slice %arg9[%add3A_63, %dma_wait3A_190] : memref<12800x128xf32, #tpu.memory_space<vmem_shared>> -> memref<32x128xf32, #tpu.memory_space<vmem_shared>>
          %dma_wait3A_192 = arith.constant 0 : i32
          %dma_wait3A_193 = tpu.memref_slice %arg9[%add3A_63, %dma_wait3A_192] : memref<12800x128xf32, #tpu.memory_space<vmem_shared>> -> memref<32x128xf32, #tpu.memory_space<vmem_shared>>
          tpu.wait_dma2 semaphore(%run_scoped3A_185 : memref<!tpu.dma_semaphore, #tpu.memory_space<semaphore_mem>>) src(%run_scoped3A : memref<32x128xf32, #tpu.memory_space<vmem>>) dst(%dma_wait3A_193 : memref<32x128xf32, #tpu.memory_space<vmem_shared>>)
          tpu.yield
        }) : () -> ()
        %add3A_64 = arith.constant 704 : i32
        %add3A_65 = arith.addi %multiple_of3A, %add3A_64 : i32
        "tpu.region"() ({
          %run_scoped3A_185 = tpu.sem_alloc : memref<!tpu.dma_semaphore, #tpu.memory_space<semaphore_mem>>
          %dma_start3A_186 = arith.constant 0 : i32
          %dma_start3A_187 = tpu.memref_slice %arg9[%add3A_65, %dma_start3A_186] : memref<12800x128xf32, #tpu.memory_space<vmem_shared>> -> memref<32x128xf32, #tpu.memory_space<vmem_shared>>
          %dma_start3A_188 = arith.constant 0 : i32
          %dma_start3A_189 = tpu.memref_slice %arg9[%add3A_65, %dma_start3A_188] : memref<12800x128xf32, #tpu.memory_space<vmem_shared>> -> memref<32x128xf32, #tpu.memory_space<vmem_shared>>
          tpu.enqueue_dma source(%run_scoped3A : memref<32x128xf32, #tpu.memory_space<vmem>>) target(%dma_start3A_189 : memref<32x128xf32, #tpu.memory_space<vmem_shared>>) target_semaphore(%run_scoped3A_185 : memref<!tpu.dma_semaphore, #tpu.memory_space<semaphore_mem>>)
          %dma_wait3A_190 = arith.constant 0 : i32
          %dma_wait3A_191 = tpu.memref_slice %arg9[%add3A_65, %dma_wait3A_190] : memref<12800x128xf32, #tpu.memory_space<vmem_shared>> -> memref<32x128xf32, #tpu.memory_space<vmem_shared>>
          %dma_wait3A_192 = arith.constant 0 : i32
          %dma_wait3A_193 = tpu.memref_slice %arg9[%add3A_65, %dma_wait3A_192] : memref<12800x128xf32, #tpu.memory_space<vmem_shared>> -> memref<32x128xf32, #tpu.memory_space<vmem_shared>>
          tpu.wait_dma2 semaphore(%run_scoped3A_185 : memref<!tpu.dma_semaphore, #tpu.memory_space<semaphore_mem>>) src(%run_scoped3A : memref<32x128xf32, #tpu.memory_space<vmem>>) dst(%dma_wait3A_193 : memref<32x128xf32, #tpu.memory_space<vmem_shared>>)
          tpu.yield
        }) : () -> ()
        %add3A_66 = arith.constant 736 : i32
        %add3A_67 = arith.addi %multiple_of3A, %add3A_66 : i32
        "tpu.region"() ({
          %run_scoped3A_185 = tpu.sem_alloc : memref<!tpu.dma_semaphore, #tpu.memory_space<semaphore_mem>>
          %dma_start3A_186 = arith.constant 0 : i32
          %dma_start3A_187 = tpu.memref_slice %arg9[%add3A_67, %dma_start3A_186] : memref<12800x128xf32, #tpu.memory_space<vmem_shared>> -> memref<32x128xf32, #tpu.memory_space<vmem_shared>>
          %dma_start3A_188 = arith.constant 0 : i32
          %dma_start3A_189 = tpu.memref_slice %arg9[%add3A_67, %dma_start3A_188] : memref<12800x128xf32, #tpu.memory_space<vmem_shared>> -> memref<32x128xf32, #tpu.memory_space<vmem_shared>>
          tpu.enqueue_dma source(%run_scoped3A : memref<32x128xf32, #tpu.memory_space<vmem>>) target(%dma_start3A_189 : memref<32x128xf32, #tpu.memory_space<vmem_shared>>) target_semaphore(%run_scoped3A_185 : memref<!tpu.dma_semaphore, #tpu.memory_space<semaphore_mem>>)
          %dma_wait3A_190 = arith.constant 0 : i32
          %dma_wait3A_191 = tpu.memref_slice %arg9[%add3A_67, %dma_wait3A_190] : memref<12800x128xf32, #tpu.memory_space<vmem_shared>> -> memref<32x128xf32, #tpu.memory_space<vmem_shared>>
          %dma_wait3A_192 = arith.constant 0 : i32
          %dma_wait3A_193 = tpu.memref_slice %arg9[%add3A_67, %dma_wait3A_192] : memref<12800x128xf32, #tpu.memory_space<vmem_shared>> -> memref<32x128xf32, #tpu.memory_space<vmem_shared>>
          tpu.wait_dma2 semaphore(%run_scoped3A_185 : memref<!tpu.dma_semaphore, #tpu.memory_space<semaphore_mem>>) src(%run_scoped3A : memref<32x128xf32, #tpu.memory_space<vmem>>) dst(%dma_wait3A_193 : memref<32x128xf32, #tpu.memory_space<vmem_shared>>)
          tpu.yield
        }) : () -> ()
        %add3A_68 = arith.constant 768 : i32
        %add3A_69 = arith.addi %multiple_of3A, %add3A_68 : i32
        "tpu.region"() ({
          %run_scoped3A_185 = tpu.sem_alloc : memref<!tpu.dma_semaphore, #tpu.memory_space<semaphore_mem>>
          %dma_start3A_186 = arith.constant 0 : i32
          %dma_start3A_187 = tpu.memref_slice %arg9[%add3A_69, %dma_start3A_186] : memref<12800x128xf32, #tpu.memory_space<vmem_shared>> -> memref<32x128xf32, #tpu.memory_space<vmem_shared>>
          %dma_start3A_188 = arith.constant 0 : i32
          %dma_start3A_189 = tpu.memref_slice %arg9[%add3A_69, %dma_start3A_188] : memref<12800x128xf32, #tpu.memory_space<vmem_shared>> -> memref<32x128xf32, #tpu.memory_space<vmem_shared>>
          tpu.enqueue_dma source(%run_scoped3A : memref<32x128xf32, #tpu.memory_space<vmem>>) target(%dma_start3A_189 : memref<32x128xf32, #tpu.memory_space<vmem_shared>>) target_semaphore(%run_scoped3A_185 : memref<!tpu.dma_semaphore, #tpu.memory_space<semaphore_mem>>)
          %dma_wait3A_190 = arith.constant 0 : i32
          %dma_wait3A_191 = tpu.memref_slice %arg9[%add3A_69, %dma_wait3A_190] : memref<12800x128xf32, #tpu.memory_space<vmem_shared>> -> memref<32x128xf32, #tpu.memory_space<vmem_shared>>
          %dma_wait3A_192 = arith.constant 0 : i32
          %dma_wait3A_193 = tpu.memref_slice %arg9[%add3A_69, %dma_wait3A_192] : memref<12800x128xf32, #tpu.memory_space<vmem_shared>> -> memref<32x128xf32, #tpu.memory_space<vmem_shared>>
          tpu.wait_dma2 semaphore(%run_scoped3A_185 : memref<!tpu.dma_semaphore, #tpu.memory_space<semaphore_mem>>) src(%run_scoped3A : memref<32x128xf32, #tpu.memory_space<vmem>>) dst(%dma_wait3A_193 : memref<32x128xf32, #tpu.memory_space<vmem_shared>>)
          tpu.yield
        }) : () -> ()
        %barrier3A = arith.constant 0 : index
        tpu.barrier barrier_id(%barrier3A)
        %add3A_70 = arith.constant 0 : i32
        %add3A_71 = arith.addi %add3A_70, %arg1 : i32
        %mul3A_72 = arith.constant 1351680 : i32
        %mul3A_73 = arith.muli %add3A_17, %mul3A_72 : i32
        %mul3A_74 = arith.constant 128 : i32
        %mul3A_75 = arith.muli %add3A_71, %mul3A_74 : i32
        %add3A_76 = arith.addi %mul3A_73, %mul3A_75 : i32
        %multiple_of3A_77 = tpu.assume_multiple %add3A_76, 8 : i32
        %dma_start3A = arith.constant 0 : i32
        %dma_start3A_78 = tpu.memref_slice %arg3[%dma_start3A, %multiple_of3A_77] : memref<1x5406720xi32, #tpu.memory_space<hbm>> -> memref<1x128xi32, #tpu.memory_space<hbm>>
        %dma_start3A_79 = arith.constant 0 : i32
        %dma_start3A_80 = tpu.memref_slice %arg3[%dma_start3A_79, %multiple_of3A_77] : memref<1x5406720xi32, #tpu.memory_space<hbm>> -> memref<1x128xi32, #tpu.memory_space<hbm>>
        tpu.enqueue_dma source(%dma_start3A_80 : memref<1x128xi32, #tpu.memory_space<hbm>>) target(%run_scoped3A_1 : memref<1x128xi32, #tpu.memory_space<vmem>>) target_semaphore(%arg5 : memref<!tpu.dma_semaphore, #tpu.memory_space<semaphore_mem>>)
        %scan3A_81 = arith.constant 0 : i32
        %scan3A_82 = arith.constant 330 : i32
        %scan3A_83 = arith.addi %scan3A_81, %scan3A_82 : i32
        %scan3A_84 = arith.constant 1 : i32
        scf.for %scan3A_185 = %scan3A_81 to %scan3A_83 step %scan3A_84  : i32 {
          %mul3A_186 = arith.constant 1 : i32
          %mul3A_187 = arith.muli %scan3A_185, %mul3A_186 : i32
          %add3A_188 = arith.constant 0 : i32
          %add3A_189 = arith.addi %add3A_188, %mul3A_187 : i32
          %mul3A_190 = arith.constant 2 : i32
          %mul3A_191 = arith.muli %add3A_189, %mul3A_190 : i32
          %add3A_192 = arith.constant 0 : i32
          %add3A_193 = arith.addi %mul3A_191, %add3A_192 : i32
          %dma_wait3A_194 = arith.constant 0 : i32
          %dma_wait3A_195 = arith.constant 0 : i32
          %dma_wait3A_196 = tpu.memref_slice %arg3[%dma_wait3A_194, %dma_wait3A_195] : memref<1x5406720xi32, #tpu.memory_space<hbm>> -> memref<1x128xi32, #tpu.memory_space<hbm>>
          %dma_wait3A_197 = arith.constant 0 : i32
          %dma_wait3A_198 = arith.constant 0 : i32
          %dma_wait3A_199 = tpu.memref_slice %arg3[%dma_wait3A_197, %dma_wait3A_198] : memref<1x5406720xi32, #tpu.memory_space<hbm>> -> memref<1x128xi32, #tpu.memory_space<hbm>>
          tpu.wait_dma2 semaphore(%arg5 : memref<!tpu.dma_semaphore, #tpu.memory_space<semaphore_mem>>) src(%dma_wait3A_199 : memref<1x128xi32, #tpu.memory_space<hbm>>) dst(%run_scoped3A_1 : memref<1x128xi32, #tpu.memory_space<vmem>>)
          %add3A_200 = arith.constant 1 : i32
          %add3A_201 = arith.addi %add3A_193, %add3A_200 : i32
          %lt3A = arith.constant 660 : i32
          %lt3A_202 = arith.cmpi slt, %add3A_201, %lt3A : i32
          %convert_element_type3A = arith.extui %lt3A_202 : i1 to i32
          %cond3A = arith.constant 0 : i32
          %cond3A_203 = arith.cmpi ne, %convert_element_type3A, %cond3A : i32
          scf.if %cond3A_203 {
            %add3A_256 = arith.constant 1 : i32
            %add3A_257 = arith.addi %add3A_193, %add3A_256 : i32
            %mul3A_258 = arith.constant 16 : i32
            %mul3A_259 = arith.muli %add3A_257, %mul3A_258 : i32
            %add3A_260 = arith.addi %mul3A_259, %arg1 : i32
            %mul3A_261 = arith.constant 1351680 : i32
            %mul3A_262 = arith.muli %add3A_17, %mul3A_261 : i32
            %mul3A_263 = arith.constant 128 : i32
            %mul3A_264 = arith.muli %add3A_260, %mul3A_263 : i32
            %add3A_265 = arith.addi %mul3A_262, %mul3A_264 : i32
            %multiple_of3A_266 = tpu.assume_multiple %add3A_265, 8 : i32
            %dma_start3A_267 = arith.constant 0 : i32
            %dma_start3A_268 = tpu.memref_slice %arg3[%dma_start3A_267, %multiple_of3A_266] : memref<1x5406720xi32, #tpu.memory_space<hbm>> -> memref<1x128xi32, #tpu.memory_space<hbm>>
            %dma_start3A_269 = arith.constant 0 : i32
            %dma_start3A_270 = tpu.memref_slice %arg3[%dma_start3A_269, %multiple_of3A_266] : memref<1x5406720xi32, #tpu.memory_space<hbm>> -> memref<1x128xi32, #tpu.memory_space<hbm>>
            tpu.enqueue_dma source(%dma_start3A_270 : memref<1x128xi32, #tpu.memory_space<hbm>>) target(%run_scoped3A_2 : memref<1x128xi32, #tpu.memory_space<vmem>>) target_semaphore(%arg6 : memref<!tpu.dma_semaphore, #tpu.memory_space<semaphore_mem>>)
          } else {
          }
          %ge3A = arith.constant 1 : i32
          %ge3A_204 = arith.cmpi sge, %add3A_193, %ge3A : i32
          %convert_element_type3A_205 = arith.extui %ge3A_204 : i1 to i32
          %cond3A_206 = arith.constant 0 : i32
          %cond3A_207 = arith.cmpi ne, %convert_element_type3A_205, %cond3A_206 : i32
          scf.if %cond3A_207 {
            %dma_wait3A_256 = arith.constant 0 : i32
            %dma_wait3A_257 = arith.constant 0 : i32
            %dma_wait3A_258 = tpu.memref_slice %run_scoped3A_1[%dma_wait3A_256, %dma_wait3A_257] : memref<1x128xi32, #tpu.memory_space<vmem>> -> memref<1x128xi32, #tpu.memory_space<vmem>>
            %dma_wait3A_259 = tpu.memref_squeeze %dma_wait3A_258 : memref<1x128xi32, #tpu.memory_space<vmem>> -> memref<128xi32, #tpu.memory_space<vmem>>
            %dma_wait3A_260 = arith.constant 0 : i32
            %dma_wait3A_261 = arith.constant 0 : i32
            %dma_wait3A_262 = tpu.memref_slice %arg9[%dma_wait3A_260, %dma_wait3A_261] : memref<12800x128xf32, #tpu.memory_space<vmem_shared>> -> memref<12800x128xf32, #tpu.memory_space<vmem_shared>>
            tpu.wait_indirect_dma semaphore(%arg7 : memref<!tpu.dma_semaphore, #tpu.memory_space<semaphore_mem>>) src(%run_scoped3A_0 : memref<128x128xf32, #tpu.memory_space<vmem>>) dst(%dma_wait3A_262 : memref<12800x128xf32, #tpu.memory_space<vmem_shared>>)
          } else {
          }
          %mul3A_208 = arith.constant 16 : i32
          %mul3A_209 = arith.muli %add3A_193, %mul3A_208 : i32
          %add3A_210 = arith.addi %mul3A_209, %arg1 : i32
          %mul3A_211 = arith.constant 128 : i32
          %mul3A_212 = arith.muli %add3A_210, %mul3A_211 : i32
          %multiple_of3A_213 = tpu.assume_multiple %mul3A_212, 8 : i32
          "tpu.region"() ({
            %run_scoped3A_256 = tpu.sem_alloc : memref<!tpu.dma_semaphore, #tpu.memory_space<semaphore_mem>>
            %dma_start3A_257 = arith.constant 0 : i32
            %dma_start3A_258 = tpu.memref_slice %arg2[%multiple_of3A_213, %dma_start3A_257] : memref<1351680x128xf32, #tpu.memory_space<hbm>> -> memref<128x128xf32, #tpu.memory_space<hbm>>
            %dma_start3A_259 = arith.constant 0 : i32
            %dma_start3A_260 = tpu.memref_slice %arg2[%multiple_of3A_213, %dma_start3A_259] : memref<1351680x128xf32, #tpu.memory_space<hbm>> -> memref<128x128xf32, #tpu.memory_space<hbm>>
            tpu.enqueue_dma source(%dma_start3A_260 : memref<128x128xf32, #tpu.memory_space<hbm>>) target(%run_scoped3A_0 : memref<128x128xf32, #tpu.memory_space<vmem>>) target_semaphore(%run_scoped3A_256 : memref<!tpu.dma_semaphore, #tpu.memory_space<semaphore_mem>>)
            %dma_wait3A_261 = arith.constant 0 : i32
            %dma_wait3A_262 = tpu.memref_slice %arg2[%multiple_of3A_213, %dma_wait3A_261] : memref<1351680x128xf32, #tpu.memory_space<hbm>> -> memref<128x128xf32, #tpu.memory_space<hbm>>
            %dma_wait3A_263 = arith.constant 0 : i32
            %dma_wait3A_264 = tpu.memref_slice %arg2[%multiple_of3A_213, %dma_wait3A_263] : memref<1351680x128xf32, #tpu.memory_space<hbm>> -> memref<128x128xf32, #tpu.memory_space<hbm>>
            tpu.wait_dma2 semaphore(%run_scoped3A_256 : memref<!tpu.dma_semaphore, #tpu.memory_space<semaphore_mem>>) src(%dma_wait3A_264 : memref<128x128xf32, #tpu.memory_space<hbm>>) dst(%run_scoped3A_0 : memref<128x128xf32, #tpu.memory_space<vmem>>)
            tpu.yield
          }) : () -> ()
          %dma_start3A_214 = arith.constant 0 : i32
          %dma_start3A_215 = arith.constant 0 : i32
          %dma_start3A_216 = tpu.memref_slice %run_scoped3A_1[%dma_start3A_214, %dma_start3A_215] : memref<1x128xi32, #tpu.memory_space<vmem>> -> memref<1x128xi32, #tpu.memory_space<vmem>>
          %dma_start3A_217 = tpu.memref_squeeze %dma_start3A_216 : memref<1x128xi32, #tpu.memory_space<vmem>> -> memref<128xi32, #tpu.memory_space<vmem>>
          %dma_start3A_218 = arith.constant 0 : i32
          %dma_start3A_219 = arith.constant 0 : i32
          %dma_start3A_220 = tpu.memref_slice %arg9[%dma_start3A_218, %dma_start3A_219] : memref<12800x128xf32, #tpu.memory_space<vmem_shared>> -> memref<12800x128xf32, #tpu.memory_space<vmem_shared>>
          tpu.enqueue_indirect_dma source(%run_scoped3A_0 : memref<128x128xf32, #tpu.memory_space<vmem>>) target(%dma_start3A_220 : memref<12800x128xf32, #tpu.memory_space<vmem_shared>>) offsets(%dma_start3A_217 : memref<128xi32, #tpu.memory_space<vmem>>) semaphore(%arg7 : memref<!tpu.dma_semaphore, #tpu.memory_space<semaphore_mem>>) {add = true}
          %mul3A_221 = arith.constant 2 : i32
          %mul3A_222 = arith.muli %add3A_189, %mul3A_221 : i32
          %add3A_223 = arith.constant 1 : i32
          %add3A_224 = arith.addi %mul3A_222, %add3A_223 : i32
          %dma_wait3A_225 = arith.constant 0 : i32
          %dma_wait3A_226 = arith.constant 0 : i32
          %dma_wait3A_227 = tpu.memref_slice %arg3[%dma_wait3A_225, %dma_wait3A_226] : memref<1x5406720xi32, #tpu.memory_space<hbm>> -> memref<1x128xi32, #tpu.memory_space<hbm>>
          %dma_wait3A_228 = arith.constant 0 : i32
          %dma_wait3A_229 = arith.constant 0 : i32
          %dma_wait3A_230 = tpu.memref_slice %arg3[%dma_wait3A_228, %dma_wait3A_229] : memref<1x5406720xi32, #tpu.memory_space<hbm>> -> memref<1x128xi32, #tpu.memory_space<hbm>>
          tpu.wait_dma2 semaphore(%arg6 : memref<!tpu.dma_semaphore, #tpu.memory_space<semaphore_mem>>) src(%dma_wait3A_230 : memref<1x128xi32, #tpu.memory_space<hbm>>) dst(%run_scoped3A_2 : memref<1x128xi32, #tpu.memory_space<vmem>>)
          %add3A_231 = arith.constant 1 : i32
          %add3A_232 = arith.addi %add3A_224, %add3A_231 : i32
          %lt3A_233 = arith.constant 660 : i32
          %lt3A_234 = arith.cmpi slt, %add3A_232, %lt3A_233 : i32
          %convert_element_type3A_235 = arith.extui %lt3A_234 : i1 to i32
          %cond3A_236 = arith.constant 0 : i32
          %cond3A_237 = arith.cmpi ne, %convert_element_type3A_235, %cond3A_236 : i32
          scf.if %cond3A_237 {
            %add3A_256 = arith.constant 1 : i32
            %add3A_257 = arith.addi %add3A_224, %add3A_256 : i32
            %mul3A_258 = arith.constant 16 : i32
            %mul3A_259 = arith.muli %add3A_257, %mul3A_258 : i32
            %add3A_260 = arith.addi %mul3A_259, %arg1 : i32
            %mul3A_261 = arith.constant 1351680 : i32
            %mul3A_262 = arith.muli %add3A_17, %mul3A_261 : i32
            %mul3A_263 = arith.constant 128 : i32
            %mul3A_264 = arith.muli %add3A_260, %mul3A_263 : i32
            %add3A_265 = arith.addi %mul3A_262, %mul3A_264 : i32
            %multiple_of3A_266 = tpu.assume_multiple %add3A_265, 8 : i32
            %dma_start3A_267 = arith.constant 0 : i32
            %dma_start3A_268 = tpu.memref_slice %arg3[%dma_start3A_267, %multiple_of3A_266] : memref<1x5406720xi32, #tpu.memory_space<hbm>> -> memref<1x128xi32, #tpu.memory_space<hbm>>
            %dma_start3A_269 = arith.constant 0 : i32
            %dma_start3A_270 = tpu.memref_slice %arg3[%dma_start3A_269, %multiple_of3A_266] : memref<1x5406720xi32, #tpu.memory_space<hbm>> -> memref<1x128xi32, #tpu.memory_space<hbm>>
            tpu.enqueue_dma source(%dma_start3A_270 : memref<1x128xi32, #tpu.memory_space<hbm>>) target(%run_scoped3A_1 : memref<1x128xi32, #tpu.memory_space<vmem>>) target_semaphore(%arg5 : memref<!tpu.dma_semaphore, #tpu.memory_space<semaphore_mem>>)
          } else {
          }
          %ge3A_238 = arith.constant 1 : i32
          %ge3A_239 = arith.cmpi sge, %add3A_224, %ge3A_238 : i32
          %convert_element_type3A_240 = arith.extui %ge3A_239 : i1 to i32
          %cond3A_241 = arith.constant 0 : i32
          %cond3A_242 = arith.cmpi ne, %convert_element_type3A_240, %cond3A_241 : i32
          scf.if %cond3A_242 {
            %dma_wait3A_256 = arith.constant 0 : i32
            %dma_wait3A_257 = arith.constant 0 : i32
            %dma_wait3A_258 = tpu.memref_slice %run_scoped3A_2[%dma_wait3A_256, %dma_wait3A_257] : memref<1x128xi32, #tpu.memory_space<vmem>> -> memref<1x128xi32, #tpu.memory_space<vmem>>
            %dma_wait3A_259 = tpu.memref_squeeze %dma_wait3A_258 : memref<1x128xi32, #tpu.memory_space<vmem>> -> memref<128xi32, #tpu.memory_space<vmem>>
            %dma_wait3A_260 = arith.constant 0 : i32
            %dma_wait3A_261 = arith.constant 0 : i32
            %dma_wait3A_262 = tpu.memref_slice %arg9[%dma_wait3A_260, %dma_wait3A_261] : memref<12800x128xf32, #tpu.memory_space<vmem_shared>> -> memref<12800x128xf32, #tpu.memory_space<vmem_shared>>
            tpu.wait_indirect_dma semaphore(%arg7 : memref<!tpu.dma_semaphore, #tpu.memory_space<semaphore_mem>>) src(%run_scoped3A_0 : memref<128x128xf32, #tpu.memory_space<vmem>>) dst(%dma_wait3A_262 : memref<12800x128xf32, #tpu.memory_space<vmem_shared>>)
          } else {
          }
          %mul3A_243 = arith.constant 16 : i32
          %mul3A_244 = arith.muli %add3A_224, %mul3A_243 : i32
          %add3A_245 = arith.addi %mul3A_244, %arg1 : i32
          %mul3A_246 = arith.constant 128 : i32
          %mul3A_247 = arith.muli %add3A_245, %mul3A_246 : i32
          %multiple_of3A_248 = tpu.assume_multiple %mul3A_247, 8 : i32
          "tpu.region"() ({
            %run_scoped3A_256 = tpu.sem_alloc : memref<!tpu.dma_semaphore, #tpu.memory_space<semaphore_mem>>
            %dma_start3A_257 = arith.constant 0 : i32
            %dma_start3A_258 = tpu.memref_slice %arg2[%multiple_of3A_248, %dma_start3A_257] : memref<1351680x128xf32, #tpu.memory_space<hbm>> -> memref<128x128xf32, #tpu.memory_space<hbm>>
            %dma_start3A_259 = arith.constant 0 : i32
            %dma_start3A_260 = tpu.memref_slice %arg2[%multiple_of3A_248, %dma_start3A_259] : memref<1351680x128xf32, #tpu.memory_space<hbm>> -> memref<128x128xf32, #tpu.memory_space<hbm>>
            tpu.enqueue_dma source(%dma_start3A_260 : memref<128x128xf32, #tpu.memory_space<hbm>>) target(%run_scoped3A_0 : memref<128x128xf32, #tpu.memory_space<vmem>>) target_semaphore(%run_scoped3A_256 : memref<!tpu.dma_semaphore, #tpu.memory_space<semaphore_mem>>)
            %dma_wait3A_261 = arith.constant 0 : i32
            %dma_wait3A_262 = tpu.memref_slice %arg2[%multiple_of3A_248, %dma_wait3A_261] : memref<1351680x128xf32, #tpu.memory_space<hbm>> -> memref<128x128xf32, #tpu.memory_space<hbm>>
            %dma_wait3A_263 = arith.constant 0 : i32
            %dma_wait3A_264 = tpu.memref_slice %arg2[%multiple_of3A_248, %dma_wait3A_263] : memref<1351680x128xf32, #tpu.memory_space<hbm>> -> memref<128x128xf32, #tpu.memory_space<hbm>>
            tpu.wait_dma2 semaphore(%run_scoped3A_256 : memref<!tpu.dma_semaphore, #tpu.memory_space<semaphore_mem>>) src(%dma_wait3A_264 : memref<128x128xf32, #tpu.memory_space<hbm>>) dst(%run_scoped3A_0 : memref<128x128xf32, #tpu.memory_space<vmem>>)
            tpu.yield
          }) : () -> ()
          %dma_start3A_249 = arith.constant 0 : i32
          %dma_start3A_250 = arith.constant 0 : i32
          %dma_start3A_251 = tpu.memref_slice %run_scoped3A_2[%dma_start3A_249, %dma_start3A_250] : memref<1x128xi32, #tpu.memory_space<vmem>> -> memref<1x128xi32, #tpu.memory_space<vmem>>
          %dma_start3A_252 = tpu.memref_squeeze %dma_start3A_251 : memref<1x128xi32, #tpu.memory_space<vmem>> -> memref<128xi32, #tpu.memory_space<vmem>>
          %dma_start3A_253 = arith.constant 0 : i32
          %dma_start3A_254 = arith.constant 0 : i32
          %dma_start3A_255 = tpu.memref_slice %arg9[%dma_start3A_253, %dma_start3A_254] : memref<12800x128xf32, #tpu.memory_space<vmem_shared>> -> memref<12800x128xf32, #tpu.memory_space<vmem_shared>>
          tpu.enqueue_indirect_dma source(%run_scoped3A_0 : memref<128x128xf32, #tpu.memory_space<vmem>>) target(%dma_start3A_255 : memref<12800x128xf32, #tpu.memory_space<vmem_shared>>) offsets(%dma_start3A_252 : memref<128xi32, #tpu.memory_space<vmem>>) semaphore(%arg7 : memref<!tpu.dma_semaphore, #tpu.memory_space<semaphore_mem>>) {add = true}
        }
        %scan3A_85 = arith.constant 330 : i32
        %dma_wait3A = arith.constant 0 : i32
        %dma_wait3A_86 = arith.constant 0 : i32
        %dma_wait3A_87 = tpu.memref_slice %run_scoped3A_2[%dma_wait3A, %dma_wait3A_86] : memref<1x128xi32, #tpu.memory_space<vmem>> -> memref<1x128xi32, #tpu.memory_space<vmem>>
        %dma_wait3A_88 = tpu.memref_squeeze %dma_wait3A_87 : memref<1x128xi32, #tpu.memory_space<vmem>> -> memref<128xi32, #tpu.memory_space<vmem>>
        %dma_wait3A_89 = arith.constant 0 : i32
        %dma_wait3A_90 = arith.constant 0 : i32
        %dma_wait3A_91 = tpu.memref_slice %arg9[%dma_wait3A_89, %dma_wait3A_90] : memref<12800x128xf32, #tpu.memory_space<vmem_shared>> -> memref<12800x128xf32, #tpu.memory_space<vmem_shared>>
        tpu.wait_indirect_dma semaphore(%arg7 : memref<!tpu.dma_semaphore, #tpu.memory_space<semaphore_mem>>) src(%run_scoped3A_0 : memref<128x128xf32, #tpu.memory_space<vmem>>) dst(%dma_wait3A_91 : memref<12800x128xf32, #tpu.memory_space<vmem_shared>>)
        %barrier3A_92 = arith.constant 0 : index
        tpu.barrier barrier_id(%barrier3A_92)
        %mul3A_93 = arith.constant 784 : i32
        %mul3A_94 = arith.muli %arg1, %mul3A_93 : i32
        %add3A_95 = arith.constant 0 : i32
        %add3A_96 = arith.addi %mul3A_94, %add3A_95 : i32
        %multiple_of3A_97 = tpu.assume_multiple %add3A_96, 8 : i32
        %mul3A_98 = arith.constant 12544 : i32
        %mul3A_99 = arith.muli %add3A_17, %mul3A_98 : i32
        %mul3A_100 = arith.constant 784 : i32
        %mul3A_101 = arith.muli %arg1, %mul3A_100 : i32
        %add3A_102 = arith.addi %mul3A_99, %mul3A_101 : i32
        %add3A_103 = arith.constant 0 : i32
        %add3A_104 = arith.addi %add3A_102, %add3A_103 : i32
        %multiple_of3A_105 = tpu.assume_multiple %add3A_104, 8 : i32
        "tpu.region"() ({
          %run_scoped3A_185 = tpu.sem_alloc : memref<!tpu.dma_semaphore, #tpu.memory_space<semaphore_mem>>
          %dma_start3A_186 = arith.constant 0 : i32
          %dma_start3A_187 = tpu.memref_slice %arg4[%multiple_of3A_105, %dma_start3A_186] : memref<50176x128xf32, #tpu.memory_space<hbm>> -> memref<112x128xf32, #tpu.memory_space<hbm>>
          %dma_start3A_188 = arith.constant 0 : i32
          %dma_start3A_189 = tpu.memref_slice %arg9[%multiple_of3A_97, %dma_start3A_188] : memref<12800x128xf32, #tpu.memory_space<vmem_shared>> -> memref<112x128xf32, #tpu.memory_space<vmem_shared>>
          tpu.enqueue_dma source(%dma_start3A_189 : memref<112x128xf32, #tpu.memory_space<vmem_shared>>) target(%dma_start3A_187 : memref<112x128xf32, #tpu.memory_space<hbm>>) target_semaphore(%run_scoped3A_185 : memref<!tpu.dma_semaphore, #tpu.memory_space<semaphore_mem>>)
          %dma_wait3A_190 = arith.constant 0 : i32
          %dma_wait3A_191 = tpu.memref_slice %arg4[%multiple_of3A_105, %dma_wait3A_190] : memref<50176x128xf32, #tpu.memory_space<hbm>> -> memref<112x128xf32, #tpu.memory_space<hbm>>
          %dma_wait3A_192 = arith.constant 0 : i32
          %dma_wait3A_193 = tpu.memref_slice %arg9[%multiple_of3A_97, %dma_wait3A_192] : memref<12800x128xf32, #tpu.memory_space<vmem_shared>> -> memref<112x128xf32, #tpu.memory_space<vmem_shared>>
          tpu.wait_dma2 semaphore(%run_scoped3A_185 : memref<!tpu.dma_semaphore, #tpu.memory_space<semaphore_mem>>) src(%dma_wait3A_193 : memref<112x128xf32, #tpu.memory_space<vmem_shared>>) dst(%dma_wait3A_191 : memref<112x128xf32, #tpu.memory_space<hbm>>)
          tpu.yield
        }) : () -> ()
        %mul3A_106 = arith.constant 784 : i32
        %mul3A_107 = arith.muli %arg1, %mul3A_106 : i32
        %add3A_108 = arith.constant 112 : i32
        %add3A_109 = arith.addi %mul3A_107, %add3A_108 : i32
        %multiple_of3A_110 = tpu.assume_multiple %add3A_109, 8 : i32
        %mul3A_111 = arith.constant 12544 : i32
        %mul3A_112 = arith.muli %add3A_17, %mul3A_111 : i32
        %mul3A_113 = arith.constant 784 : i32
        %mul3A_114 = arith.muli %arg1, %mul3A_113 : i32
        %add3A_115 = arith.addi %mul3A_112, %mul3A_114 : i32
        %add3A_116 = arith.constant 112 : i32
        %add3A_117 = arith.addi %add3A_115, %add3A_116 : i32
        %multiple_of3A_118 = tpu.assume_multiple %add3A_117, 8 : i32
        "tpu.region"() ({
          %run_scoped3A_185 = tpu.sem_alloc : memref<!tpu.dma_semaphore, #tpu.memory_space<semaphore_mem>>
          %dma_start3A_186 = arith.constant 0 : i32
          %dma_start3A_187 = tpu.memref_slice %arg4[%multiple_of3A_118, %dma_start3A_186] : memref<50176x128xf32, #tpu.memory_space<hbm>> -> memref<112x128xf32, #tpu.memory_space<hbm>>
          %dma_start3A_188 = arith.constant 0 : i32
          %dma_start3A_189 = tpu.memref_slice %arg9[%multiple_of3A_110, %dma_start3A_188] : memref<12800x128xf32, #tpu.memory_space<vmem_shared>> -> memref<112x128xf32, #tpu.memory_space<vmem_shared>>
          tpu.enqueue_dma source(%dma_start3A_189 : memref<112x128xf32, #tpu.memory_space<vmem_shared>>) target(%dma_start3A_187 : memref<112x128xf32, #tpu.memory_space<hbm>>) target_semaphore(%run_scoped3A_185 : memref<!tpu.dma_semaphore, #tpu.memory_space<semaphore_mem>>)
          %dma_wait3A_190 = arith.constant 0 : i32
          %dma_wait3A_191 = tpu.memref_slice %arg4[%multiple_of3A_118, %dma_wait3A_190] : memref<50176x128xf32, #tpu.memory_space<hbm>> -> memref<112x128xf32, #tpu.memory_space<hbm>>
          %dma_wait3A_192 = arith.constant 0 : i32
          %dma_wait3A_193 = tpu.memref_slice %arg9[%multiple_of3A_110, %dma_wait3A_192] : memref<12800x128xf32, #tpu.memory_space<vmem_shared>> -> memref<112x128xf32, #tpu.memory_space<vmem_shared>>
          tpu.wait_dma2 semaphore(%run_scoped3A_185 : memref<!tpu.dma_semaphore, #tpu.memory_space<semaphore_mem>>) src(%dma_wait3A_193 : memref<112x128xf32, #tpu.memory_space<vmem_shared>>) dst(%dma_wait3A_191 : memref<112x128xf32, #tpu.memory_space<hbm>>)
          tpu.yield
        }) : () -> ()
        %mul3A_119 = arith.constant 784 : i32
        %mul3A_120 = arith.muli %arg1, %mul3A_119 : i32
        %add3A_121 = arith.constant 224 : i32
        %add3A_122 = arith.addi %mul3A_120, %add3A_121 : i32
        %multiple_of3A_123 = tpu.assume_multiple %add3A_122, 8 : i32
        %mul3A_124 = arith.constant 12544 : i32
        %mul3A_125 = arith.muli %add3A_17, %mul3A_124 : i32
        %mul3A_126 = arith.constant 784 : i32
        %mul3A_127 = arith.muli %arg1, %mul3A_126 : i32
        %add3A_128 = arith.addi %mul3A_125, %mul3A_127 : i32
        %add3A_129 = arith.constant 224 : i32
        %add3A_130 = arith.addi %add3A_128, %add3A_129 : i32
        %multiple_of3A_131 = tpu.assume_multiple %add3A_130, 8 : i32
        "tpu.region"() ({
          %run_scoped3A_185 = tpu.sem_alloc : memref<!tpu.dma_semaphore, #tpu.memory_space<semaphore_mem>>
          %dma_start3A_186 = arith.constant 0 : i32
          %dma_start3A_187 = tpu.memref_slice %arg4[%multiple_of3A_131, %dma_start3A_186] : memref<50176x128xf32, #tpu.memory_space<hbm>> -> memref<112x128xf32, #tpu.memory_space<hbm>>
          %dma_start3A_188 = arith.constant 0 : i32
          %dma_start3A_189 = tpu.memref_slice %arg9[%multiple_of3A_123, %dma_start3A_188] : memref<12800x128xf32, #tpu.memory_space<vmem_shared>> -> memref<112x128xf32, #tpu.memory_space<vmem_shared>>
          tpu.enqueue_dma source(%dma_start3A_189 : memref<112x128xf32, #tpu.memory_space<vmem_shared>>) target(%dma_start3A_187 : memref<112x128xf32, #tpu.memory_space<hbm>>) target_semaphore(%run_scoped3A_185 : memref<!tpu.dma_semaphore, #tpu.memory_space<semaphore_mem>>)
          %dma_wait3A_190 = arith.constant 0 : i32
          %dma_wait3A_191 = tpu.memref_slice %arg4[%multiple_of3A_131, %dma_wait3A_190] : memref<50176x128xf32, #tpu.memory_space<hbm>> -> memref<112x128xf32, #tpu.memory_space<hbm>>
          %dma_wait3A_192 = arith.constant 0 : i32
          %dma_wait3A_193 = tpu.memref_slice %arg9[%multiple_of3A_123, %dma_wait3A_192] : memref<12800x128xf32, #tpu.memory_space<vmem_shared>> -> memref<112x128xf32, #tpu.memory_space<vmem_shared>>
          tpu.wait_dma2 semaphore(%run_scoped3A_185 : memref<!tpu.dma_semaphore, #tpu.memory_space<semaphore_mem>>) src(%dma_wait3A_193 : memref<112x128xf32, #tpu.memory_space<vmem_shared>>) dst(%dma_wait3A_191 : memref<112x128xf32, #tpu.memory_space<hbm>>)
          tpu.yield
        }) : () -> ()
        %mul3A_132 = arith.constant 784 : i32
        %mul3A_133 = arith.muli %arg1, %mul3A_132 : i32
        %add3A_134 = arith.constant 336 : i32
        %add3A_135 = arith.addi %mul3A_133, %add3A_134 : i32
        %multiple_of3A_136 = tpu.assume_multiple %add3A_135, 8 : i32
        %mul3A_137 = arith.constant 12544 : i32
        %mul3A_138 = arith.muli %add3A_17, %mul3A_137 : i32
        %mul3A_139 = arith.constant 784 : i32
        %mul3A_140 = arith.muli %arg1, %mul3A_139 : i32
        %add3A_141 = arith.addi %mul3A_138, %mul3A_140 : i32
        %add3A_142 = arith.constant 336 : i32
        %add3A_143 = arith.addi %add3A_141, %add3A_142 : i32
        %multiple_of3A_144 = tpu.assume_multiple %add3A_143, 8 : i32
        "tpu.region"() ({
          %run_scoped3A_185 = tpu.sem_alloc : memref<!tpu.dma_semaphore, #tpu.memory_space<semaphore_mem>>
          %dma_start3A_186 = arith.constant 0 : i32
          %dma_start3A_187 = tpu.memref_slice %arg4[%multiple_of3A_144, %dma_start3A_186] : memref<50176x128xf32, #tpu.memory_space<hbm>> -> memref<112x128xf32, #tpu.memory_space<hbm>>
          %dma_start3A_188 = arith.constant 0 : i32
          %dma_start3A_189 = tpu.memref_slice %arg9[%multiple_of3A_136, %dma_start3A_188] : memref<12800x128xf32, #tpu.memory_space<vmem_shared>> -> memref<112x128xf32, #tpu.memory_space<vmem_shared>>
          tpu.enqueue_dma source(%dma_start3A_189 : memref<112x128xf32, #tpu.memory_space<vmem_shared>>) target(%dma_start3A_187 : memref<112x128xf32, #tpu.memory_space<hbm>>) target_semaphore(%run_scoped3A_185 : memref<!tpu.dma_semaphore, #tpu.memory_space<semaphore_mem>>)
          %dma_wait3A_190 = arith.constant 0 : i32
          %dma_wait3A_191 = tpu.memref_slice %arg4[%multiple_of3A_144, %dma_wait3A_190] : memref<50176x128xf32, #tpu.memory_space<hbm>> -> memref<112x128xf32, #tpu.memory_space<hbm>>
          %dma_wait3A_192 = arith.constant 0 : i32
          %dma_wait3A_193 = tpu.memref_slice %arg9[%multiple_of3A_136, %dma_wait3A_192] : memref<12800x128xf32, #tpu.memory_space<vmem_shared>> -> memref<112x128xf32, #tpu.memory_space<vmem_shared>>
          tpu.wait_dma2 semaphore(%run_scoped3A_185 : memref<!tpu.dma_semaphore, #tpu.memory_space<semaphore_mem>>) src(%dma_wait3A_193 : memref<112x128xf32, #tpu.memory_space<vmem_shared>>) dst(%dma_wait3A_191 : memref<112x128xf32, #tpu.memory_space<hbm>>)
          tpu.yield
        }) : () -> ()
        %mul3A_145 = arith.constant 784 : i32
        %mul3A_146 = arith.muli %arg1, %mul3A_145 : i32
        %add3A_147 = arith.constant 448 : i32
        %add3A_148 = arith.addi %mul3A_146, %add3A_147 : i32
        %multiple_of3A_149 = tpu.assume_multiple %add3A_148, 8 : i32
        %mul3A_150 = arith.constant 12544 : i32
        %mul3A_151 = arith.muli %add3A_17, %mul3A_150 : i32
        %mul3A_152 = arith.constant 784 : i32
        %mul3A_153 = arith.muli %arg1, %mul3A_152 : i32
        %add3A_154 = arith.addi %mul3A_151, %mul3A_153 : i32
        %add3A_155 = arith.constant 448 : i32
        %add3A_156 = arith.addi %add3A_154, %add3A_155 : i32
        %multiple_of3A_157 = tpu.assume_multiple %add3A_156, 8 : i32
        "tpu.region"() ({
          %run_scoped3A_185 = tpu.sem_alloc : memref<!tpu.dma_semaphore, #tpu.memory_space<semaphore_mem>>
          %dma_start3A_186 = arith.constant 0 : i32
          %dma_start3A_187 = tpu.memref_slice %arg4[%multiple_of3A_157, %dma_start3A_186] : memref<50176x128xf32, #tpu.memory_space<hbm>> -> memref<112x128xf32, #tpu.memory_space<hbm>>
          %dma_start3A_188 = arith.constant 0 : i32
          %dma_start3A_189 = tpu.memref_slice %arg9[%multiple_of3A_149, %dma_start3A_188] : memref<12800x128xf32, #tpu.memory_space<vmem_shared>> -> memref<112x128xf32, #tpu.memory_space<vmem_shared>>
          tpu.enqueue_dma source(%dma_start3A_189 : memref<112x128xf32, #tpu.memory_space<vmem_shared>>) target(%dma_start3A_187 : memref<112x128xf32, #tpu.memory_space<hbm>>) target_semaphore(%run_scoped3A_185 : memref<!tpu.dma_semaphore, #tpu.memory_space<semaphore_mem>>)
          %dma_wait3A_190 = arith.constant 0 : i32
          %dma_wait3A_191 = tpu.memref_slice %arg4[%multiple_of3A_157, %dma_wait3A_190] : memref<50176x128xf32, #tpu.memory_space<hbm>> -> memref<112x128xf32, #tpu.memory_space<hbm>>
          %dma_wait3A_192 = arith.constant 0 : i32
          %dma_wait3A_193 = tpu.memref_slice %arg9[%multiple_of3A_149, %dma_wait3A_192] : memref<12800x128xf32, #tpu.memory_space<vmem_shared>> -> memref<112x128xf32, #tpu.memory_space<vmem_shared>>
          tpu.wait_dma2 semaphore(%run_scoped3A_185 : memref<!tpu.dma_semaphore, #tpu.memory_space<semaphore_mem>>) src(%dma_wait3A_193 : memref<112x128xf32, #tpu.memory_space<vmem_shared>>) dst(%dma_wait3A_191 : memref<112x128xf32, #tpu.memory_space<hbm>>)
          tpu.yield
        }) : () -> ()
        %mul3A_158 = arith.constant 784 : i32
        %mul3A_159 = arith.muli %arg1, %mul3A_158 : i32
        %add3A_160 = arith.constant 560 : i32
        %add3A_161 = arith.addi %mul3A_159, %add3A_160 : i32
        %multiple_of3A_162 = tpu.assume_multiple %add3A_161, 8 : i32
        %mul3A_163 = arith.constant 12544 : i32
        %mul3A_164 = arith.muli %add3A_17, %mul3A_163 : i32
        %mul3A_165 = arith.constant 784 : i32
        %mul3A_166 = arith.muli %arg1, %mul3A_165 : i32
        %add3A_167 = arith.addi %mul3A_164, %mul3A_166 : i32
        %add3A_168 = arith.constant 560 : i32
        %add3A_169 = arith.addi %add3A_167, %add3A_168 : i32
        %multiple_of3A_170 = tpu.assume_multiple %add3A_169, 8 : i32
        "tpu.region"() ({
          %run_scoped3A_185 = tpu.sem_alloc : memref<!tpu.dma_semaphore, #tpu.memory_space<semaphore_mem>>
          %dma_start3A_186 = arith.constant 0 : i32
          %dma_start3A_187 = tpu.memref_slice %arg4[%multiple_of3A_170, %dma_start3A_186] : memref<50176x128xf32, #tpu.memory_space<hbm>> -> memref<112x128xf32, #tpu.memory_space<hbm>>
          %dma_start3A_188 = arith.constant 0 : i32
          %dma_start3A_189 = tpu.memref_slice %arg9[%multiple_of3A_162, %dma_start3A_188] : memref<12800x128xf32, #tpu.memory_space<vmem_shared>> -> memref<112x128xf32, #tpu.memory_space<vmem_shared>>
          tpu.enqueue_dma source(%dma_start3A_189 : memref<112x128xf32, #tpu.memory_space<vmem_shared>>) target(%dma_start3A_187 : memref<112x128xf32, #tpu.memory_space<hbm>>) target_semaphore(%run_scoped3A_185 : memref<!tpu.dma_semaphore, #tpu.memory_space<semaphore_mem>>)
          %dma_wait3A_190 = arith.constant 0 : i32
          %dma_wait3A_191 = tpu.memref_slice %arg4[%multiple_of3A_170, %dma_wait3A_190] : memref<50176x128xf32, #tpu.memory_space<hbm>> -> memref<112x128xf32, #tpu.memory_space<hbm>>
          %dma_wait3A_192 = arith.constant 0 : i32
          %dma_wait3A_193 = tpu.memref_slice %arg9[%multiple_of3A_162, %dma_wait3A_192] : memref<12800x128xf32, #tpu.memory_space<vmem_shared>> -> memref<112x128xf32, #tpu.memory_space<vmem_shared>>
          tpu.wait_dma2 semaphore(%run_scoped3A_185 : memref<!tpu.dma_semaphore, #tpu.memory_space<semaphore_mem>>) src(%dma_wait3A_193 : memref<112x128xf32, #tpu.memory_space<vmem_shared>>) dst(%dma_wait3A_191 : memref<112x128xf32, #tpu.memory_space<hbm>>)
          tpu.yield
        }) : () -> ()
        %mul3A_171 = arith.constant 784 : i32
        %mul3A_172 = arith.muli %arg1, %mul3A_171 : i32
        %add3A_173 = arith.constant 672 : i32
        %add3A_174 = arith.addi %mul3A_172, %add3A_173 : i32
        %multiple_of3A_175 = tpu.assume_multiple %add3A_174, 8 : i32
        %mul3A_176 = arith.constant 12544 : i32
        %mul3A_177 = arith.muli %add3A_17, %mul3A_176 : i32
        %mul3A_178 = arith.constant 784 : i32
        %mul3A_179 = arith.muli %arg1, %mul3A_178 : i32
        %add3A_180 = arith.addi %mul3A_177, %mul3A_179 : i32
        %add3A_181 = arith.constant 672 : i32
        %add3A_182 = arith.addi %add3A_180, %add3A_181 : i32
        %multiple_of3A_183 = tpu.assume_multiple %add3A_182, 8 : i32
        "tpu.region"() ({
          %run_scoped3A_185 = tpu.sem_alloc : memref<!tpu.dma_semaphore, #tpu.memory_space<semaphore_mem>>
          %dma_start3A_186 = arith.constant 0 : i32
          %dma_start3A_187 = tpu.memref_slice %arg4[%multiple_of3A_183, %dma_start3A_186] : memref<50176x128xf32, #tpu.memory_space<hbm>> -> memref<112x128xf32, #tpu.memory_space<hbm>>
          %dma_start3A_188 = arith.constant 0 : i32
          %dma_start3A_189 = tpu.memref_slice %arg9[%multiple_of3A_175, %dma_start3A_188] : memref<12800x128xf32, #tpu.memory_space<vmem_shared>> -> memref<112x128xf32, #tpu.memory_space<vmem_shared>>
          tpu.enqueue_dma source(%dma_start3A_189 : memref<112x128xf32, #tpu.memory_space<vmem_shared>>) target(%dma_start3A_187 : memref<112x128xf32, #tpu.memory_space<hbm>>) target_semaphore(%run_scoped3A_185 : memref<!tpu.dma_semaphore, #tpu.memory_space<semaphore_mem>>)
          %dma_wait3A_190 = arith.constant 0 : i32
          %dma_wait3A_191 = tpu.memref_slice %arg4[%multiple_of3A_183, %dma_wait3A_190] : memref<50176x128xf32, #tpu.memory_space<hbm>> -> memref<112x128xf32, #tpu.memory_space<hbm>>
          %dma_wait3A_192 = arith.constant 0 : i32
          %dma_wait3A_193 = tpu.memref_slice %arg9[%multiple_of3A_175, %dma_wait3A_192] : memref<12800x128xf32, #tpu.memory_space<vmem_shared>> -> memref<112x128xf32, #tpu.memory_space<vmem_shared>>
          tpu.wait_dma2 semaphore(%run_scoped3A_185 : memref<!tpu.dma_semaphore, #tpu.memory_space<semaphore_mem>>) src(%dma_wait3A_193 : memref<112x128xf32, #tpu.memory_space<vmem_shared>>) dst(%dma_wait3A_191 : memref<112x128xf32, #tpu.memory_space<hbm>>)
          tpu.yield
        }) : () -> ()
        %barrier3A_184 = arith.constant 0 : index
        tpu.barrier barrier_id(%barrier3A_184)
      }
      %scan3A_11 = arith.constant 2 : i32
      tpu.yield
    }) : () -> ()
    return
  }
}

module attributes {stable_mosaic.version = 14 : i64} {
  func.func @body(%arg0: i32, %arg1: memref<2000x64xf32, #tpu.memory_space<vmem>>, %arg2: memref<2000x128xf32, #tpu.memory_space<vmem>>) attributes {dimension_semantics = [#tpu.dimension_semantics<arbitrary>], iteration_bounds = array<i64: 50>, scalar_prefetch = 0 : i64, scratch_operands = 0 : i64, tpu.core_type = #tpu.core_type<tc>, window_params = [{transform_indices = @transform_0, window_bounds = array<i64: 2000, 64>}, {transform_indices = @transform_1, window_bounds = array<i64: 2000, 128>}]} {
    %get3A = arith.constant 0 : index
    %get3A_0 = arith.constant 0 : index
    %get3A_1 = vector.load %arg1[%get3A, %get3A_0] : memref<2000x64xf32, #tpu.memory_space<vmem>>, vector<2000x64xf32>
    %broadcast_in_dim3A = arith.constant 0.000000e+00 : f32
    %broadcast_in_dim3A_2 = vector.broadcast %broadcast_in_dim3A : f32 to vector<2000x64xf32>
    %concatenate3A = tpu.concatenate %get3A_1, %broadcast_in_dim3A_2 in 1 : vector<2000x64xf32>, vector<2000x64xf32> -> vector<2000x128xf32>
    %swap3A = arith.constant 0 : index
    %swap3A_3 = arith.constant 0 : index
    %swap3A_4 = vector.load %arg2[%swap3A, %swap3A_3] : memref<2000x128xf32, #tpu.memory_space<vmem>>, vector<2000x128xf32>
    tpu.vector_store %arg2[%swap3A, %swap3A_3], %concatenate3A {strides = array<i32>} : memref<2000x128xf32, #tpu.memory_space<vmem>>, vector<2000x128xf32>,
    return
  }
  func.func @transform_0(%arg0: i32) -> (i32, i32) {
    %c0_i32 = arith.constant 0 : i32
    %c0_i32_0 = arith.constant 0 : i32
    return %arg0, %c0_i32 : i32, i32
  }
  func.func @transform_1(%arg0: i32) -> (i32, i32) {
    %c0_i32 = arith.constant 0 : i32
    %c0_i32_0 = arith.constant 0 : i32
    return %arg0, %c0_i32 : i32, i32
  }
}

module attributes {stable_mosaic.version = 14 : i64} {
  func.func @body(%arg0: i32, %arg1: i32, %arg2: memref<1x8192xi32, #tpu.memory_space<vmem>>, %arg3: memref<1x8192xi32, #tpu.memory_space<vmem>>) attributes {dimension_semantics = [#tpu.dimension_semantics<arbitrary>, #tpu.dimension_semantics<arbitrary>], iteration_bounds = array<i64: 4, 165>, scalar_prefetch = 0 : i64, scratch_operands = 0 : i64, tpu.core_type = #tpu.core_type<tc>, window_params = [{transform_indices = @transform_0, window_bounds = array<i64: 1, 8192>}, {transform_indices = @transform_1, window_bounds = array<i64: 1, 8192>}]} {
    %get3A = arith.constant 0 : index
    %get3A_0 = arith.constant 0 : index
    %get3A_1 = vector.load %arg2[%get3A, %get3A_0] : memref<1x8192xi32, #tpu.memory_space<vmem>>, vector<1x8192xi32>
    %mul3A = arith.constant 25088 : i32
    %mul3A_2 = arith.muli %arg0, %mul3A : i32
    %sub3A = vector.broadcast %mul3A_2 : i32 to vector<1x8192xi32>
    %sub3A_3 = arith.subi %get3A_1, %sub3A : vector<1x8192xi32>
    %shift_right_logical3A = arith.constant 1 : i32
    %shift_right_logical3A_4 = vector.broadcast %shift_right_logical3A : i32 to vector<1x8192xi32>
    %shift_right_logical3A_5 = arith.shrui %sub3A_3, %shift_right_logical3A_4 : vector<1x8192xi32>
    %lt3A = vector.broadcast %mul3A_2 : i32 to vector<1x8192xi32>
    %lt3A_6 = arith.cmpi slt, %get3A_1, %lt3A : vector<1x8192xi32>
    %add3A = arith.constant 25088 : i32
    %add3A_7 = arith.addi %mul3A_2, %add3A : i32
    %ge3A = vector.broadcast %add3A_7 : i32 to vector<1x8192xi32>
    %ge3A_8 = arith.cmpi sge, %get3A_1, %ge3A : vector<1x8192xi32>
    %or3A = arith.ori %lt3A_6, %ge3A_8 : vector<1x8192xi1>
    %iota3A = tpu.iota {dimensions = array<i32: 1>} : vector<1x8192xi32>
    %and3A = arith.constant 255 : i32
    %and3A_9 = vector.broadcast %and3A : i32 to vector<1x8192xi32>
    %and3A_10 = arith.andi %iota3A, %and3A_9 : vector<1x8192xi32>
    %add3A_11 = arith.constant 12544 : i32
    %add3A_12 = vector.broadcast %add3A_11 : i32 to vector<1x8192xi32>
    %add3A_13 = arith.addi %add3A_12, %and3A_10 : vector<1x8192xi32>
    %select_n3A = arith.select %or3A, %add3A_13, %shift_right_logical3A_5 : vector<1x8192xi1>, vector<1x8192xi32>
    %swap3A = arith.constant 0 : index
    %swap3A_14 = arith.constant 0 : index
    %swap3A_15 = vector.load %arg3[%swap3A, %swap3A_14] : memref<1x8192xi32, #tpu.memory_space<vmem>>, vector<1x8192xi32>
    tpu.vector_store %arg3[%swap3A, %swap3A_14], %select_n3A {strides = array<i32>} : memref<1x8192xi32, #tpu.memory_space<vmem>>, vector<1x8192xi32>,
    return
  }
  func.func @transform_0(%arg0: i32, %arg1: i32) -> (i32, i32) {
    %c0_i32 = arith.constant 0 : i32
    %c0_i32_0 = arith.constant 0 : i32
    return %c0_i32, %arg1 : i32, i32
  }
  func.func @transform_1(%arg0: i32, %arg1: i32) -> (i32, i32) {
    %mul3A = arith.constant 165 : i32
    %mul3A_0 = arith.muli %arg0, %mul3A : i32
    %add3A = arith.addi %mul3A_0, %arg1 : i32
    %c0_i32 = arith.constant 0 : i32
    %c0_i32_1 = arith.constant 0 : i32
    return %c0_i32, %add3A : i32, i32
  }
}

module attributes {stable_mosaic.version = 14 : i64} {
  func.func @body(%arg0: i32, %arg1: i32, %arg2: memref<2000x128xf32, #tpu.memory_space<vmem>>, %arg3: memref<1x128x128xf32, #tpu.memory_space<vmem>>, %arg4: memref<2000x1xf32, #tpu.memory_space<vmem>>, %arg5: memref<2000x128xf32, #tpu.memory_space<vmem>>) attributes {dimension_semantics = [#tpu.dimension_semantics<arbitrary>, #tpu.dimension_semantics<arbitrary>], iteration_bounds = array<i64: 27, 25>, scalar_prefetch = 0 : i64, scratch_operands = 0 : i64, tpu.core_type = #tpu.core_type<tc>, window_params = [{transform_indices = @transform_0, window_bounds = array<i64: 2000, 128>}, {transform_indices = @transform_1, window_bounds = array<i64: 1, 128, 128>}, {transform_indices = @transform_2, window_bounds = array<i64: 2000, 1>}, {transform_indices = @transform_3, window_bounds = array<i64: 2000, 128>}]} {
    %get3A = arith.constant 0 : index
    %get3A_0 = arith.constant 0 : index
    %get3A_1 = vector.load %arg2[%get3A, %get3A_0] : memref<2000x128xf32, #tpu.memory_space<vmem>>, vector<2000x128xf32>
    %convert_element_type3A = arith.truncf %get3A_1 : vector<2000x128xf32> to vector<2000x128xbf16>
    %get3A_2 = arith.constant 0 : index
    %get3A_3 = arith.constant 0 : index
    %get3A_4 = arith.constant 0 : index
    %get3A_5 = vector.load %arg3[%get3A_2, %get3A_3, %get3A_4] : memref<1x128x128xf32, #tpu.memory_space<vmem>>, vector<1x128x128xf32>
    %get3A_6 = vector.shape_cast %get3A_5 : vector<1x128x128xf32> to vector<128x128xf32>
    %convert_element_type3A_7 = arith.truncf %get3A_6 : vector<128x128xf32> to vector<128x128xbf16>
    %dot_general3A = arith.constant dense<0.000000e+00> : vector<2000x128xf32>
    %dot_general3A_8 = tpu.matmul %convert_element_type3A, %convert_element_type3A_7, %dot_general3A {dimension_numbers = #tpu.dot_dimension_numbers<[1], [0], [0], [1], [0, 0, 1, 1], [], []>, transpose_lhs_hint = false} : vector<2000x128xbf16>, vector<128x128xbf16>, vector<2000x128xf32> -> vector<2000x128xf32>
    %iota3A = tpu.iota {dimensions = array<i32: 1>} : vector<2000x128xi32>
    %get3A_9 = arith.constant 0 : index
    %get3A_10 = arith.constant 0 : index
    %get3A_11 = vector.load %arg4[%get3A_9, %get3A_10] : memref<2000x1xf32, #tpu.memory_space<vmem>>, vector<2000x1xf32>
    %lt3A = arith.constant 64 : i32
    %lt3A_12 = vector.broadcast %lt3A : i32 to vector<2000x128xi32>
    %lt3A_13 = arith.cmpi slt, %iota3A, %lt3A_12 : vector<2000x128xi32>
    %sub3A = arith.constant 1.000000e+00 : f32
    %sub3A_14 = vector.broadcast %sub3A : f32 to vector<2000x1xf32>
    %sub3A_15 = arith.subf %sub3A_14, %get3A_11 : vector<2000x1xf32>
    %broadcast_in_dim3A = vector.shape_cast %sub3A_15 : vector<2000x1xf32> to vector<2000x1xf32>
    %broadcast_in_dim3A_16 = vector.broadcast %broadcast_in_dim3A : vector<2000x1xf32> to vector<2000x128xf32>
    %broadcast_in_dim3A_17 = vector.shape_cast %get3A_11 : vector<2000x1xf32> to vector<2000x1xf32>
    %broadcast_in_dim3A_18 = vector.broadcast %broadcast_in_dim3A_17 : vector<2000x1xf32> to vector<2000x128xf32>
    %select_n3A = arith.select %lt3A_13, %broadcast_in_dim3A_16, %broadcast_in_dim3A_18 : vector<2000x128xi1>, vector<2000x128xf32>
    %mul3A = arith.mulf %dot_general3A_8, %select_n3A : vector<2000x128xf32>
    %swap3A = arith.constant 0 : index
    %swap3A_19 = arith.constant 0 : index
    %swap3A_20 = vector.load %arg5[%swap3A, %swap3A_19] : memref<2000x128xf32, #tpu.memory_space<vmem>>, vector<2000x128xf32>
    tpu.vector_store %arg5[%swap3A, %swap3A_19], %mul3A {strides = array<i32>} : memref<2000x128xf32, #tpu.memory_space<vmem>>, vector<2000x128xf32>,
    return
  }
  func.func @transform_0(%arg0: i32, %arg1: i32) -> (i32, i32) {
    %mul3A = arith.constant 25 : i32
    %mul3A_0 = arith.muli %arg0, %mul3A : i32
    %add3A = arith.addi %mul3A_0, %arg1 : i32
    %c0_i32 = arith.constant 0 : i32
    %c0_i32_1 = arith.constant 0 : i32
    return %add3A, %c0_i32 : i32, i32
  }
  func.func @transform_1(%arg0: i32, %arg1: i32) -> (i32, i32, i32) {
    %c0_i32 = arith.constant 0 : i32
    %c0_i32_0 = arith.constant 0 : i32
    %c0_i32_1 = arith.constant 0 : i32
    return %arg0, %c0_i32, %c0_i32_0 : i32, i32, i32
  }
  func.func @transform_2(%arg0: i32, %arg1: i32) -> (i32, i32) {
    %mul3A = arith.constant 25 : i32
    %mul3A_0 = arith.muli %arg0, %mul3A : i32
    %add3A = arith.addi %mul3A_0, %arg1 : i32
    %c0_i32 = arith.constant 0 : i32
    %c0_i32_1 = arith.constant 0 : i32
    return %add3A, %c0_i32 : i32, i32
  }
  func.func @transform_3(%arg0: i32, %arg1: i32) -> (i32, i32) {
    %mul3A = arith.constant 25 : i32
    %mul3A_0 = arith.muli %arg0, %mul3A : i32
    %add3A = arith.addi %mul3A_0, %arg1 : i32
    %c0_i32 = arith.constant 0 : i32
    %c0_i32_1 = arith.constant 0 : i32
    return %add3A, %c0_i32 : i32, i32
  }
}

module attributes {stable_mosaic.version = 14 : i64} {
  func.func @body(%arg0: i32, %arg1: memref<784x128xf32, #tpu.memory_space<vmem>>, %arg2: memref<8x128xf32, #tpu.memory_space<vmem>>) attributes {dimension_semantics = [#tpu.dimension_semantics<arbitrary>], iteration_bounds = array<i64: 64>, scalar_prefetch = 0 : i64, scratch_operands = 0 : i64, tpu.core_type = #tpu.core_type<tc>, window_params = [{transform_indices = @transform_0, window_bounds = array<i64: 784, 128>}, {pipeline_mode = #tpu.pipeline_mode<synchronous>, transform_indices = @transform_1, window_bounds = array<i64: 8, 128>}]} {
    %eq3A = arith.constant 0 : i32
    %eq3A_0 = arith.cmpi eq, %arg0, %eq3A : i32
    %convert_element_type3A = arith.extui %eq3A_0 : i1 to i32
    %cond3A = arith.constant 0 : i32
    %cond3A_1 = arith.cmpi ne, %convert_element_type3A, %cond3A : i32
    scf.if %cond3A_1 {
      %broadcast_in_dim3A_25 = arith.constant 0.000000e+00 : f32
      %broadcast_in_dim3A_26 = vector.broadcast %broadcast_in_dim3A_25 : f32 to vector<8x128xf32>
      %swap3A_27 = arith.constant 0 : index
      %swap3A_28 = arith.constant 0 : index
      %swap3A_29 = vector.load %arg2[%swap3A_27, %swap3A_28] : memref<8x128xf32, #tpu.memory_space<vmem>>, vector<8x128xf32>
      tpu.vector_store %arg2[%swap3A_27, %swap3A_28], %broadcast_in_dim3A_26 {strides = array<i32>} : memref<8x128xf32, #tpu.memory_space<vmem>>, vector<8x128xf32>,
    } else {
    }
    %get3A = arith.constant 0 : index
    %get3A_2 = arith.constant 0 : index
    %get3A_3 = vector.load %arg1[%get3A, %get3A_2] : memref<784x128xf32, #tpu.memory_space<vmem>>, vector<784x128xf32>
    %get3A_4 = arith.constant 0 : index
    %get3A_5 = arith.constant 0 : index
    %get3A_6 = vector.load %arg2[%get3A_4, %get3A_5] : memref<8x128xf32, #tpu.memory_space<vmem>>, vector<1x128xf32>
    %reduce_sum3A = arith.constant dense<0.000000e+00> : vector<128xf32>
    %reduce_sum3A_7 = vector.multi_reduction <add>, %get3A_3, %reduce_sum3A [0] : vector<784x128xf32> to vector<128xf32>
    %broadcast_in_dim3A = vector.shape_cast %reduce_sum3A_7 : vector<128xf32> to vector<1x128xf32>
    %add3A = arith.addf %get3A_6, %broadcast_in_dim3A : vector<1x128xf32>
    %swap3A = arith.constant 0 : index
    %swap3A_8 = arith.constant 0 : index
    %swap3A_9 = vector.load %arg2[%swap3A, %swap3A_8] : memref<8x128xf32, #tpu.memory_space<vmem>>, vector<1x128xf32>
    tpu.vector_store %arg2[%swap3A, %swap3A_8], %add3A {strides = array<i32>} : memref<8x128xf32, #tpu.memory_space<vmem>>, vector<1x128xf32>,
    %get3A_10 = arith.constant 1 : index
    %get3A_11 = arith.constant 0 : index
    %get3A_12 = vector.load %arg2[%get3A_10, %get3A_11] : memref<8x128xf32, #tpu.memory_space<vmem>>, vector<1x128xf32>
    %mul3A = arith.mulf %get3A_3, %get3A_3 : vector<784x128xf32>
    %reduce_sum3A_13 = arith.constant dense<0.000000e+00> : vector<128xf32>
    %reduce_sum3A_14 = vector.multi_reduction <add>, %mul3A, %reduce_sum3A_13 [0] : vector<784x128xf32> to vector<128xf32>
    %broadcast_in_dim3A_15 = vector.shape_cast %reduce_sum3A_14 : vector<128xf32> to vector<1x128xf32>
    %add3A_16 = arith.addf %get3A_12, %broadcast_in_dim3A_15 : vector<1x128xf32>
    %swap3A_17 = arith.constant 1 : index
    %swap3A_18 = arith.constant 0 : index
    %swap3A_19 = vector.load %arg2[%swap3A_17, %swap3A_18] : memref<8x128xf32, #tpu.memory_space<vmem>>, vector<1x128xf32>
    tpu.vector_store %arg2[%swap3A_17, %swap3A_18], %add3A_16 {strides = array<i32>} : memref<8x128xf32, #tpu.memory_space<vmem>>, vector<1x128xf32>,
    %eq3A_20 = arith.constant 63 : i32
    %eq3A_21 = arith.cmpi eq, %arg0, %eq3A_20 : i32
    %convert_element_type3A_22 = arith.extui %eq3A_21 : i1 to i32
    %cond3A_23 = arith.constant 0 : i32
    %cond3A_24 = arith.cmpi ne, %convert_element_type3A_22, %cond3A_23 : i32
    scf.if %cond3A_24 {
      %get3A_25 = arith.constant 0 : index
      %get3A_26 = arith.constant 0 : index
      %get3A_27 = vector.load %arg2[%get3A_25, %get3A_26] : memref<8x128xf32, #tpu.memory_space<vmem>>, vector<1x64xf32>
      %get3A_28 = arith.constant 0 : index
      %get3A_29 = arith.constant 64 : index
      %get3A_30 = vector.load %arg2[%get3A_28, %get3A_29] : memref<8x128xf32, #tpu.memory_space<vmem>>, vector<1x64xf32>
      %add3A_31 = arith.addf %get3A_27, %get3A_30 : vector<1x64xf32>
      %get3A_32 = arith.constant 1 : index
      %get3A_33 = arith.constant 0 : index
      %get3A_34 = vector.load %arg2[%get3A_32, %get3A_33] : memref<8x128xf32, #tpu.memory_space<vmem>>, vector<1x64xf32>
      %get3A_35 = arith.constant 1 : index
      %get3A_36 = arith.constant 64 : index
      %get3A_37 = vector.load %arg2[%get3A_35, %get3A_36] : memref<8x128xf32, #tpu.memory_space<vmem>>, vector<1x64xf32>
      %add3A_38 = arith.addf %get3A_34, %get3A_37 : vector<1x64xf32>
      %div3A = arith.constant 1.000000e+05 : f32
      %div3A_39 = vector.broadcast %div3A : f32 to vector<1x64xf32>
      %div3A_40 = arith.divf %add3A_31, %div3A_39 : vector<1x64xf32>
      %div3A_41 = arith.constant 1.000000e+05 : f32
      %div3A_42 = vector.broadcast %div3A_41 : f32 to vector<1x64xf32>
      %div3A_43 = arith.divf %add3A_38, %div3A_42 : vector<1x64xf32>
      %mul3A_44 = arith.mulf %div3A_40, %div3A_40 : vector<1x64xf32>
      %sub3A = arith.subf %div3A_43, %mul3A_44 : vector<1x64xf32>
      %add3A_45 = arith.constant 9.99999974E-6 : f32
      %add3A_46 = vector.broadcast %add3A_45 : f32 to vector<1x64xf32>
      %add3A_47 = arith.addf %sub3A, %add3A_46 : vector<1x64xf32>
      %rsqrt3A = math.rsqrt %add3A_47 : vector<1x64xf32>
      %concatenate3A = tpu.concatenate %div3A_40, %div3A_40 in 1 : vector<1x64xf32>, vector<1x64xf32> -> vector<1x128xf32>
      %swap3A_48 = arith.constant 0 : index
      %swap3A_49 = arith.constant 0 : index
      %swap3A_50 = vector.load %arg2[%swap3A_48, %swap3A_49] : memref<8x128xf32, #tpu.memory_space<vmem>>, vector<1x128xf32>
      tpu.vector_store %arg2[%swap3A_48, %swap3A_49], %concatenate3A {strides = array<i32>} : memref<8x128xf32, #tpu.memory_space<vmem>>, vector<1x128xf32>,
      %concatenate3A_51 = tpu.concatenate %rsqrt3A, %rsqrt3A in 1 : vector<1x64xf32>, vector<1x64xf32> -> vector<1x128xf32>
      %swap3A_52 = arith.constant 1 : index
      %swap3A_53 = arith.constant 0 : index
      %swap3A_54 = vector.load %arg2[%swap3A_52, %swap3A_53] : memref<8x128xf32, #tpu.memory_space<vmem>>, vector<1x128xf32>
      tpu.vector_store %arg2[%swap3A_52, %swap3A_53], %concatenate3A_51 {strides = array<i32>} : memref<8x128xf32, #tpu.memory_space<vmem>>, vector<1x128xf32>,
    } else {
    }
    return
  }
  func.func @transform_0(%arg0: i32) -> (i32, i32) {
    %c0_i32 = arith.constant 0 : i32
    %c0_i32_0 = arith.constant 0 : i32
    return %arg0, %c0_i32 : i32, i32
  }
  func.func @transform_1(%arg0: i32) -> (i32, i32) {
    %c0_i32 = arith.constant 0 : i32
    %c0_i32_0 = arith.constant 0 : i32
    %c0_i32_1 = arith.constant 0 : i32
    return %c0_i32, %c0_i32_0 : i32, i32
  }
}

module attributes {stable_mosaic.version = 14 : i64} {
  func.func @body(%arg0: i32, %arg1: memref<784x128xf32, #tpu.memory_space<vmem>>, %arg2: memref<8x128xf32, #tpu.memory_space<vmem>>, %arg3: memref<1x128xf32, #tpu.memory_space<vmem>>, %arg4: memref<1x128xf32, #tpu.memory_space<vmem>>, %arg5: memref<784x128xf32, #tpu.memory_space<vmem>>) attributes {dimension_semantics = [#tpu.dimension_semantics<arbitrary>], iteration_bounds = array<i64: 64>, scalar_prefetch = 0 : i64, scratch_operands = 0 : i64, tpu.core_type = #tpu.core_type<tc>, window_params = [{transform_indices = @transform_0, window_bounds = array<i64: 784, 128>}, {pipeline_mode = #tpu.pipeline_mode<synchronous>, transform_indices = @transform_1, window_bounds = array<i64: 8, 128>}, {pipeline_mode = #tpu.pipeline_mode<synchronous>, transform_indices = @transform_2, window_bounds = array<i64: 1, 128>}, {pipeline_mode = #tpu.pipeline_mode<synchronous>, transform_indices = @transform_3, window_bounds = array<i64: 1, 128>}, {transform_indices = @transform_4, window_bounds = array<i64: 784, 128>}]} {
    %get3A = arith.constant 0 : index
    %get3A_0 = arith.constant 0 : index
    %get3A_1 = vector.load %arg2[%get3A, %get3A_0] : memref<8x128xf32, #tpu.memory_space<vmem>>, vector<1x128xf32>
    %get3A_2 = arith.constant 1 : index
    %get3A_3 = arith.constant 0 : index
    %get3A_4 = vector.load %arg2[%get3A_2, %get3A_3] : memref<8x128xf32, #tpu.memory_space<vmem>>, vector<1x128xf32>
    %get3A_5 = arith.constant 0 : index
    %get3A_6 = arith.constant 0 : index
    %get3A_7 = vector.load %arg1[%get3A_5, %get3A_6] : memref<784x128xf32, #tpu.memory_space<vmem>>, vector<784x128xf32>
    %sub3A = vector.broadcast %get3A_1 : vector<1x128xf32> to vector<784x128xf32>
    %sub3A_8 = arith.subf %get3A_7, %sub3A : vector<784x128xf32>
    %mul3A = vector.broadcast %get3A_4 : vector<1x128xf32> to vector<784x128xf32>
    %mul3A_9 = arith.mulf %sub3A_8, %mul3A : vector<784x128xf32>
    %get3A_10 = arith.constant 0 : index
    %get3A_11 = arith.constant 0 : index
    %get3A_12 = vector.load %arg3[%get3A_10, %get3A_11] : memref<1x128xf32, #tpu.memory_space<vmem>>, vector<1x128xf32>
    %mul3A_13 = vector.broadcast %get3A_12 : vector<1x128xf32> to vector<784x128xf32>
    %mul3A_14 = arith.mulf %mul3A_9, %mul3A_13 : vector<784x128xf32>
    %get3A_15 = arith.constant 0 : index
    %get3A_16 = arith.constant 0 : index
    %get3A_17 = vector.load %arg4[%get3A_15, %get3A_16] : memref<1x128xf32, #tpu.memory_space<vmem>>, vector<1x128xf32>
    %add3A = vector.broadcast %get3A_17 : vector<1x128xf32> to vector<784x128xf32>
    %add3A_18 = arith.addf %mul3A_14, %add3A : vector<784x128xf32>
    %max3A = arith.constant 0.000000e+00 : f32
    %max3A_19 = vector.broadcast %max3A : f32 to vector<784x128xf32>
    %max3A_20 = arith.maximumf %add3A_18, %max3A_19 : vector<784x128xf32>
    %swap3A = arith.constant 0 : index
    %swap3A_21 = arith.constant 0 : index
    %swap3A_22 = vector.load %arg5[%swap3A, %swap3A_21] : memref<784x128xf32, #tpu.memory_space<vmem>>, vector<784x128xf32>
    tpu.vector_store %arg5[%swap3A, %swap3A_21], %max3A_20 {strides = array<i32>} : memref<784x128xf32, #tpu.memory_space<vmem>>, vector<784x128xf32>,
    return
  }
  func.func @transform_0(%arg0: i32) -> (i32, i32) {
    %c0_i32 = arith.constant 0 : i32
    %c0_i32_0 = arith.constant 0 : i32
    return %arg0, %c0_i32 : i32, i32
  }
  func.func @transform_1(%arg0: i32) -> (i32, i32) {
    %c0_i32 = arith.constant 0 : i32
    %c0_i32_0 = arith.constant 0 : i32
    %c0_i32_1 = arith.constant 0 : i32
    return %c0_i32, %c0_i32_0 : i32, i32
  }
  func.func @transform_2(%arg0: i32) -> (i32, i32) {
    %c0_i32 = arith.constant 0 : i32
    %c0_i32_0 = arith.constant 0 : i32
    %c0_i32_1 = arith.constant 0 : i32
    return %c0_i32, %c0_i32_0 : i32, i32
  }
  func.func @transform_3(%arg0: i32) -> (i32, i32) {
    %c0_i32 = arith.constant 0 : i32
    %c0_i32_0 = arith.constant 0 : i32
    %c0_i32_1 = arith.constant 0 : i32
    return %c0_i32, %c0_i32_0 : i32, i32
  }
  func.func @transform_4(%arg0: i32) -> (i32, i32) {
    %c0_i32 = arith.constant 0 : i32
    %c0_i32_0 = arith.constant 0 : i32
    return %arg0, %c0_i32 : i32, i32
  }
}

module attributes {stable_mosaic.version = 14 : i64} {
  func.func @body(%arg0: i32, %arg1: i32, %arg2: memref<2000x128xf32, #tpu.memory_space<vmem>>, %arg3: memref<1x64x64xf32, #tpu.memory_space<vmem>>, %arg4: memref<2000x1xf32, #tpu.memory_space<vmem>>, %arg5: memref<2000x1xf32, #tpu.memory_space<vmem>>, %arg6: memref<2000x128xf32, #tpu.memory_space<vmem>>) attributes {dimension_semantics = [#tpu.dimension_semantics<arbitrary>, #tpu.dimension_semantics<arbitrary>], iteration_bounds = array<i64: 27, 25>, scalar_prefetch = 0 : i64, scratch_operands = 0 : i64, tpu.core_type = #tpu.core_type<tc>, window_params = [{transform_indices = @transform_0, window_bounds = array<i64: 2000, 128>}, {transform_indices = @transform_1, window_bounds = array<i64: 1, 64, 64>}, {transform_indices = @transform_2, window_bounds = array<i64: 2000, 1>}, {transform_indices = @transform_3, window_bounds = array<i64: 2000, 1>}, {transform_indices = @transform_4, window_bounds = array<i64: 2000, 128>}]} {
    %get3A = arith.constant 0 : index
    %get3A_0 = arith.constant 0 : index
    %get3A_1 = vector.load %arg2[%get3A, %get3A_0] : memref<2000x128xf32, #tpu.memory_space<vmem>>, vector<2000x128xf32>
    %get3A_2 = arith.constant 0 : index
    %get3A_3 = arith.constant 0 : index
    %get3A_4 = vector.load %arg4[%get3A_2, %get3A_3] : memref<2000x1xf32, #tpu.memory_space<vmem>>, vector<2000x1xf32>
    %slice3A = vector.extract_strided_slice %get3A_1 {offsets = [0, 0], sizes = [2000, 64], strides = [1, 1]} : vector<2000x128xf32> to vector<2000x64xf32>
    %sub3A = arith.constant 1.000000e+00 : f32
    %sub3A_5 = vector.broadcast %sub3A : f32 to vector<2000x1xf32>
    %sub3A_6 = arith.subf %sub3A_5, %get3A_4 : vector<2000x1xf32>
    %mul3A = vector.broadcast %sub3A_6 : vector<2000x1xf32> to vector<2000x64xf32>
    %mul3A_7 = arith.mulf %slice3A, %mul3A : vector<2000x64xf32>
    %slice3A_8 = vector.extract_strided_slice %get3A_1 {offsets = [0, 64], sizes = [2000, 64], strides = [1, 1]} : vector<2000x128xf32> to vector<2000x64xf32>
    %mul3A_9 = vector.broadcast %get3A_4 : vector<2000x1xf32> to vector<2000x64xf32>
    %mul3A_10 = arith.mulf %slice3A_8, %mul3A_9 : vector<2000x64xf32>
    %add3A = arith.addf %mul3A_7, %mul3A_10 : vector<2000x64xf32>
    %convert_element_type3A = arith.truncf %add3A : vector<2000x64xf32> to vector<2000x64xbf16>
    %get3A_11 = arith.constant 0 : index
    %get3A_12 = arith.constant 0 : index
    %get3A_13 = arith.constant 0 : index
    %get3A_14 = vector.load %arg3[%get3A_11, %get3A_12, %get3A_13] : memref<1x64x64xf32, #tpu.memory_space<vmem>>, vector<1x64x64xf32>
    %get3A_15 = vector.shape_cast %get3A_14 : vector<1x64x64xf32> to vector<64x64xf32>
    %convert_element_type3A_16 = arith.truncf %get3A_15 : vector<64x64xf32> to vector<64x64xbf16>
    %dot_general3A = arith.constant dense<0.000000e+00> : vector<2000x64xf32>
    %dot_general3A_17 = tpu.matmul %convert_element_type3A, %convert_element_type3A_16, %dot_general3A {dimension_numbers = #tpu.dot_dimension_numbers<[1], [0], [0], [1], [0, 0, 1, 1], [], []>, transpose_lhs_hint = false} : vector<2000x64xbf16>, vector<64x64xbf16>, vector<2000x64xf32> -> vector<2000x64xf32>
    %get3A_18 = arith.constant 0 : index
    %get3A_19 = arith.constant 0 : index
    %get3A_20 = vector.load %arg5[%get3A_18, %get3A_19] : memref<2000x1xf32, #tpu.memory_space<vmem>>, vector<2000x1xf32>
    %sub3A_21 = arith.constant 1.000000e+00 : f32
    %sub3A_22 = vector.broadcast %sub3A_21 : f32 to vector<2000x1xf32>
    %sub3A_23 = arith.subf %sub3A_22, %get3A_20 : vector<2000x1xf32>
    %mul3A_24 = vector.broadcast %sub3A_23 : vector<2000x1xf32> to vector<2000x64xf32>
    %mul3A_25 = arith.mulf %dot_general3A_17, %mul3A_24 : vector<2000x64xf32>
    %mul3A_26 = vector.broadcast %get3A_20 : vector<2000x1xf32> to vector<2000x64xf32>
    %mul3A_27 = arith.mulf %dot_general3A_17, %mul3A_26 : vector<2000x64xf32>
    %concatenate3A = tpu.concatenate %mul3A_25, %mul3A_27 in 1 : vector<2000x64xf32>, vector<2000x64xf32> -> vector<2000x128xf32>
    %swap3A = arith.constant 0 : index
    %swap3A_28 = arith.constant 0 : index
    %swap3A_29 = vector.load %arg6[%swap3A, %swap3A_28] : memref<2000x128xf32, #tpu.memory_space<vmem>>, vector<2000x128xf32>
    tpu.vector_store %arg6[%swap3A, %swap3A_28], %concatenate3A {strides = array<i32>} : memref<2000x128xf32, #tpu.memory_space<vmem>>, vector<2000x128xf32>,
    return
  }
  func.func @transform_0(%arg0: i32, %arg1: i32) -> (i32, i32) {
    %mul3A = arith.constant 25 : i32
    %mul3A_0 = arith.muli %arg0, %mul3A : i32
    %add3A = arith.addi %mul3A_0, %arg1 : i32
    %c0_i32 = arith.constant 0 : i32
    %c0_i32_1 = arith.constant 0 : i32
    return %add3A, %c0_i32 : i32, i32
  }
  func.func @transform_1(%arg0: i32, %arg1: i32) -> (i32, i32, i32) {
    %c0_i32 = arith.constant 0 : i32
    %c0_i32_0 = arith.constant 0 : i32
    %c0_i32_1 = arith.constant 0 : i32
    return %arg0, %c0_i32, %c0_i32_0 : i32, i32, i32
  }
  func.func @transform_2(%arg0: i32, %arg1: i32) -> (i32, i32) {
    %mul3A = arith.constant 25 : i32
    %mul3A_0 = arith.muli %arg0, %mul3A : i32
    %add3A = arith.addi %mul3A_0, %arg1 : i32
    %c0_i32 = arith.constant 0 : i32
    %c0_i32_1 = arith.constant 0 : i32
    return %add3A, %c0_i32 : i32, i32
  }
  func.func @transform_3(%arg0: i32, %arg1: i32) -> (i32, i32) {
    %mul3A = arith.constant 25 : i32
    %mul3A_0 = arith.muli %arg0, %mul3A : i32
    %add3A = arith.addi %mul3A_0, %arg1 : i32
    %c0_i32 = arith.constant 0 : i32
    %c0_i32_1 = arith.constant 0 : i32
    return %add3A, %c0_i32 : i32, i32
  }
  func.func @transform_4(%arg0: i32, %arg1: i32) -> (i32, i32) {
    %mul3A = arith.constant 25 : i32
    %mul3A_0 = arith.muli %arg0, %mul3A : i32
    %add3A = arith.addi %mul3A_0, %arg1 : i32
    %c0_i32 = arith.constant 0 : i32
    %c0_i32_1 = arith.constant 0 : i32
    return %add3A, %c0_i32 : i32, i32
  }
}

module attributes {stable_mosaic.version = 14 : i64} {
  func.func @body(%arg0: i32, %arg1: memref<1000x128xf32, #tpu.memory_space<vmem>>, %arg2: memref<1000x128xf32, #tpu.memory_space<vmem>>, %arg3: memref<8x128xf32, #tpu.memory_space<vmem>>, %arg4: memref<1x128xf32, #tpu.memory_space<vmem>>, %arg5: memref<1x128xf32, #tpu.memory_space<vmem>>, %arg6: memref<1000x128xf32, #tpu.memory_space<vmem>>) attributes {dimension_semantics = [#tpu.dimension_semantics<arbitrary>], iteration_bounds = array<i64: 50>, scalar_prefetch = 0 : i64, scratch_operands = 0 : i64, tpu.core_type = #tpu.core_type<tc>, window_params = [{transform_indices = @transform_0, window_bounds = array<i64: 1000, 128>}, {transform_indices = @transform_1, window_bounds = array<i64: 1000, 128>}, {pipeline_mode = #tpu.pipeline_mode<synchronous>, transform_indices = @transform_2, window_bounds = array<i64: 8, 128>}, {pipeline_mode = #tpu.pipeline_mode<synchronous>, transform_indices = @transform_3, window_bounds = array<i64: 1, 128>}, {pipeline_mode = #tpu.pipeline_mode<synchronous>, transform_indices = @transform_4, window_bounds = array<i64: 1, 128>}, {transform_indices = @transform_5, window_bounds = array<i64: 1000, 128>}]} {
    %get3A = arith.constant 0 : index
    %get3A_0 = arith.constant 0 : index
    %get3A_1 = vector.load %arg3[%get3A, %get3A_0] : memref<8x128xf32, #tpu.memory_space<vmem>>, vector<1x128xf32>
    %get3A_2 = arith.constant 1 : index
    %get3A_3 = arith.constant 0 : index
    %get3A_4 = vector.load %arg3[%get3A_2, %get3A_3] : memref<8x128xf32, #tpu.memory_space<vmem>>, vector<1x128xf32>
    %get3A_5 = arith.constant 0 : index
    %get3A_6 = arith.constant 0 : index
    %get3A_7 = vector.load %arg1[%get3A_5, %get3A_6] : memref<1000x128xf32, #tpu.memory_space<vmem>>, vector<1000x128xf32>
    %sub3A = vector.broadcast %get3A_1 : vector<1x128xf32> to vector<1000x128xf32>
    %sub3A_8 = arith.subf %get3A_7, %sub3A : vector<1000x128xf32>
    %mul3A = vector.broadcast %get3A_4 : vector<1x128xf32> to vector<1000x128xf32>
    %mul3A_9 = arith.mulf %sub3A_8, %mul3A : vector<1000x128xf32>
    %get3A_10 = arith.constant 0 : index
    %get3A_11 = arith.constant 0 : index
    %get3A_12 = vector.load %arg4[%get3A_10, %get3A_11] : memref<1x128xf32, #tpu.memory_space<vmem>>, vector<1x128xf32>
    %mul3A_13 = vector.broadcast %get3A_12 : vector<1x128xf32> to vector<1000x128xf32>
    %mul3A_14 = arith.mulf %mul3A_9, %mul3A_13 : vector<1000x128xf32>
    %get3A_15 = arith.constant 0 : index
    %get3A_16 = arith.constant 0 : index
    %get3A_17 = vector.load %arg5[%get3A_15, %get3A_16] : memref<1x128xf32, #tpu.memory_space<vmem>>, vector<1x128xf32>
    %add3A = vector.broadcast %get3A_17 : vector<1x128xf32> to vector<1000x128xf32>
    %add3A_18 = arith.addf %mul3A_14, %add3A : vector<1000x128xf32>
    %get3A_19 = arith.constant 0 : index
    %get3A_20 = arith.constant 0 : index
    %get3A_21 = vector.load %arg2[%get3A_19, %get3A_20] : memref<1000x128xf32, #tpu.memory_space<vmem>>, vector<1000x128xf32>
    %add3A_22 = arith.addf %add3A_18, %get3A_21 : vector<1000x128xf32>
    %max3A = arith.constant 0.000000e+00 : f32
    %max3A_23 = vector.broadcast %max3A : f32 to vector<1000x128xf32>
    %max3A_24 = arith.maximumf %add3A_22, %max3A_23 : vector<1000x128xf32>
    %swap3A = arith.constant 0 : index
    %swap3A_25 = arith.constant 0 : index
    %swap3A_26 = vector.load %arg6[%swap3A, %swap3A_25] : memref<1000x128xf32, #tpu.memory_space<vmem>>, vector<1000x128xf32>
    tpu.vector_store %arg6[%swap3A, %swap3A_25], %max3A_24 {strides = array<i32>} : memref<1000x128xf32, #tpu.memory_space<vmem>>, vector<1000x128xf32>,
    return
  }
  func.func @transform_0(%arg0: i32) -> (i32, i32) {
    %c0_i32 = arith.constant 0 : i32
    %c0_i32_0 = arith.constant 0 : i32
    return %arg0, %c0_i32 : i32, i32
  }
  func.func @transform_1(%arg0: i32) -> (i32, i32) {
    %c0_i32 = arith.constant 0 : i32
    %c0_i32_0 = arith.constant 0 : i32
    return %arg0, %c0_i32 : i32, i32
  }
  func.func @transform_2(%arg0: i32) -> (i32, i32) {
    %c0_i32 = arith.constant 0 : i32
    %c0_i32_0 = arith.constant 0 : i32
    %c0_i32_1 = arith.constant 0 : i32
    return %c0_i32, %c0_i32_0 : i32, i32
  }
  func.func @transform_3(%arg0: i32) -> (i32, i32) {
    %c0_i32 = arith.constant 0 : i32
    %c0_i32_0 = arith.constant 0 : i32
    %c0_i32_1 = arith.constant 0 : i32
    return %c0_i32, %c0_i32_0 : i32, i32
  }
  func.func @transform_4(%arg0: i32) -> (i32, i32) {
    %c0_i32 = arith.constant 0 : i32
    %c0_i32_0 = arith.constant 0 : i32
    %c0_i32_1 = arith.constant 0 : i32
    return %c0_i32, %c0_i32_0 : i32, i32
  }
  func.func @transform_5(%arg0: i32) -> (i32, i32) {
    %c0_i32 = arith.constant 0 : i32
    %c0_i32_0 = arith.constant 0 : i32
    return %arg0, %c0_i32 : i32, i32
  }
}

</mosaic_0001>

<sc_bundles>
// kernel: kernel.14.cloned.1.call-start
scs
__scs_entry_jumppad:
0x0: {  	(pc) =	sbr.rel $0x88, $3  }
0x1: {  	(tag) =	ssettag $0x0;
	lr =	simm.s32 $0x1  }
0x2: {  	[smem:$0x3F99] =	sst lr;
	_ =	strace $0xD0000000  }
0x3: {  	_ = 	snop  }
0x4: {  	_ = 	snop  }
0x5: {  	_ = 	snop  }
0x6: {  	_ = 	snop  }
0x7: {  	_ = 	snop  }
__scs_overlays_trampoline_lowered:
0x8: {  	[smem:$0x3FA8] =	sst s0  }
0x9: {  	[smem:$0x3FA9] =	sst s1  }
0xa: {  	[smem:$0x3FAA] =	sst s2  }
0xb: {  	[smem:$0x3FAB] =	sst s3  }
0xc: {  	[smem:$0x3FAC] =	sst s4  }
0xd: {  	[smem:$0x3FAD] =	sst s5  }
0xe: {  	[smem:$0x3FAE] =	sst s6  }
0xf: {  	[smem:$0x3FAF] =	sst s7  }
0x10: {  	[smem:$0x3FB0] =	sst s8  }
0x11: {  	[smem:$0x3FB1] =	sst s9;
	s0 =	simm.s32 @!p0 $0x0  }
0x12: {  	s1 =	sld [smem:$0x3F97];
	s0 =	simm.s32 @p0 $0x1  }
0x13: {  	[smem:$0x3FB2] =	sst s0;
	s0 =	simm.s32 @!p1 $0x0  }
0x14: {  	s2 =	sld [smem:$0x3F96];
	s0 =	simm.s32 @p1 $0x1  }
0x15: {  	[smem:$0x3FB3] =	sst s0;
	s0 =	simm.s32 @!p2 $0x0  }
0x16: {  	s3 =	sld [smem:$0x3FDB];
	s0 =	simm.s32 @p2 $0x1  }
0x17: {  	s4 =	simm.s32 $0x1BF5;
	[smem:$0x3FB5] =	sst s0  }
0x18: {  	s0 =	sld [smem:$0x3F98];
	_ =	swait.ge [sflag:s4], $0x0  }
0x19: {  	s7 =	sld [smem:$0x3F99]  }
0x1a: {  	s8 =	sadd.s32 $0xFFFFE003, lr  }
0x1b: {  	s9 =	sadd.s32 $0xFFFFFEF7, lr;
	s5 =	simm.s32 $0xFFFFFFFF;
	p2 =	slt.u32 s8, $0xFFFFF086  }
0x1c: {  	p1 =	slt.u32 s9, $0xF7A;
	s5 =	simm.s32 @!p2 $0x0  }
0x1d: {  	s5 =	simm.s32 @p1 $0x1;
	p0 =	seq.s32 s7, s2  }
0x1e: {  	s7 =	smul.u32 @!p0 $0xF7A, s2;
	p2 =	seq.s32 @!p0 s5, $0x0  }
0x1f: {  	s9 =	smul.u32 $0xF7A, s1;
	s8 =	simm.s32 @!p0 $0x1BF5;
	p2 =	por !p2, p0  }
0x20: {  	[sflag:s8] =	ssyncset.s32 @!p0 $0xFFFFF086;
	s6 =	sadd.s32 @!p0 s3, s7;
	s7 =	simm.s32 @!p0 $0x108  }
0x21: {  	s3 =	sadd.s32 s3, s9;
	s6 =	sadd.s32 @!p0 $0x88, s6;
	s7 =	simm.s32 @p2 $0x1082  }
0x22: {  	[simem:s7], [sflag:s8] =	dma.local @!p0 [hbm:s6], $0xF7A  }
0x23: {  	s9 =	sor.u32 $0xD0000000, s2;
	s6 =	simm.s32 $0x108;
	_ =	swait.ge @!p0 [sflag:s8], $0x0  }
0x24: {  	s3 =	sadd.s32 $0x88, s3;
	s6 =	simm.s32 @!p1 $0x1082;
	[sflag:s4] =	ssyncset.s32 $0xFFFFF086  }
0x25: {  	[simem:s6], [sflag:s4] =	dma.local [hbm:s3], $0xF7A  }
0x26: {  	[smem:$0x3F99] =	sst s1;
	(tag) =	ssettag s2;
	_ =	strace s9  }
0x27: {  	s1 =	sld [smem:$0x3FA9]  }
0x28: {  	s2 =	sld [smem:$0x3FAA]  }
0x29: {  	s4 =	sld [smem:$0x3FAC]  }
0x2a: {  	p0 =	seq.s32 s5, $0x0;
	s5 =	sld [smem:$0x3FAD]  }
0x2b: {  	s6 =	sld [smem:$0x3FAE]  }
0x2c: {  	s7 =	sld [smem:$0x3FAF]  }
0x2d: {  	s3 =	simm.s32 $0x108;
	s8 =	sld [smem:$0x3FB0]  }
0x2e: {  	s3 =	simm.s32 @!p0 $0x1082;
	s9 =	sld [smem:$0x3FB1]  }
0x2f: {  	lr =	sadd.s32 s0, s3;
	s0 =	sld [smem:$0x3FA8]  }
0x30: {  	s3 =	sld [smem:$0x3FAB]  }
0x31: {  	[smem:$0x3FB4] =	sst s10  }
0x32: {  	s10 =	sld [smem:$0x3FB2];
	_ =	sdelay $0x3  }
0x33: {  	p0 =	seq.s32 s10, $0x1;
	s10 =	sld [smem:$0x3FB4];
	_ =	sdelay $0x3  }
0x34: {  	[smem:$0x3FB4] =	sst s10  }
0x35: {  	s10 =	sld [smem:$0x3FB3];
	_ =	sdelay $0x3  }
0x36: {  	p1 =	seq.s32 s10, $0x1;
	s10 =	sld [smem:$0x3FB4];
	_ =	sdelay $0x3  }
0x37: {  	[smem:$0x3FB4] =	sst s10  }
0x38: {  	s10 =	sld [smem:$0x3FB5]  }
0x39: {  	_ = 	snop;
	(pc) =	sbr.ind lr, $3  }
0x3a: {  	_ = 	snop  }
0x3b: {  	_ = 	snop  }
0x3c: {  	p2 =	seq.s32 s10, $0x1;
	s10 =	sld [smem:$0x3FB4]  }
0x3d: {  	_ =	shalt  }
0x3e: {  	_ =	shalt  }
0x3f: {  	_ =	shalt  }
0x40: {  	_ =	shalt  }
0x41: {  	_ =	shalt  }
0x42: {  	_ =	shalt  }
0x43: {  	_ =	shalt  }
0x44: {  	_ =	shalt  }
0x45: {  	_ =	shalt  }
0x46: {  	_ =	shalt  }
0x47: {  	_ =	shalt  }
0x48: {  	_ =	shalt  }
0x49: {  	_ =	shalt  }
0x4a: {  	_ =	shalt  }
0x4b: {  	_ =	shalt  }
0x4c: {  	_ =	shalt  }
0x4d: {  	_ =	shalt  }
0x4e: {  	_ =	shalt  }
0x4f: {  	_ =	shalt  }
0x50: {  	_ =	shalt  }
0x51: {  	_ =	shalt  }
0x52: {  	_ =	shalt  }
0x53: {  	_ =	shalt  }
0x54: {  	_ =	shalt  }
0x55: {  	_ =	shalt  }
0x56: {  	_ =	shalt  }
0x57: {  	_ =	shalt  }
0x58: {  	_ =	shalt  }
0x59: {  	_ =	shalt  }
0x5a: {  	_ =	shalt  }
0x5b: {  	_ =	shalt  }
0x5c: {  	_ =	shalt  }
0x5d: {  	_ =	shalt  }
0x5e: {  	_ =	shalt  }
0x5f: {  	_ =	shalt  }
0x60: {  	_ =	shalt  }
0x61: {  	_ =	shalt  }
0x62: {  	_ =	shalt  }
0x63: {  	_ =	shalt  }
0x64: {  	_ =	shalt  }
0x65: {  	_ =	shalt  }
0x66: {  	_ =	shalt  }
0x67: {  	_ =	shalt  }
0x68: {  	_ =	shalt  }
0x69: {  	_ =	shalt  }
0x6a: {  	_ =	shalt  }
0x6b: {  	_ =	shalt  }
0x6c: {  	_ =	shalt  }
0x6d: {  	_ =	shalt  }
0x6e: {  	_ =	shalt  }
0x6f: {  	_ =	shalt  }
0x70: {  	_ =	shalt  }
0x71: {  	_ =	shalt  }
0x72: {  	_ =	shalt  }
0x73: {  	_ =	shalt  }
0x74: {  	_ =	shalt  }
0x75: {  	_ =	shalt  }
0x76: {  	_ =	shalt  }
0x77: {  	_ =	shalt  }
0x78: {  	_ =	shalt  }
0x79: {  	_ =	shalt  }
0x7a: {  	_ =	shalt  }
0x7b: {  	_ =	shalt  }
0x7c: {  	_ =	shalt  }
0x7d: {  	_ =	shalt  }
0x7e: {  	_ =	shalt  }
0x7f: {  	_ =	shalt  }
0x80: {  	_ =	shalt  }
0x81: {  	_ =	shalt  }
0x82: {  	_ =	shalt  }
0x83: {  	_ =	shalt  }
0x84: {  	_ =	shalt  }
0x85: {  	_ =	shalt  }
0x86: {  	_ =	shalt  }
0x87: {  	_ =	shalt  }
.Lfunc_end0:
.L_simem_size_0:
called_computation_lowered:
.L_overlay_start_0:
0x88: {  	s2 =	sld [smem:$0x3FD9]  }
0x89: {  	s3 =	sld [smem:$0x3FFE];
	_ =	sdelay $0x1  }
0x8a: {  	s1 =	srdreg.scid  }
0x8b: {  	s0 =	sand.u32 $0x1, s1  }
0x8c: {  	s16 =	sshll.u32 s0, $0xA;
	s2 =	sadd.s32 s3, s2  }
0x8d: {  	s2 =	sadd.s32 s2, s16  }
0x8e: {  	[smem:$0x3FC0] =	sst s2  }
0x8f: {  	_ = 	snop  }
0x90: {  	(tm) =	ssettm $0x1  }
0x91: {  	s17 =	sld [smem:$0x3FFB];
	_ =	sdelay $0x3  }
0x92: {  	_ =	strace s17  }
0x93: {  	s2 =	sld [smem:$0x3FFC];
	_ =	sdelay $0x3  }
0x94: {  	_ =	strace s2  }
0x95: {  	s2 =	sld [smem:$0x3FFD];
	_ =	sdelay $0x3  }
0x96: {  	_ =	strace s2  }
0x97: {  	_ =	strace $0x8FFFFFFF  }
0x98: {  	s18 =	sld [smem:$0x3FDB];
	_ =	sdelay $0x1  }
0x99: {  	s19 =	simm.s32 $_scs_section_size  }
0x9a: {  	s4 =	simm.s32 $_size__tile_overlayer_lowered;
	s5 =	simm.s32 $_tile_overlayer_lowered  }
0x9b: {  	s22 =	simm.s32 $0x1BFF;
	s21 =	sshll.u32 s5, $0x1;
	s2 =	sadd.s32 s19, s18  }
0x9c: {  	s6 =	simm.s32 $0x0;
	s20 =	sshll.u32 s4, $0x1;
	s4 =	sadd.s32 s21, s2  }
0x9d: {  	[timem:s6], [sflag:s22] =	dma.local [hbm:s4], s20  }
0x9e: {  	_ =	swait.ge [sflag:s22], s20  }
0x9f: {  	s3 =	ssub.s32 $0x0, s20;
	[sflag:s22] =	ssyncset.done $0x0  }
0xa0: {  	[sflag:s22] =	ssyncadd.s32 s3;
	_ =	sdelay $0x1  }
0xa1: {  	s23 =	simm.s32 $0x1B8B  }
0xa2: {  	_ =	swait.ge [sflag:s23], $0x1  }
0xa3: {  	[sflag:s23] =	ssyncset.done $0x0  }
0xa4: {  	s25 =	simm.s32 $0x1B8E;
	s24 =	sld [smem:$0x3FFE];
	[sflag:s23] =	ssyncadd.s32 $0xFFFFFFFF  }
0xa5: {  	s26 =	simm.s32 $execute0_lowered;
	[smem:$0x3FD2] =	sst s25  }
0xa6: {  	s4 =	sshll.u32 s26, $0x1;
	_ =	strace $0x80000046;
	[dreg:$0x1] =	wrdreg $0xFFFFFFFF  }
0xa7: {  	s28 =	simm.s32 $_size_execute0_lowered;
	s2 =	sadd.s32 s2, s4;
	[dreg:$0x0] =	wrdreg $0x0  }
0xa8: {  	s4 =	sshll.u32 s28, $0x1;
	[dreg:$0x2] =	wrdreg s2  }
0xa9: {  	[dreg:$0x3] =	wrdreg s4  }
0xaa: {  	[dreg:$0x4] =	wrdreg $0xC0  }
0xab: {  	_ =	task [dreg:s6], $0x5FFFF  }
0xac: {  	[dreg:$0x1] =	wrdreg $0xFFFFFFFF  }
0xad: {  	[dreg:$0x0] =	wrdreg $0x60  }
0xae: {  	[dreg:$0x2] =	wrdreg s24  }
0xaf: {  	[dreg:$0x3] =	wrdreg $0x9  }
0xb0: {  	_ =	task.clear_ibuf [dreg:s6], $0x4FFFF;
	_ =	strace $0x90000046  }
0xb1: {  	s29 =	simm.s32 $0x9;
	_ =	strace $0x80000048  }
0xb2: {  	_ =	swait.ge [sflag:s29], $0x1  }
0xb3: {  	[sflag:s29] =	ssyncadd.s32 $0xFFFFFFFF  }
0xb4: {  	_ =	strace $0x90000048  }
0xb5: {  	_ =	sfence  }
0xb6: {  	s30 =	sld [smem:$0x0];
	_ =	sdelay $0x2  }
0xb7: {  	s31 =	sshll.u32 s1, $0xD;
	s1 =	sshrl.u32 s1, $0x2  }
0xb8: {  	s3 =	sand.u32 $0x4000, s31;
	s1 =	sadd.s32 s1, s30  }
0xb9: {  	s0 =	sor.u32 s3, s0;
	s1 =	sshll.u32 s1, $0x11  }
0xba: {  	s0 =	sor.u32 s1, s0  }
0xbb: {  	s0 =	sadd.s32 $0x8F2B, s0  }
0xbc: {  	[sflag:s0] =	ssyncadd.remote.s32 $0x1  }
0xbd: {  	_ =	sfence.sel $0xFFFF  }
0xbe: {  	[dreg:$0x0] =	wrdreg $0xFFFFFFFF;
	(pc) =	sbr.abs _section_cstart, $3  }
0xbf: {  	[dreg:$0x1] =	wrdreg $0xFFFFFFFF  }
0xc0: {  	_ =	task.clear_ibuf [dreg:s6], $0x2FFFF;
	_ =	strace $0x9FFFFFFF  }
0xc1: {  	(tm) =	ssettm $0x7FFFFFFF  }
tec
execute0_lowered:
.L_overlay_start_1:
0x0: {  	(tag) =	ssettag $0x1  }
0x1: {  	s4 =	rddreg [dreg:$0x0]  }
0x2: {  	s0 =	rddreg [dreg:$0x1];
	s2 =	simm.s32 $0x0;
	s3 =	srdreg.scid  }
0x3: {  	s1 =	stileid.u32;
	s16 =	simm.s32 $0x8080;
	s17 =	simm.s32 $0x2  }
0x4: {  	s18 =	simm.s32 $0x4000;
	s19 =	simm.s32 $0x3;
	s20 =	simm.s32 $0x5  }
0x5: {  	s21 =	simm.s32 $0x4;
	s22 =	simm.s32 $0x6;
	s23 =	simm.s32 $0x0  }
0x6: {  	[smem:$0x7FF] =	sst s2;
	s10 =	sand.u32 $0x1, s3;
	s3 =	sadd.s32 $0x204800, s4  }
0x7: {  	s5 =	sshll.u32 s1, $0x1;
	s11 =	sadd.s32 $0x2B600, s4;
	s12 =	sadd.s32 $0x38B200, s4  }
0x8: {  	s13 =	sshll.u32 s1, $0xC;
	s28 =	sshll.u32 s1, $0x5;
	_ =	strace $0x80000047  }
0x9: {  	s5 =	sor.u32 s10, s5;
	s6 =	ssub.s32 $0x2, s10;
	s14 =	sadd.s32 s13, s12  }
0xa: {  	s15 =	sshll.u32 s10, $0xB;
	s29 =	sadd.s32 s28, s11;
	s30 =	sshll.u32 s10, $0x4  }
0xb: {  	s26 =	sshll.u32 s5, $0x4;
	s7 =	sshrl.u32 s6, $0x1;
	s5 =	sshll.u32 s5, $0xB  }
0xc: {  	s14 =	sadd.s32 s15, s14;
	s13 =	sor.u32 s15, s13;
	s31 =	sadd.s32 s30, s29  }
.Ltmp0:
0xd: {  	s15 =	simm.s32 $0x80;
	s4 =	sadd.s32 s11, s26;
	(pc) =	sbr.rel .LBB2_1-.Ltmp0, $4  }
0xe: {  	s8 =	ssub.s32 s6, s7;
	s5 =	sadd.s32 s12, s5;
	s12 =	sadd.s32 s13, s12  }
0xf: {  	s10 =	sadd.s32 $0x20000, s14;
	s13 =	simm.s32 $0x8000;
	s14 =	simm.s32 $0x1  }
0x10: {  	s6 =	sadd.s32 $0x400, s4;
	s7 =	sadd.s32 $0x1490000, s5;
	s8 =	smax.u32 s8, $0x1  }
0x11: {  	s9 =	sadd.s32 $0x200, s4;
	s11 =	sadd.s32 $0x10000, s12;
	s12 =	sadd.s32 $0x800, s31  }
.LBB2_4:
0x12: {  	_ =	swait.ge [sflag:s21], $0x4000  }
0x13: {  	[sflag:s21] =	ssyncset.done $0x0  }
0x14: {  	s23 =	sadd.s32 $0x1, s23;
	[sflag:s21] =	ssyncadd.s32 $0xFFFFC000  }
0x15: {  	[hbm4b:s7+s2] =	stream.linear.scatter [tilespmem:s18], [sflag:$0x6], $0x4000, $0x38;
	[tilespmem:$0x8100] =	vst v63  }
0x16: {  	p0 =	sne.s32 s23, s8;
	_ =	swait.ge [sflag:s20], $0x4000  }
.Ltmp1:
0x17: {  	[sflag:s20] =	ssyncset.done $0x0;
	(pc) =	sbr.rel @!p0 .LBB2_5-.Ltmp1, $4  }
0x18: {  	[sflag:s20] =	ssyncadd.s32 $0xFFFFC000  }
0x19: {  	_ =	swait.ge [sflag:s22], $0x4000  }
0x1a: {  	[sflag:s22] =	ssyncset.done $0x0  }
0x1b: {  	[sflag:s22] =	ssyncadd.s32 $0xFFFFC000  }
.LBB2_1:
0x1c: {  	[tilespmem:s13], [sflag:$0x1] =	stream.linear.gather [hbm4b:s4+s2], $0x80, $0x38;
	[tilespmem:$0x8100] =	vst v63  }
0x1d: {  	_ =	swait.ge [sflag:s14], $0x80  }
0x1e: {  	[sflag:s14] =	ssyncset.done $0x0  }
0x1f: {  	[sflag:s14] =	ssyncadd.s32 $0xFFFFFF80  }
0x20: {  	[tilespmem:s2], [sflag:$0x3] =	stream.indirect.gather [hbm4b:s3+s15], $0x80, s13, s15, $0xb8;
	[tilespmem:$0x8100] =	vst v63  }
0x21: {  	_ = 	snop  }
0x22: {  	[tilespmem:s16], [sflag:$0x2] =	stream.linear.gather [hbm4b:s9+s2], $0x80, $0x38;
	[tilespmem:$0x8100] =	vst v63  }
0x23: {  	_ =	swait.ge [sflag:s17], $0x80  }
0x24: {  	[sflag:s17] =	ssyncset.done $0x0  }
0x25: {  	[sflag:s17] =	ssyncadd.s32 $0xFFFFFF80  }
0x26: {  	[tilespmem:s18], [sflag:$0x4] =	stream.indirect.gather [hbm4b:s3+s15], $0x80, s16, s15, $0xb8;
	[tilespmem:$0x8100] =	vst v63  }
0x27: {  	_ =	swait.ge [sflag:s19], $0x4000  }
0x28: {  	[sflag:s19] =	ssyncset.done $0x0  }
0x29: {  	[sflag:s19] =	ssyncadd.s32 $0xFFFFC000  }
0x2a: {  	[hbm4b:s5+s2] =	stream.linear.scatter [tilespmem:s2], [sflag:$0x5], $0x4000, $0x38;
	[tilespmem:$0x8100] =	vst v63  }
0x2b: {  	s24 =	smov.u32 s12;
	s25 =	simm.s32 $0x0  }
0x2c: {  	[tilespmem:s13], [sflag:$0x1] =	stream.linear.gather [hbm4b:s6+s2], $0x80, $0x38;
	[tilespmem:$0x8100] =	vst v63  }
.LBB2_2:
0x2d: {  	_ =	swait.ge [sflag:s14], $0x80  }
0x2e: {  	[sflag:s14] =	ssyncset.done $0x0  }
0x2f: {  	[sflag:s14] =	ssyncadd.s32 $0xFFFFFF80  }
0x30: {  	_ =	swait.ge [sflag:s20], $0x4000  }
0x31: {  	[sflag:s20] =	ssyncset.done $0x0  }
0x32: {  	[sflag:s20] =	ssyncadd.s32 $0xFFFFC000  }
0x33: {  	[tilespmem:s2], [sflag:$0x3] =	stream.indirect.gather [hbm4b:s3+s15], $0x80, s13, s15, $0xb8;
	[tilespmem:$0x8100] =	vst v63  }
0x34: {  	_ =	swait.ge [sflag:s21], $0x4000  }
0x35: {  	[sflag:s21] =	ssyncset.done $0x0  }
0x36: {  	s26 =	sadd.s32 s25, s11;
	[sflag:s21] =	ssyncadd.s32 $0xFFFFC000  }
0x37: {  	[hbm4b:s26+s2] =	stream.linear.scatter [tilespmem:s18], [sflag:$0x6], $0x4000, $0x38;
	[tilespmem:$0x8100] =	vst v63  }
0x38: {  	s30 =	sadd.s32 $0xFFFFFE00, s24  }
0x39: {  	[tilespmem:s16], [sflag:$0x2] =	stream.linear.gather [hbm4b:s30+s2], $0x80, $0x38;
	[tilespmem:$0x8100] =	vst v63  }
0x3a: {  	_ =	swait.ge [sflag:s17], $0x80  }
0x3b: {  	[sflag:s17] =	ssyncset.done $0x0  }
0x3c: {  	[sflag:s17] =	ssyncadd.s32 $0xFFFFFF80  }
0x3d: {  	_ =	swait.ge [sflag:s22], $0x4000  }
0x3e: {  	[sflag:s22] =	ssyncset.done $0x0  }
0x3f: {  	p0 =	seq.s32 s25, $0x1460000;
	[sflag:s22] =	ssyncadd.s32 $0xFFFFC000  }
0x40: {  	[tilespmem:s18], [sflag:$0x4] =	stream.indirect.gather [hbm4b:s3+s15], $0x80, s16, s15, $0xb8;
	[tilespmem:$0x8100] =	vst v63  }
.Ltmp2:
0x41: {  	_ = 	snop;
	(pc) =	sbr.rel @p0 .LBB2_4-.Ltmp2, $4  }
0x42: {  	_ =	swait.ge [sflag:s19], $0x4000  }
0x43: {  	[sflag:s19] =	ssyncset.done $0x0  }
0x44: {  	s31 =	sadd.s32 s25, s10;
	[sflag:s19] =	ssyncadd.s32 $0xFFFFC000  }
0x45: {  	[hbm4b:s31+s2] =	stream.linear.scatter [tilespmem:s2], [sflag:$0x5], $0x4000, $0x38;
	[tilespmem:$0x8100] =	vst v63  }
.Ltmp3:
0x46: {  	(pc) =	sbr.rel .LBB2_2-.Ltmp3, $3  }
0x47: {  	_ =	sdelay $0x1  }
0x48: {  	[tilespmem:s13], [sflag:$0x1] =	stream.linear.gather [hbm4b:s24+s2], $0x80, $0x38;
	[tilespmem:$0x8100] =	vst v63  }
0x49: {  	s25 =	sadd.s32 $0x20000, s25;
	s24 =	sadd.s32 $0x400, s24  }
.LBB2_5:
0x4a: {  	_ =	sfence.sel $0x180000  }
0x4b: {  	[bflag:$0x0] =	sbarrier.arrive $0xFFFF  }
0x4c: {  	p0 =	sne.s32 s1, $0x0;
	_ =	strace $0x90000047  }
0x4d: {  	s0 =	sadd.s32 @!p0 $0x100000, s0;
	[bflag:$0x2] =	sbarrier.arrive $0xFFFF  }
0x4e: {  	[sflag:s0] =	ssyncadd.tile.s32 @!p0 $0x1;
	_ =	shalt  }
.Lfunc_end2:
_tile_overlayer_lowered:
.L_overlay_start_2:
0x4f: {  	(tag) =	ssettag $0x2  }
0x50: {  	s0 =	rddreg [dreg:$0x0];
	s2 =	stileid.u32  }
0x51: {  	s1 =	rddreg [dreg:$0x1];
	p0 =	sne.s32 s2, $0x0  }
0x52: {  	s3 =	rddreg [dreg:$0x2];
	[bflag:$0x3] =	sbarrier.arrive $0xFFFF;
	s2 =	simm.s32 @!p0 $0x1C07  }
0x53: {  	[timem:s3], [sflag:s2] =	dma.local @!p0 [hbm:s0], s1  }
0x54: {  	s0 =	simm.s32 @!p0 $0x7  }
0x55: {  	_ =	swait.ge @!p0 [sflag:s0], s1  }
0x56: {  	s1 =	ssub.s32 @!p0 $0x0, s1;
	[sflag:s0] =	ssyncset.done @!p0 $0x0  }
0x57: {  	[sflag:s0] =	ssyncadd.s32 @!p0 s1  }
0x58: {  	[bflag:$0x3] =	sbarrier.arrive $0xFFFF  }
0x59: {  	_ =	shalt  }

// kernel: kernel.17.cloned.1.call-start
scs
__scs_entry_jumppad:
0x0: {  	(pc) =	sbr.rel $0x88, $3  }
0x1: {  	(tag) =	ssettag $0x0;
	lr =	simm.s32 $0x1  }
0x2: {  	[smem:$0x3F99] =	sst lr;
	_ =	strace $0xD0000000  }
0x3: {  	_ = 	snop  }
0x4: {  	_ = 	snop  }
0x5: {  	_ = 	snop  }
0x6: {  	_ = 	snop  }
0x7: {  	_ = 	snop  }
__scs_overlays_trampoline_lowered:
0x8: {  	[smem:$0x3FA8] =	sst s0  }
0x9: {  	[smem:$0x3FA9] =	sst s1  }
0xa: {  	[smem:$0x3FAA] =	sst s2  }
0xb: {  	[smem:$0x3FAB] =	sst s3  }
0xc: {  	[smem:$0x3FAC] =	sst s4  }
0xd: {  	[smem:$0x3FAD] =	sst s5  }
0xe: {  	[smem:$0x3FAE] =	sst s6  }
0xf: {  	[smem:$0x3FAF] =	sst s7  }
0x10: {  	[smem:$0x3FB0] =	sst s8  }
0x11: {  	[smem:$0x3FB1] =	sst s9;
	s0 =	simm.s32 @!p0 $0x0  }
0x12: {  	s1 =	sld [smem:$0x3F97];
	s0 =	simm.s32 @p0 $0x1  }
0x13: {  	[smem:$0x3FB2] =	sst s0;
	s0 =	simm.s32 @!p1 $0x0  }
0x14: {  	s2 =	sld [smem:$0x3F96];
	s0 =	simm.s32 @p1 $0x1  }
0x15: {  	[smem:$0x3FB3] =	sst s0;
	s0 =	simm.s32 @!p2 $0x0  }
0x16: {  	s3 =	sld [smem:$0x3FDB];
	s0 =	simm.s32 @p2 $0x1  }
0x17: {  	s4 =	simm.s32 $0x1BF5;
	[smem:$0x3FB5] =	sst s0  }
0x18: {  	s0 =	sld [smem:$0x3F98];
	_ =	swait.ge [sflag:s4], $0x0  }
0x19: {  	s7 =	sld [smem:$0x3F99]  }
0x1a: {  	s8 =	sadd.s32 $0xFFFFE003, lr  }
0x1b: {  	s9 =	sadd.s32 $0xFFFFFEF7, lr;
	s5 =	simm.s32 $0xFFFFFFFF;
	p2 =	slt.u32 s8, $0xFFFFF086  }
0x1c: {  	p1 =	slt.u32 s9, $0xF7A;
	s5 =	simm.s32 @!p2 $0x0  }
0x1d: {  	s5 =	simm.s32 @p1 $0x1;
	p0 =	seq.s32 s7, s2  }
0x1e: {  	s7 =	smul.u32 @!p0 $0xF7A, s2;
	p2 =	seq.s32 @!p0 s5, $0x0  }
0x1f: {  	s9 =	smul.u32 $0xF7A, s1;
	s8 =	simm.s32 @!p0 $0x1BF5;
	p2 =	por !p2, p0  }
0x20: {  	[sflag:s8] =	ssyncset.s32 @!p0 $0xFFFFF086;
	s6 =	sadd.s32 @!p0 s3, s7;
	s7 =	simm.s32 @!p0 $0x108  }
0x21: {  	s3 =	sadd.s32 s3, s9;
	s6 =	sadd.s32 @!p0 $0x88, s6;
	s7 =	simm.s32 @p2 $0x1082  }
0x22: {  	[simem:s7], [sflag:s8] =	dma.local @!p0 [hbm:s6], $0xF7A  }
0x23: {  	s9 =	sor.u32 $0xD0000000, s2;
	s6 =	simm.s32 $0x108;
	_ =	swait.ge @!p0 [sflag:s8], $0x0  }
0x24: {  	s3 =	sadd.s32 $0x88, s3;
	s6 =	simm.s32 @!p1 $0x1082;
	[sflag:s4] =	ssyncset.s32 $0xFFFFF086  }
0x25: {  	[simem:s6], [sflag:s4] =	dma.local [hbm:s3], $0xF7A  }
0x26: {  	[smem:$0x3F99] =	sst s1;
	(tag) =	ssettag s2;
	_ =	strace s9  }
0x27: {  	s1 =	sld [smem:$0x3FA9]  }
0x28: {  	s2 =	sld [smem:$0x3FAA]  }
0x29: {  	s4 =	sld [smem:$0x3FAC]  }
0x2a: {  	p0 =	seq.s32 s5, $0x0;
	s5 =	sld [smem:$0x3FAD]  }
0x2b: {  	s6 =	sld [smem:$0x3FAE]  }
0x2c: {  	s7 =	sld [smem:$0x3FAF]  }
0x2d: {  	s3 =	simm.s32 $0x108;
	s8 =	sld [smem:$0x3FB0]  }
0x2e: {  	s3 =	simm.s32 @!p0 $0x1082;
	s9 =	sld [smem:$0x3FB1]  }
0x2f: {  	lr =	sadd.s32 s0, s3;
	s0 =	sld [smem:$0x3FA8]  }
0x30: {  	s3 =	sld [smem:$0x3FAB]  }
0x31: {  	[smem:$0x3FB4] =	sst s10  }
0x32: {  	s10 =	sld [smem:$0x3FB2];
	_ =	sdelay $0x3  }
0x33: {  	p0 =	seq.s32 s10, $0x1;
	s10 =	sld [smem:$0x3FB4];
	_ =	sdelay $0x3  }
0x34: {  	[smem:$0x3FB4] =	sst s10  }
0x35: {  	s10 =	sld [smem:$0x3FB3];
	_ =	sdelay $0x3  }
0x36: {  	p1 =	seq.s32 s10, $0x1;
	s10 =	sld [smem:$0x3FB4];
	_ =	sdelay $0x3  }
0x37: {  	[smem:$0x3FB4] =	sst s10  }
0x38: {  	s10 =	sld [smem:$0x3FB5]  }
0x39: {  	_ = 	snop;
	(pc) =	sbr.ind lr, $3  }
0x3a: {  	_ = 	snop  }
0x3b: {  	_ = 	snop  }
0x3c: {  	p2 =	seq.s32 s10, $0x1;
	s10 =	sld [smem:$0x3FB4]  }
0x3d: {  	_ =	shalt  }
0x3e: {  	_ =	shalt  }
0x3f: {  	_ =	shalt  }
0x40: {  	_ =	shalt  }
0x41: {  	_ =	shalt  }
0x42: {  	_ =	shalt  }
0x43: {  	_ =	shalt  }
0x44: {  	_ =	shalt  }
0x45: {  	_ =	shalt  }
0x46: {  	_ =	shalt  }
0x47: {  	_ =	shalt  }
0x48: {  	_ =	shalt  }
0x49: {  	_ =	shalt  }
0x4a: {  	_ =	shalt  }
0x4b: {  	_ =	shalt  }
0x4c: {  	_ =	shalt  }
0x4d: {  	_ =	shalt  }
0x4e: {  	_ =	shalt  }
0x4f: {  	_ =	shalt  }
0x50: {  	_ =	shalt  }
0x51: {  	_ =	shalt  }
0x52: {  	_ =	shalt  }
0x53: {  	_ =	shalt  }
0x54: {  	_ =	shalt  }
0x55: {  	_ =	shalt  }
0x56: {  	_ =	shalt  }
0x57: {  	_ =	shalt  }
0x58: {  	_ =	shalt  }
0x59: {  	_ =	shalt  }
0x5a: {  	_ =	shalt  }
0x5b: {  	_ =	shalt  }
0x5c: {  	_ =	shalt  }
0x5d: {  	_ =	shalt  }
0x5e: {  	_ =	shalt  }
0x5f: {  	_ =	shalt  }
0x60: {  	_ =	shalt  }
0x61: {  	_ =	shalt  }
0x62: {  	_ =	shalt  }
0x63: {  	_ =	shalt  }
0x64: {  	_ =	shalt  }
0x65: {  	_ =	shalt  }
0x66: {  	_ =	shalt  }
0x67: {  	_ =	shalt  }
0x68: {  	_ =	shalt  }
0x69: {  	_ =	shalt  }
0x6a: {  	_ =	shalt  }
0x6b: {  	_ =	shalt  }
0x6c: {  	_ =	shalt  }
0x6d: {  	_ =	shalt  }
0x6e: {  	_ =	shalt  }
0x6f: {  	_ =	shalt  }
0x70: {  	_ =	shalt  }
0x71: {  	_ =	shalt  }
0x72: {  	_ =	shalt  }
0x73: {  	_ =	shalt  }
0x74: {  	_ =	shalt  }
0x75: {  	_ =	shalt  }
0x76: {  	_ =	shalt  }
0x77: {  	_ =	shalt  }
0x78: {  	_ =	shalt  }
0x79: {  	_ =	shalt  }
0x7a: {  	_ =	shalt  }
0x7b: {  	_ =	shalt  }
0x7c: {  	_ =	shalt  }
0x7d: {  	_ =	shalt  }
0x7e: {  	_ =	shalt  }
0x7f: {  	_ =	shalt  }
0x80: {  	_ =	shalt  }
0x81: {  	_ =	shalt  }
0x82: {  	_ =	shalt  }
0x83: {  	_ =	shalt  }
0x84: {  	_ =	shalt  }
0x85: {  	_ =	shalt  }
0x86: {  	_ =	shalt  }
0x87: {  	_ =	shalt  }
.Lfunc_end0:
.L_simem_size_0:
called_computation.1_lowered:
.L_overlay_start_0:
0x88: {  	s2 =	sld [smem:$0x3FD9]  }
0x89: {  	s3 =	sld [smem:$0x3FFE];
	_ =	sdelay $0x1  }
0x8a: {  	s1 =	srdreg.scid  }
0x8b: {  	s0 =	sand.u32 $0x1, s1  }
0x8c: {  	s16 =	sshll.u32 s0, $0xA;
	s2 =	sadd.s32 s3, s2  }
0x8d: {  	s2 =	sadd.s32 s2, s16  }
0x8e: {  	[smem:$0x3FC0] =	sst s2  }
0x8f: {  	_ = 	snop  }
0x90: {  	(tm) =	ssettm $0x1  }
0x91: {  	s17 =	sld [smem:$0x3FFB];
	_ =	sdelay $0x3  }
0x92: {  	_ =	strace s17  }
0x93: {  	s2 =	sld [smem:$0x3FFC];
	_ =	sdelay $0x3  }
0x94: {  	_ =	strace s2  }
0x95: {  	s2 =	sld [smem:$0x3FFD];
	_ =	sdelay $0x3  }
0x96: {  	_ =	strace s2  }
0x97: {  	_ =	strace $0x8FFFFFFF  }
0x98: {  	s18 =	sld [smem:$0x3FDB];
	_ =	sdelay $0x1  }
0x99: {  	s19 =	simm.s32 $_scs_section_size  }
0x9a: {  	s4 =	simm.s32 $_size__tile_overlayer_lowered;
	s5 =	simm.s32 $_tile_overlayer_lowered  }
0x9b: {  	s22 =	simm.s32 $0x1BFF;
	s21 =	sshll.u32 s5, $0x1;
	s2 =	sadd.s32 s19, s18  }
0x9c: {  	s6 =	simm.s32 $0x0;
	s20 =	sshll.u32 s4, $0x1;
	s4 =	sadd.s32 s21, s2  }
0x9d: {  	[timem:s6], [sflag:s22] =	dma.local [hbm:s4], s20  }
0x9e: {  	_ =	swait.ge [sflag:s22], s20  }
0x9f: {  	s3 =	ssub.s32 $0x0, s20;
	[sflag:s22] =	ssyncset.done $0x0  }
0xa0: {  	[sflag:s22] =	ssyncadd.s32 s3;
	_ =	sdelay $0x1  }
0xa1: {  	s23 =	simm.s32 $0x1B8B  }
0xa2: {  	_ =	swait.ge [sflag:s23], $0x1  }
0xa3: {  	[sflag:s23] =	ssyncset.done $0x0  }
0xa4: {  	s25 =	simm.s32 $0x1B8E;
	s24 =	sld [smem:$0x3FFE];
	[sflag:s23] =	ssyncadd.s32 $0xFFFFFFFF  }
0xa5: {  	s26 =	simm.s32 $execute0_lowered;
	[smem:$0x3FD2] =	sst s25  }
0xa6: {  	s4 =	sshll.u32 s26, $0x1;
	_ =	strace $0x80000049;
	[dreg:$0x1] =	wrdreg $0xFFFFFFFF  }
0xa7: {  	s28 =	simm.s32 $_size_execute0_lowered;
	s2 =	sadd.s32 s2, s4;
	[dreg:$0x0] =	wrdreg $0x0  }
0xa8: {  	s4 =	sshll.u32 s28, $0x1;
	[dreg:$0x2] =	wrdreg s2  }
0xa9: {  	[dreg:$0x3] =	wrdreg s4  }
0xaa: {  	[dreg:$0x4] =	wrdreg $0xC0  }
0xab: {  	_ =	task [dreg:s6], $0x5FFFF  }
0xac: {  	[dreg:$0x1] =	wrdreg $0xFFFFFFFF  }
0xad: {  	[dreg:$0x0] =	wrdreg $0x60  }
0xae: {  	[dreg:$0x2] =	wrdreg s24  }
0xaf: {  	[dreg:$0x3] =	wrdreg $0x0  }
0xb0: {  	[dreg:$0x4] =	wrdreg $0x9  }
0xb1: {  	_ =	task.clear_ibuf [dreg:s6], $0x5FFFF;
	_ =	strace $0x90000049  }
0xb2: {  	s29 =	simm.s32 $0x9;
	_ =	strace $0x8000004B  }
0xb3: {  	_ =	swait.ge [sflag:s29], $0x1  }
0xb4: {  	[sflag:s29] =	ssyncadd.s32 $0xFFFFFFFF  }
0xb5: {  	_ =	strace $0x9000004B  }
0xb6: {  	_ =	sfence  }
0xb7: {  	s30 =	sld [smem:$0x0];
	_ =	sdelay $0x2  }
0xb8: {  	s31 =	sshll.u32 s1, $0xD;
	s1 =	sshrl.u32 s1, $0x2  }
0xb9: {  	s3 =	sand.u32 $0x4000, s31;
	s1 =	sadd.s32 s1, s30  }
0xba: {  	s0 =	sor.u32 s3, s0;
	s1 =	sshll.u32 s1, $0x11  }
0xbb: {  	s0 =	sor.u32 s1, s0  }
0xbc: {  	s0 =	sadd.s32 $0x8F2B, s0  }
0xbd: {  	[sflag:s0] =	ssyncadd.remote.s32 $0x1  }
0xbe: {  	_ =	sfence.sel $0xFFFF  }
0xbf: {  	[dreg:$0x0] =	wrdreg $0xFFFFFFFF;
	(pc) =	sbr.abs _section_cstart, $3  }
0xc0: {  	[dreg:$0x1] =	wrdreg $0xFFFFFFFF  }
0xc1: {  	_ =	task.clear_ibuf [dreg:s6], $0x2FFFF;
	_ =	strace $0x9FFFFFFF  }
0xc2: {  	(tm) =	ssettm $0x7FFFFFFF  }
0xc3: {  	_ =	shalt  }
tec
execute0_lowered:
.L_overlay_start_1:
0x0: {  	(tag) =	ssettag $0x1  }
0x1: {  	s0 =	rddreg [dreg:$0x0]  }
0x2: {  	s2 =	rddreg [dreg:$0x1];
	s3 =	simm.s32 $0x0  }
0x3: {  	s10 =	stileid.u32;
	[smem:$0x7FF] =	sst s3;
	s7 =	sadd.s32 $0x204800, s0  }
0x4: {  	s26 =	sadd.s32 $0x204F00, s0;
	_ =	strace $0x8000004A;
	[dreg:$0x3] =	wrdreg s7  }
0x5: {  	s4 =	srdreg.scid;
	s12 =	sadd.s32 $0x205600, s0;
	[dreg:$0x7] =	wrdreg s26  }
0x6: {  	s1 =	sshll.u32 s10, $0xB;
	s13 =	sadd.s32 $0x205D00, s0;
	[dreg:$0x8] =	wrdreg s12  }
0x7: {  	s5 =	sand.u32 $0x1, s4;
	s14 =	sadd.s32 $0x206400, s0;
	[dreg:$0xa] =	wrdreg s13  }
0x8: {  	s6 =	smul.u32 $0x62000, s10;
	s22 =	sshll.u32 s5, $0x1;
	[dreg:$0xb] =	wrdreg s14  }
0x9: {  	s4 =	sadd.s32 $0x182B200, s0;
	s13 =	sadd.s32 $0x206B00, s0;
	[dreg:$0x4] =	wrdreg s22  }
0xa: {  	s1 =	sadd.s32 s1, s0;
	s0 =	sadd.s32 $0x207200, s0;
	[dreg:$0xc] =	wrdreg s13  }
0xb: {  	s9 =	smul.u32 $0x64000, s10;
	s12 =	sshll.u32 s10, $0x7;
	[dreg:$0xd] =	wrdreg s0  }
0xc: {  	s21 =	ssub.s32 $0x2, s5;
	s24 =	sadd.s32 $0x2D70200, s1;
	[dreg:$0x9] =	wrdreg s12  }
0xd: {  	s5 =	smul.u32 $0x294000, s5;
	s17 =	sadd.s32 $0x2D78200, s1;
	[dreg:$0x6] =	wrdreg s24  }
0xe: {  	s8 =	sshrl.u32 s21, $0x1;
	s18 =	sadd.s32 $0x4200200, s1;
	[dreg:$0xf] =	wrdreg s17  }
0xf: {  	s6 =	sshrl.u32 s6, $0x2;
	s19 =	sadd.s32 $0x4208200, s1;
	[dreg:$0x10] =	wrdreg s18  }
0x10: {  	s7 =	ssub.s32 s21, s8;
	s11 =	sadd.s32 s6, s2;
	[dreg:$0x11] =	wrdreg s19  }
0x11: {  	s20 =	sor.u32 s12, s5;
	s16 =	smax.u32 s7, $0x1;
	[dreg:$0x5] =	wrdreg s11  }
0x12: {  	s23 =	sshrl.u32 s9, $0x2;
	s5 =	sor.u32 $0x2000, s20;
	[dreg:$0xe] =	wrdreg s16  }
0x13: {  	s9 =	sadd.s32 s23, s2;
	s0 =	sor.u32 $0x1800, s20;
	[dreg:$0x12] =	wrdreg s5  }
0x14: {  	s7 =	sadd.s32 $0x1000, s9;
	[dreg:$0x13] =	wrdreg s0  }
0x15: {  	s8 =	sadd.s32 $0x2000, s9;
	[dreg:$0x1a] =	wrdreg s7  }
0x16: {  	s29 =	simm.s32 $0x19000;
	s12 =	sadd.s32 $0x4000, s9;
	[dreg:$0x1b] =	wrdreg s8  }
0x17: {  	s30 =	simm.s32 $0x4;
	s13 =	sadd.s32 $0x5000, s9;
	[dreg:$0x1d] =	wrdreg s12  }
0x18: {  	s31 =	simm.s32 $0x1E000;
	s14 =	sadd.s32 $0x6000, s9;
	[dreg:$0x1e] =	wrdreg s13  }
0x19: {  	s28 =	smul.u32 $0x310, s10;
	s17 =	sadd.s32 $0x9000, s9;
	[dreg:$0x1f] =	wrdreg s14  }
0x1a: {  	s22 =	sadd.s32 $0x2D80200, s1;
	s18 =	sadd.s32 $0xA000, s9;
	[smem:$0x7F5] =	sst s17  }
0x1b: {  	s1 =	simm.s32 $0x1A000;
	s19 =	sadd.s32 $0xB000, s9;
	[smem:$0x7F6] =	sst s18  }
0x1c: {  	s25 =	sadd.s32 $0x3800, s11;
	s20 =	sadd.s32 $0xC000, s9;
	[smem:$0x7F7] =	sst s19  }
0x1d: {  	s15 =	sadd.s32 $0x7000, s11;
	s21 =	sshrl.u32 s25, $0x3;
	[smem:$0x7F8] =	sst s20  }
0x1e: {  	s24 =	sadd.s32 $0xA800, s11;
	s23 =	sshrl.u32 s15, $0x3;
	[dreg:$0x14] =	wrdreg s21  }
0x1f: {  	s26 =	sadd.s32 $0x11800, s11;
	s0 =	sshrl.u32 s24, $0x3;
	[dreg:$0x15] =	wrdreg s23  }
0x20: {  	s6 =	sadd.s32 $0x15000, s11;
	s5 =	sshrl.u32 s26, $0x3;
	[dreg:$0x16] =	wrdreg s0  }
0x21: {  	s25 =	sadd.s32 $0xE000, s11;
	s11 =	sadd.s32 $0x3000, s9;
	[dreg:$0x18] =	wrdreg s5  }
0x22: {  	s15 =	sadd.s32 $0x7000, s9;
	s16 =	sadd.s32 $0x8000, s9;
	[dreg:$0x1c] =	wrdreg s11  }
0x23: {  	s24 =	sadd.s32 $0xF000, s9;
	s26 =	sadd.s32 $0x11000, s9;
	[smem:$0x7F3] =	sst s15  }
0x24: {  	s19 =	sadd.s32 $0x12000, s9;
	s20 =	sadd.s32 $0x13000, s9;
	[smem:$0x7F4] =	sst s16  }
0x25: {  	s18 =	smov.u32 s9;
	s17 =	simm.s32 $0x1E080;
	[smem:$0x7FB] =	sst s24  }
0x26: {  	s8 =	simm.s32 $0x3;
	s0 =	sshrl.u32 s25, $0x3;
	[smem:$0x7FD] =	sst s26  }
0x27: {  	s21 =	sadd.s32 $0xD000, s9;
	s23 =	sadd.s32 $0xE000, s9;
	[dreg:$0x17] =	wrdreg s0  }
0x28: {  	s25 =	sadd.s32 $0x10000, s9;
	s24 =	sadd.s32 $0x16000, s9;
	[smem:$0x7F9] =	sst s21  }
0x29: {  	s26 =	sadd.s32 $0x18000, s9;
	s5 =	simm.s32 $0x80;
	[smem:$0x7FA] =	sst s23  }
0x2a: {  	s0 =	sshrl.u32 s6, $0x3;
	[smem:$0x7FC] =	sst s25;
	s21 =	sadd.s32 $0x14000, s9  }
0x2b: {  	s23 =	sadd.s32 $0x15000, s9;
	s25 =	sadd.s32 $0x17000, s9;
	s6 =	simm.s32 $0x2  }
0x2c: {  	v0 =	vimm.f32 $0.0e+00;
	s9 =	simm.s32 $0x0;
	[dreg:$0x19] =	wrdreg s0;
	s0 =	simm.s32 $0x1  }
.LBB2_1:
0x2d: {  	[smem:$0x7F2] =	sst s9;
	s7 =	simm.s32 $0x0;
	s10 =	simm.s32 $0x200  }
.LBB2_2:
0x2e: {  	p0 =	sne.s32 s10, $0x3E00;
	[tilespmem:s7+$0x19070] =	vst v0  }
0x2f: {  	[tilespmem:s7+$0x19000] =	vst v0  }
0x30: {  	[tilespmem:s7+$0x19010] =	vst v0  }
.Ltmp0:
0x31: {  	[tilespmem:s7+$0x19020] =	vst v0;
	(pc) =	sbr.rel @p0 .LBB2_2-.Ltmp0, $4  }
0x32: {  	[tilespmem:s7+$0x19030] =	vst v0  }
0x33: {  	[tilespmem:s7+$0x19040] =	vst v0  }
0x34: {  	[tilespmem:s7+$0x19050] =	vst v0  }
0x35: {  	[tilespmem:s7+$0x19060] =	vst v0;
	s7 =	sshra.s32 s10, $0x2;
	s10 =	sadd.s32 $0x200, s10  }
0x36: {  	[tilespmem:s7+$0x19070] =	vst v0  }
0x37: {  	[tilespmem:s7+$0x19000] =	vst v0  }
0x38: {  	[tilespmem:s7+$0x19010] =	vst v0  }
0x39: {  	[tilespmem:s7+$0x19020] =	vst v0  }
0x3a: {  	[tilespmem:s7+$0x19030] =	vst v0  }
0x3b: {  	[tilespmem:s7+$0x19040] =	vst v0  }
0x3c: {  	[tilespmem:s7+$0x19050] =	vst v0  }
0x3d: {  	[tilespmem:s7+$0x19060] =	vst v0;
	s7 =	simm.s32 $0x0;
	p0 =	por $0x1, $0x1;
	s10 =	simm.s32 $0x0  }
.LBB2_4:
0x3e: {  	[spmem:s18] =	stream.linear.scatter [tilespmem:s29], [sflag:$0x4], $0x1000, $0x38;
	[tilespmem:$0x1E100] =	vst v63  }
0x3f: {  	_ =	swait.ge [sflag:s30], $0x1000  }
0x40: {  	[sflag:s30] =	ssyncset.done $0x0  }
0x41: {  	s9 =	rddreg [dreg:$0x1a];
	[sflag:s30] =	ssyncadd.s32 $0xFFFFF000  }
0x42: {  	[spmem:s9] =	stream.linear.scatter [tilespmem:s29], [sflag:$0x4], $0x1000, $0x38;
	[tilespmem:$0x1E100] =	vst v63  }
0x43: {  	_ =	swait.ge [sflag:s30], $0x1000  }
0x44: {  	[sflag:s30] =	ssyncset.done $0x0  }
0x45: {  	s16 =	rddreg [dreg:$0x1b];
	[sflag:s30] =	ssyncadd.s32 $0xFFFFF000  }
0x46: {  	[spmem:s16] =	stream.linear.scatter [tilespmem:s29], [sflag:$0x4], $0x1000, $0x38;
	[tilespmem:$0x1E100] =	vst v63  }
0x47: {  	_ =	swait.ge [sflag:s30], $0x1000  }
0x48: {  	[sflag:s30] =	ssyncset.done $0x0  }
0x49: {  	s11 =	rddreg [dreg:$0x1c];
	[sflag:s30] =	ssyncadd.s32 $0xFFFFF000  }
0x4a: {  	[spmem:s11] =	stream.linear.scatter [tilespmem:s29], [sflag:$0x4], $0x1000, $0x38;
	[tilespmem:$0x1E100] =	vst v63  }
0x4b: {  	_ =	swait.ge [sflag:s30], $0x1000  }
0x4c: {  	[sflag:s30] =	ssyncset.done $0x0  }
0x4d: {  	s12 =	rddreg [dreg:$0x1d];
	[sflag:s30] =	ssyncadd.s32 $0xFFFFF000  }
0x4e: {  	[spmem:s12] =	stream.linear.scatter [tilespmem:s29], [sflag:$0x4], $0x1000, $0x38;
	[tilespmem:$0x1E100] =	vst v63  }
0x4f: {  	_ =	swait.ge [sflag:s30], $0x1000  }
0x50: {  	[sflag:s30] =	ssyncset.done $0x0  }
0x51: {  	s13 =	rddreg [dreg:$0x1e];
	[sflag:s30] =	ssyncadd.s32 $0xFFFFF000  }
0x52: {  	[spmem:s13] =	stream.linear.scatter [tilespmem:s29], [sflag:$0x4], $0x1000, $0x38;
	[tilespmem:$0x1E100] =	vst v63  }
0x53: {  	_ =	swait.ge [sflag:s30], $0x1000  }
0x54: {  	[sflag:s30] =	ssyncset.done $0x0  }
0x55: {  	s14 =	rddreg [dreg:$0x1f];
	[sflag:s30] =	ssyncadd.s32 $0xFFFFF000  }
0x56: {  	[spmem:s14] =	stream.linear.scatter [tilespmem:s29], [sflag:$0x4], $0x1000, $0x38;
	[tilespmem:$0x1E100] =	vst v63  }
0x57: {  	_ =	swait.ge [sflag:s30], $0x1000  }
0x58: {  	s15 =	sld [smem:$0x7F3]  }
0x59: {  	[sflag:s30] =	ssyncset.done $0x0  }
0x5a: {  	[sflag:s30] =	ssyncadd.s32 $0xFFFFF000  }
0x5b: {  	[spmem:s15] =	stream.linear.scatter [tilespmem:s29], [sflag:$0x4], $0x1000, $0x38;
	[tilespmem:$0x1E100] =	vst v63  }
0x5c: {  	_ =	swait.ge [sflag:s30], $0x1000  }
0x5d: {  	s16 =	sld [smem:$0x7F4]  }
0x5e: {  	[sflag:s30] =	ssyncset.done $0x0  }
0x5f: {  	[sflag:s30] =	ssyncadd.s32 $0xFFFFF000  }
0x60: {  	[spmem:s16] =	stream.linear.scatter [tilespmem:s29], [sflag:$0x4], $0x1000, $0x38;
	[tilespmem:$0x1E100] =	vst v63  }
0x61: {  	_ =	swait.ge [sflag:s30], $0x1000  }
0x62: {  	s11 =	sld [smem:$0x7F5]  }
0x63: {  	[sflag:s30] =	ssyncset.done $0x0  }
0x64: {  	[sflag:s30] =	ssyncadd.s32 $0xFFFFF000  }
0x65: {  	[spmem:s11] =	stream.linear.scatter [tilespmem:s29], [sflag:$0x4], $0x1000, $0x38;
	[tilespmem:$0x1E100] =	vst v63  }
0x66: {  	_ =	swait.ge [sflag:s30], $0x1000  }
0x67: {  	s12 =	sld [smem:$0x7F6]  }
0x68: {  	[sflag:s30] =	ssyncset.done $0x0  }
0x69: {  	[sflag:s30] =	ssyncadd.s32 $0xFFFFF000  }
0x6a: {  	[spmem:s12] =	stream.linear.scatter [tilespmem:s29], [sflag:$0x4], $0x1000, $0x38;
	[tilespmem:$0x1E100] =	vst v63  }
0x6b: {  	_ =	swait.ge [sflag:s30], $0x1000  }
0x6c: {  	s13 =	sld [smem:$0x7F7]  }
0x6d: {  	[sflag:s30] =	ssyncset.done $0x0  }
0x6e: {  	[sflag:s30] =	ssyncadd.s32 $0xFFFFF000  }
0x6f: {  	[spmem:s13] =	stream.linear.scatter [tilespmem:s29], [sflag:$0x4], $0x1000, $0x38;
	[tilespmem:$0x1E100] =	vst v63  }
0x70: {  	_ =	swait.ge [sflag:s30], $0x1000  }
0x71: {  	s14 =	sld [smem:$0x7F8]  }
0x72: {  	[sflag:s30] =	ssyncset.done $0x0  }
0x73: {  	[sflag:s30] =	ssyncadd.s32 $0xFFFFF000  }
0x74: {  	[spmem:s14] =	stream.linear.scatter [tilespmem:s29], [sflag:$0x4], $0x1000, $0x38;
	[tilespmem:$0x1E100] =	vst v63  }
0x75: {  	_ =	swait.ge [sflag:s30], $0x1000  }
0x76: {  	s15 =	sld [smem:$0x7F9]  }
0x77: {  	[sflag:s30] =	ssyncset.done $0x0  }
0x78: {  	[sflag:s30] =	ssyncadd.s32 $0xFFFFF000  }
0x79: {  	[spmem:s15] =	stream.linear.scatter [tilespmem:s29], [sflag:$0x4], $0x1000, $0x38;
	[tilespmem:$0x1E100] =	vst v63  }
0x7a: {  	_ =	swait.ge [sflag:s30], $0x1000  }
0x7b: {  	s16 =	sld [smem:$0x7FA]  }
0x7c: {  	[sflag:s30] =	ssyncset.done $0x0  }
0x7d: {  	[sflag:s30] =	ssyncadd.s32 $0xFFFFF000  }
0x7e: {  	[spmem:s16] =	stream.linear.scatter [tilespmem:s29], [sflag:$0x4], $0x1000, $0x38;
	[tilespmem:$0x1E100] =	vst v63  }
0x7f: {  	_ =	swait.ge [sflag:s30], $0x1000  }
0x80: {  	s11 =	sld [smem:$0x7FB]  }
0x81: {  	[sflag:s30] =	ssyncset.done $0x0  }
0x82: {  	[sflag:s30] =	ssyncadd.s32 $0xFFFFF000  }
0x83: {  	[spmem:s11] =	stream.linear.scatter [tilespmem:s29], [sflag:$0x4], $0x1000, $0x38;
	[tilespmem:$0x1E100] =	vst v63  }
0x84: {  	_ =	swait.ge [sflag:s30], $0x1000  }
0x85: {  	s12 =	sld [smem:$0x7FC]  }
0x86: {  	[sflag:s30] =	ssyncset.done $0x0  }
0x87: {  	[sflag:s30] =	ssyncadd.s32 $0xFFFFF000  }
0x88: {  	[spmem:s12] =	stream.linear.scatter [tilespmem:s29], [sflag:$0x4], $0x1000, $0x38;
	[tilespmem:$0x1E100] =	vst v63  }
0x89: {  	_ =	swait.ge [sflag:s30], $0x1000  }
0x8a: {  	s13 =	sld [smem:$0x7FD]  }
0x8b: {  	[sflag:s30] =	ssyncset.done $0x0  }
0x8c: {  	[sflag:s30] =	ssyncadd.s32 $0xFFFFF000  }
0x8d: {  	[spmem:s13] =	stream.linear.scatter [tilespmem:s29], [sflag:$0x4], $0x1000, $0x38;
	[tilespmem:$0x1E100] =	vst v63  }
0x8e: {  	_ =	swait.ge [sflag:s30], $0x1000  }
0x8f: {  	[sflag:s30] =	ssyncset.done $0x0  }
0x90: {  	[sflag:s30] =	ssyncadd.s32 $0xFFFFF000  }
0x91: {  	[spmem:s19] =	stream.linear.scatter [tilespmem:s29], [sflag:$0x4], $0x1000, $0x38;
	[tilespmem:$0x1E100] =	vst v63  }
0x92: {  	_ =	swait.ge [sflag:s30], $0x1000  }
0x93: {  	[sflag:s30] =	ssyncset.done $0x0  }
0x94: {  	[sflag:s30] =	ssyncadd.s32 $0xFFFFF000  }
0x95: {  	[spmem:s20] =	stream.linear.scatter [tilespmem:s29], [sflag:$0x4], $0x1000, $0x38;
	[tilespmem:$0x1E100] =	vst v63  }
0x96: {  	_ =	swait.ge [sflag:s30], $0x1000  }
0x97: {  	[sflag:s30] =	ssyncset.done $0x0  }
0x98: {  	[sflag:s30] =	ssyncadd.s32 $0xFFFFF000  }
0x99: {  	[spmem:s21] =	stream.linear.scatter [tilespmem:s29], [sflag:$0x4], $0x1000, $0x38;
	[tilespmem:$0x1E100] =	vst v63  }
0x9a: {  	_ =	swait.ge [sflag:s30], $0x1000  }
0x9b: {  	[sflag:s30] =	ssyncset.done $0x0  }
0x9c: {  	[sflag:s30] =	ssyncadd.s32 $0xFFFFF000  }
0x9d: {  	[spmem:s23] =	stream.linear.scatter [tilespmem:s29], [sflag:$0x4], $0x1000, $0x38;
	[tilespmem:$0x1E100] =	vst v63  }
0x9e: {  	_ =	swait.ge [sflag:s30], $0x1000  }
0x9f: {  	[sflag:s30] =	ssyncset.done $0x0  }
0xa0: {  	[sflag:s30] =	ssyncadd.s32 $0xFFFFF000  }
0xa1: {  	[spmem:s24] =	stream.linear.scatter [tilespmem:s29], [sflag:$0x4], $0x1000, $0x38;
	[tilespmem:$0x1E100] =	vst v63  }
0xa2: {  	_ =	swait.ge [sflag:s30], $0x1000  }
0xa3: {  	[sflag:s30] =	ssyncset.done $0x0  }
0xa4: {  	[sflag:s30] =	ssyncadd.s32 $0xFFFFF000  }
0xa5: {  	[spmem:s25] =	stream.linear.scatter [tilespmem:s29], [sflag:$0x4], $0x1000, $0x38;
	[tilespmem:$0x1E100] =	vst v63  }
0xa6: {  	_ =	swait.ge [sflag:s30], $0x1000  }
0xa7: {  	[sflag:s30] =	ssyncset.done $0x0;
	s14 =	rddreg [dreg:$0x4]  }
0xa8: {  	s11 =	sor.u32 s14, s10;
	[sflag:s30] =	ssyncadd.s32 $0xFFFFF000  }
0xa9: {  	[spmem:s26] =	stream.linear.scatter [tilespmem:s29], [sflag:$0x4], $0x1000, $0x38;
	[tilespmem:$0x1E100] =	vst v63  }
0xaa: {  	s12 =	smul.u32 $0x14A000, s11;
	_ =	swait.ge [sflag:s30], $0x1000  }
0xab: {  	s15 =	rddreg [dreg:$0x9]  }
0xac: {  	[sflag:s30] =	ssyncset.done $0x0;
	s13 =	sor.u32 s15, s12  }
0xad: {  	[sflag:s30] =	ssyncadd.s32 $0xFFFFF000;
	s12 =	sshrl.u32 s13, $0x3  }
0xae: {  	[bflag:$0x0] =	sbarrier.arrive $0xFFFF;
	s12 =	sadd.s32 s4, s12  }
0xaf: {  	[tilespmem:s31], [sflag:$0x1] =	stream.linear.gather [hbm4b:s12+s7], $0x80, $0x38;
	[tilespmem:$0x1E100] =	vst v63  }
0xb0: {  	_ =	swait.ge [sflag:s0], $0x80  }
0xb1: {  	[sflag:s0] =	ssyncset.done $0x0  }
0xb2: {  	s14 =	sadd.s32 $0x100, s12;
	[sflag:s0] =	ssyncadd.s32 $0xFFFFFF80  }
0xb3: {  	[tilespmem:s17], [sflag:$0x2] =	stream.linear.gather [hbm4b:s14+s7], $0x80, $0x38;
	[tilespmem:$0x1E100] =	vst v63  }
0xb4: {  	s16 =	rddreg [dreg:$0x6]  }
0xb5: {  	[tilespmem:s1], [sflag:$0x4] =	stream.linear.gather [hbm4b:s16+s7], $0x4000, $0x38;
	[tilespmem:$0x1E100] =	vst v63  }
0xb6: {  	_ =	swait.ge [sflag:s30], $0x4000  }
0xb7: {  	[sflag:s30] =	ssyncset.done $0x0  }
0xb8: {  	[sflag:s30] =	ssyncadd.s32 $0xFFFFC000  }
0xb9: {  	[spmem:s2] =	stream.indirect.scatter.add.f32 [tilespmem:s1], [sflag:$0x3], $0x80, s31, s5, $0xb8;
	[tilespmem:$0x1E100] =	vst v63  }
0xba: {  	s13 =	sor.u32 $0x1000, s13;
	_ =	swait.ge [sflag:s6], $0x80  }
0xbb: {  	s13 =	sshrl.u32 s13, $0x3;
	[sflag:s6] =	ssyncset.done $0x0  }
0xbc: {  	s13 =	sadd.s32 s4, s13;
	[sflag:s6] =	ssyncadd.s32 $0xFFFFFF80  }
0xbd: {  	[tilespmem:s31], [sflag:$0x1] =	stream.linear.gather [hbm4b:s13+s7], $0x80, $0x38;
	[tilespmem:$0x1E100] =	vst v63  }
0xbe: {  	_ =	swait.ge [sflag:s8], $0x4000  }
0xbf: {  	[sflag:s8] =	ssyncset.done $0x0  }
0xc0: {  	s14 =	rddreg [dreg:$0xf];
	[sflag:s8] =	ssyncadd.s32 $0xFFFFC000  }
0xc1: {  	[tilespmem:s1], [sflag:$0x4] =	stream.linear.gather [hbm4b:s14+s7], $0x4000, $0x38;
	[tilespmem:$0x1E100] =	vst v63  }
0xc2: {  	s15 =	smul.u32 $0x14A000, s10;
	_ =	swait.ge [sflag:s30], $0x4000  }
0xc3: {  	[sflag:s30] =	ssyncset.done $0x0;
	s16 =	rddreg [dreg:$0x13]  }
0xc4: {  	[sflag:s30] =	ssyncadd.s32 $0xFFFFC000;
	s10 =	sadd.s32 s15, s16  }
0xc5: {  	[spmem:s2] =	stream.indirect.scatter.add.f32 [tilespmem:s1], [sflag:$0x3], $0x80, s17, s5, $0xb8;
	[tilespmem:$0x1E100] =	vst v63  }
0xc6: {  	s10 =	sshrl.u32 s10, $0x3;
	_ =	swait.ge [sflag:s0], $0x80  }
0xc7: {  	s10 =	sadd.s32 s10, s4;
	[sflag:s0] =	ssyncset.done $0x0  }
0xc8: {  	s9 =	sadd.s32 $0x0, s10;
	[sflag:s0] =	ssyncadd.s32 $0xFFFFFF80  }
0xc9: {  	[tilespmem:s17], [sflag:$0x2] =	stream.linear.gather [hbm4b:s9+s3], $0x80, $0x38;
	[tilespmem:$0x1E100] =	vst v63  }
0xca: {  	_ =	swait.ge [sflag:s8], $0x4000  }
0xcb: {  	[sflag:s8] =	ssyncset.done $0x0  }
0xcc: {  	[sflag:s8] =	ssyncadd.s32 $0xFFFFC000  }
0xcd: {  	[tilespmem:s1], [sflag:$0x4] =	stream.linear.gather [hbm4b:s22+s3], $0x4000, $0x38;
	[tilespmem:$0x1E100] =	vst v63  }
0xce: {  	_ =	swait.ge [sflag:s30], $0x4000  }
0xcf: {  	[sflag:s30] =	ssyncset.done $0x0;
	s14 =	rddreg [dreg:$0x12]  }
0xd0: {  	s13 =	sadd.s32 s15, s14;
	[sflag:s30] =	ssyncadd.s32 $0xFFFFC000  }
0xd1: {  	[spmem:s2] =	stream.indirect.scatter.add.f32 [tilespmem:s1], [sflag:$0x3], $0x80, s31, s5, $0xb8;
	[tilespmem:$0x1E100] =	vst v63  }
0xd2: {  	s13 =	sshrl.u32 s13, $0x3;
	_ =	swait.ge [sflag:s6], $0x80  }
0xd3: {  	s13 =	sadd.s32 s13, s4;
	[sflag:s6] =	ssyncset.done $0x0  }
0xd4: {  	s15 =	sadd.s32 $0x0, s13;
	[sflag:s6] =	ssyncadd.s32 $0xFFFFFF80  }
0xd5: {  	[tilespmem:s31], [sflag:$0x1] =	stream.linear.gather [hbm4b:s15+s3], $0x80, $0x38;
	[tilespmem:$0x1E100] =	vst v63  }
0xd6: {  	_ =	swait.ge [sflag:s8], $0x4000  }
0xd7: {  	[sflag:s8] =	ssyncset.done $0x0  }
0xd8: {  	s16 =	sadd.s32 $0x8000, s22;
	[sflag:s8] =	ssyncadd.s32 $0xFFFFC000  }
0xd9: {  	[tilespmem:s1], [sflag:$0x4] =	stream.linear.gather [hbm4b:s16+s3], $0x4000, $0x38;
	[tilespmem:$0x1E100] =	vst v63  }
0xda: {  	_ =	swait.ge [sflag:s30], $0x4000  }
0xdb: {  	p1 =	por p0, p0;
	[sflag:s30] =	ssyncset.done $0x0  }
0xdc: {  	s14 =	simm.s32 $0x200;
	s15 =	sadd.s32 $0x10000, s22;
	[sflag:s30] =	ssyncadd.s32 $0xFFFFC000  }
.LBB2_5:
0xdd: {  	[spmem:s2] =	stream.indirect.scatter.add.f32 [tilespmem:s1], [sflag:$0x3], $0x80, s17, s5, $0xb8;
	[tilespmem:$0x1E100] =	vst v63  }
0xde: {  	s16 =	smov.u32 s14  }
0xdf: {  	p0 =	sne.s32 s14, $0x28E00;
	s14 =	sadd.s32 $0x200, s14;
	_ =	swait.ge [sflag:s0], $0x80  }
0xe0: {  	[sflag:s0] =	ssyncset.done $0x0  }
0xe1: {  	s9 =	sadd.s32 s16, s10;
	[sflag:s0] =	ssyncadd.s32 $0xFFFFFF80  }
0xe2: {  	[tilespmem:s17], [sflag:$0x2] =	stream.linear.gather [hbm4b:s9+s3], $0x80, $0x38;
	[tilespmem:$0x1E100] =	vst v63  }
0xe3: {  	_ =	swait.ge [sflag:s8], $0x4000  }
0xe4: {  	[sflag:s8] =	ssyncset.done $0x0  }
0xe5: {  	[sflag:s8] =	ssyncadd.s32 $0xFFFFC000  }
0xe6: {  	[tilespmem:s1], [sflag:$0x4] =	stream.linear.gather [hbm4b:s15+s3], $0x4000, $0x38;
	[tilespmem:$0x1E100] =	vst v63  }
0xe7: {  	_ =	swait.ge [sflag:s30], $0x4000  }
0xe8: {  	[sflag:s30] =	ssyncset.done $0x0  }
0xe9: {  	[sflag:s30] =	ssyncadd.s32 $0xFFFFC000  }
0xea: {  	[spmem:s2] =	stream.indirect.scatter.add.f32 [tilespmem:s1], [sflag:$0x3], $0x80, s31, s5, $0xb8;
	[tilespmem:$0x1E100] =	vst v63  }
0xeb: {  	_ =	swait.ge [sflag:s6], $0x80  }
0xec: {  	[sflag:s6] =	ssyncset.done $0x0  }
0xed: {  	s9 =	sadd.s32 s16, s13;
	[sflag:s6] =	ssyncadd.s32 $0xFFFFFF80  }
0xee: {  	[tilespmem:s31], [sflag:$0x1] =	stream.linear.gather [hbm4b:s9+s3], $0x80, $0x38;
	[tilespmem:$0x1E100] =	vst v63  }
0xef: {  	_ =	swait.ge [sflag:s8], $0x4000  }
0xf0: {  	[sflag:s8] =	ssyncset.done $0x0  }
.Ltmp1:
0xf1: {  	s9 =	sadd.s32 $0x8000, s15;
	[sflag:s8] =	ssyncadd.s32 $0xFFFFC000;
	(pc) =	sbr.rel @p0 .LBB2_5-.Ltmp1, $4  }
0xf2: {  	[tilespmem:s1], [sflag:$0x4] =	stream.linear.gather [hbm4b:s9+s3], $0x4000, $0x38;
	[tilespmem:$0x1E100] =	vst v63  }
0xf3: {  	_ =	swait.ge [sflag:s30], $0x4000  }
0xf4: {  	[sflag:s30] =	ssyncset.done $0x0  }
0xf5: {  	s15 =	sadd.s32 $0x10000, s15;
	[sflag:s30] =	ssyncadd.s32 $0xFFFFC000  }
0xf6: {  	[spmem:s2] =	stream.indirect.scatter.add.f32 [tilespmem:s1], [sflag:$0x3], $0x80, s17, s5, $0xb8;
	[tilespmem:$0x1E100] =	vst v63  }
0xf7: {  	s10 =	simm.s32 $0x1  }
0xf8: {  	_ =	swait.ge [sflag:s10], $0x80  }
0xf9: {  	[sflag:s10] =	ssyncset.done $0x0  }
0xfa: {  	s9 =	sadd.s32 $0x29300, s12;
	[sflag:s10] =	ssyncadd.s32 $0xFFFFFF80  }
0xfb: {  	[tilespmem:s17], [sflag:$0x2] =	stream.linear.gather [hbm4b:s9+s3], $0x80, $0x38;
	[tilespmem:$0x1E100] =	vst v63  }
0xfc: {  	_ =	swait.ge [sflag:s8], $0x4000  }
0xfd: {  	[sflag:s8] =	ssyncset.done $0x0  }
0xfe: {  	s12 =	rddreg [dreg:$0x10];
	[sflag:s8] =	ssyncadd.s32 $0xFFFFC000  }
0xff: {  	[tilespmem:s1], [sflag:$0x4] =	stream.linear.gather [hbm4b:s12+s3], $0x4000, $0x38;
	[tilespmem:$0x1E100] =	vst v63  }
0x100: {  	_ =	swait.ge [sflag:s30], $0x4000  }
0x101: {  	[sflag:s30] =	ssyncset.done $0x0  }
0x102: {  	[sflag:s30] =	ssyncadd.s32 $0xFFFFC000  }
0x103: {  	[spmem:s2] =	stream.indirect.scatter.add.f32 [tilespmem:s1], [sflag:$0x3], $0x80, s31, s5, $0xb8;
	[tilespmem:$0x1E100] =	vst v63  }
0x104: {  	_ =	swait.ge [sflag:s6], $0x80  }
0x105: {  	[sflag:s6] =	ssyncset.done $0x0  }
0x106: {  	[sflag:s6] =	ssyncadd.s32 $0xFFFFFF80  }
0x107: {  	_ =	swait.ge [sflag:s8], $0x4000  }
0x108: {  	[sflag:s8] =	ssyncset.done $0x0  }
0x109: {  	s13 =	rddreg [dreg:$0x11];
	[sflag:s8] =	ssyncadd.s32 $0xFFFFC000  }
0x10a: {  	[tilespmem:s1], [sflag:$0x4] =	stream.linear.gather [hbm4b:s13+s3], $0x4000, $0x38;
	[tilespmem:$0x1E100] =	vst v63  }
0x10b: {  	_ =	swait.ge [sflag:s30], $0x4000  }
0x10c: {  	[sflag:s30] =	ssyncset.done $0x0  }
0x10d: {  	[sflag:s30] =	ssyncadd.s32 $0xFFFFC000  }
0x10e: {  	[spmem:s2] =	stream.indirect.scatter.add.f32 [tilespmem:s1], [sflag:$0x3], $0x80, s17, s5, $0xb8;
	[tilespmem:$0x1E100] =	vst v63  }
0x10f: {  	_ =	swait.ge [sflag:s8], $0x4000  }
0x110: {  	[sflag:s8] =	ssyncset.done $0x0  }
0x111: {  	s14 =	smul.u32 $0x3100, s11;
	[sflag:s8] =	ssyncadd.s32 $0xFFFFC000  }
0x112: {  	[bflag:$0x0] =	sbarrier.arrive $0xFFFF  }
0x113: {  	s15 =	stileid.u32;
	s9 =	sadd.s32 s28, s14;
	s16 =	rddreg [dreg:$0x3]  }
0x114: {  	s11 =	sshll.u32 s15, $0x6;
	s9 =	sshll.u32 s9, $0x4;
	s13 =	rddreg [dreg:$0x5]  }
0x115: {  	s11 =	sor.u32 $0x1C04, s11;
	s12 =	sadd.s32 s16, s9;
	s13 =	sshrl.u32 s13, $0x3  }
0x116: {  	[hbm:s12], [sflag:s11] =	dma.local [spmem:s13], $0x700  }
0x117: {  	_ =	swait.ge [sflag:s30], $0x700  }
0x118: {  	[sflag:s30] =	ssyncset.done $0x0;
	s13 =	rddreg [dreg:$0x7]  }
0x119: {  	s14 =	rddreg [dreg:$0x14];
	[sflag:s30] =	ssyncadd.s32 $0xFFFFF900;
	s12 =	sadd.s32 s9, s13  }
0x11a: {  	[hbm:s12], [sflag:s11] =	dma.local [spmem:s14], $0x700  }
0x11b: {  	_ =	swait.ge [sflag:s30], $0x700  }
0x11c: {  	[sflag:s30] =	ssyncset.done $0x0;
	s15 =	rddreg [dreg:$0x8]  }
0x11d: {  	s16 =	rddreg [dreg:$0x15];
	[sflag:s30] =	ssyncadd.s32 $0xFFFFF900;
	s12 =	sadd.s32 s9, s15  }
0x11e: {  	[hbm:s12], [sflag:s11] =	dma.local [spmem:s16], $0x700  }
0x11f: {  	_ =	swait.ge [sflag:s30], $0x700  }
0x120: {  	[sflag:s30] =	ssyncset.done $0x0;
	s13 =	rddreg [dreg:$0xa]  }
0x121: {  	s14 =	rddreg [dreg:$0x16];
	[sflag:s30] =	ssyncadd.s32 $0xFFFFF900;
	s12 =	sadd.s32 s9, s13  }
0x122: {  	[hbm:s12], [sflag:s11] =	dma.local [spmem:s14], $0x700  }
0x123: {  	_ =	swait.ge [sflag:s30], $0x700  }
0x124: {  	[sflag:s30] =	ssyncset.done $0x0;
	s15 =	rddreg [dreg:$0xb]  }
0x125: {  	s16 =	rddreg [dreg:$0x17];
	[sflag:s30] =	ssyncadd.s32 $0xFFFFF900;
	s12 =	sadd.s32 s9, s15  }
0x126: {  	[hbm:s12], [sflag:s11] =	dma.local [spmem:s16], $0x700  }
0x127: {  	_ =	swait.ge [sflag:s30], $0x700  }
0x128: {  	[sflag:s30] =	ssyncset.done $0x0;
	s13 =	rddreg [dreg:$0xc]  }
0x129: {  	s14 =	rddreg [dreg:$0x18];
	[sflag:s30] =	ssyncadd.s32 $0xFFFFF900;
	s12 =	sadd.s32 s9, s13  }
0x12a: {  	[hbm:s12], [sflag:s11] =	dma.local [spmem:s14], $0x700  }
0x12b: {  	_ =	swait.ge [sflag:s30], $0x700  }
0x12c: {  	[sflag:s30] =	ssyncset.done $0x0;
	s15 =	rddreg [dreg:$0xd]  }
0x12d: {  	s16 =	rddreg [dreg:$0x19];
	[sflag:s30] =	ssyncadd.s32 $0xFFFFF900;
	s9 =	sadd.s32 s9, s15  }
0x12e: {  	[hbm:s9], [sflag:s11] =	dma.local [spmem:s16], $0x700  }
.Ltmp2:
0x12f: {  	_ =	swait.ge [sflag:s30], $0x700;
	(pc) =	sbr.rel @p1 .LBB2_4-.Ltmp2, $4  }
0x130: {  	[sflag:s30] =	ssyncset.done $0x0  }
0x131: {  	[sflag:s30] =	ssyncadd.s32 $0xFFFFF900  }
0x132: {  	[bflag:$0x0] =	sbarrier.arrive $0xFFFF  }
0x133: {  	p0 =	por $0x0, $0x0  }
0x134: {  	s9 =	sld [smem:$0x7F2];
	_ =	sdelay $0x2  }
0x135: {  	s7 =	rddreg [dreg:$0xe];
	s9 =	sadd.s32 $0x1, s9  }
0x136: {  	p0 =	sne.s32 s9, s7  }
.Ltmp3:
0x137: {  	_ = 	snop;
	(pc) =	sbr.rel @p0 .LBB2_1-.Ltmp3, $1  }
0x138: {  	_ =	sdelay $0x3  }
0x139: {  	_ =	sfence.sel $0x180000  }
0x13a: {  	[bflag:$0x0] =	sbarrier.arrive $0xFFFF  }
0x13b: {  	_ =	strace $0x9000004A  }
0x13c: {  	s0 =	stileid.u32;
	[bflag:$0x2] =	sbarrier.arrive $0xFFFF  }
0x13d: {  	p0 =	sne.s32 s0, $0x0;
	s0 =	rddreg [dreg:$0x2]  }
0x13e: {  	s0 =	sadd.s32 @!p0 $0x100000, s0  }
0x13f: {  	[sflag:s0] =	ssyncadd.tile.s32 @!p0 $0x1;
	_ =	shalt  }
.Lfunc_end2:
_tile_overlayer_lowered:
.L_overlay_start_2:
0x140: {  	(tag) =	ssettag $0x2  }
0x141: {  	s0 =	rddreg [dreg:$0x0];
	s2 =	stileid.u32  }
0x142: {  	s1 =	rddreg [dreg:$0x1];
	p0 =	sne.s32 s2, $0x0  }
0x143: {  	s3 =	rddreg [dreg:$0x2];
	[bflag:$0x3] =	sbarrier.arrive $0xFFFF;
	s2 =	simm.s32 @!p0 $0x1C04  }
0x144: {  	[timem:s3], [sflag:s2] =	dma.local @!p0 [hbm:s0], s1  }
0x145: {  	s0 =	simm.s32 @!p0 $0x4  }
0x146: {  	_ =	swait.ge @!p0 [sflag:s0], s1  }
0x147: {  	s1 =	ssub.s32 @!p0 $0x0, s1;
	[sflag:s0] =	ssyncset.done @!p0 $0x0  }
0x148: {  	[sflag:s0] =	ssyncadd.s32 @!p0 s1  }
0x149: {  	[bflag:$0x3] =	sbarrier.arrive $0xFFFF  }
0x14a: {  	_ =	shalt  }

// kernel: kernel.20.cloned.1.call-start
scs
__scs_entry_jumppad:
0x0: {  	(pc) =	sbr.rel $0x88, $3  }
0x1: {  	(tag) =	ssettag $0x0;
	lr =	simm.s32 $0x1  }
0x2: {  	[smem:$0x3F99] =	sst lr;
	_ =	strace $0xD0000000  }
0x3: {  	_ = 	snop  }
0x4: {  	_ = 	snop  }
0x5: {  	_ = 	snop  }
0x6: {  	_ = 	snop  }
0x7: {  	_ = 	snop  }
__scs_overlays_trampoline_lowered:
0x8: {  	[smem:$0x3FA8] =	sst s0  }
0x9: {  	[smem:$0x3FA9] =	sst s1  }
0xa: {  	[smem:$0x3FAA] =	sst s2  }
0xb: {  	[smem:$0x3FAB] =	sst s3  }
0xc: {  	[smem:$0x3FAC] =	sst s4  }
0xd: {  	[smem:$0x3FAD] =	sst s5  }
0xe: {  	[smem:$0x3FAE] =	sst s6  }
0xf: {  	[smem:$0x3FAF] =	sst s7  }
0x10: {  	[smem:$0x3FB0] =	sst s8  }
0x11: {  	[smem:$0x3FB1] =	sst s9;
	s0 =	simm.s32 @!p0 $0x0  }
0x12: {  	s1 =	sld [smem:$0x3F97];
	s0 =	simm.s32 @p0 $0x1  }
0x13: {  	[smem:$0x3FB2] =	sst s0;
	s0 =	simm.s32 @!p1 $0x0  }
0x14: {  	s2 =	sld [smem:$0x3F96];
	s0 =	simm.s32 @p1 $0x1  }
0x15: {  	[smem:$0x3FB3] =	sst s0;
	s0 =	simm.s32 @!p2 $0x0  }
0x16: {  	s3 =	sld [smem:$0x3FDB];
	s0 =	simm.s32 @p2 $0x1  }
0x17: {  	s4 =	simm.s32 $0x1BF5;
	[smem:$0x3FB5] =	sst s0  }
0x18: {  	s0 =	sld [smem:$0x3F98];
	_ =	swait.ge [sflag:s4], $0x0  }
0x19: {  	s7 =	sld [smem:$0x3F99]  }
0x1a: {  	s8 =	sadd.s32 $0xFFFFE003, lr  }
0x1b: {  	s9 =	sadd.s32 $0xFFFFFEF7, lr;
	s5 =	simm.s32 $0xFFFFFFFF;
	p2 =	slt.u32 s8, $0xFFFFF086  }
0x1c: {  	p1 =	slt.u32 s9, $0xF7A;
	s5 =	simm.s32 @!p2 $0x0  }
0x1d: {  	s5 =	simm.s32 @p1 $0x1;
	p0 =	seq.s32 s7, s2  }
0x1e: {  	s7 =	smul.u32 @!p0 $0xF7A, s2;
	p2 =	seq.s32 @!p0 s5, $0x0  }
0x1f: {  	s9 =	smul.u32 $0xF7A, s1;
	s8 =	simm.s32 @!p0 $0x1BF5;
	p2 =	por !p2, p0  }
0x20: {  	[sflag:s8] =	ssyncset.s32 @!p0 $0xFFFFF086;
	s6 =	sadd.s32 @!p0 s3, s7;
	s7 =	simm.s32 @!p0 $0x108  }
0x21: {  	s3 =	sadd.s32 s3, s9;
	s6 =	sadd.s32 @!p0 $0x88, s6;
	s7 =	simm.s32 @p2 $0x1082  }
0x22: {  	[simem:s7], [sflag:s8] =	dma.local @!p0 [hbm:s6], $0xF7A  }
0x23: {  	s9 =	sor.u32 $0xD0000000, s2;
	s6 =	simm.s32 $0x108;
	_ =	swait.ge @!p0 [sflag:s8], $0x0  }
0x24: {  	s3 =	sadd.s32 $0x88, s3;
	s6 =	simm.s32 @!p1 $0x1082;
	[sflag:s4] =	ssyncset.s32 $0xFFFFF086  }
0x25: {  	[simem:s6], [sflag:s4] =	dma.local [hbm:s3], $0xF7A  }
0x26: {  	[smem:$0x3F99] =	sst s1;
	(tag) =	ssettag s2;
	_ =	strace s9  }
0x27: {  	s1 =	sld [smem:$0x3FA9]  }
0x28: {  	s2 =	sld [smem:$0x3FAA]  }
0x29: {  	s4 =	sld [smem:$0x3FAC]  }
0x2a: {  	p0 =	seq.s32 s5, $0x0;
	s5 =	sld [smem:$0x3FAD]  }
0x2b: {  	s6 =	sld [smem:$0x3FAE]  }
0x2c: {  	s7 =	sld [smem:$0x3FAF]  }
0x2d: {  	s3 =	simm.s32 $0x108;
	s8 =	sld [smem:$0x3FB0]  }
0x2e: {  	s3 =	simm.s32 @!p0 $0x1082;
	s9 =	sld [smem:$0x3FB1]  }
0x2f: {  	lr =	sadd.s32 s0, s3;
	s0 =	sld [smem:$0x3FA8]  }
0x30: {  	s3 =	sld [smem:$0x3FAB]  }
0x31: {  	[smem:$0x3FB4] =	sst s10  }
0x32: {  	s10 =	sld [smem:$0x3FB2];
	_ =	sdelay $0x3  }
0x33: {  	p0 =	seq.s32 s10, $0x1;
	s10 =	sld [smem:$0x3FB4];
	_ =	sdelay $0x3  }
0x34: {  	[smem:$0x3FB4] =	sst s10  }
0x35: {  	s10 =	sld [smem:$0x3FB3];
	_ =	sdelay $0x3  }
0x36: {  	p1 =	seq.s32 s10, $0x1;
	s10 =	sld [smem:$0x3FB4];
	_ =	sdelay $0x3  }
0x37: {  	[smem:$0x3FB4] =	sst s10  }
0x38: {  	s10 =	sld [smem:$0x3FB5]  }
0x39: {  	_ = 	snop;
	(pc) =	sbr.ind lr, $3  }
0x3a: {  	_ = 	snop  }
0x3b: {  	_ = 	snop  }
0x3c: {  	p2 =	seq.s32 s10, $0x1;
	s10 =	sld [smem:$0x3FB4]  }
0x3d: {  	_ =	shalt  }
0x3e: {  	_ =	shalt  }
0x3f: {  	_ =	shalt  }
0x40: {  	_ =	shalt  }
0x41: {  	_ =	shalt  }
0x42: {  	_ =	shalt  }
0x43: {  	_ =	shalt  }
0x44: {  	_ =	shalt  }
0x45: {  	_ =	shalt  }
0x46: {  	_ =	shalt  }
0x47: {  	_ =	shalt  }
0x48: {  	_ =	shalt  }
0x49: {  	_ =	shalt  }
0x4a: {  	_ =	shalt  }
0x4b: {  	_ =	shalt  }
0x4c: {  	_ =	shalt  }
0x4d: {  	_ =	shalt  }
0x4e: {  	_ =	shalt  }
0x4f: {  	_ =	shalt  }
0x50: {  	_ =	shalt  }
0x51: {  	_ =	shalt  }
0x52: {  	_ =	shalt  }
0x53: {  	_ =	shalt  }
0x54: {  	_ =	shalt  }
0x55: {  	_ =	shalt  }
0x56: {  	_ =	shalt  }
0x57: {  	_ =	shalt  }
0x58: {  	_ =	shalt  }
0x59: {  	_ =	shalt  }
0x5a: {  	_ =	shalt  }
0x5b: {  	_ =	shalt  }
0x5c: {  	_ =	shalt  }
0x5d: {  	_ =	shalt  }
0x5e: {  	_ =	shalt  }
0x5f: {  	_ =	shalt  }
0x60: {  	_ =	shalt  }
0x61: {  	_ =	shalt  }
0x62: {  	_ =	shalt  }
0x63: {  	_ =	shalt  }
0x64: {  	_ =	shalt  }
0x65: {  	_ =	shalt  }
0x66: {  	_ =	shalt  }
0x67: {  	_ =	shalt  }
0x68: {  	_ =	shalt  }
0x69: {  	_ =	shalt  }
0x6a: {  	_ =	shalt  }
0x6b: {  	_ =	shalt  }
0x6c: {  	_ =	shalt  }
0x6d: {  	_ =	shalt  }
0x6e: {  	_ =	shalt  }
0x6f: {  	_ =	shalt  }
0x70: {  	_ =	shalt  }
0x71: {  	_ =	shalt  }
0x72: {  	_ =	shalt  }
0x73: {  	_ =	shalt  }
0x74: {  	_ =	shalt  }
0x75: {  	_ =	shalt  }
0x76: {  	_ =	shalt  }
0x77: {  	_ =	shalt  }
0x78: {  	_ =	shalt  }
0x79: {  	_ =	shalt  }
0x7a: {  	_ =	shalt  }
0x7b: {  	_ =	shalt  }
0x7c: {  	_ =	shalt  }
0x7d: {  	_ =	shalt  }
0x7e: {  	_ =	shalt  }
0x7f: {  	_ =	shalt  }
0x80: {  	_ =	shalt  }
0x81: {  	_ =	shalt  }
0x82: {  	_ =	shalt  }
0x83: {  	_ =	shalt  }
0x84: {  	_ =	shalt  }
0x85: {  	_ =	shalt  }
0x86: {  	_ =	shalt  }
0x87: {  	_ =	shalt  }
.Lfunc_end0:
.L_simem_size_0:
called_computation.2_lowered:
.L_overlay_start_0:
0x88: {  	s2 =	sld [smem:$0x3FD9]  }
0x89: {  	s3 =	sld [smem:$0x3FFE];
	_ =	sdelay $0x1  }
0x8a: {  	s1 =	srdreg.scid  }
0x8b: {  	s0 =	sand.u32 $0x1, s1  }
0x8c: {  	s16 =	sshll.u32 s0, $0xA;
	s2 =	sadd.s32 s3, s2  }
0x8d: {  	s2 =	sadd.s32 s2, s16  }
0x8e: {  	[smem:$0x3FC0] =	sst s2  }
0x8f: {  	_ = 	snop  }
0x90: {  	(tm) =	ssettm $0x1  }
0x91: {  	s17 =	sld [smem:$0x3FFB];
	_ =	sdelay $0x3  }
0x92: {  	_ =	strace s17  }
0x93: {  	s2 =	sld [smem:$0x3FFC];
	_ =	sdelay $0x3  }
0x94: {  	_ =	strace s2  }
0x95: {  	s2 =	sld [smem:$0x3FFD];
	_ =	sdelay $0x3  }
0x96: {  	_ =	strace s2  }
0x97: {  	_ =	strace $0x8FFFFFFF  }
0x98: {  	s18 =	sld [smem:$0x3FDB];
	_ =	sdelay $0x1  }
0x99: {  	s19 =	simm.s32 $_scs_section_size  }
0x9a: {  	s4 =	simm.s32 $_size__tile_overlayer_lowered;
	s5 =	simm.s32 $_tile_overlayer_lowered  }
0x9b: {  	s22 =	simm.s32 $0x1BFF;
	s21 =	sshll.u32 s5, $0x1;
	s2 =	sadd.s32 s19, s18  }
0x9c: {  	s6 =	simm.s32 $0x0;
	s20 =	sshll.u32 s4, $0x1;
	s4 =	sadd.s32 s21, s2  }
0x9d: {  	[timem:s6], [sflag:s22] =	dma.local [hbm:s4], s20  }
0x9e: {  	_ =	swait.ge [sflag:s22], s20  }
0x9f: {  	s3 =	ssub.s32 $0x0, s20;
	[sflag:s22] =	ssyncset.done $0x0  }
0xa0: {  	[sflag:s22] =	ssyncadd.s32 s3;
	_ =	sdelay $0x1  }
0xa1: {  	s23 =	simm.s32 $0x1B8B  }
0xa2: {  	_ =	swait.ge [sflag:s23], $0x1  }
0xa3: {  	[sflag:s23] =	ssyncset.done $0x0  }
0xa4: {  	s25 =	simm.s32 $0x1B8E;
	s24 =	sld [smem:$0x3FFE];
	[sflag:s23] =	ssyncadd.s32 $0xFFFFFFFF  }
0xa5: {  	s26 =	simm.s32 $execute0_lowered;
	[smem:$0x3FD2] =	sst s25  }
0xa6: {  	s4 =	sshll.u32 s26, $0x1;
	_ =	strace $0x8000004C;
	[dreg:$0x1] =	wrdreg $0xFFFFFFFF  }
0xa7: {  	s28 =	simm.s32 $_size_execute0_lowered;
	s2 =	sadd.s32 s2, s4;
	[dreg:$0x0] =	wrdreg $0x0  }
0xa8: {  	s4 =	sshll.u32 s28, $0x1;
	[dreg:$0x2] =	wrdreg s2  }
0xa9: {  	[dreg:$0x3] =	wrdreg s4  }
0xaa: {  	[dreg:$0x4] =	wrdreg $0xC0  }
0xab: {  	_ =	task [dreg:s6], $0x5FFFF  }
0xac: {  	[dreg:$0x1] =	wrdreg $0xFFFFFFFF  }
0xad: {  	[dreg:$0x0] =	wrdreg $0x60  }
0xae: {  	[dreg:$0x2] =	wrdreg s24  }
0xaf: {  	[dreg:$0x3] =	wrdreg $0x9  }
0xb0: {  	_ =	task.clear_ibuf [dreg:s6], $0x4FFFF;
	_ =	strace $0x9000004C  }
0xb1: {  	s29 =	simm.s32 $0x9;
	_ =	strace $0x8000004E  }
0xb2: {  	_ =	swait.ge [sflag:s29], $0x1  }
0xb3: {  	[sflag:s29] =	ssyncadd.s32 $0xFFFFFFFF  }
0xb4: {  	_ =	strace $0x9000004E  }
0xb5: {  	_ =	sfence  }
0xb6: {  	s30 =	sld [smem:$0x0];
	_ =	sdelay $0x2  }
0xb7: {  	s31 =	sshll.u32 s1, $0xD;
	s1 =	sshrl.u32 s1, $0x2  }
0xb8: {  	s3 =	sand.u32 $0x4000, s31;
	s1 =	sadd.s32 s1, s30  }
0xb9: {  	s0 =	sor.u32 s3, s0;
	s1 =	sshll.u32 s1, $0x11  }
0xba: {  	s0 =	sor.u32 s1, s0  }
0xbb: {  	s0 =	sadd.s32 $0x8F2B, s0  }
0xbc: {  	[sflag:s0] =	ssyncadd.remote.s32 $0x1  }
0xbd: {  	_ =	sfence.sel $0xFFFF  }
0xbe: {  	[dreg:$0x0] =	wrdreg $0xFFFFFFFF;
	(pc) =	sbr.abs _section_cstart, $3  }
0xbf: {  	[dreg:$0x1] =	wrdreg $0xFFFFFFFF  }
0xc0: {  	_ =	task.clear_ibuf [dreg:s6], $0x2FFFF;
	_ =	strace $0x9FFFFFFF  }
0xc1: {  	(tm) =	ssettm $0x7FFFFFFF  }
tec
execute0_lowered:
.L_overlay_start_1:
0x0: {  	(tag) =	ssettag $0x1  }
0x1: {  	s4 =	rddreg [dreg:$0x0]  }
0x2: {  	s0 =	rddreg [dreg:$0x1];
	s2 =	simm.s32 $0x0;
	s3 =	srdreg.scid  }
0x3: {  	s1 =	stileid.u32;
	s16 =	simm.s32 $0x8080;
	s17 =	simm.s32 $0x2  }
0x4: {  	s18 =	simm.s32 $0x4000;
	s19 =	simm.s32 $0x3;
	s20 =	simm.s32 $0x5  }
0x5: {  	s21 =	simm.s32 $0x4;
	s22 =	simm.s32 $0x6;
	s23 =	simm.s32 $0x0  }
0x6: {  	[smem:$0x7FF] =	sst s2;
	s10 =	sand.u32 $0x1, s3;
	s3 =	sadd.s32 $0x2C8800, s4  }
0x7: {  	s5 =	sshll.u32 s1, $0x1;
	s11 =	sadd.s32 $0x54A00, s4;
	s12 =	sadd.s32 $0x2D70200, s4  }
0x8: {  	s13 =	sshll.u32 s1, $0xC;
	s28 =	sshll.u32 s1, $0x5;
	_ =	strace $0x8000004D  }
0x9: {  	s5 =	sor.u32 s10, s5;
	s6 =	ssub.s32 $0x2, s10;
	s14 =	sadd.s32 s13, s12  }
0xa: {  	s15 =	sshll.u32 s10, $0xB;
	s29 =	sadd.s32 s28, s11;
	s30 =	sshll.u32 s10, $0x4  }
0xb: {  	s26 =	sshll.u32 s5, $0x4;
	s7 =	sshrl.u32 s6, $0x1;
	s5 =	sshll.u32 s5, $0xB  }
0xc: {  	s14 =	sadd.s32 s15, s14;
	s13 =	sor.u32 s15, s13;
	s31 =	sadd.s32 s30, s29  }
.Ltmp0:
0xd: {  	s15 =	simm.s32 $0x80;
	s4 =	sadd.s32 s11, s26;
	(pc) =	sbr.rel .LBB2_1-.Ltmp0, $4  }
0xe: {  	s8 =	ssub.s32 s6, s7;
	s5 =	sadd.s32 s12, s5;
	s12 =	sadd.s32 s13, s12  }
0xf: {  	s10 =	sadd.s32 $0x20000, s14;
	s13 =	simm.s32 $0x8000;
	s14 =	simm.s32 $0x1  }
0x10: {  	s6 =	sadd.s32 $0x400, s4;
	s7 =	sadd.s32 $0x1490000, s5;
	s8 =	smax.u32 s8, $0x1  }
0x11: {  	s9 =	sadd.s32 $0x200, s4;
	s11 =	sadd.s32 $0x10000, s12;
	s12 =	sadd.s32 $0x800, s31  }
.LBB2_4:
0x12: {  	_ =	swait.ge [sflag:s21], $0x4000  }
0x13: {  	[sflag:s21] =	ssyncset.done $0x0  }
0x14: {  	s23 =	sadd.s32 $0x1, s23;
	[sflag:s21] =	ssyncadd.s32 $0xFFFFC000  }
0x15: {  	[hbm4b:s7+s2] =	stream.linear.scatter [tilespmem:s18], [sflag:$0x6], $0x4000, $0x38;
	[tilespmem:$0x8100] =	vst v63  }
0x16: {  	p0 =	sne.s32 s23, s8;
	_ =	swait.ge [sflag:s20], $0x4000  }
.Ltmp1:
0x17: {  	[sflag:s20] =	ssyncset.done $0x0;
	(pc) =	sbr.rel @!p0 .LBB2_5-.Ltmp1, $4  }
0x18: {  	[sflag:s20] =	ssyncadd.s32 $0xFFFFC000  }
0x19: {  	_ =	swait.ge [sflag:s22], $0x4000  }
0x1a: {  	[sflag:s22] =	ssyncset.done $0x0  }
0x1b: {  	[sflag:s22] =	ssyncadd.s32 $0xFFFFC000  }
.LBB2_1:
0x1c: {  	[tilespmem:s13], [sflag:$0x1] =	stream.linear.gather [hbm4b:s4+s2], $0x80, $0x38;
	[tilespmem:$0x8100] =	vst v63  }
0x1d: {  	_ =	swait.ge [sflag:s14], $0x80  }
0x1e: {  	[sflag:s14] =	ssyncset.done $0x0  }
0x1f: {  	[sflag:s14] =	ssyncadd.s32 $0xFFFFFF80  }
0x20: {  	[tilespmem:s2], [sflag:$0x3] =	stream.indirect.gather [hbm4b:s3+s15], $0x80, s13, s15, $0xb8;
	[tilespmem:$0x8100] =	vst v63  }
0x21: {  	_ = 	snop  }
0x22: {  	[tilespmem:s16], [sflag:$0x2] =	stream.linear.gather [hbm4b:s9+s2], $0x80, $0x38;
	[tilespmem:$0x8100] =	vst v63  }
0x23: {  	_ =	swait.ge [sflag:s17], $0x80  }
0x24: {  	[sflag:s17] =	ssyncset.done $0x0  }
0x25: {  	[sflag:s17] =	ssyncadd.s32 $0xFFFFFF80  }
0x26: {  	[tilespmem:s18], [sflag:$0x4] =	stream.indirect.gather [hbm4b:s3+s15], $0x80, s16, s15, $0xb8;
	[tilespmem:$0x8100] =	vst v63  }
0x27: {  	_ =	swait.ge [sflag:s19], $0x4000  }
0x28: {  	[sflag:s19] =	ssyncset.done $0x0  }
0x29: {  	[sflag:s19] =	ssyncadd.s32 $0xFFFFC000  }
0x2a: {  	[hbm4b:s5+s2] =	stream.linear.scatter [tilespmem:s2], [sflag:$0x5], $0x4000, $0x38;
	[tilespmem:$0x8100] =	vst v63  }
0x2b: {  	s24 =	smov.u32 s12;
	s25 =	simm.s32 $0x0  }
0x2c: {  	[tilespmem:s13], [sflag:$0x1] =	stream.linear.gather [hbm4b:s6+s2], $0x80, $0x38;
	[tilespmem:$0x8100] =	vst v63  }
.LBB2_2:
0x2d: {  	_ =	swait.ge [sflag:s14], $0x80  }
0x2e: {  	[sflag:s14] =	ssyncset.done $0x0  }
0x2f: {  	[sflag:s14] =	ssyncadd.s32 $0xFFFFFF80  }
0x30: {  	_ =	swait.ge [sflag:s20], $0x4000  }
0x31: {  	[sflag:s20] =	ssyncset.done $0x0  }
0x32: {  	[sflag:s20] =	ssyncadd.s32 $0xFFFFC000  }
0x33: {  	[tilespmem:s2], [sflag:$0x3] =	stream.indirect.gather [hbm4b:s3+s15], $0x80, s13, s15, $0xb8;
	[tilespmem:$0x8100] =	vst v63  }
0x34: {  	_ =	swait.ge [sflag:s21], $0x4000  }
0x35: {  	[sflag:s21] =	ssyncset.done $0x0  }
0x36: {  	s26 =	sadd.s32 s25, s11;
	[sflag:s21] =	ssyncadd.s32 $0xFFFFC000  }
0x37: {  	[hbm4b:s26+s2] =	stream.linear.scatter [tilespmem:s18], [sflag:$0x6], $0x4000, $0x38;
	[tilespmem:$0x8100] =	vst v63  }
0x38: {  	s30 =	sadd.s32 $0xFFFFFE00, s24  }
0x39: {  	[tilespmem:s16], [sflag:$0x2] =	stream.linear.gather [hbm4b:s30+s2], $0x80, $0x38;
	[tilespmem:$0x8100] =	vst v63  }
0x3a: {  	_ =	swait.ge [sflag:s17], $0x80  }
0x3b: {  	[sflag:s17] =	ssyncset.done $0x0  }
0x3c: {  	[sflag:s17] =	ssyncadd.s32 $0xFFFFFF80  }
0x3d: {  	_ =	swait.ge [sflag:s22], $0x4000  }
0x3e: {  	[sflag:s22] =	ssyncset.done $0x0  }
0x3f: {  	p0 =	seq.s32 s25, $0x1460000;
	[sflag:s22] =	ssyncadd.s32 $0xFFFFC000  }
0x40: {  	[tilespmem:s18], [sflag:$0x4] =	stream.indirect.gather [hbm4b:s3+s15], $0x80, s16, s15, $0xb8;
	[tilespmem:$0x8100] =	vst v63  }
.Ltmp2:
0x41: {  	_ = 	snop;
	(pc) =	sbr.rel @p0 .LBB2_4-.Ltmp2, $4  }
0x42: {  	_ =	swait.ge [sflag:s19], $0x4000  }
0x43: {  	[sflag:s19] =	ssyncset.done $0x0  }
0x44: {  	s31 =	sadd.s32 s25, s10;
	[sflag:s19] =	ssyncadd.s32 $0xFFFFC000  }
0x45: {  	[hbm4b:s31+s2] =	stream.linear.scatter [tilespmem:s2], [sflag:$0x5], $0x4000, $0x38;
	[tilespmem:$0x8100] =	vst v63  }
.Ltmp3:
0x46: {  	(pc) =	sbr.rel .LBB2_2-.Ltmp3, $3  }
0x47: {  	_ =	sdelay $0x1  }
0x48: {  	[tilespmem:s13], [sflag:$0x1] =	stream.linear.gather [hbm4b:s24+s2], $0x80, $0x38;
	[tilespmem:$0x8100] =	vst v63  }
0x49: {  	s25 =	sadd.s32 $0x20000, s25;
	s24 =	sadd.s32 $0x400, s24  }
.LBB2_5:
0x4a: {  	_ =	sfence.sel $0x180000  }
0x4b: {  	[bflag:$0x0] =	sbarrier.arrive $0xFFFF  }
0x4c: {  	p0 =	sne.s32 s1, $0x0;
	_ =	strace $0x9000004D  }
0x4d: {  	s0 =	sadd.s32 @!p0 $0x100000, s0;
	[bflag:$0x2] =	sbarrier.arrive $0xFFFF  }
0x4e: {  	[sflag:s0] =	ssyncadd.tile.s32 @!p0 $0x1;
	_ =	shalt  }
.Lfunc_end2:
_tile_overlayer_lowered:
.L_overlay_start_2:
0x4f: {  	(tag) =	ssettag $0x2  }
0x50: {  	s0 =	rddreg [dreg:$0x0];
	s2 =	stileid.u32  }
0x51: {  	s1 =	rddreg [dreg:$0x1];
	p0 =	sne.s32 s2, $0x0  }
0x52: {  	s3 =	rddreg [dreg:$0x2];
	[bflag:$0x3] =	sbarrier.arrive $0xFFFF;
	s2 =	simm.s32 @!p0 $0x1C07  }
0x53: {  	[timem:s3], [sflag:s2] =	dma.local @!p0 [hbm:s0], s1  }
0x54: {  	s0 =	simm.s32 @!p0 $0x7  }
0x55: {  	_ =	swait.ge @!p0 [sflag:s0], s1  }
0x56: {  	s1 =	ssub.s32 @!p0 $0x0, s1;
	[sflag:s0] =	ssyncset.done @!p0 $0x0  }
0x57: {  	[sflag:s0] =	ssyncadd.s32 @!p0 s1  }
0x58: {  	[bflag:$0x3] =	sbarrier.arrive $0xFFFF  }
0x59: {  	_ =	shalt  }

// kernel: kernel.23.cloned.1.call-start
scs
__scs_entry_jumppad:
0x0: {  	(pc) =	sbr.rel $0x88, $3  }
0x1: {  	(tag) =	ssettag $0x0;
	lr =	simm.s32 $0x1  }
0x2: {  	[smem:$0x3F99] =	sst lr;
	_ =	strace $0xD0000000  }
0x3: {  	_ = 	snop  }
0x4: {  	_ = 	snop  }
0x5: {  	_ = 	snop  }
0x6: {  	_ = 	snop  }
0x7: {  	_ = 	snop  }
__scs_overlays_trampoline_lowered:
0x8: {  	[smem:$0x3FA8] =	sst s0  }
0x9: {  	[smem:$0x3FA9] =	sst s1  }
0xa: {  	[smem:$0x3FAA] =	sst s2  }
0xb: {  	[smem:$0x3FAB] =	sst s3  }
0xc: {  	[smem:$0x3FAC] =	sst s4  }
0xd: {  	[smem:$0x3FAD] =	sst s5  }
0xe: {  	[smem:$0x3FAE] =	sst s6  }
0xf: {  	[smem:$0x3FAF] =	sst s7  }
0x10: {  	[smem:$0x3FB0] =	sst s8  }
0x11: {  	[smem:$0x3FB1] =	sst s9;
	s0 =	simm.s32 @!p0 $0x0  }
0x12: {  	s1 =	sld [smem:$0x3F97];
	s0 =	simm.s32 @p0 $0x1  }
0x13: {  	[smem:$0x3FB2] =	sst s0;
	s0 =	simm.s32 @!p1 $0x0  }
0x14: {  	s2 =	sld [smem:$0x3F96];
	s0 =	simm.s32 @p1 $0x1  }
0x15: {  	[smem:$0x3FB3] =	sst s0;
	s0 =	simm.s32 @!p2 $0x0  }
0x16: {  	s3 =	sld [smem:$0x3FDB];
	s0 =	simm.s32 @p2 $0x1  }
0x17: {  	s4 =	simm.s32 $0x1BF5;
	[smem:$0x3FB5] =	sst s0  }
0x18: {  	s0 =	sld [smem:$0x3F98];
	_ =	swait.ge [sflag:s4], $0x0  }
0x19: {  	s7 =	sld [smem:$0x3F99]  }
0x1a: {  	s8 =	sadd.s32 $0xFFFFE003, lr  }
0x1b: {  	s9 =	sadd.s32 $0xFFFFFEF7, lr;
	s5 =	simm.s32 $0xFFFFFFFF;
	p2 =	slt.u32 s8, $0xFFFFF086  }
0x1c: {  	p1 =	slt.u32 s9, $0xF7A;
	s5 =	simm.s32 @!p2 $0x0  }
0x1d: {  	s5 =	simm.s32 @p1 $0x1;
	p0 =	seq.s32 s7, s2  }
0x1e: {  	s7 =	smul.u32 @!p0 $0xF7A, s2;
	p2 =	seq.s32 @!p0 s5, $0x0  }
0x1f: {  	s9 =	smul.u32 $0xF7A, s1;
	s8 =	simm.s32 @!p0 $0x1BF5;
	p2 =	por !p2, p0  }
0x20: {  	[sflag:s8] =	ssyncset.s32 @!p0 $0xFFFFF086;
	s6 =	sadd.s32 @!p0 s3, s7;
	s7 =	simm.s32 @!p0 $0x108  }
0x21: {  	s3 =	sadd.s32 s3, s9;
	s6 =	sadd.s32 @!p0 $0x88, s6;
	s7 =	simm.s32 @p2 $0x1082  }
0x22: {  	[simem:s7], [sflag:s8] =	dma.local @!p0 [hbm:s6], $0xF7A  }
0x23: {  	s9 =	sor.u32 $0xD0000000, s2;
	s6 =	simm.s32 $0x108;
	_ =	swait.ge @!p0 [sflag:s8], $0x0  }
0x24: {  	s3 =	sadd.s32 $0x88, s3;
	s6 =	simm.s32 @!p1 $0x1082;
	[sflag:s4] =	ssyncset.s32 $0xFFFFF086  }
0x25: {  	[simem:s6], [sflag:s4] =	dma.local [hbm:s3], $0xF7A  }
0x26: {  	[smem:$0x3F99] =	sst s1;
	(tag) =	ssettag s2;
	_ =	strace s9  }
0x27: {  	s1 =	sld [smem:$0x3FA9]  }
0x28: {  	s2 =	sld [smem:$0x3FAA]  }
0x29: {  	s4 =	sld [smem:$0x3FAC]  }
0x2a: {  	p0 =	seq.s32 s5, $0x0;
	s5 =	sld [smem:$0x3FAD]  }
0x2b: {  	s6 =	sld [smem:$0x3FAE]  }
0x2c: {  	s7 =	sld [smem:$0x3FAF]  }
0x2d: {  	s3 =	simm.s32 $0x108;
	s8 =	sld [smem:$0x3FB0]  }
0x2e: {  	s3 =	simm.s32 @!p0 $0x1082;
	s9 =	sld [smem:$0x3FB1]  }
0x2f: {  	lr =	sadd.s32 s0, s3;
	s0 =	sld [smem:$0x3FA8]  }
0x30: {  	s3 =	sld [smem:$0x3FAB]  }
0x31: {  	[smem:$0x3FB4] =	sst s10  }
0x32: {  	s10 =	sld [smem:$0x3FB2];
	_ =	sdelay $0x3  }
0x33: {  	p0 =	seq.s32 s10, $0x1;
	s10 =	sld [smem:$0x3FB4];
	_ =	sdelay $0x3  }
0x34: {  	[smem:$0x3FB4] =	sst s10  }
0x35: {  	s10 =	sld [smem:$0x3FB3];
	_ =	sdelay $0x3  }
0x36: {  	p1 =	seq.s32 s10, $0x1;
	s10 =	sld [smem:$0x3FB4];
	_ =	sdelay $0x3  }
0x37: {  	[smem:$0x3FB4] =	sst s10  }
0x38: {  	s10 =	sld [smem:$0x3FB5]  }
0x39: {  	_ = 	snop;
	(pc) =	sbr.ind lr, $3  }
0x3a: {  	_ = 	snop  }
0x3b: {  	_ = 	snop  }
0x3c: {  	p2 =	seq.s32 s10, $0x1;
	s10 =	sld [smem:$0x3FB4]  }
0x3d: {  	_ =	shalt  }
0x3e: {  	_ =	shalt  }
0x3f: {  	_ =	shalt  }
0x40: {  	_ =	shalt  }
0x41: {  	_ =	shalt  }
0x42: {  	_ =	shalt  }
0x43: {  	_ =	shalt  }
0x44: {  	_ =	shalt  }
0x45: {  	_ =	shalt  }
0x46: {  	_ =	shalt  }
0x47: {  	_ =	shalt  }
0x48: {  	_ =	shalt  }
0x49: {  	_ =	shalt  }
0x4a: {  	_ =	shalt  }
0x4b: {  	_ =	shalt  }
0x4c: {  	_ =	shalt  }
0x4d: {  	_ =	shalt  }
0x4e: {  	_ =	shalt  }
0x4f: {  	_ =	shalt  }
0x50: {  	_ =	shalt  }
0x51: {  	_ =	shalt  }
0x52: {  	_ =	shalt  }
0x53: {  	_ =	shalt  }
0x54: {  	_ =	shalt  }
0x55: {  	_ =	shalt  }
0x56: {  	_ =	shalt  }
0x57: {  	_ =	shalt  }
0x58: {  	_ =	shalt  }
0x59: {  	_ =	shalt  }
0x5a: {  	_ =	shalt  }
0x5b: {  	_ =	shalt  }
0x5c: {  	_ =	shalt  }
0x5d: {  	_ =	shalt  }
0x5e: {  	_ =	shalt  }
0x5f: {  	_ =	shalt  }
0x60: {  	_ =	shalt  }
0x61: {  	_ =	shalt  }
0x62: {  	_ =	shalt  }
0x63: {  	_ =	shalt  }
0x64: {  	_ =	shalt  }
0x65: {  	_ =	shalt  }
0x66: {  	_ =	shalt  }
0x67: {  	_ =	shalt  }
0x68: {  	_ =	shalt  }
0x69: {  	_ =	shalt  }
0x6a: {  	_ =	shalt  }
0x6b: {  	_ =	shalt  }
0x6c: {  	_ =	shalt  }
0x6d: {  	_ =	shalt  }
0x6e: {  	_ =	shalt  }
0x6f: {  	_ =	shalt  }
0x70: {  	_ =	shalt  }
0x71: {  	_ =	shalt  }
0x72: {  	_ =	shalt  }
0x73: {  	_ =	shalt  }
0x74: {  	_ =	shalt  }
0x75: {  	_ =	shalt  }
0x76: {  	_ =	shalt  }
0x77: {  	_ =	shalt  }
0x78: {  	_ =	shalt  }
0x79: {  	_ =	shalt  }
0x7a: {  	_ =	shalt  }
0x7b: {  	_ =	shalt  }
0x7c: {  	_ =	shalt  }
0x7d: {  	_ =	shalt  }
0x7e: {  	_ =	shalt  }
0x7f: {  	_ =	shalt  }
0x80: {  	_ =	shalt  }
0x81: {  	_ =	shalt  }
0x82: {  	_ =	shalt  }
0x83: {  	_ =	shalt  }
0x84: {  	_ =	shalt  }
0x85: {  	_ =	shalt  }
0x86: {  	_ =	shalt  }
0x87: {  	_ =	shalt  }
.Lfunc_end0:
.L_simem_size_0:
called_computation.3_lowered:
.L_overlay_start_0:
0x88: {  	s2 =	sld [smem:$0x3FD9]  }
0x89: {  	s3 =	sld [smem:$0x3FFE];
	_ =	sdelay $0x1  }
0x8a: {  	s1 =	srdreg.scid  }
0x8b: {  	s0 =	sand.u32 $0x1, s1  }
0x8c: {  	s16 =	sshll.u32 s0, $0xA;
	s2 =	sadd.s32 s3, s2  }
0x8d: {  	s2 =	sadd.s32 s2, s16  }
0x8e: {  	[smem:$0x3FC0] =	sst s2  }
0x8f: {  	_ = 	snop  }
0x90: {  	(tm) =	ssettm $0x1  }
0x91: {  	s17 =	sld [smem:$0x3FFB];
	_ =	sdelay $0x3  }
0x92: {  	_ =	strace s17  }
0x93: {  	s2 =	sld [smem:$0x3FFC];
	_ =	sdelay $0x3  }
0x94: {  	_ =	strace s2  }
0x95: {  	s2 =	sld [smem:$0x3FFD];
	_ =	sdelay $0x3  }
0x96: {  	_ =	strace s2  }
0x97: {  	_ =	strace $0x8FFFFFFF  }
0x98: {  	s18 =	sld [smem:$0x3FDB];
	_ =	sdelay $0x1  }
0x99: {  	s19 =	simm.s32 $_scs_section_size  }
0x9a: {  	s4 =	simm.s32 $_size__tile_overlayer_lowered;
	s5 =	simm.s32 $_tile_overlayer_lowered  }
0x9b: {  	s22 =	simm.s32 $0x1BFF;
	s21 =	sshll.u32 s5, $0x1;
	s2 =	sadd.s32 s19, s18  }
0x9c: {  	s6 =	simm.s32 $0x0;
	s20 =	sshll.u32 s4, $0x1;
	s4 =	sadd.s32 s21, s2  }
0x9d: {  	[timem:s6], [sflag:s22] =	dma.local [hbm:s4], s20  }
0x9e: {  	_ =	swait.ge [sflag:s22], s20  }
0x9f: {  	s3 =	ssub.s32 $0x0, s20;
	[sflag:s22] =	ssyncset.done $0x0  }
0xa0: {  	[sflag:s22] =	ssyncadd.s32 s3;
	_ =	sdelay $0x1  }
0xa1: {  	s23 =	simm.s32 $0x1B8B  }
0xa2: {  	_ =	swait.ge [sflag:s23], $0x1  }
0xa3: {  	[sflag:s23] =	ssyncset.done $0x0  }
0xa4: {  	s25 =	simm.s32 $0x1B8E;
	s24 =	sld [smem:$0x3FFE];
	[sflag:s23] =	ssyncadd.s32 $0xFFFFFFFF  }
0xa5: {  	s26 =	simm.s32 $execute0_lowered;
	[smem:$0x3FD2] =	sst s25  }
0xa6: {  	s4 =	sshll.u32 s26, $0x1;
	_ =	strace $0x8000004F;
	[dreg:$0x1] =	wrdreg $0xFFFFFFFF  }
0xa7: {  	s28 =	simm.s32 $_size_execute0_lowered;
	s2 =	sadd.s32 s2, s4;
	[dreg:$0x0] =	wrdreg $0x0  }
0xa8: {  	s4 =	sshll.u32 s28, $0x1;
	[dreg:$0x2] =	wrdreg s2  }
0xa9: {  	[dreg:$0x3] =	wrdreg s4  }
0xaa: {  	[dreg:$0x4] =	wrdreg $0xC0  }
0xab: {  	_ =	task [dreg:s6], $0x5FFFF  }
0xac: {  	[dreg:$0x1] =	wrdreg $0xFFFFFFFF  }
0xad: {  	[dreg:$0x0] =	wrdreg $0x60  }
0xae: {  	[dreg:$0x2] =	wrdreg s24  }
0xaf: {  	[dreg:$0x3] =	wrdreg $0x0  }
0xb0: {  	[dreg:$0x4] =	wrdreg $0x9  }
0xb1: {  	_ =	task.clear_ibuf [dreg:s6], $0x5FFFF;
	_ =	strace $0x9000004F  }
0xb2: {  	s29 =	simm.s32 $0x9;
	_ =	strace $0x80000051  }
0xb3: {  	_ =	swait.ge [sflag:s29], $0x1  }
0xb4: {  	[sflag:s29] =	ssyncadd.s32 $0xFFFFFFFF  }
0xb5: {  	_ =	strace $0x90000051  }
0xb6: {  	_ =	sfence  }
0xb7: {  	s30 =	sld [smem:$0x0];
	_ =	sdelay $0x2  }
0xb8: {  	s31 =	sshll.u32 s1, $0xD;
	s1 =	sshrl.u32 s1, $0x2  }
0xb9: {  	s3 =	sand.u32 $0x4000, s31;
	s1 =	sadd.s32 s1, s30  }
0xba: {  	s0 =	sor.u32 s3, s0;
	s1 =	sshll.u32 s1, $0x11  }
0xbb: {  	s0 =	sor.u32 s1, s0  }
0xbc: {  	s0 =	sadd.s32 $0x8F2B, s0  }
0xbd: {  	[sflag:s0] =	ssyncadd.remote.s32 $0x1  }
0xbe: {  	_ =	sfence.sel $0xFFFF  }
0xbf: {  	[dreg:$0x0] =	wrdreg $0xFFFFFFFF;
	(pc) =	sbr.abs _section_cstart, $3  }
0xc0: {  	[dreg:$0x1] =	wrdreg $0xFFFFFFFF  }
0xc1: {  	_ =	task.clear_ibuf [dreg:s6], $0x2FFFF;
	_ =	strace $0x9FFFFFFF  }
0xc2: {  	(tm) =	ssettm $0x7FFFFFFF  }
0xc3: {  	_ =	shalt  }
tec
execute0_lowered:
.L_overlay_start_1:
0x0: {  	(tag) =	ssettag $0x1  }
0x1: {  	s0 =	rddreg [dreg:$0x0]  }
0x2: {  	s2 =	rddreg [dreg:$0x1];
	s3 =	simm.s32 $0x0  }
0x3: {  	s10 =	stileid.u32;
	[smem:$0x7FF] =	sst s3;
	s7 =	sadd.s32 $0x16A4800, s0  }
0x4: {  	s26 =	sadd.s32 $0x16A4F00, s0;
	_ =	strace $0x80000050;
	[dreg:$0x3] =	wrdreg s7  }
0x5: {  	s4 =	srdreg.scid;
	s12 =	sadd.s32 $0x16A5600, s0;
	[dreg:$0x7] =	wrdreg s26  }
0x6: {  	s1 =	sshll.u32 s10, $0xB;
	s13 =	sadd.s32 $0x16A5D00, s0;
	[dreg:$0x8] =	wrdreg s12  }
0x7: {  	s5 =	sand.u32 $0x1, s4;
	s14 =	sadd.s32 $0x16A6400, s0;
	[dreg:$0xa] =	wrdreg s13  }
0x8: {  	s6 =	smul.u32 $0x62000, s10;
	s22 =	sshll.u32 s5, $0x1;
	[dreg:$0xb] =	wrdreg s14  }
0x9: {  	s4 =	sadd.s32 $0x182B200, s0;
	s13 =	sadd.s32 $0x16A6B00, s0;
	[dreg:$0x4] =	wrdreg s22  }
0xa: {  	s1 =	sadd.s32 s1, s0;
	s0 =	sadd.s32 $0x16A7200, s0;
	[dreg:$0xc] =	wrdreg s13  }
0xb: {  	s9 =	smul.u32 $0x64000, s10;
	s12 =	sshll.u32 s10, $0x7;
	[dreg:$0xd] =	wrdreg s0  }
0xc: {  	s21 =	ssub.s32 $0x2, s5;
	s24 =	sadd.s32 $0x204800, s1;
	[dreg:$0x9] =	wrdreg s12  }
0xd: {  	s5 =	smul.u32 $0x294000, s5;
	s17 =	sadd.s32 $0x20C800, s1;
	[dreg:$0x6] =	wrdreg s24  }
0xe: {  	s8 =	sshrl.u32 s21, $0x1;
	s18 =	sadd.s32 $0x1694800, s1;
	[dreg:$0xf] =	wrdreg s17  }
0xf: {  	s6 =	sshrl.u32 s6, $0x2;
	s19 =	sadd.s32 $0x169C800, s1;
	[dreg:$0x10] =	wrdreg s18  }
0x10: {  	s7 =	ssub.s32 s21, s8;
	s11 =	sadd.s32 s6, s2;
	[dreg:$0x11] =	wrdreg s19  }
0x11: {  	s20 =	sor.u32 s12, s5;
	s16 =	smax.u32 s7, $0x1;
	[dreg:$0x5] =	wrdreg s11  }
0x12: {  	s23 =	sshrl.u32 s9, $0x2;
	s5 =	sor.u32 $0x2000, s20;
	[dreg:$0xe] =	wrdreg s16  }
0x13: {  	s9 =	sadd.s32 s23, s2;
	s0 =	sor.u32 $0x1800, s20;
	[dreg:$0x12] =	wrdreg s5  }
0x14: {  	s7 =	sadd.s32 $0x1000, s9;
	[dreg:$0x13] =	wrdreg s0  }
0x15: {  	s8 =	sadd.s32 $0x2000, s9;
	[dreg:$0x1a] =	wrdreg s7  }
0x16: {  	s29 =	simm.s32 $0x19000;
	s12 =	sadd.s32 $0x4000, s9;
	[dreg:$0x1b] =	wrdreg s8  }
0x17: {  	s30 =	simm.s32 $0x4;
	s13 =	sadd.s32 $0x5000, s9;
	[dreg:$0x1d] =	wrdreg s12  }
0x18: {  	s31 =	simm.s32 $0x1E000;
	s14 =	sadd.s32 $0x6000, s9;
	[dreg:$0x1e] =	wrdreg s13  }
0x19: {  	s28 =	smul.u32 $0x310, s10;
	s17 =	sadd.s32 $0x9000, s9;
	[dreg:$0x1f] =	wrdreg s14  }
0x1a: {  	s22 =	sadd.s32 $0x214800, s1;
	s18 =	sadd.s32 $0xA000, s9;
	[smem:$0x7F5] =	sst s17  }
0x1b: {  	s1 =	simm.s32 $0x1A000;
	s19 =	sadd.s32 $0xB000, s9;
	[smem:$0x7F6] =	sst s18  }
0x1c: {  	s25 =	sadd.s32 $0x3800, s11;
	s20 =	sadd.s32 $0xC000, s9;
	[smem:$0x7F7] =	sst s19  }
0x1d: {  	s15 =	sadd.s32 $0x7000, s11;
	s21 =	sshrl.u32 s25, $0x3;
	[smem:$0x7F8] =	sst s20  }
0x1e: {  	s24 =	sadd.s32 $0xA800, s11;
	s23 =	sshrl.u32 s15, $0x3;
	[dreg:$0x14] =	wrdreg s21  }
0x1f: {  	s26 =	sadd.s32 $0x11800, s11;
	s0 =	sshrl.u32 s24, $0x3;
	[dreg:$0x15] =	wrdreg s23  }
0x20: {  	s6 =	sadd.s32 $0x15000, s11;
	s5 =	sshrl.u32 s26, $0x3;
	[dreg:$0x16] =	wrdreg s0  }
0x21: {  	s25 =	sadd.s32 $0xE000, s11;
	s11 =	sadd.s32 $0x3000, s9;
	[dreg:$0x18] =	wrdreg s5  }
0x22: {  	s15 =	sadd.s32 $0x7000, s9;
	s16 =	sadd.s32 $0x8000, s9;
	[dreg:$0x1c] =	wrdreg s11  }
0x23: {  	s24 =	sadd.s32 $0xF000, s9;
	s26 =	sadd.s32 $0x11000, s9;
	[smem:$0x7F3] =	sst s15  }
0x24: {  	s19 =	sadd.s32 $0x12000, s9;
	s20 =	sadd.s32 $0x13000, s9;
	[smem:$0x7F4] =	sst s16  }
0x25: {  	s18 =	smov.u32 s9;
	s17 =	simm.s32 $0x1E080;
	[smem:$0x7FB] =	sst s24  }
0x26: {  	s8 =	simm.s32 $0x3;
	s0 =	sshrl.u32 s25, $0x3;
	[smem:$0x7FD] =	sst s26  }
0x27: {  	s21 =	sadd.s32 $0xD000, s9;
	s23 =	sadd.s32 $0xE000, s9;
	[dreg:$0x17] =	wrdreg s0  }
0x28: {  	s25 =	sadd.s32 $0x10000, s9;
	s24 =	sadd.s32 $0x16000, s9;
	[smem:$0x7F9] =	sst s21  }
0x29: {  	s26 =	sadd.s32 $0x18000, s9;
	s5 =	simm.s32 $0x80;
	[smem:$0x7FA] =	sst s23  }
0x2a: {  	s0 =	sshrl.u32 s6, $0x3;
	[smem:$0x7FC] =	sst s25;
	s21 =	sadd.s32 $0x14000, s9  }
0x2b: {  	s23 =	sadd.s32 $0x15000, s9;
	s25 =	sadd.s32 $0x17000, s9;
	s6 =	simm.s32 $0x2  }
0x2c: {  	v0 =	vimm.f32 $0.0e+00;
	s9 =	simm.s32 $0x0;
	[dreg:$0x19] =	wrdreg s0;
	s0 =	simm.s32 $0x1  }
.LBB2_1:
0x2d: {  	[smem:$0x7F2] =	sst s9;
	s7 =	simm.s32 $0x0;
	s10 =	simm.s32 $0x200  }
.LBB2_2:
0x2e: {  	p0 =	sne.s32 s10, $0x3E00;
	[tilespmem:s7+$0x19070] =	vst v0  }
0x2f: {  	[tilespmem:s7+$0x19000] =	vst v0  }
0x30: {  	[tilespmem:s7+$0x19010] =	vst v0  }
.Ltmp0:
0x31: {  	[tilespmem:s7+$0x19020] =	vst v0;
	(pc) =	sbr.rel @p0 .LBB2_2-.Ltmp0, $4  }
0x32: {  	[tilespmem:s7+$0x19030] =	vst v0  }
0x33: {  	[tilespmem:s7+$0x19040] =	vst v0  }
0x34: {  	[tilespmem:s7+$0x19050] =	vst v0  }
0x35: {  	[tilespmem:s7+$0x19060] =	vst v0;
	s7 =	sshra.s32 s10, $0x2;
	s10 =	sadd.s32 $0x200, s10  }
0x36: {  	[tilespmem:s7+$0x19070] =	vst v0  }
0x37: {  	[tilespmem:s7+$0x19000] =	vst v0  }
0x38: {  	[tilespmem:s7+$0x19010] =	vst v0  }
0x39: {  	[tilespmem:s7+$0x19020] =	vst v0  }
0x3a: {  	[tilespmem:s7+$0x19030] =	vst v0  }
0x3b: {  	[tilespmem:s7+$0x19040] =	vst v0  }
0x3c: {  	[tilespmem:s7+$0x19050] =	vst v0  }
0x3d: {  	[tilespmem:s7+$0x19060] =	vst v0;
	s7 =	simm.s32 $0x0;
	p0 =	por $0x1, $0x1;
	s10 =	simm.s32 $0x0  }
.LBB2_4:
0x3e: {  	[spmem:s18] =	stream.linear.scatter [tilespmem:s29], [sflag:$0x4], $0x1000, $0x38;
	[tilespmem:$0x1E100] =	vst v63  }
0x3f: {  	_ =	swait.ge [sflag:s30], $0x1000  }
0x40: {  	[sflag:s30] =	ssyncset.done $0x0  }
0x41: {  	s9 =	rddreg [dreg:$0x1a];
	[sflag:s30] =	ssyncadd.s32 $0xFFFFF000  }
0x42: {  	[spmem:s9] =	stream.linear.scatter [tilespmem:s29], [sflag:$0x4], $0x1000, $0x38;
	[tilespmem:$0x1E100] =	vst v63  }
0x43: {  	_ =	swait.ge [sflag:s30], $0x1000  }
0x44: {  	[sflag:s30] =	ssyncset.done $0x0  }
0x45: {  	s16 =	rddreg [dreg:$0x1b];
	[sflag:s30] =	ssyncadd.s32 $0xFFFFF000  }
0x46: {  	[spmem:s16] =	stream.linear.scatter [tilespmem:s29], [sflag:$0x4], $0x1000, $0x38;
	[tilespmem:$0x1E100] =	vst v63  }
0x47: {  	_ =	swait.ge [sflag:s30], $0x1000  }
0x48: {  	[sflag:s30] =	ssyncset.done $0x0  }
0x49: {  	s11 =	rddreg [dreg:$0x1c];
	[sflag:s30] =	ssyncadd.s32 $0xFFFFF000  }
0x4a: {  	[spmem:s11] =	stream.linear.scatter [tilespmem:s29], [sflag:$0x4], $0x1000, $0x38;
	[tilespmem:$0x1E100] =	vst v63  }
0x4b: {  	_ =	swait.ge [sflag:s30], $0x1000  }
0x4c: {  	[sflag:s30] =	ssyncset.done $0x0  }
0x4d: {  	s12 =	rddreg [dreg:$0x1d];
	[sflag:s30] =	ssyncadd.s32 $0xFFFFF000  }
0x4e: {  	[spmem:s12] =	stream.linear.scatter [tilespmem:s29], [sflag:$0x4], $0x1000, $0x38;
	[tilespmem:$0x1E100] =	vst v63  }
0x4f: {  	_ =	swait.ge [sflag:s30], $0x1000  }
0x50: {  	[sflag:s30] =	ssyncset.done $0x0  }
0x51: {  	s13 =	rddreg [dreg:$0x1e];
	[sflag:s30] =	ssyncadd.s32 $0xFFFFF000  }
0x52: {  	[spmem:s13] =	stream.linear.scatter [tilespmem:s29], [sflag:$0x4], $0x1000, $0x38;
	[tilespmem:$0x1E100] =	vst v63  }
0x53: {  	_ =	swait.ge [sflag:s30], $0x1000  }
0x54: {  	[sflag:s30] =	ssyncset.done $0x0  }
0x55: {  	s14 =	rddreg [dreg:$0x1f];
	[sflag:s30] =	ssyncadd.s32 $0xFFFFF000  }
0x56: {  	[spmem:s14] =	stream.linear.scatter [tilespmem:s29], [sflag:$0x4], $0x1000, $0x38;
	[tilespmem:$0x1E100] =	vst v63  }
0x57: {  	_ =	swait.ge [sflag:s30], $0x1000  }
0x58: {  	s15 =	sld [smem:$0x7F3]  }
0x59: {  	[sflag:s30] =	ssyncset.done $0x0  }
0x5a: {  	[sflag:s30] =	ssyncadd.s32 $0xFFFFF000  }
0x5b: {  	[spmem:s15] =	stream.linear.scatter [tilespmem:s29], [sflag:$0x4], $0x1000, $0x38;
	[tilespmem:$0x1E100] =	vst v63  }
0x5c: {  	_ =	swait.ge [sflag:s30], $0x1000  }
0x5d: {  	s16 =	sld [smem:$0x7F4]  }
0x5e: {  	[sflag:s30] =	ssyncset.done $0x0  }
0x5f: {  	[sflag:s30] =	ssyncadd.s32 $0xFFFFF000  }
0x60: {  	[spmem:s16] =	stream.linear.scatter [tilespmem:s29], [sflag:$0x4], $0x1000, $0x38;
	[tilespmem:$0x1E100] =	vst v63  }
0x61: {  	_ =	swait.ge [sflag:s30], $0x1000  }
0x62: {  	s11 =	sld [smem:$0x7F5]  }
0x63: {  	[sflag:s30] =	ssyncset.done $0x0  }
0x64: {  	[sflag:s30] =	ssyncadd.s32 $0xFFFFF000  }
0x65: {  	[spmem:s11] =	stream.linear.scatter [tilespmem:s29], [sflag:$0x4], $0x1000, $0x38;
	[tilespmem:$0x1E100] =	vst v63  }
0x66: {  	_ =	swait.ge [sflag:s30], $0x1000  }
0x67: {  	s12 =	sld [smem:$0x7F6]  }
0x68: {  	[sflag:s30] =	ssyncset.done $0x0  }
0x69: {  	[sflag:s30] =	ssyncadd.s32 $0xFFFFF000  }
0x6a: {  	[spmem:s12] =	stream.linear.scatter [tilespmem:s29], [sflag:$0x4], $0x1000, $0x38;
	[tilespmem:$0x1E100] =	vst v63  }
0x6b: {  	_ =	swait.ge [sflag:s30], $0x1000  }
0x6c: {  	s13 =	sld [smem:$0x7F7]  }
0x6d: {  	[sflag:s30] =	ssyncset.done $0x0  }
0x6e: {  	[sflag:s30] =	ssyncadd.s32 $0xFFFFF000  }
0x6f: {  	[spmem:s13] =	stream.linear.scatter [tilespmem:s29], [sflag:$0x4], $0x1000, $0x38;
	[tilespmem:$0x1E100] =	vst v63  }
0x70: {  	_ =	swait.ge [sflag:s30], $0x1000  }
0x71: {  	s14 =	sld [smem:$0x7F8]  }
0x72: {  	[sflag:s30] =	ssyncset.done $0x0  }
0x73: {  	[sflag:s30] =	ssyncadd.s32 $0xFFFFF000  }
0x74: {  	[spmem:s14] =	stream.linear.scatter [tilespmem:s29], [sflag:$0x4], $0x1000, $0x38;
	[tilespmem:$0x1E100] =	vst v63  }
0x75: {  	_ =	swait.ge [sflag:s30], $0x1000  }
0x76: {  	s15 =	sld [smem:$0x7F9]  }
0x77: {  	[sflag:s30] =	ssyncset.done $0x0  }
0x78: {  	[sflag:s30] =	ssyncadd.s32 $0xFFFFF000  }
0x79: {  	[spmem:s15] =	stream.linear.scatter [tilespmem:s29], [sflag:$0x4], $0x1000, $0x38;
	[tilespmem:$0x1E100] =	vst v63  }
0x7a: {  	_ =	swait.ge [sflag:s30], $0x1000  }
0x7b: {  	s16 =	sld [smem:$0x7FA]  }
0x7c: {  	[sflag:s30] =	ssyncset.done $0x0  }
0x7d: {  	[sflag:s30] =	ssyncadd.s32 $0xFFFFF000  }
0x7e: {  	[spmem:s16] =	stream.linear.scatter [tilespmem:s29], [sflag:$0x4], $0x1000, $0x38;
	[tilespmem:$0x1E100] =	vst v63  }
0x7f: {  	_ =	swait.ge [sflag:s30], $0x1000  }
0x80: {  	s11 =	sld [smem:$0x7FB]  }
0x81: {  	[sflag:s30] =	ssyncset.done $0x0  }
0x82: {  	[sflag:s30] =	ssyncadd.s32 $0xFFFFF000  }
0x83: {  	[spmem:s11] =	stream.linear.scatter [tilespmem:s29], [sflag:$0x4], $0x1000, $0x38;
	[tilespmem:$0x1E100] =	vst v63  }
0x84: {  	_ =	swait.ge [sflag:s30], $0x1000  }
0x85: {  	s12 =	sld [smem:$0x7FC]  }
0x86: {  	[sflag:s30] =	ssyncset.done $0x0  }
0x87: {  	[sflag:s30] =	ssyncadd.s32 $0xFFFFF000  }
0x88: {  	[spmem:s12] =	stream.linear.scatter [tilespmem:s29], [sflag:$0x4], $0x1000, $0x38;
	[tilespmem:$0x1E100] =	vst v63  }
0x89: {  	_ =	swait.ge [sflag:s30], $0x1000  }
0x8a: {  	s13 =	sld [smem:$0x7FD]  }
0x8b: {  	[sflag:s30] =	ssyncset.done $0x0  }
0x8c: {  	[sflag:s30] =	ssyncadd.s32 $0xFFFFF000  }
0x8d: {  	[spmem:s13] =	stream.linear.scatter [tilespmem:s29], [sflag:$0x4], $0x1000, $0x38;
	[tilespmem:$0x1E100] =	vst v63  }
0x8e: {  	_ =	swait.ge [sflag:s30], $0x1000  }
0x8f: {  	[sflag:s30] =	ssyncset.done $0x0  }
0x90: {  	[sflag:s30] =	ssyncadd.s32 $0xFFFFF000  }
0x91: {  	[spmem:s19] =	stream.linear.scatter [tilespmem:s29], [sflag:$0x4], $0x1000, $0x38;
	[tilespmem:$0x1E100] =	vst v63  }
0x92: {  	_ =	swait.ge [sflag:s30], $0x1000  }
0x93: {  	[sflag:s30] =	ssyncset.done $0x0  }
0x94: {  	[sflag:s30] =	ssyncadd.s32 $0xFFFFF000  }
0x95: {  	[spmem:s20] =	stream.linear.scatter [tilespmem:s29], [sflag:$0x4], $0x1000, $0x38;
	[tilespmem:$0x1E100] =	vst v63  }
0x96: {  	_ =	swait.ge [sflag:s30], $0x1000  }
0x97: {  	[sflag:s30] =	ssyncset.done $0x0  }
0x98: {  	[sflag:s30] =	ssyncadd.s32 $0xFFFFF000  }
0x99: {  	[spmem:s21] =	stream.linear.scatter [tilespmem:s29], [sflag:$0x4], $0x1000, $0x38;
	[tilespmem:$0x1E100] =	vst v63  }
0x9a: {  	_ =	swait.ge [sflag:s30], $0x1000  }
0x9b: {  	[sflag:s30] =	ssyncset.done $0x0  }
0x9c: {  	[sflag:s30] =	ssyncadd.s32 $0xFFFFF000  }
0x9d: {  	[spmem:s23] =	stream.linear.scatter [tilespmem:s29], [sflag:$0x4], $0x1000, $0x38;
	[tilespmem:$0x1E100] =	vst v63  }
0x9e: {  	_ =	swait.ge [sflag:s30], $0x1000  }
0x9f: {  	[sflag:s30] =	ssyncset.done $0x0  }
0xa0: {  	[sflag:s30] =	ssyncadd.s32 $0xFFFFF000  }
0xa1: {  	[spmem:s24] =	stream.linear.scatter [tilespmem:s29], [sflag:$0x4], $0x1000, $0x38;
	[tilespmem:$0x1E100] =	vst v63  }
0xa2: {  	_ =	swait.ge [sflag:s30], $0x1000  }
0xa3: {  	[sflag:s30] =	ssyncset.done $0x0  }
0xa4: {  	[sflag:s30] =	ssyncadd.s32 $0xFFFFF000  }
0xa5: {  	[spmem:s25] =	stream.linear.scatter [tilespmem:s29], [sflag:$0x4], $0x1000, $0x38;
	[tilespmem:$0x1E100] =	vst v63  }
0xa6: {  	_ =	swait.ge [sflag:s30], $0x1000  }
0xa7: {  	[sflag:s30] =	ssyncset.done $0x0;
	s14 =	rddreg [dreg:$0x4]  }
0xa8: {  	s11 =	sor.u32 s14, s10;
	[sflag:s30] =	ssyncadd.s32 $0xFFFFF000  }
0xa9: {  	[spmem:s26] =	stream.linear.scatter [tilespmem:s29], [sflag:$0x4], $0x1000, $0x38;
	[tilespmem:$0x1E100] =	vst v63  }
0xaa: {  	s12 =	smul.u32 $0x14A000, s11;
	_ =	swait.ge [sflag:s30], $0x1000  }
0xab: {  	s15 =	rddreg [dreg:$0x9]  }
0xac: {  	[sflag:s30] =	ssyncset.done $0x0;
	s13 =	sor.u32 s15, s12  }
0xad: {  	[sflag:s30] =	ssyncadd.s32 $0xFFFFF000;
	s12 =	sshrl.u32 s13, $0x3  }
0xae: {  	[bflag:$0x0] =	sbarrier.arrive $0xFFFF;
	s12 =	sadd.s32 s4, s12  }
0xaf: {  	[tilespmem:s31], [sflag:$0x1] =	stream.linear.gather [hbm4b:s12+s7], $0x80, $0x38;
	[tilespmem:$0x1E100] =	vst v63  }
0xb0: {  	_ =	swait.ge [sflag:s0], $0x80  }
0xb1: {  	[sflag:s0] =	ssyncset.done $0x0  }
0xb2: {  	s14 =	sadd.s32 $0x100, s12;
	[sflag:s0] =	ssyncadd.s32 $0xFFFFFF80  }
0xb3: {  	[tilespmem:s17], [sflag:$0x2] =	stream.linear.gather [hbm4b:s14+s7], $0x80, $0x38;
	[tilespmem:$0x1E100] =	vst v63  }
0xb4: {  	s16 =	rddreg [dreg:$0x6]  }
0xb5: {  	[tilespmem:s1], [sflag:$0x4] =	stream.linear.gather [hbm4b:s16+s7], $0x4000, $0x38;
	[tilespmem:$0x1E100] =	vst v63  }
0xb6: {  	_ =	swait.ge [sflag:s30], $0x4000  }
0xb7: {  	[sflag:s30] =	ssyncset.done $0x0  }
0xb8: {  	[sflag:s30] =	ssyncadd.s32 $0xFFFFC000  }
0xb9: {  	[spmem:s2] =	stream.indirect.scatter.add.f32 [tilespmem:s1], [sflag:$0x3], $0x80, s31, s5, $0xb8;
	[tilespmem:$0x1E100] =	vst v63  }
0xba: {  	s13 =	sor.u32 $0x1000, s13;
	_ =	swait.ge [sflag:s6], $0x80  }
0xbb: {  	s13 =	sshrl.u32 s13, $0x3;
	[sflag:s6] =	ssyncset.done $0x0  }
0xbc: {  	s13 =	sadd.s32 s4, s13;
	[sflag:s6] =	ssyncadd.s32 $0xFFFFFF80  }
0xbd: {  	[tilespmem:s31], [sflag:$0x1] =	stream.linear.gather [hbm4b:s13+s7], $0x80, $0x38;
	[tilespmem:$0x1E100] =	vst v63  }
0xbe: {  	_ =	swait.ge [sflag:s8], $0x4000  }
0xbf: {  	[sflag:s8] =	ssyncset.done $0x0  }
0xc0: {  	s14 =	rddreg [dreg:$0xf];
	[sflag:s8] =	ssyncadd.s32 $0xFFFFC000  }
0xc1: {  	[tilespmem:s1], [sflag:$0x4] =	stream.linear.gather [hbm4b:s14+s7], $0x4000, $0x38;
	[tilespmem:$0x1E100] =	vst v63  }
0xc2: {  	s15 =	smul.u32 $0x14A000, s10;
	_ =	swait.ge [sflag:s30], $0x4000  }
0xc3: {  	[sflag:s30] =	ssyncset.done $0x0;
	s16 =	rddreg [dreg:$0x13]  }
0xc4: {  	[sflag:s30] =	ssyncadd.s32 $0xFFFFC000;
	s10 =	sadd.s32 s15, s16  }
0xc5: {  	[spmem:s2] =	stream.indirect.scatter.add.f32 [tilespmem:s1], [sflag:$0x3], $0x80, s17, s5, $0xb8;
	[tilespmem:$0x1E100] =	vst v63  }
0xc6: {  	s10 =	sshrl.u32 s10, $0x3;
	_ =	swait.ge [sflag:s0], $0x80  }
0xc7: {  	s10 =	sadd.s32 s10, s4;
	[sflag:s0] =	ssyncset.done $0x0  }
0xc8: {  	s9 =	sadd.s32 $0x0, s10;
	[sflag:s0] =	ssyncadd.s32 $0xFFFFFF80  }
0xc9: {  	[tilespmem:s17], [sflag:$0x2] =	stream.linear.gather [hbm4b:s9+s3], $0x80, $0x38;
	[tilespmem:$0x1E100] =	vst v63  }
0xca: {  	_ =	swait.ge [sflag:s8], $0x4000  }
0xcb: {  	[sflag:s8] =	ssyncset.done $0x0  }
0xcc: {  	[sflag:s8] =	ssyncadd.s32 $0xFFFFC000  }
0xcd: {  	[tilespmem:s1], [sflag:$0x4] =	stream.linear.gather [hbm4b:s22+s3], $0x4000, $0x38;
	[tilespmem:$0x1E100] =	vst v63  }
0xce: {  	_ =	swait.ge [sflag:s30], $0x4000  }
0xcf: {  	[sflag:s30] =	ssyncset.done $0x0;
	s14 =	rddreg [dreg:$0x12]  }
0xd0: {  	s13 =	sadd.s32 s15, s14;
	[sflag:s30] =	ssyncadd.s32 $0xFFFFC000  }
0xd1: {  	[spmem:s2] =	stream.indirect.scatter.add.f32 [tilespmem:s1], [sflag:$0x3], $0x80, s31, s5, $0xb8;
	[tilespmem:$0x1E100] =	vst v63  }
0xd2: {  	s13 =	sshrl.u32 s13, $0x3;
	_ =	swait.ge [sflag:s6], $0x80  }
0xd3: {  	s13 =	sadd.s32 s13, s4;
	[sflag:s6] =	ssyncset.done $0x0  }
0xd4: {  	s15 =	sadd.s32 $0x0, s13;
	[sflag:s6] =	ssyncadd.s32 $0xFFFFFF80  }
0xd5: {  	[tilespmem:s31], [sflag:$0x1] =	stream.linear.gather [hbm4b:s15+s3], $0x80, $0x38;
	[tilespmem:$0x1E100] =	vst v63  }
0xd6: {  	_ =	swait.ge [sflag:s8], $0x4000  }
0xd7: {  	[sflag:s8] =	ssyncset.done $0x0  }
0xd8: {  	s16 =	sadd.s32 $0x8000, s22;
	[sflag:s8] =	ssyncadd.s32 $0xFFFFC000  }
0xd9: {  	[tilespmem:s1], [sflag:$0x4] =	stream.linear.gather [hbm4b:s16+s3], $0x4000, $0x38;
	[tilespmem:$0x1E100] =	vst v63  }
0xda: {  	_ =	swait.ge [sflag:s30], $0x4000  }
0xdb: {  	p1 =	por p0, p0;
	[sflag:s30] =	ssyncset.done $0x0  }
0xdc: {  	s14 =	simm.s32 $0x200;
	s15 =	sadd.s32 $0x10000, s22;
	[sflag:s30] =	ssyncadd.s32 $0xFFFFC000  }
.LBB2_5:
0xdd: {  	[spmem:s2] =	stream.indirect.scatter.add.f32 [tilespmem:s1], [sflag:$0x3], $0x80, s17, s5, $0xb8;
	[tilespmem:$0x1E100] =	vst v63  }
0xde: {  	s16 =	smov.u32 s14  }
0xdf: {  	p0 =	sne.s32 s14, $0x28E00;
	s14 =	sadd.s32 $0x200, s14;
	_ =	swait.ge [sflag:s0], $0x80  }
0xe0: {  	[sflag:s0] =	ssyncset.done $0x0  }
0xe1: {  	s9 =	sadd.s32 s16, s10;
	[sflag:s0] =	ssyncadd.s32 $0xFFFFFF80  }
0xe2: {  	[tilespmem:s17], [sflag:$0x2] =	stream.linear.gather [hbm4b:s9+s3], $0x80, $0x38;
	[tilespmem:$0x1E100] =	vst v63  }
0xe3: {  	_ =	swait.ge [sflag:s8], $0x4000  }
0xe4: {  	[sflag:s8] =	ssyncset.done $0x0  }
0xe5: {  	[sflag:s8] =	ssyncadd.s32 $0xFFFFC000  }
0xe6: {  	[tilespmem:s1], [sflag:$0x4] =	stream.linear.gather [hbm4b:s15+s3], $0x4000, $0x38;
	[tilespmem:$0x1E100] =	vst v63  }
0xe7: {  	_ =	swait.ge [sflag:s30], $0x4000  }
0xe8: {  	[sflag:s30] =	ssyncset.done $0x0  }
0xe9: {  	[sflag:s30] =	ssyncadd.s32 $0xFFFFC000  }
0xea: {  	[spmem:s2] =	stream.indirect.scatter.add.f32 [tilespmem:s1], [sflag:$0x3], $0x80, s31, s5, $0xb8;
	[tilespmem:$0x1E100] =	vst v63  }
0xeb: {  	_ =	swait.ge [sflag:s6], $0x80  }
0xec: {  	[sflag:s6] =	ssyncset.done $0x0  }
0xed: {  	s9 =	sadd.s32 s16, s13;
	[sflag:s6] =	ssyncadd.s32 $0xFFFFFF80  }
0xee: {  	[tilespmem:s31], [sflag:$0x1] =	stream.linear.gather [hbm4b:s9+s3], $0x80, $0x38;
	[tilespmem:$0x1E100] =	vst v63  }
0xef: {  	_ =	swait.ge [sflag:s8], $0x4000  }
0xf0: {  	[sflag:s8] =	ssyncset.done $0x0  }
.Ltmp1:
0xf1: {  	s9 =	sadd.s32 $0x8000, s15;
	[sflag:s8] =	ssyncadd.s32 $0xFFFFC000;
	(pc) =	sbr.rel @p0 .LBB2_5-.Ltmp1, $4  }
0xf2: {  	[tilespmem:s1], [sflag:$0x4] =	stream.linear.gather [hbm4b:s9+s3], $0x4000, $0x38;
	[tilespmem:$0x1E100] =	vst v63  }
0xf3: {  	_ =	swait.ge [sflag:s30], $0x4000  }
0xf4: {  	[sflag:s30] =	ssyncset.done $0x0  }
0xf5: {  	s15 =	sadd.s32 $0x10000, s15;
	[sflag:s30] =	ssyncadd.s32 $0xFFFFC000  }
0xf6: {  	[spmem:s2] =	stream.indirect.scatter.add.f32 [tilespmem:s1], [sflag:$0x3], $0x80, s17, s5, $0xb8;
	[tilespmem:$0x1E100] =	vst v63  }
0xf7: {  	s10 =	simm.s32 $0x1  }
0xf8: {  	_ =	swait.ge [sflag:s10], $0x80  }
0xf9: {  	[sflag:s10] =	ssyncset.done $0x0  }
0xfa: {  	s9 =	sadd.s32 $0x29300, s12;
	[sflag:s10] =	ssyncadd.s32 $0xFFFFFF80  }
0xfb: {  	[tilespmem:s17], [sflag:$0x2] =	stream.linear.gather [hbm4b:s9+s3], $0x80, $0x38;
	[tilespmem:$0x1E100] =	vst v63  }
0xfc: {  	_ =	swait.ge [sflag:s8], $0x4000  }
0xfd: {  	[sflag:s8] =	ssyncset.done $0x0  }
0xfe: {  	s12 =	rddreg [dreg:$0x10];
	[sflag:s8] =	ssyncadd.s32 $0xFFFFC000  }
0xff: {  	[tilespmem:s1], [sflag:$0x4] =	stream.linear.gather [hbm4b:s12+s3], $0x4000, $0x38;
	[tilespmem:$0x1E100] =	vst v63  }
0x100: {  	_ =	swait.ge [sflag:s30], $0x4000  }
0x101: {  	[sflag:s30] =	ssyncset.done $0x0  }
0x102: {  	[sflag:s30] =	ssyncadd.s32 $0xFFFFC000  }
0x103: {  	[spmem:s2] =	stream.indirect.scatter.add.f32 [tilespmem:s1], [sflag:$0x3], $0x80, s31, s5, $0xb8;
	[tilespmem:$0x1E100] =	vst v63  }
0x104: {  	_ =	swait.ge [sflag:s6], $0x80  }
0x105: {  	[sflag:s6] =	ssyncset.done $0x0  }
0x106: {  	[sflag:s6] =	ssyncadd.s32 $0xFFFFFF80  }
0x107: {  	_ =	swait.ge [sflag:s8], $0x4000  }
0x108: {  	[sflag:s8] =	ssyncset.done $0x0  }
0x109: {  	s13 =	rddreg [dreg:$0x11];
	[sflag:s8] =	ssyncadd.s32 $0xFFFFC000  }
0x10a: {  	[tilespmem:s1], [sflag:$0x4] =	stream.linear.gather [hbm4b:s13+s3], $0x4000, $0x38;
	[tilespmem:$0x1E100] =	vst v63  }
0x10b: {  	_ =	swait.ge [sflag:s30], $0x4000  }
0x10c: {  	[sflag:s30] =	ssyncset.done $0x0  }
0x10d: {  	[sflag:s30] =	ssyncadd.s32 $0xFFFFC000  }
0x10e: {  	[spmem:s2] =	stream.indirect.scatter.add.f32 [tilespmem:s1], [sflag:$0x3], $0x80, s17, s5, $0xb8;
	[tilespmem:$0x1E100] =	vst v63  }
0x10f: {  	_ =	swait.ge [sflag:s8], $0x4000  }
0x110: {  	[sflag:s8] =	ssyncset.done $0x0  }
0x111: {  	s14 =	smul.u32 $0x3100, s11;
	[sflag:s8] =	ssyncadd.s32 $0xFFFFC000  }
0x112: {  	[bflag:$0x0] =	sbarrier.arrive $0xFFFF  }
0x113: {  	s15 =	stileid.u32;
	s9 =	sadd.s32 s28, s14;
	s16 =	rddreg [dreg:$0x3]  }
0x114: {  	s11 =	sshll.u32 s15, $0x6;
	s9 =	sshll.u32 s9, $0x4;
	s13 =	rddreg [dreg:$0x5]  }
0x115: {  	s11 =	sor.u32 $0x1C04, s11;
	s12 =	sadd.s32 s16, s9;
	s13 =	sshrl.u32 s13, $0x3  }
0x116: {  	[hbm:s12], [sflag:s11] =	dma.local [spmem:s13], $0x700  }
0x117: {  	_ =	swait.ge [sflag:s30], $0x700  }
0x118: {  	[sflag:s30] =	ssyncset.done $0x0;
	s13 =	rddreg [dreg:$0x7]  }
0x119: {  	s14 =	rddreg [dreg:$0x14];
	[sflag:s30] =	ssyncadd.s32 $0xFFFFF900;
	s12 =	sadd.s32 s9, s13  }
0x11a: {  	[hbm:s12], [sflag:s11] =	dma.local [spmem:s14], $0x700  }
0x11b: {  	_ =	swait.ge [sflag:s30], $0x700  }
0x11c: {  	[sflag:s30] =	ssyncset.done $0x0;
	s15 =	rddreg [dreg:$0x8]  }
0x11d: {  	s16 =	rddreg [dreg:$0x15];
	[sflag:s30] =	ssyncadd.s32 $0xFFFFF900;
	s12 =	sadd.s32 s9, s15  }
0x11e: {  	[hbm:s12], [sflag:s11] =	dma.local [spmem:s16], $0x700  }
0x11f: {  	_ =	swait.ge [sflag:s30], $0x700  }
0x120: {  	[sflag:s30] =	ssyncset.done $0x0;
	s13 =	rddreg [dreg:$0xa]  }
0x121: {  	s14 =	rddreg [dreg:$0x16];
	[sflag:s30] =	ssyncadd.s32 $0xFFFFF900;
	s12 =	sadd.s32 s9, s13  }
0x122: {  	[hbm:s12], [sflag:s11] =	dma.local [spmem:s14], $0x700  }
0x123: {  	_ =	swait.ge [sflag:s30], $0x700  }
0x124: {  	[sflag:s30] =	ssyncset.done $0x0;
	s15 =	rddreg [dreg:$0xb]  }
0x125: {  	s16 =	rddreg [dreg:$0x17];
	[sflag:s30] =	ssyncadd.s32 $0xFFFFF900;
	s12 =	sadd.s32 s9, s15  }
0x126: {  	[hbm:s12], [sflag:s11] =	dma.local [spmem:s16], $0x700  }
0x127: {  	_ =	swait.ge [sflag:s30], $0x700  }
0x128: {  	[sflag:s30] =	ssyncset.done $0x0;
	s13 =	rddreg [dreg:$0xc]  }
0x129: {  	s14 =	rddreg [dreg:$0x18];
	[sflag:s30] =	ssyncadd.s32 $0xFFFFF900;
	s12 =	sadd.s32 s9, s13  }
0x12a: {  	[hbm:s12], [sflag:s11] =	dma.local [spmem:s14], $0x700  }
0x12b: {  	_ =	swait.ge [sflag:s30], $0x700  }
0x12c: {  	[sflag:s30] =	ssyncset.done $0x0;
	s15 =	rddreg [dreg:$0xd]  }
0x12d: {  	s16 =	rddreg [dreg:$0x19];
	[sflag:s30] =	ssyncadd.s32 $0xFFFFF900;
	s9 =	sadd.s32 s9, s15  }
0x12e: {  	[hbm:s9], [sflag:s11] =	dma.local [spmem:s16], $0x700  }
.Ltmp2:
0x12f: {  	_ =	swait.ge [sflag:s30], $0x700;
	(pc) =	sbr.rel @p1 .LBB2_4-.Ltmp2, $4  }
0x130: {  	[sflag:s30] =	ssyncset.done $0x0  }
0x131: {  	[sflag:s30] =	ssyncadd.s32 $0xFFFFF900  }
0x132: {  	[bflag:$0x0] =	sbarrier.arrive $0xFFFF  }
0x133: {  	p0 =	por $0x0, $0x0  }
0x134: {  	s9 =	sld [smem:$0x7F2];
	_ =	sdelay $0x2  }
0x135: {  	s7 =	rddreg [dreg:$0xe];
	s9 =	sadd.s32 $0x1, s9  }
0x136: {  	p0 =	sne.s32 s9, s7  }
.Ltmp3:
0x137: {  	_ = 	snop;
	(pc) =	sbr.rel @p0 .LBB2_1-.Ltmp3, $1  }
0x138: {  	_ =	sdelay $0x3  }
0x139: {  	_ =	sfence.sel $0x180000  }
0x13a: {  	[bflag:$0x0] =	sbarrier.arrive $0xFFFF  }
0x13b: {  	_ =	strace $0x90000050  }
0x13c: {  	s0 =	stileid.u32;
	[bflag:$0x2] =	sbarrier.arrive $0xFFFF  }
0x13d: {  	p0 =	sne.s32 s0, $0x0;
	s0 =	rddreg [dreg:$0x2]  }
0x13e: {  	s0 =	sadd.s32 @!p0 $0x100000, s0  }
0x13f: {  	[sflag:s0] =	ssyncadd.tile.s32 @!p0 $0x1;
	_ =	shalt  }
.Lfunc_end2:
_tile_overlayer_lowered:
.L_overlay_start_2:
0x140: {  	(tag) =	ssettag $0x2  }
0x141: {  	s0 =	rddreg [dreg:$0x0];
	s2 =	stileid.u32  }
0x142: {  	s1 =	rddreg [dreg:$0x1];
	p0 =	sne.s32 s2, $0x0  }
0x143: {  	s3 =	rddreg [dreg:$0x2];
	[bflag:$0x3] =	sbarrier.arrive $0xFFFF;
	s2 =	simm.s32 @!p0 $0x1C04  }
0x144: {  	[timem:s3], [sflag:s2] =	dma.local @!p0 [hbm:s0], s1  }
0x145: {  	s0 =	simm.s32 @!p0 $0x4  }
0x146: {  	_ =	swait.ge @!p0 [sflag:s0], s1  }
0x147: {  	s1 =	ssub.s32 @!p0 $0x0, s1;
	[sflag:s0] =	ssyncset.done @!p0 $0x0  }
0x148: {  	[sflag:s0] =	ssyncadd.s32 @!p0 s1  }
0x149: {  	[bflag:$0x3] =	sbarrier.arrive $0xFFFF  }
0x14a: {  	_ =	shalt  }

</sc_bundles>
